<compile_context>
chip_gen: v7x
topology: tpu7x:2x2x1
jax: 0.10.2.dev20260603
libtpu: 0.0.44.dev20260713+nightly
codegen_flags: <defaults>
</compile_context>

<pallas_src>
import functools

import jax
import jax.numpy as jnp
from jax import lax
from jax.experimental import pallas as pl
from jax.experimental.pallas import tpu as pltpu
from jax.experimental.pallas import tpu_sc as plsc

_B = 128
_N = 64
_M = 2 * _N
_NMAT = _B * 3
_G = 64

_NT = _B * _N
_N2 = 2 * _NT
_RB = 512
_E = _NT * 16
_NSUB = 16
_CHUNK = 128
_EPW = _E // _NSUB
_NCH = _EPW // _CHUNK
_ROWS_PW = _NT // _NSUB


def _sc_mesh():
    return plsc.VectorSubcoreMesh(core_axis_name="c", subcore_axis_name="s")


def _deg_hist(q_dst, c_dst):

    @functools.partial(
        pl.kernel, mesh=_sc_mesh(),
        out_type=jax.ShapeDtypeStruct((2, _NT), jnp.float32),
        scratch_types=[
            pltpu.VMEM((_CHUNK,), jnp.int32),
            pltpu.VMEM((_CHUNK,), jnp.float32),
            pltpu.VMEM_SHARED((_NT,), jnp.float32),
        ],
    )
    def k(qd_hbm, cd_hbm, z_hbm, out_hbm, idx_v, ones_v, acc_sh):
        cid = lax.axis_index("c")
        sid = lax.axis_index("s")
        for i in range(_CHUNK // 16):
            ones_v[pl.ds(i * 16, 16)] = jnp.ones((16,), jnp.float32)
        pltpu.sync_copy(z_hbm.at[pl.ds(sid * _ROWS_PW, _ROWS_PW)],
                        acc_sh.at[pl.ds(sid * _ROWS_PW, _ROWS_PW)])
        plsc.subcore_barrier()

        def body(j, carry):
            base = sid * _EPW + j * _CHUNK

            @pl.when(cid == 0)
            def _():
                pltpu.sync_copy(qd_hbm.at[pl.ds(base, _CHUNK)], idx_v)

            @pl.when(cid == 1)
            def _():
                pltpu.sync_copy(cd_hbm.at[pl.ds(base, _CHUNK)], idx_v)

            pltpu.sync_copy(ones_v, acc_sh.at[idx_v], add=True)
            return carry

        lax.fori_loop(0, _NCH, body, 0)
        plsc.subcore_barrier()
        pltpu.sync_copy(acc_sh.at[pl.ds(sid * _ROWS_PW, _ROWS_PW)],
                        out_hbm.at[cid, pl.ds(sid * _ROWS_PW, _ROWS_PW)])

    return k(q_dst, c_dst, jnp.zeros((_NT,), jnp.float32))


def _msgpass(F):

    @functools.partial(
        pl.kernel, mesh=_sc_mesh(),
        compiler_params=pltpu.CompilerParams(use_tc_tiling_on_sc=False),
        out_type=jax.ShapeDtypeStruct((2, _NT, F), jnp.float32),
        scratch_types=[
            pltpu.VMEM((_NCH, _CHUNK), jnp.int32),
            pltpu.VMEM((_NCH, _CHUNK), jnp.int32),
            pltpu.VMEM((2, _CHUNK, F), jnp.float32),
            pltpu.VMEM_SHARED((_NT, F), jnp.float32),
            pltpu.SemaphoreType.DMA,
            pltpu.SemaphoreType.DMA,
        ],
    )
    def k(qy_hbm, cy_hbm, qs_hbm, qd_hbm, cs_hbm, cd_hbm, z_hbm, out_hbm,
          sidx, didx, rows_v, acc_sh, sem0, sem1):
        cid = lax.axis_index("c")
        sid = lax.axis_index("s")
        y_hbm = [qy_hbm, cy_hbm]
        s_hbm = [qs_hbm, cs_hbm]
        d_hbm = [qd_hbm, cd_hbm]
        sems = [sem0, sem1]
        pltpu.sync_copy(z_hbm.at[pl.ds(sid * _ROWS_PW, _ROWS_PW)],
                        acc_sh.at[pl.ds(sid * _ROWS_PW, _ROWS_PW)])
        for g in (0, 1):
            @pl.when(cid == g)
            def _():
                pltpu.sync_copy(s_hbm[g].at[pl.ds(sid * _NCH, _NCH)], sidx)
                pltpu.sync_copy(d_hbm[g].at[pl.ds(sid * _NCH, _NCH)], didx)

        def fetch(j, buf):
            for g in (0, 1):
                @pl.when(cid == g)
                def _():
                    pltpu.async_copy(y_hbm[g].at[sidx.at[j]],
                                     rows_v.at[buf], sems[buf])

        def drain_scatter(j, buf):
            for g in (0, 1):
                @pl.when(cid == g)
                def _():
                    pltpu.make_async_copy(y_hbm[g].at[sidx.at[j]],
                                          rows_v.at[buf], sems[buf]).wait()
            pltpu.sync_copy(rows_v.at[buf], acc_sh.at[didx.at[j]], add=True)

        plsc.subcore_barrier()
        fetch(0, 0)

        def body(t, carry):
            j = t * 2
            fetch(j + 1, 1)
            drain_scatter(j, 0)

            @pl.when(j + 2 < _NCH)
            def _():
                fetch(j + 2, 0)
            drain_scatter(j + 1, 1)
            return carry

        lax.fori_loop(0, _NCH // 2, body, 0)
        plsc.subcore_barrier()
        pltpu.sync_copy(acc_sh.at[pl.ds(sid * _ROWS_PW, _ROWS_PW)],
                        out_hbm.at[cid, pl.ds(sid * _ROWS_PW, _ROWS_PW)])

    return k


def _transform1(x2, W1, deg2):
    def body(x_ref, w_ref, deg_ref, y_ref):
        dinv = (deg_ref[...] + 1.0) ** -0.5
        y_ref[...] = dinv * jnp.dot(x_ref[...], w_ref[...],
                                    preferred_element_type=jnp.float32)

    return pl.pallas_call(
        body,
        grid=(_N2 // _RB,),
        in_specs=[pl.BlockSpec((_RB, 128), lambda i: (i, 0)),
                  pl.BlockSpec((128, 128), lambda i: (0, 0)),
                  pl.BlockSpec((_RB, 1), lambda i: (i, 0))],
        out_specs=pl.BlockSpec((_RB, 128), lambda i: (i, 0)),
        out_shape=jax.ShapeDtypeStruct((_N2, 128), jnp.float32),
    )(x2, W1, deg2)


def _combine_transform(Fin, Fout):
    def body(acc_ref, y_ref, deg_ref, b_ref, w_ref, f_ref, yn_ref):
        dinv = (deg_ref[...] + 1.0) ** -0.5
        f = dinv * (acc_ref[...] + y_ref[...]) + b_ref[...]
        f_ref[...] = f
        yn_ref[...] = dinv * jnp.dot(jax.nn.relu(f), w_ref[...],
                                     preferred_element_type=jnp.float32)

    def run(acc2, y2, deg2, b, W):
        return pl.pallas_call(
            body,
            grid=(_N2 // _RB,),
            in_specs=[pl.BlockSpec((_RB, Fin), lambda i: (i, 0)),
                      pl.BlockSpec((_RB, Fin), lambda i: (i, 0)),
                      pl.BlockSpec((_RB, 1), lambda i: (i, 0)),
                      pl.BlockSpec((1, Fin), lambda i: (0, 0)),
                      pl.BlockSpec((Fin, Fout), lambda i: (0, 0))],
            out_specs=[pl.BlockSpec((_RB, Fin), lambda i: (i, 0)),
                       pl.BlockSpec((_RB, Fout), lambda i: (i, 0))],
            out_shape=[jax.ShapeDtypeStruct((_N2, Fin), jnp.float32),
                       jax.ShapeDtypeStruct((_N2, Fout), jnp.float32)],
        )(acc2, y2, deg2, b, W)
    return run


def _combine_last(acc2, y2, deg2, b):
    def body(acc_ref, y_ref, deg_ref, b_ref, f_ref):
        dinv = (deg_ref[...] + 1.0) ** -0.5
        f_ref[...] = dinv * (acc_ref[...] + y_ref[...]) + b_ref[...]

    F = acc2.shape[1]
    return pl.pallas_call(
        body,
        grid=(_N2 // _RB,),
        in_specs=[pl.BlockSpec((_RB, F), lambda i: (i, 0)),
                  pl.BlockSpec((_RB, F), lambda i: (i, 0)),
                  pl.BlockSpec((_RB, 1), lambda i: (i, 0)),
                  pl.BlockSpec((1, F), lambda i: (0, 0))],
        out_specs=pl.BlockSpec((_RB, F), lambda i: (i, 0)),
        out_shape=jax.ShapeDtypeStruct((_N2, F), jnp.float32),
    )(acc2, y2, deg2, b)


def _sims_layer(F):
    def body(qf_ref, qfT_ref, cf_ref, cfT_ref, del_ref, ins_ref,
             s_ref, st_ref):
        q = qf_ref[0]
        c = cf_ref[0]
        main = -jnp.dot(q, cfT_ref[0], preferred_element_type=jnp.float32)
        mainT = -jnp.dot(c, qfT_ref[0], preferred_element_type=jnp.float32)
        dcol = -jnp.dot(q, del_ref[...], preferred_element_type=jnp.float32)
        icol = -jnp.dot(c, ins_ref[...], preferred_element_type=jnp.float32)
        ri = lax.broadcasted_iota(jnp.int32, (_N, _N), 0)
        ci = lax.broadcasted_iota(jnp.int32, (_N, _N), 1)
        eye = ri == ci
        big = jnp.float32(99999.0)
        dsim = jnp.where(eye, dcol, big)
        isim = jnp.where(eye, icol, big)
        zero = jnp.zeros((_N, _N), jnp.float32)
        s_ref[0] = jnp.concatenate(
            [jnp.concatenate([main, dsim], axis=1),
             jnp.concatenate([isim, zero], axis=1)], axis=0)
        st_ref[0] = jnp.concatenate(
            [jnp.concatenate([mainT, isim], axis=1),
             jnp.concatenate([dsim, zero], axis=1)], axis=0)

    def run(qf, qfT, cf, cfT, d, ins):
        return pl.pallas_call(
            body,
            grid=(_B,),
            in_specs=[pl.BlockSpec((1, _N, F), lambda b: (b, 0, 0)),
                      pl.BlockSpec((1, F, _N), lambda b: (b, 0, 0)),
                      pl.BlockSpec((1, _N, F), lambda b: (b, 0, 0)),
                      pl.BlockSpec((1, F, _N), lambda b: (b, 0, 0)),
                      pl.BlockSpec((F, 1), lambda b: (0, 0)),
                      pl.BlockSpec((F, 1), lambda b: (0, 0))],
            out_specs=[pl.BlockSpec((1, _M, _M), lambda b: (b, 0, 0)),
                       pl.BlockSpec((1, _M, _M), lambda b: (b, 0, 0))],
            out_shape=[jax.ShapeDtypeStruct((_B, _M, _M), jnp.float32),
                       jax.ShapeDtypeStruct((_B, _M, _M), jnp.float32)],
        )(qf, qfT, cf, cfT, d, ins)
    return run


def _build_sims(q_x, c_x, q_ei, c_ei, W1, b1, W2, b2, W3, b3, ins, dels):
    deg2 = _deg_hist(q_ei[1], c_ei[1]).reshape(_N2, 1)
    x2 = jnp.concatenate([q_x, c_x], axis=0)
    qs2 = q_ei[0].reshape(-1, _CHUNK)
    qd2 = q_ei[1].reshape(-1, _CHUNK)
    cs2 = c_ei[0].reshape(-1, _CHUNK)
    cd2 = c_ei[1].reshape(-1, _CHUNK)

    y1 = _transform1(x2, W1, deg2)
    acc1 = _msgpass(128)(y1[:_NT], y1[_NT:], qs2, qd2, cs2, cd2,
                         jnp.zeros((_NT, 128), jnp.float32)).reshape(_N2, 128)
    f1, y2 = _combine_transform(128, 64)(acc1, y1, deg2,
                                         b1.reshape(1, -1), W2)
    acc2 = _msgpass(64)(y2[:_NT], y2[_NT:], qs2, qd2, cs2, cd2,
                        jnp.zeros((_NT, 64), jnp.float32)).reshape(_N2, 64)
    f2, y3 = _combine_transform(64, 32)(acc2, y2, deg2,
                                        b2.reshape(1, -1), W3)
    acc3 = _msgpass(32)(y3[:_NT], y3[_NT:], qs2, qd2, cs2, cd2,
                        jnp.zeros((_NT, 32), jnp.float32)).reshape(_N2, 32)
    f3 = _combine_last(acc3, y3, deg2, b3.reshape(1, -1))

    sims_l, simsT_l = [], []
    for f, F, d, ins_i in ((f1, 128, dels[0], ins[0]),
                           (f2, 64, dels[1], ins[1]),
                           (f3, 32, dels[2], ins[2])):
        qf = f[:_NT].reshape(_B, _N, F)
        cf = f[_NT:].reshape(_B, _N, F)
        qfT = jnp.swapaxes(qf, 1, 2)
        cfT = jnp.swapaxes(cf, 1, 2)
        s, st = _sims_layer(F)(qf, qfT, cf, cfT,
                               d.reshape(F, 1), ins_i.reshape(F, 1))
        sims_l.append(s)
        simsT_l.append(st)
    sims = jnp.stack(sims_l, axis=1).reshape(_NMAT, _M, _M)
    simsT = jnp.stack(simsT_l, axis=1).reshape(_NMAT, _M, _M)
    return sims, simsT


def _greedy_body(simsT_ref, sims_ref, out_ref, mt_ref, rf_ref, cf_ref):
    mt_ref[...] = simsT_ref[...]
    big = jnp.float32(1e12)
    lanef = lax.broadcasted_iota(jnp.int32, (_G, _M), 1).astype(jnp.float32)
    bigrow = jnp.full((1, _M), big, jnp.float32)

    def body(_, carry):
        rpen, cpen, acc = carry
        rm = jnp.min(mt_ref[...], axis=1) + rpen
        mv = jnp.min(rm, axis=1, keepdims=True)
        rf = jnp.min(jnp.where(rm == mv, lanef, jnp.float32(99999.0)),
                     axis=1, keepdims=True)
        acc = acc + mv
        rf_ref[...] = rf.astype(jnp.int32)
        rows = [sims_ref[g, pl.ds(rf_ref[g, 0], 1), :] for g in range(_G)]
        rowsv = jnp.concatenate(rows, axis=0) + cpen
        cf = jnp.min(jnp.where(rowsv == mv, lanef, jnp.float32(99999.0)),
                     axis=1, keepdims=True)
        cf_ref[...] = cf.astype(jnp.int32)
        for g in range(_G):
            mt_ref[g, pl.ds(cf_ref[g, 0], 1), :] = bigrow
        rpen = jnp.where(lanef == rf, big, rpen)
        cpen = jnp.where(lanef == cf, big, cpen)
        return rpen, cpen, acc

    zpen = jnp.zeros((_G, _M), jnp.float32)
    _, _, acc = lax.fori_loop(
        0, _M, body, (zpen, zpen, jnp.zeros((_G, 1), jnp.float32)))
    out_ref[...] = acc


def _greedy_mcost(sims, simsT):
    out = pl.pallas_call(
        _greedy_body,
        grid=(_NMAT // _G,),
        in_specs=[pl.BlockSpec((_G, _M, _M), lambda i: (i, 0, 0)),
                  pl.BlockSpec((_G, _M, _M), lambda i: (i, 0, 0))],
        out_specs=pl.BlockSpec((_G, 1), lambda i: (i, 0)),
        out_shape=jax.ShapeDtypeStruct((_NMAT, 1), jnp.float32),
        scratch_shapes=[pltpu.VMEM((_G, _M, _M), jnp.float32),
                        pltpu.VMEM((_G, 1), jnp.int32),
                        pltpu.VMEM((_G, 1), jnp.int32)],
    )(simsT, sims)
    return out[:, 0]


def kernel(q_x, c_x, q_edge_index, c_edge_index, W1, b1, W2, b2, W3, b3,
           ins1, ins2, ins3, del1, del2, del3, Wo, bo):
    sims, simsT = _build_sims(q_x, c_x, q_edge_index, c_edge_index,
                              W1, b1, W2, b2, W3, b3,
                              (ins1, ins2, ins3), (del1, del2, del3))
    mcost = _greedy_mcost(sims, simsT)
    mcost_norm = 2.0 * mcost / (2.0 * _N)
    scores = (mcost_norm.reshape(_B, 3) @ Wo + bo)[:, 0]
    return jax.nn.sigmoid(scores)

# --- scband reference (transcript-rebuilt; emitter-appended) ---
"""Pipeline reference for scband-gotsim-76175539962367 (READ-ONLY COPY).

The authoritative reference and input builder live on the scoring server;
editing this copy changes nothing except your own understanding.
"""

import jax, jax.numpy as jnp
import numpy as np

B = 128
N_MAX = 64
D_IN = 128
F1, F2, F3 = 128, 64, 32
DEG = 16
N_TOT = B * N_MAX
E_TOT = N_TOT * DEG


def setup_inputs(seed: int = 0):
    key = jax.random.key(seed)
    ks = jax.random.split(key, 20)
    s = lambda i, shape, sc: jax.random.normal(ks[i], shape, dtype=jnp.float32) * sc
    inp = {}
    inp['q_x'] = jax.random.normal(ks[0], (N_TOT, D_IN), dtype=jnp.float32)
    inp['c_x'] = jax.random.normal(ks[1], (N_TOT, D_IN), dtype=jnp.float32)
    inp['q_edge_index'] = jax.random.randint(ks[2], (2, E_TOT), 0, N_TOT, dtype=jnp.int32)
    inp['c_edge_index'] = jax.random.randint(ks[3], (2, E_TOT), 0, N_TOT, dtype=jnp.int32)
    inp['W1'] = s(4, (D_IN, F1), D_IN ** -0.5)
    inp['b1'] = jnp.zeros((F1,), jnp.float32)
    inp['W2'] = s(5, (F1, F2), F1 ** -0.5)
    inp['b2'] = jnp.zeros((F2,), jnp.float32)
    inp['W3'] = s(6, (F2, F3), F2 ** -0.5)
    inp['b3'] = jnp.zeros((F3,), jnp.float32)
    inp['ins1'] = s(7, (F1,), 1.0)
    inp['ins2'] = s(8, (F2,), 1.0)
    inp['ins3'] = s(9, (F3,), 1.0)
    inp['del1'] = s(10, (F1,), 1.0)
    inp['del2'] = s(11, (F2,), 1.0)
    inp['del3'] = s(12, (F3,), 1.0)
    inp['Wo'] = s(13, (3, 1), 1.0)
    inp['bo'] = jnp.zeros((1,), jnp.float32)
    return inp


def _gcn(x, src, dst, W, b):
    n = x.shape[0]
    loop = jnp.arange(n, dtype=src.dtype)
    s2 = jnp.concatenate([src, loop])
    d2 = jnp.concatenate([dst, loop])
    deg = jax.ops.segment_sum(jnp.ones(s2.shape[0], x.dtype), d2, num_segments=n)
    dinv = jnp.where(deg > 0, deg ** -0.5, 0.0)
    xw = x @ W
    msg = xw[s2] * (dinv[s2] * dinv[d2])[:, None]
    return jax.ops.segment_sum(msg, d2, num_segments=n) + b


def _gnn(x, ei, W1, b1, W2, b2, W3, b3):
    f1 = _gcn(x, ei[0], ei[1], W1, b1)
    f2 = _gcn(jax.nn.relu(f1), ei[0], ei[1], W2, b2)
    f3 = _gcn(jax.nn.relu(f2), ei[0], ei[1], W3, b3)
    return [f1, f2, f3]


def _sims(q_x, c_x, q_ei, c_ei, W1, b1, W2, b2, W3, b3, ins, dels):
    qf = _gnn(q_x, q_ei, W1, b1, W2, b2, W3, b3)
    cf = _gnn(c_x, c_ei, W1, b1, W2, b2, W3, b3)
    eye = jnp.eye(N_MAX, dtype=jnp.float32)
    const = 99999.0 * (jnp.ones((N_MAX, N_MAX), jnp.float32) - eye)
    bigs = []
    for i in range(3):
        q = qf[i].reshape(B, N_MAX, -1)
        c = cf[i].reshape(B, N_MAX, -1)
        main = -jnp.einsum('bnf,bmf->bnm', q, c)
        dsim = (-(q @ dels[i]))[:, :, None] * eye + const
        isim = (-(c @ ins[i]))[:, :, None] * eye + const
        dummy = jnp.zeros((B, N_MAX, N_MAX), jnp.float32)
        top = jnp.concatenate([main, dsim], axis=2)
        bot = jnp.concatenate([isim, dummy], axis=2)
        bigs.append(jnp.concatenate([top, bot], axis=1))
    return jnp.stack(bigs, axis=1).reshape(B * 3, 2 * N_MAX, 2 * N_MAX)


def _greedy_plan(cost):
    m = cost.shape[0]

    def body(k, state):
        c, plan = state
        idx = jnp.argmin(c)
        r = idx // m
        co = idx % m
        plan = plan.at[r, co].set(1.0)
        c = c.at[r, :].set(1e12)
        c = c.at[:, co].set(1e12)
        return (c, plan)

    _, plan = jax.lax.fori_loop(0, m, body, (cost, jnp.zeros_like(cost)))
    return plan


def reference(q_x, c_x, q_edge_index, c_edge_index, W1, b1, W2, b2, W3, b3, ins1, ins2, ins3, del1, del2, del3, Wo, bo):
    sims = _sims(q_x, c_x, q_edge_index, c_edge_index, W1, b1, W2, b2, W3, b3, (ins1, ins2, ins3), (del1, del2, del3))
    plans = jax.lax.stop_gradient(jax.vmap(_greedy_plan)(sims))
    mcost = jnp.sum(sims * plans, axis=(1, 2))
    mcost_norm = 2.0 * mcost / (2.0 * N_MAX)
    scores = (mcost_norm.reshape(B, 3) @ Wo + bo)[:, 0]
    return jax.nn.sigmoid(scores)

if __name__ == "__main__":
    import jax
    _d = setup_inputs()
    print(jax.jit(kernel)(*tuple(_d.values())))

</pallas_src>

<mosaic_0001>
#map = affine_map<(d0, d1) -> (0, 0)>
#map1 = affine_map<(d0, d1) -> (0, 0, 0)>
module attributes {stable_mosaic.version = 14 : i64} {
  func.func @k(%arg0: i32, %arg1: i32, %arg2: memref<8192x128xf32, #tpu.memory_space<hbm>>, %arg3: memref<8192x128xf32, #tpu.memory_space<hbm>>, %arg4: memref<1024x128xi32, #tpu.memory_space<hbm>>, %arg5: memref<1024x128xi32, #tpu.memory_space<hbm>>, %arg6: memref<1024x128xi32, #tpu.memory_space<hbm>>, %arg7: memref<1024x128xi32, #tpu.memory_space<hbm>>, %arg8: memref<8192x128xf32, #tpu.memory_space<hbm>>, %arg9: memref<2x8192x128xf32, #tpu.memory_space<hbm>>, %arg10: memref<64x128xi32, #tpu.memory_space<vmem>>, %arg11: memref<64x128xi32, #tpu.memory_space<vmem>>, %arg12: memref<2x128x128xf32, #tpu.memory_space<vmem>>, %arg13: memref<8192x128xf32, #tpu.memory_space<vmem_shared>>, %arg14: memref<!tpu.dma_semaphore, #tpu.memory_space<semaphore_mem>>, %arg15: memref<!tpu.dma_semaphore, #tpu.memory_space<semaphore_mem>>) attributes {dimension_semantics = [#tpu.dimension_semantics<core_parallel>, #tpu.dimension_semantics<subcore_parallel>], iteration_bounds = array<i64: 2, 16>, scalar_prefetch = 0 : i64, scratch_operands = 6 : i64, tpu.core_type = #tpu.core_type<sc_vector_subcore>, window_params = [{transform_indices = #map}, {transform_indices = #map}, {transform_indices = #map}, {transform_indices = #map}, {transform_indices = #map}, {transform_indices = #map}, {transform_indices = #map}, {transform_indices = #map1}]} {
    %mul3A = arith.constant 512 : i32
    %mul3A_0 = arith.muli %arg1, %mul3A : i32
    %mul3A_1 = arith.constant 512 : i32
    %mul3A_2 = arith.muli %arg1, %mul3A_1 : i32
    "tpu.region"() ({
      %run_scoped3A = tpu.sem_alloc : memref<!tpu.dma_semaphore, #tpu.memory_space<semaphore_mem>>
      %dma_start3A = arith.constant 0 : i32
      %dma_start3A_30 = tpu.memref_slice %arg13[%mul3A_2, %dma_start3A] : memref<8192x128xf32, #tpu.memory_space<vmem_shared>> -> memref<512x128xf32, #tpu.memory_space<vmem_shared>>
      %dma_start3A_31 = arith.constant 0 : i32
      %dma_start3A_32 = tpu.memref_slice %arg8[%mul3A_0, %dma_start3A_31] : memref<8192x128xf32, #tpu.memory_space<hbm>> -> memref<512x128xf32, #tpu.memory_space<hbm>>
      tpu.enqueue_dma source(%dma_start3A_32 : memref<512x128xf32, #tpu.memory_space<hbm>>) target(%dma_start3A_30 : memref<512x128xf32, #tpu.memory_space<vmem_shared>>) target_semaphore(%run_scoped3A : memref<!tpu.dma_semaphore, #tpu.memory_space<semaphore_mem>>)
      %dma_wait3A = arith.constant 0 : i32
      %dma_wait3A_33 = tpu.memref_slice %arg13[%mul3A_2, %dma_wait3A] : memref<8192x128xf32, #tpu.memory_space<vmem_shared>> -> memref<512x128xf32, #tpu.memory_space<vmem_shared>>
      %dma_wait3A_34 = arith.constant 0 : i32
      %dma_wait3A_35 = tpu.memref_slice %arg8[%mul3A_0, %dma_wait3A_34] : memref<8192x128xf32, #tpu.memory_space<hbm>> -> memref<512x128xf32, #tpu.memory_space<hbm>>
      tpu.wait_dma2 semaphore(%run_scoped3A : memref<!tpu.dma_semaphore, #tpu.memory_space<semaphore_mem>>) src(%dma_wait3A_35 : memref<512x128xf32, #tpu.memory_space<hbm>>) dst(%dma_wait3A_33 : memref<512x128xf32, #tpu.memory_space<vmem_shared>>)
      tpu.yield
    }) : () -> ()
    %eq3A = arith.constant 0 : i32
    %eq3A_3 = arith.cmpi eq, %arg0, %eq3A : i32
    %convert_element_type3A = arith.extui %eq3A_3 : i1 to i32
    %cond3A = arith.constant 0 : i32
    %cond3A_4 = arith.cmpi ne, %convert_element_type3A, %cond3A : i32
    scf.if %cond3A_4 {
      %mul3A_30 = arith.constant 64 : i32
      %mul3A_31 = arith.muli %arg1, %mul3A_30 : i32
      "tpu.region"() ({
        %run_scoped3A = tpu.sem_alloc : memref<!tpu.dma_semaphore, #tpu.memory_space<semaphore_mem>>
        %dma_start3A = arith.constant 0 : i32
        %dma_start3A_34 = tpu.memref_slice %arg4[%mul3A_31, %dma_start3A] : memref<1024x128xi32, #tpu.memory_space<hbm>> -> memref<64x128xi32, #tpu.memory_space<hbm>>
        %dma_start3A_35 = arith.constant 0 : i32
        %dma_start3A_36 = tpu.memref_slice %arg4[%mul3A_31, %dma_start3A_35] : memref<1024x128xi32, #tpu.memory_space<hbm>> -> memref<64x128xi32, #tpu.memory_space<hbm>>
        tpu.enqueue_dma source(%dma_start3A_36 : memref<64x128xi32, #tpu.memory_space<hbm>>) target(%arg10 : memref<64x128xi32, #tpu.memory_space<vmem>>) target_semaphore(%run_scoped3A : memref<!tpu.dma_semaphore, #tpu.memory_space<semaphore_mem>>)
        %dma_wait3A = arith.constant 0 : i32
        %dma_wait3A_37 = tpu.memref_slice %arg4[%mul3A_31, %dma_wait3A] : memref<1024x128xi32, #tpu.memory_space<hbm>> -> memref<64x128xi32, #tpu.memory_space<hbm>>
        %dma_wait3A_38 = arith.constant 0 : i32
        %dma_wait3A_39 = tpu.memref_slice %arg4[%mul3A_31, %dma_wait3A_38] : memref<1024x128xi32, #tpu.memory_space<hbm>> -> memref<64x128xi32, #tpu.memory_space<hbm>>
        tpu.wait_dma2 semaphore(%run_scoped3A : memref<!tpu.dma_semaphore, #tpu.memory_space<semaphore_mem>>) src(%dma_wait3A_39 : memref<64x128xi32, #tpu.memory_space<hbm>>) dst(%arg10 : memref<64x128xi32, #tpu.memory_space<vmem>>)
        tpu.yield
      }) : () -> ()
      %mul3A_32 = arith.constant 64 : i32
      %mul3A_33 = arith.muli %arg1, %mul3A_32 : i32
      "tpu.region"() ({
        %run_scoped3A = tpu.sem_alloc : memref<!tpu.dma_semaphore, #tpu.memory_space<semaphore_mem>>
        %dma_start3A = arith.constant 0 : i32
        %dma_start3A_34 = tpu.memref_slice %arg5[%mul3A_33, %dma_start3A] : memref<1024x128xi32, #tpu.memory_space<hbm>> -> memref<64x128xi32, #tpu.memory_space<hbm>>
        %dma_start3A_35 = arith.constant 0 : i32
        %dma_start3A_36 = tpu.memref_slice %arg5[%mul3A_33, %dma_start3A_35] : memref<1024x128xi32, #tpu.memory_space<hbm>> -> memref<64x128xi32, #tpu.memory_space<hbm>>
        tpu.enqueue_dma source(%dma_start3A_36 : memref<64x128xi32, #tpu.memory_space<hbm>>) target(%arg11 : memref<64x128xi32, #tpu.memory_space<vmem>>) target_semaphore(%run_scoped3A : memref<!tpu.dma_semaphore, #tpu.memory_space<semaphore_mem>>)
        %dma_wait3A = arith.constant 0 : i32
        %dma_wait3A_37 = tpu.memref_slice %arg5[%mul3A_33, %dma_wait3A] : memref<1024x128xi32, #tpu.memory_space<hbm>> -> memref<64x128xi32, #tpu.memory_space<hbm>>
        %dma_wait3A_38 = arith.constant 0 : i32
        %dma_wait3A_39 = tpu.memref_slice %arg5[%mul3A_33, %dma_wait3A_38] : memref<1024x128xi32, #tpu.memory_space<hbm>> -> memref<64x128xi32, #tpu.memory_space<hbm>>
        tpu.wait_dma2 semaphore(%run_scoped3A : memref<!tpu.dma_semaphore, #tpu.memory_space<semaphore_mem>>) src(%dma_wait3A_39 : memref<64x128xi32, #tpu.memory_space<hbm>>) dst(%arg11 : memref<64x128xi32, #tpu.memory_space<vmem>>)
        tpu.yield
      }) : () -> ()
    } else {
    }
    %eq3A_5 = arith.constant 1 : i32
    %eq3A_6 = arith.cmpi eq, %arg0, %eq3A_5 : i32
    %convert_element_type3A_7 = arith.extui %eq3A_6 : i1 to i32
    %cond3A_8 = arith.constant 0 : i32
    %cond3A_9 = arith.cmpi ne, %convert_element_type3A_7, %cond3A_8 : i32
    scf.if %cond3A_9 {
      %mul3A_30 = arith.constant 64 : i32
      %mul3A_31 = arith.muli %arg1, %mul3A_30 : i32
      "tpu.region"() ({
        %run_scoped3A = tpu.sem_alloc : memref<!tpu.dma_semaphore, #tpu.memory_space<semaphore_mem>>
        %dma_start3A = arith.constant 0 : i32
        %dma_start3A_34 = tpu.memref_slice %arg6[%mul3A_31, %dma_start3A] : memref<1024x128xi32, #tpu.memory_space<hbm>> -> memref<64x128xi32, #tpu.memory_space<hbm>>
        %dma_start3A_35 = arith.constant 0 : i32
        %dma_start3A_36 = tpu.memref_slice %arg6[%mul3A_31, %dma_start3A_35] : memref<1024x128xi32, #tpu.memory_space<hbm>> -> memref<64x128xi32, #tpu.memory_space<hbm>>
        tpu.enqueue_dma source(%dma_start3A_36 : memref<64x128xi32, #tpu.memory_space<hbm>>) target(%arg10 : memref<64x128xi32, #tpu.memory_space<vmem>>) target_semaphore(%run_scoped3A : memref<!tpu.dma_semaphore, #tpu.memory_space<semaphore_mem>>)
        %dma_wait3A = arith.constant 0 : i32
        %dma_wait3A_37 = tpu.memref_slice %arg6[%mul3A_31, %dma_wait3A] : memref<1024x128xi32, #tpu.memory_space<hbm>> -> memref<64x128xi32, #tpu.memory_space<hbm>>
        %dma_wait3A_38 = arith.constant 0 : i32
        %dma_wait3A_39 = tpu.memref_slice %arg6[%mul3A_31, %dma_wait3A_38] : memref<1024x128xi32, #tpu.memory_space<hbm>> -> memref<64x128xi32, #tpu.memory_space<hbm>>
        tpu.wait_dma2 semaphore(%run_scoped3A : memref<!tpu.dma_semaphore, #tpu.memory_space<semaphore_mem>>) src(%dma_wait3A_39 : memref<64x128xi32, #tpu.memory_space<hbm>>) dst(%arg10 : memref<64x128xi32, #tpu.memory_space<vmem>>)
        tpu.yield
      }) : () -> ()
      %mul3A_32 = arith.constant 64 : i32
      %mul3A_33 = arith.muli %arg1, %mul3A_32 : i32
      "tpu.region"() ({
        %run_scoped3A = tpu.sem_alloc : memref<!tpu.dma_semaphore, #tpu.memory_space<semaphore_mem>>
        %dma_start3A = arith.constant 0 : i32
        %dma_start3A_34 = tpu.memref_slice %arg7[%mul3A_33, %dma_start3A] : memref<1024x128xi32, #tpu.memory_space<hbm>> -> memref<64x128xi32, #tpu.memory_space<hbm>>
        %dma_start3A_35 = arith.constant 0 : i32
        %dma_start3A_36 = tpu.memref_slice %arg7[%mul3A_33, %dma_start3A_35] : memref<1024x128xi32, #tpu.memory_space<hbm>> -> memref<64x128xi32, #tpu.memory_space<hbm>>
        tpu.enqueue_dma source(%dma_start3A_36 : memref<64x128xi32, #tpu.memory_space<hbm>>) target(%arg11 : memref<64x128xi32, #tpu.memory_space<vmem>>) target_semaphore(%run_scoped3A : memref<!tpu.dma_semaphore, #tpu.memory_space<semaphore_mem>>)
        %dma_wait3A = arith.constant 0 : i32
        %dma_wait3A_37 = tpu.memref_slice %arg7[%mul3A_33, %dma_wait3A] : memref<1024x128xi32, #tpu.memory_space<hbm>> -> memref<64x128xi32, #tpu.memory_space<hbm>>
        %dma_wait3A_38 = arith.constant 0 : i32
        %dma_wait3A_39 = tpu.memref_slice %arg7[%mul3A_33, %dma_wait3A_38] : memref<1024x128xi32, #tpu.memory_space<hbm>> -> memref<64x128xi32, #tpu.memory_space<hbm>>
        tpu.wait_dma2 semaphore(%run_scoped3A : memref<!tpu.dma_semaphore, #tpu.memory_space<semaphore_mem>>) src(%dma_wait3A_39 : memref<64x128xi32, #tpu.memory_space<hbm>>) dst(%arg11 : memref<64x128xi32, #tpu.memory_space<vmem>>)
        tpu.yield
      }) : () -> ()
    } else {
    }
    %barrier3A = arith.constant 0 : index
    tpu.barrier barrier_id(%barrier3A)
    %eq3A_10 = arith.constant 0 : i32
    %eq3A_11 = arith.cmpi eq, %arg0, %eq3A_10 : i32
    %convert_element_type3A_12 = arith.extui %eq3A_11 : i1 to i32
    %cond3A_13 = arith.constant 0 : i32
    %cond3A_14 = arith.cmpi ne, %convert_element_type3A_12, %cond3A_13 : i32
    scf.if %cond3A_14 {
      %dma_start3A = arith.constant 0 : i32
      %dma_start3A_30 = arith.constant 0 : i32
      %dma_start3A_31 = arith.constant 0 : i32
      %dma_start3A_32 = arith.constant 0 : i32
      %dma_start3A_33 = tpu.memref_slice %arg12[%dma_start3A_30, %dma_start3A_31, %dma_start3A_32] : memref<2x128x128xf32, #tpu.memory_space<vmem>> -> memref<1x128x128xf32, #tpu.memory_space<vmem>>
      %dma_start3A_34 = tpu.memref_squeeze %dma_start3A_33 : memref<1x128x128xf32, #tpu.memory_space<vmem>> -> memref<128x128xf32, #tpu.memory_space<vmem>>
      %dma_start3A_35 = arith.constant 0 : i32
      %dma_start3A_36 = tpu.memref_slice %arg10[%dma_start3A, %dma_start3A_35] : memref<64x128xi32, #tpu.memory_space<vmem>> -> memref<1x128xi32, #tpu.memory_space<vmem>>
      %dma_start3A_37 = tpu.memref_squeeze %dma_start3A_36 : memref<1x128xi32, #tpu.memory_space<vmem>> -> memref<128xi32, #tpu.memory_space<vmem>>
      %dma_start3A_38 = arith.constant 0 : i32
      %dma_start3A_39 = arith.constant 0 : i32
      %dma_start3A_40 = tpu.memref_slice %arg2[%dma_start3A_38, %dma_start3A_39] : memref<8192x128xf32, #tpu.memory_space<hbm>> -> memref<8192x128xf32, #tpu.memory_space<hbm>>
      tpu.enqueue_indirect_dma source(%dma_start3A_40 : memref<8192x128xf32, #tpu.memory_space<hbm>>) target(%dma_start3A_34 : memref<128x128xf32, #tpu.memory_space<vmem>>) offsets(%dma_start3A_37 : memref<128xi32, #tpu.memory_space<vmem>>) semaphore(%arg14 : memref<!tpu.dma_semaphore, #tpu.memory_space<semaphore_mem>>)
    } else {
    }
    %eq3A_15 = arith.constant 1 : i32
    %eq3A_16 = arith.cmpi eq, %arg0, %eq3A_15 : i32
    %convert_element_type3A_17 = arith.extui %eq3A_16 : i1 to i32
    %cond3A_18 = arith.constant 0 : i32
    %cond3A_19 = arith.cmpi ne, %convert_element_type3A_17, %cond3A_18 : i32
    scf.if %cond3A_19 {
      %dma_start3A = arith.constant 0 : i32
      %dma_start3A_30 = arith.constant 0 : i32
      %dma_start3A_31 = arith.constant 0 : i32
      %dma_start3A_32 = arith.constant 0 : i32
      %dma_start3A_33 = tpu.memref_slice %arg12[%dma_start3A_30, %dma_start3A_31, %dma_start3A_32] : memref<2x128x128xf32, #tpu.memory_space<vmem>> -> memref<1x128x128xf32, #tpu.memory_space<vmem>>
      %dma_start3A_34 = tpu.memref_squeeze %dma_start3A_33 : memref<1x128x128xf32, #tpu.memory_space<vmem>> -> memref<128x128xf32, #tpu.memory_space<vmem>>
      %dma_start3A_35 = arith.constant 0 : i32
      %dma_start3A_36 = tpu.memref_slice %arg10[%dma_start3A, %dma_start3A_35] : memref<64x128xi32, #tpu.memory_space<vmem>> -> memref<1x128xi32, #tpu.memory_space<vmem>>
      %dma_start3A_37 = tpu.memref_squeeze %dma_start3A_36 : memref<1x128xi32, #tpu.memory_space<vmem>> -> memref<128xi32, #tpu.memory_space<vmem>>
      %dma_start3A_38 = arith.constant 0 : i32
      %dma_start3A_39 = arith.constant 0 : i32
      %dma_start3A_40 = tpu.memref_slice %arg3[%dma_start3A_38, %dma_start3A_39] : memref<8192x128xf32, #tpu.memory_space<hbm>> -> memref<8192x128xf32, #tpu.memory_space<hbm>>
      tpu.enqueue_indirect_dma source(%dma_start3A_40 : memref<8192x128xf32, #tpu.memory_space<hbm>>) target(%dma_start3A_34 : memref<128x128xf32, #tpu.memory_space<vmem>>) offsets(%dma_start3A_37 : memref<128xi32, #tpu.memory_space<vmem>>) semaphore(%arg14 : memref<!tpu.dma_semaphore, #tpu.memory_space<semaphore_mem>>)
    } else {
    }
    %scan3A = arith.constant 0 : i32
    %scan3A_20 = arith.constant 0 : i32
    %scan3A_21 = arith.constant 32 : i32
    %scan3A_22 = arith.addi %scan3A_20, %scan3A_21 : i32
    %scan3A_23 = arith.constant 1 : i32
    scf.for %scan3A_30 = %scan3A_20 to %scan3A_22 step %scan3A_23  : i32 {
      %mul3A_31 = arith.constant 2 : i32
      %mul3A_32 = arith.muli %scan3A_30, %mul3A_31 : i32
      %add3A = arith.constant 1 : i32
      %add3A_33 = arith.addi %mul3A_32, %add3A : i32
      %eq3A_34 = arith.constant 0 : i32
      %eq3A_35 = arith.cmpi eq, %arg0, %eq3A_34 : i32
      %convert_element_type3A_36 = arith.extui %eq3A_35 : i1 to i32
      %cond3A_37 = arith.constant 0 : i32
      %cond3A_38 = arith.cmpi ne, %convert_element_type3A_36, %cond3A_37 : i32
      scf.if %cond3A_38 {
        %dma_start3A = arith.constant 1 : i32
        %dma_start3A_73 = arith.constant 0 : i32
        %dma_start3A_74 = arith.constant 0 : i32
        %dma_start3A_75 = tpu.memref_slice %arg12[%dma_start3A, %dma_start3A_73, %dma_start3A_74] : memref<2x128x128xf32, #tpu.memory_space<vmem>> -> memref<1x128x128xf32, #tpu.memory_space<vmem>>
        %dma_start3A_76 = tpu.memref_squeeze %dma_start3A_75 : memref<1x128x128xf32, #tpu.memory_space<vmem>> -> memref<128x128xf32, #tpu.memory_space<vmem>>
        %dma_start3A_77 = arith.constant 0 : i32
        %dma_start3A_78 = tpu.memref_slice %arg10[%add3A_33, %dma_start3A_77] : memref<64x128xi32, #tpu.memory_space<vmem>> -> memref<1x128xi32, #tpu.memory_space<vmem>>
        %dma_start3A_79 = tpu.memref_squeeze %dma_start3A_78 : memref<1x128xi32, #tpu.memory_space<vmem>> -> memref<128xi32, #tpu.memory_space<vmem>>
        %dma_start3A_80 = arith.constant 0 : i32
        %dma_start3A_81 = arith.constant 0 : i32
        %dma_start3A_82 = tpu.memref_slice %arg2[%dma_start3A_80, %dma_start3A_81] : memref<8192x128xf32, #tpu.memory_space<hbm>> -> memref<8192x128xf32, #tpu.memory_space<hbm>>
        tpu.enqueue_indirect_dma source(%dma_start3A_82 : memref<8192x128xf32, #tpu.memory_space<hbm>>) target(%dma_start3A_76 : memref<128x128xf32, #tpu.memory_space<vmem>>) offsets(%dma_start3A_79 : memref<128xi32, #tpu.memory_space<vmem>>) semaphore(%arg15 : memref<!tpu.dma_semaphore, #tpu.memory_space<semaphore_mem>>)
      } else {
      }
      %eq3A_39 = arith.constant 1 : i32
      %eq3A_40 = arith.cmpi eq, %arg0, %eq3A_39 : i32
      %convert_element_type3A_41 = arith.extui %eq3A_40 : i1 to i32
      %cond3A_42 = arith.constant 0 : i32
      %cond3A_43 = arith.cmpi ne, %convert_element_type3A_41, %cond3A_42 : i32
      scf.if %cond3A_43 {
        %dma_start3A = arith.constant 1 : i32
        %dma_start3A_73 = arith.constant 0 : i32
        %dma_start3A_74 = arith.constant 0 : i32
        %dma_start3A_75 = tpu.memref_slice %arg12[%dma_start3A, %dma_start3A_73, %dma_start3A_74] : memref<2x128x128xf32, #tpu.memory_space<vmem>> -> memref<1x128x128xf32, #tpu.memory_space<vmem>>
        %dma_start3A_76 = tpu.memref_squeeze %dma_start3A_75 : memref<1x128x128xf32, #tpu.memory_space<vmem>> -> memref<128x128xf32, #tpu.memory_space<vmem>>
        %dma_start3A_77 = arith.constant 0 : i32
        %dma_start3A_78 = tpu.memref_slice %arg10[%add3A_33, %dma_start3A_77] : memref<64x128xi32, #tpu.memory_space<vmem>> -> memref<1x128xi32, #tpu.memory_space<vmem>>
        %dma_start3A_79 = tpu.memref_squeeze %dma_start3A_78 : memref<1x128xi32, #tpu.memory_space<vmem>> -> memref<128xi32, #tpu.memory_space<vmem>>
        %dma_start3A_80 = arith.constant 0 : i32
        %dma_start3A_81 = arith.constant 0 : i32
        %dma_start3A_82 = tpu.memref_slice %arg3[%dma_start3A_80, %dma_start3A_81] : memref<8192x128xf32, #tpu.memory_space<hbm>> -> memref<8192x128xf32, #tpu.memory_space<hbm>>
        tpu.enqueue_indirect_dma source(%dma_start3A_82 : memref<8192x128xf32, #tpu.memory_space<hbm>>) target(%dma_start3A_76 : memref<128x128xf32, #tpu.memory_space<vmem>>) offsets(%dma_start3A_79 : memref<128xi32, #tpu.memory_space<vmem>>) semaphore(%arg15 : memref<!tpu.dma_semaphore, #tpu.memory_space<semaphore_mem>>)
      } else {
      }
      %eq3A_44 = arith.constant 0 : i32
      %eq3A_45 = arith.cmpi eq, %arg0, %eq3A_44 : i32
      %convert_element_type3A_46 = arith.extui %eq3A_45 : i1 to i32
      %cond3A_47 = arith.constant 0 : i32
      %cond3A_48 = arith.cmpi ne, %convert_element_type3A_46, %cond3A_47 : i32
      scf.if %cond3A_48 {
        %dma_wait3A = arith.constant 0 : i32
        %dma_wait3A_73 = arith.constant 0 : i32
        %dma_wait3A_74 = arith.constant 0 : i32
        %dma_wait3A_75 = tpu.memref_slice %arg12[%dma_wait3A, %dma_wait3A_73, %dma_wait3A_74] : memref<2x128x128xf32, #tpu.memory_space<vmem>> -> memref<1x128x128xf32, #tpu.memory_space<vmem>>
        %dma_wait3A_76 = tpu.memref_squeeze %dma_wait3A_75 : memref<1x128x128xf32, #tpu.memory_space<vmem>> -> memref<128x128xf32, #tpu.memory_space<vmem>>
        %dma_wait3A_77 = arith.constant 0 : i32
        %dma_wait3A_78 = tpu.memref_slice %arg10[%mul3A_32, %dma_wait3A_77] : memref<64x128xi32, #tpu.memory_space<vmem>> -> memref<1x128xi32, #tpu.memory_space<vmem>>
        %dma_wait3A_79 = tpu.memref_squeeze %dma_wait3A_78 : memref<1x128xi32, #tpu.memory_space<vmem>> -> memref<128xi32, #tpu.memory_space<vmem>>
        %dma_wait3A_80 = arith.constant 0 : i32
        %dma_wait3A_81 = arith.constant 0 : i32
        %dma_wait3A_82 = tpu.memref_slice %arg2[%dma_wait3A_80, %dma_wait3A_81] : memref<8192x128xf32, #tpu.memory_space<hbm>> -> memref<8192x128xf32, #tpu.memory_space<hbm>>
        tpu.wait_indirect_dma semaphore(%arg14 : memref<!tpu.dma_semaphore, #tpu.memory_space<semaphore_mem>>) src(%dma_wait3A_82 : memref<8192x128xf32, #tpu.memory_space<hbm>>) dst(%dma_wait3A_76 : memref<128x128xf32, #tpu.memory_space<vmem>>)
      } else {
      }
      %eq3A_49 = arith.constant 1 : i32
      %eq3A_50 = arith.cmpi eq, %arg0, %eq3A_49 : i32
      %convert_element_type3A_51 = arith.extui %eq3A_50 : i1 to i32
      %cond3A_52 = arith.constant 0 : i32
      %cond3A_53 = arith.cmpi ne, %convert_element_type3A_51, %cond3A_52 : i32
      scf.if %cond3A_53 {
        %dma_wait3A = arith.constant 0 : i32
        %dma_wait3A_73 = arith.constant 0 : i32
        %dma_wait3A_74 = arith.constant 0 : i32
        %dma_wait3A_75 = tpu.memref_slice %arg12[%dma_wait3A, %dma_wait3A_73, %dma_wait3A_74] : memref<2x128x128xf32, #tpu.memory_space<vmem>> -> memref<1x128x128xf32, #tpu.memory_space<vmem>>
        %dma_wait3A_76 = tpu.memref_squeeze %dma_wait3A_75 : memref<1x128x128xf32, #tpu.memory_space<vmem>> -> memref<128x128xf32, #tpu.memory_space<vmem>>
        %dma_wait3A_77 = arith.constant 0 : i32
        %dma_wait3A_78 = tpu.memref_slice %arg10[%mul3A_32, %dma_wait3A_77] : memref<64x128xi32, #tpu.memory_space<vmem>> -> memref<1x128xi32, #tpu.memory_space<vmem>>
        %dma_wait3A_79 = tpu.memref_squeeze %dma_wait3A_78 : memref<1x128xi32, #tpu.memory_space<vmem>> -> memref<128xi32, #tpu.memory_space<vmem>>
        %dma_wait3A_80 = arith.constant 0 : i32
        %dma_wait3A_81 = arith.constant 0 : i32
        %dma_wait3A_82 = tpu.memref_slice %arg3[%dma_wait3A_80, %dma_wait3A_81] : memref<8192x128xf32, #tpu.memory_space<hbm>> -> memref<8192x128xf32, #tpu.memory_space<hbm>>
        tpu.wait_indirect_dma semaphore(%arg14 : memref<!tpu.dma_semaphore, #tpu.memory_space<semaphore_mem>>) src(%dma_wait3A_82 : memref<8192x128xf32, #tpu.memory_space<hbm>>) dst(%dma_wait3A_76 : memref<128x128xf32, #tpu.memory_space<vmem>>)
      } else {
      }
      %run_scoped3A = arith.constant 0 : i32
      "tpu.region"() ({
        %run_scoped3A_73 = tpu.sem_alloc : memref<!tpu.dma_semaphore, #tpu.memory_space<semaphore_mem>>
        %dma_start3A = arith.constant 0 : i32
        %dma_start3A_74 = arith.constant 0 : i32
        %dma_start3A_75 = tpu.memref_slice %arg12[%run_scoped3A, %dma_start3A, %dma_start3A_74] : memref<2x128x128xf32, #tpu.memory_space<vmem>> -> memref<1x128x128xf32, #tpu.memory_space<vmem>>
        %dma_start3A_76 = tpu.memref_squeeze %dma_start3A_75 : memref<1x128x128xf32, #tpu.memory_space<vmem>> -> memref<128x128xf32, #tpu.memory_space<vmem>>
        %dma_start3A_77 = arith.constant 0 : i32
        %dma_start3A_78 = tpu.memref_slice %arg11[%mul3A_32, %dma_start3A_77] : memref<64x128xi32, #tpu.memory_space<vmem>> -> memref<1x128xi32, #tpu.memory_space<vmem>>
        %dma_start3A_79 = tpu.memref_squeeze %dma_start3A_78 : memref<1x128xi32, #tpu.memory_space<vmem>> -> memref<128xi32, #tpu.memory_space<vmem>>
        %dma_start3A_80 = arith.constant 0 : i32
        %dma_start3A_81 = arith.constant 0 : i32
        %dma_start3A_82 = tpu.memref_slice %arg13[%dma_start3A_80, %dma_start3A_81] : memref<8192x128xf32, #tpu.memory_space<vmem_shared>> -> memref<8192x128xf32, #tpu.memory_space<vmem_shared>>
        tpu.enqueue_indirect_dma source(%dma_start3A_76 : memref<128x128xf32, #tpu.memory_space<vmem>>) target(%dma_start3A_82 : memref<8192x128xf32, #tpu.memory_space<vmem_shared>>) offsets(%dma_start3A_79 : memref<128xi32, #tpu.memory_space<vmem>>) semaphore(%run_scoped3A_73 : memref<!tpu.dma_semaphore, #tpu.memory_space<semaphore_mem>>) {add = true}
        %dma_wait3A = arith.constant 0 : i32
        %dma_wait3A_83 = arith.constant 0 : i32
        %dma_wait3A_84 = tpu.memref_slice %arg12[%run_scoped3A, %dma_wait3A, %dma_wait3A_83] : memref<2x128x128xf32, #tpu.memory_space<vmem>> -> memref<1x128x128xf32, #tpu.memory_space<vmem>>
        %dma_wait3A_85 = tpu.memref_squeeze %dma_wait3A_84 : memref<1x128x128xf32, #tpu.memory_space<vmem>> -> memref<128x128xf32, #tpu.memory_space<vmem>>
        %dma_wait3A_86 = arith.constant 0 : i32
        %dma_wait3A_87 = tpu.memref_slice %arg11[%mul3A_32, %dma_wait3A_86] : memref<64x128xi32, #tpu.memory_space<vmem>> -> memref<1x128xi32, #tpu.memory_space<vmem>>
        %dma_wait3A_88 = tpu.memref_squeeze %dma_wait3A_87 : memref<1x128xi32, #tpu.memory_space<vmem>> -> memref<128xi32, #tpu.memory_space<vmem>>
        %dma_wait3A_89 = arith.constant 0 : i32
        %dma_wait3A_90 = arith.constant 0 : i32
        %dma_wait3A_91 = tpu.memref_slice %arg13[%dma_wait3A_89, %dma_wait3A_90] : memref<8192x128xf32, #tpu.memory_space<vmem_shared>> -> memref<8192x128xf32, #tpu.memory_space<vmem_shared>>
        tpu.wait_indirect_dma semaphore(%run_scoped3A_73 : memref<!tpu.dma_semaphore, #tpu.memory_space<semaphore_mem>>) src(%dma_wait3A_85 : memref<128x128xf32, #tpu.memory_space<vmem>>) dst(%dma_wait3A_91 : memref<8192x128xf32, #tpu.memory_space<vmem_shared>>)
        tpu.yield
      }) : () -> ()
      %add3A_54 = arith.constant 2 : i32
      %add3A_55 = arith.addi %mul3A_32, %add3A_54 : i32
      %lt3A = arith.constant 64 : i32
      %lt3A_56 = arith.cmpi slt, %add3A_55, %lt3A : i32
      %convert_element_type3A_57 = arith.extui %lt3A_56 : i1 to i32
      %cond3A_58 = arith.constant 0 : i32
      %cond3A_59 = arith.cmpi ne, %convert_element_type3A_57, %cond3A_58 : i32
      scf.if %cond3A_59 {
        %add3A_73 = arith.constant 2 : i32
        %add3A_74 = arith.addi %mul3A_32, %add3A_73 : i32
        %eq3A_75 = arith.constant 0 : i32
        %eq3A_76 = arith.cmpi eq, %arg0, %eq3A_75 : i32
        %convert_element_type3A_77 = arith.extui %eq3A_76 : i1 to i32
        %cond3A_78 = arith.constant 0 : i32
        %cond3A_79 = arith.cmpi ne, %convert_element_type3A_77, %cond3A_78 : i32
        scf.if %cond3A_79 {
          %dma_start3A = arith.constant 0 : i32
          %dma_start3A_85 = arith.constant 0 : i32
          %dma_start3A_86 = arith.constant 0 : i32
          %dma_start3A_87 = tpu.memref_slice %arg12[%dma_start3A, %dma_start3A_85, %dma_start3A_86] : memref<2x128x128xf32, #tpu.memory_space<vmem>> -> memref<1x128x128xf32, #tpu.memory_space<vmem>>
          %dma_start3A_88 = tpu.memref_squeeze %dma_start3A_87 : memref<1x128x128xf32, #tpu.memory_space<vmem>> -> memref<128x128xf32, #tpu.memory_space<vmem>>
          %dma_start3A_89 = arith.constant 0 : i32
          %dma_start3A_90 = tpu.memref_slice %arg10[%add3A_74, %dma_start3A_89] : memref<64x128xi32, #tpu.memory_space<vmem>> -> memref<1x128xi32, #tpu.memory_space<vmem>>
          %dma_start3A_91 = tpu.memref_squeeze %dma_start3A_90 : memref<1x128xi32, #tpu.memory_space<vmem>> -> memref<128xi32, #tpu.memory_space<vmem>>
          %dma_start3A_92 = arith.constant 0 : i32
          %dma_start3A_93 = arith.constant 0 : i32
          %dma_start3A_94 = tpu.memref_slice %arg2[%dma_start3A_92, %dma_start3A_93] : memref<8192x128xf32, #tpu.memory_space<hbm>> -> memref<8192x128xf32, #tpu.memory_space<hbm>>
          tpu.enqueue_indirect_dma source(%dma_start3A_94 : memref<8192x128xf32, #tpu.memory_space<hbm>>) target(%dma_start3A_88 : memref<128x128xf32, #tpu.memory_space<vmem>>) offsets(%dma_start3A_91 : memref<128xi32, #tpu.memory_space<vmem>>) semaphore(%arg14 : memref<!tpu.dma_semaphore, #tpu.memory_space<semaphore_mem>>)
        } else {
        }
        %eq3A_80 = arith.constant 1 : i32
        %eq3A_81 = arith.cmpi eq, %arg0, %eq3A_80 : i32
        %convert_element_type3A_82 = arith.extui %eq3A_81 : i1 to i32
        %cond3A_83 = arith.constant 0 : i32
        %cond3A_84 = arith.cmpi ne, %convert_element_type3A_82, %cond3A_83 : i32
        scf.if %cond3A_84 {
          %dma_start3A = arith.constant 0 : i32
          %dma_start3A_85 = arith.constant 0 : i32
          %dma_start3A_86 = arith.constant 0 : i32
          %dma_start3A_87 = tpu.memref_slice %arg12[%dma_start3A, %dma_start3A_85, %dma_start3A_86] : memref<2x128x128xf32, #tpu.memory_space<vmem>> -> memref<1x128x128xf32, #tpu.memory_space<vmem>>
          %dma_start3A_88 = tpu.memref_squeeze %dma_start3A_87 : memref<1x128x128xf32, #tpu.memory_space<vmem>> -> memref<128x128xf32, #tpu.memory_space<vmem>>
          %dma_start3A_89 = arith.constant 0 : i32
          %dma_start3A_90 = tpu.memref_slice %arg10[%add3A_74, %dma_start3A_89] : memref<64x128xi32, #tpu.memory_space<vmem>> -> memref<1x128xi32, #tpu.memory_space<vmem>>
          %dma_start3A_91 = tpu.memref_squeeze %dma_start3A_90 : memref<1x128xi32, #tpu.memory_space<vmem>> -> memref<128xi32, #tpu.memory_space<vmem>>
          %dma_start3A_92 = arith.constant 0 : i32
          %dma_start3A_93 = arith.constant 0 : i32
          %dma_start3A_94 = tpu.memref_slice %arg3[%dma_start3A_92, %dma_start3A_93] : memref<8192x128xf32, #tpu.memory_space<hbm>> -> memref<8192x128xf32, #tpu.memory_space<hbm>>
          tpu.enqueue_indirect_dma source(%dma_start3A_94 : memref<8192x128xf32, #tpu.memory_space<hbm>>) target(%dma_start3A_88 : memref<128x128xf32, #tpu.memory_space<vmem>>) offsets(%dma_start3A_91 : memref<128xi32, #tpu.memory_space<vmem>>) semaphore(%arg14 : memref<!tpu.dma_semaphore, #tpu.memory_space<semaphore_mem>>)
        } else {
        }
      } else {
      }
      %add3A_60 = arith.constant 1 : i32
      %add3A_61 = arith.addi %mul3A_32, %add3A_60 : i32
      %eq3A_62 = arith.constant 0 : i32
      %eq3A_63 = arith.cmpi eq, %arg0, %eq3A_62 : i32
      %convert_element_type3A_64 = arith.extui %eq3A_63 : i1 to i32
      %cond3A_65 = arith.constant 0 : i32
      %cond3A_66 = arith.cmpi ne, %convert_element_type3A_64, %cond3A_65 : i32
      scf.if %cond3A_66 {
        %dma_wait3A = arith.constant 1 : i32
        %dma_wait3A_73 = arith.constant 0 : i32
        %dma_wait3A_74 = arith.constant 0 : i32
        %dma_wait3A_75 = tpu.memref_slice %arg12[%dma_wait3A, %dma_wait3A_73, %dma_wait3A_74] : memref<2x128x128xf32, #tpu.memory_space<vmem>> -> memref<1x128x128xf32, #tpu.memory_space<vmem>>
        %dma_wait3A_76 = tpu.memref_squeeze %dma_wait3A_75 : memref<1x128x128xf32, #tpu.memory_space<vmem>> -> memref<128x128xf32, #tpu.memory_space<vmem>>
        %dma_wait3A_77 = arith.constant 0 : i32
        %dma_wait3A_78 = tpu.memref_slice %arg10[%add3A_61, %dma_wait3A_77] : memref<64x128xi32, #tpu.memory_space<vmem>> -> memref<1x128xi32, #tpu.memory_space<vmem>>
        %dma_wait3A_79 = tpu.memref_squeeze %dma_wait3A_78 : memref<1x128xi32, #tpu.memory_space<vmem>> -> memref<128xi32, #tpu.memory_space<vmem>>
        %dma_wait3A_80 = arith.constant 0 : i32
        %dma_wait3A_81 = arith.constant 0 : i32
        %dma_wait3A_82 = tpu.memref_slice %arg2[%dma_wait3A_80, %dma_wait3A_81] : memref<8192x128xf32, #tpu.memory_space<hbm>> -> memref<8192x128xf32, #tpu.memory_space<hbm>>
        tpu.wait_indirect_dma semaphore(%arg15 : memref<!tpu.dma_semaphore, #tpu.memory_space<semaphore_mem>>) src(%dma_wait3A_82 : memref<8192x128xf32, #tpu.memory_space<hbm>>) dst(%dma_wait3A_76 : memref<128x128xf32, #tpu.memory_space<vmem>>)
      } else {
      }
      %eq3A_67 = arith.constant 1 : i32
      %eq3A_68 = arith.cmpi eq, %arg0, %eq3A_67 : i32
      %convert_element_type3A_69 = arith.extui %eq3A_68 : i1 to i32
      %cond3A_70 = arith.constant 0 : i32
      %cond3A_71 = arith.cmpi ne, %convert_element_type3A_69, %cond3A_70 : i32
      scf.if %cond3A_71 {
        %dma_wait3A = arith.constant 1 : i32
        %dma_wait3A_73 = arith.constant 0 : i32
        %dma_wait3A_74 = arith.constant 0 : i32
        %dma_wait3A_75 = tpu.memref_slice %arg12[%dma_wait3A, %dma_wait3A_73, %dma_wait3A_74] : memref<2x128x128xf32, #tpu.memory_space<vmem>> -> memref<1x128x128xf32, #tpu.memory_space<vmem>>
        %dma_wait3A_76 = tpu.memref_squeeze %dma_wait3A_75 : memref<1x128x128xf32, #tpu.memory_space<vmem>> -> memref<128x128xf32, #tpu.memory_space<vmem>>
        %dma_wait3A_77 = arith.constant 0 : i32
        %dma_wait3A_78 = tpu.memref_slice %arg10[%add3A_61, %dma_wait3A_77] : memref<64x128xi32, #tpu.memory_space<vmem>> -> memref<1x128xi32, #tpu.memory_space<vmem>>
        %dma_wait3A_79 = tpu.memref_squeeze %dma_wait3A_78 : memref<1x128xi32, #tpu.memory_space<vmem>> -> memref<128xi32, #tpu.memory_space<vmem>>
        %dma_wait3A_80 = arith.constant 0 : i32
        %dma_wait3A_81 = arith.constant 0 : i32
        %dma_wait3A_82 = tpu.memref_slice %arg3[%dma_wait3A_80, %dma_wait3A_81] : memref<8192x128xf32, #tpu.memory_space<hbm>> -> memref<8192x128xf32, #tpu.memory_space<hbm>>
        tpu.wait_indirect_dma semaphore(%arg15 : memref<!tpu.dma_semaphore, #tpu.memory_space<semaphore_mem>>) src(%dma_wait3A_82 : memref<8192x128xf32, #tpu.memory_space<hbm>>) dst(%dma_wait3A_76 : memref<128x128xf32, #tpu.memory_space<vmem>>)
      } else {
      }
      %run_scoped3A_72 = arith.constant 1 : i32
      "tpu.region"() ({
        %run_scoped3A_73 = tpu.sem_alloc : memref<!tpu.dma_semaphore, #tpu.memory_space<semaphore_mem>>
        %dma_start3A = arith.constant 0 : i32
        %dma_start3A_74 = arith.constant 0 : i32
        %dma_start3A_75 = tpu.memref_slice %arg12[%run_scoped3A_72, %dma_start3A, %dma_start3A_74] : memref<2x128x128xf32, #tpu.memory_space<vmem>> -> memref<1x128x128xf32, #tpu.memory_space<vmem>>
        %dma_start3A_76 = tpu.memref_squeeze %dma_start3A_75 : memref<1x128x128xf32, #tpu.memory_space<vmem>> -> memref<128x128xf32, #tpu.memory_space<vmem>>
        %dma_start3A_77 = arith.constant 0 : i32
        %dma_start3A_78 = tpu.memref_slice %arg11[%add3A_61, %dma_start3A_77] : memref<64x128xi32, #tpu.memory_space<vmem>> -> memref<1x128xi32, #tpu.memory_space<vmem>>
        %dma_start3A_79 = tpu.memref_squeeze %dma_start3A_78 : memref<1x128xi32, #tpu.memory_space<vmem>> -> memref<128xi32, #tpu.memory_space<vmem>>
        %dma_start3A_80 = arith.constant 0 : i32
        %dma_start3A_81 = arith.constant 0 : i32
        %dma_start3A_82 = tpu.memref_slice %arg13[%dma_start3A_80, %dma_start3A_81] : memref<8192x128xf32, #tpu.memory_space<vmem_shared>> -> memref<8192x128xf32, #tpu.memory_space<vmem_shared>>
        tpu.enqueue_indirect_dma source(%dma_start3A_76 : memref<128x128xf32, #tpu.memory_space<vmem>>) target(%dma_start3A_82 : memref<8192x128xf32, #tpu.memory_space<vmem_shared>>) offsets(%dma_start3A_79 : memref<128xi32, #tpu.memory_space<vmem>>) semaphore(%run_scoped3A_73 : memref<!tpu.dma_semaphore, #tpu.memory_space<semaphore_mem>>) {add = true}
        %dma_wait3A = arith.constant 0 : i32
        %dma_wait3A_83 = arith.constant 0 : i32
        %dma_wait3A_84 = tpu.memref_slice %arg12[%run_scoped3A_72, %dma_wait3A, %dma_wait3A_83] : memref<2x128x128xf32, #tpu.memory_space<vmem>> -> memref<1x128x128xf32, #tpu.memory_space<vmem>>
        %dma_wait3A_85 = tpu.memref_squeeze %dma_wait3A_84 : memref<1x128x128xf32, #tpu.memory_space<vmem>> -> memref<128x128xf32, #tpu.memory_space<vmem>>
        %dma_wait3A_86 = arith.constant 0 : i32
        %dma_wait3A_87 = tpu.memref_slice %arg11[%add3A_61, %dma_wait3A_86] : memref<64x128xi32, #tpu.memory_space<vmem>> -> memref<1x128xi32, #tpu.memory_space<vmem>>
        %dma_wait3A_88 = tpu.memref_squeeze %dma_wait3A_87 : memref<1x128xi32, #tpu.memory_space<vmem>> -> memref<128xi32, #tpu.memory_space<vmem>>
        %dma_wait3A_89 = arith.constant 0 : i32
        %dma_wait3A_90 = arith.constant 0 : i32
        %dma_wait3A_91 = tpu.memref_slice %arg13[%dma_wait3A_89, %dma_wait3A_90] : memref<8192x128xf32, #tpu.memory_space<vmem_shared>> -> memref<8192x128xf32, #tpu.memory_space<vmem_shared>>
        tpu.wait_indirect_dma semaphore(%run_scoped3A_73 : memref<!tpu.dma_semaphore, #tpu.memory_space<semaphore_mem>>) src(%dma_wait3A_85 : memref<128x128xf32, #tpu.memory_space<vmem>>) dst(%dma_wait3A_91 : memref<8192x128xf32, #tpu.memory_space<vmem_shared>>)
        tpu.yield
      }) : () -> ()
    }
    %scan3A_24 = arith.constant 32 : i32
    %barrier3A_25 = arith.constant 0 : index
    tpu.barrier barrier_id(%barrier3A_25)
    %mul3A_26 = arith.constant 512 : i32
    %mul3A_27 = arith.muli %arg1, %mul3A_26 : i32
    %mul3A_28 = arith.constant 512 : i32
    %mul3A_29 = arith.muli %arg1, %mul3A_28 : i32
    "tpu.region"() ({
      %run_scoped3A = tpu.sem_alloc : memref<!tpu.dma_semaphore, #tpu.memory_space<semaphore_mem>>
      %dma_start3A = arith.constant 0 : i32
      %dma_start3A_30 = tpu.memref_slice %arg9[%arg0, %mul3A_29, %dma_start3A] : memref<2x8192x128xf32, #tpu.memory_space<hbm>> -> memref<1x512x128xf32, #tpu.memory_space<hbm>>
      %dma_start3A_31 = tpu.memref_squeeze %dma_start3A_30 : memref<1x512x128xf32, #tpu.memory_space<hbm>> -> memref<512x128xf32, #tpu.memory_space<hbm>>
      %dma_start3A_32 = arith.constant 0 : i32
      %dma_start3A_33 = tpu.memref_slice %arg13[%mul3A_27, %dma_start3A_32] : memref<8192x128xf32, #tpu.memory_space<vmem_shared>> -> memref<512x128xf32, #tpu.memory_space<vmem_shared>>
      tpu.enqueue_dma source(%dma_start3A_33 : memref<512x128xf32, #tpu.memory_space<vmem_shared>>) target(%dma_start3A_31 : memref<512x128xf32, #tpu.memory_space<hbm>>) target_semaphore(%run_scoped3A : memref<!tpu.dma_semaphore, #tpu.memory_space<semaphore_mem>>)
      %dma_wait3A = arith.constant 0 : i32
      %dma_wait3A_34 = tpu.memref_slice %arg9[%arg0, %mul3A_29, %dma_wait3A] : memref<2x8192x128xf32, #tpu.memory_space<hbm>> -> memref<1x512x128xf32, #tpu.memory_space<hbm>>
      %dma_wait3A_35 = tpu.memref_squeeze %dma_wait3A_34 : memref<1x512x128xf32, #tpu.memory_space<hbm>> -> memref<512x128xf32, #tpu.memory_space<hbm>>
      %dma_wait3A_36 = arith.constant 0 : i32
      %dma_wait3A_37 = tpu.memref_slice %arg13[%mul3A_27, %dma_wait3A_36] : memref<8192x128xf32, #tpu.memory_space<vmem_shared>> -> memref<512x128xf32, #tpu.memory_space<vmem_shared>>
      tpu.wait_dma2 semaphore(%run_scoped3A : memref<!tpu.dma_semaphore, #tpu.memory_space<semaphore_mem>>) src(%dma_wait3A_37 : memref<512x128xf32, #tpu.memory_space<vmem_shared>>) dst(%dma_wait3A_35 : memref<512x128xf32, #tpu.memory_space<hbm>>)
      tpu.yield
    }) : () -> ()
    return
  }
}

#map = affine_map<(d0, d1) -> (0)>
#map1 = affine_map<(d0, d1) -> (0, 0)>
module attributes {stable_mosaic.version = 14 : i64} {
  func.func @k(%arg0: i32, %arg1: i32, %arg2: memref<131072xi32, #tpu.memory_space<hbm>>, %arg3: memref<131072xi32, #tpu.memory_space<hbm>>, %arg4: memref<8192xf32, #tpu.memory_space<hbm>>, %arg5: memref<2x8192xf32, #tpu.memory_space<hbm>>, %arg6: memref<128xi32, #tpu.memory_space<vmem>>, %arg7: memref<128xf32, #tpu.memory_space<vmem>>, %arg8: memref<8192xf32, #tpu.memory_space<vmem_shared>>) attributes {dimension_semantics = [#tpu.dimension_semantics<core_parallel>, #tpu.dimension_semantics<subcore_parallel>], iteration_bounds = array<i64: 2, 16>, scalar_prefetch = 0 : i64, scratch_operands = 3 : i64, tpu.core_type = #tpu.core_type<sc_vector_subcore>, window_params = [{transform_indices = #map}, {transform_indices = #map}, {transform_indices = #map}, {transform_indices = #map1}]} {
    %broadcast_in_dim3A = arith.constant 1.000000e+00 : f32
    %broadcast_in_dim3A_0 = vector.broadcast %broadcast_in_dim3A : f32 to vector<16xf32>
    %swap3A = arith.constant 0 : index
    %swap3A_1 = tpu.vector_load %arg7[%swap3A] {strides = array<i32>} : memref<128xf32, #tpu.memory_space<vmem>>, vector<16xf32>,
    %swap3A_2 = vector.shape_cast %swap3A_1 : vector<16xf32> to vector<16xf32>
    %swap3A_3 = vector.shape_cast %broadcast_in_dim3A_0 : vector<16xf32> to vector<16xf32>
    tpu.vector_store %arg7[%swap3A], %swap3A_3 {strides = array<i32>} : memref<128xf32, #tpu.memory_space<vmem>>, vector<16xf32>,
    %broadcast_in_dim3A_4 = arith.constant 1.000000e+00 : f32
    %broadcast_in_dim3A_5 = vector.broadcast %broadcast_in_dim3A_4 : f32 to vector<16xf32>
    %swap3A_6 = arith.constant 16 : index
    %swap3A_7 = tpu.vector_load %arg7[%swap3A_6] {strides = array<i32>} : memref<128xf32, #tpu.memory_space<vmem>>, vector<16xf32>,
    %swap3A_8 = vector.shape_cast %swap3A_7 : vector<16xf32> to vector<16xf32>
    %swap3A_9 = vector.shape_cast %broadcast_in_dim3A_5 : vector<16xf32> to vector<16xf32>
    tpu.vector_store %arg7[%swap3A_6], %swap3A_9 {strides = array<i32>} : memref<128xf32, #tpu.memory_space<vmem>>, vector<16xf32>,
    %broadcast_in_dim3A_10 = arith.constant 1.000000e+00 : f32
    %broadcast_in_dim3A_11 = vector.broadcast %broadcast_in_dim3A_10 : f32 to vector<16xf32>
    %swap3A_12 = arith.constant 32 : index
    %swap3A_13 = tpu.vector_load %arg7[%swap3A_12] {strides = array<i32>} : memref<128xf32, #tpu.memory_space<vmem>>, vector<16xf32>,
    %swap3A_14 = vector.shape_cast %swap3A_13 : vector<16xf32> to vector<16xf32>
    %swap3A_15 = vector.shape_cast %broadcast_in_dim3A_11 : vector<16xf32> to vector<16xf32>
    tpu.vector_store %arg7[%swap3A_12], %swap3A_15 {strides = array<i32>} : memref<128xf32, #tpu.memory_space<vmem>>, vector<16xf32>,
    %broadcast_in_dim3A_16 = arith.constant 1.000000e+00 : f32
    %broadcast_in_dim3A_17 = vector.broadcast %broadcast_in_dim3A_16 : f32 to vector<16xf32>
    %swap3A_18 = arith.constant 48 : index
    %swap3A_19 = tpu.vector_load %arg7[%swap3A_18] {strides = array<i32>} : memref<128xf32, #tpu.memory_space<vmem>>, vector<16xf32>,
    %swap3A_20 = vector.shape_cast %swap3A_19 : vector<16xf32> to vector<16xf32>
    %swap3A_21 = vector.shape_cast %broadcast_in_dim3A_17 : vector<16xf32> to vector<16xf32>
    tpu.vector_store %arg7[%swap3A_18], %swap3A_21 {strides = array<i32>} : memref<128xf32, #tpu.memory_space<vmem>>, vector<16xf32>,
    %broadcast_in_dim3A_22 = arith.constant 1.000000e+00 : f32
    %broadcast_in_dim3A_23 = vector.broadcast %broadcast_in_dim3A_22 : f32 to vector<16xf32>
    %swap3A_24 = arith.constant 64 : index
    %swap3A_25 = tpu.vector_load %arg7[%swap3A_24] {strides = array<i32>} : memref<128xf32, #tpu.memory_space<vmem>>, vector<16xf32>,
    %swap3A_26 = vector.shape_cast %swap3A_25 : vector<16xf32> to vector<16xf32>
    %swap3A_27 = vector.shape_cast %broadcast_in_dim3A_23 : vector<16xf32> to vector<16xf32>
    tpu.vector_store %arg7[%swap3A_24], %swap3A_27 {strides = array<i32>} : memref<128xf32, #tpu.memory_space<vmem>>, vector<16xf32>,
    %broadcast_in_dim3A_28 = arith.constant 1.000000e+00 : f32
    %broadcast_in_dim3A_29 = vector.broadcast %broadcast_in_dim3A_28 : f32 to vector<16xf32>
    %swap3A_30 = arith.constant 80 : index
    %swap3A_31 = tpu.vector_load %arg7[%swap3A_30] {strides = array<i32>} : memref<128xf32, #tpu.memory_space<vmem>>, vector<16xf32>,
    %swap3A_32 = vector.shape_cast %swap3A_31 : vector<16xf32> to vector<16xf32>
    %swap3A_33 = vector.shape_cast %broadcast_in_dim3A_29 : vector<16xf32> to vector<16xf32>
    tpu.vector_store %arg7[%swap3A_30], %swap3A_33 {strides = array<i32>} : memref<128xf32, #tpu.memory_space<vmem>>, vector<16xf32>,
    %broadcast_in_dim3A_34 = arith.constant 1.000000e+00 : f32
    %broadcast_in_dim3A_35 = vector.broadcast %broadcast_in_dim3A_34 : f32 to vector<16xf32>
    %swap3A_36 = arith.constant 96 : index
    %swap3A_37 = tpu.vector_load %arg7[%swap3A_36] {strides = array<i32>} : memref<128xf32, #tpu.memory_space<vmem>>, vector<16xf32>,
    %swap3A_38 = vector.shape_cast %swap3A_37 : vector<16xf32> to vector<16xf32>
    %swap3A_39 = vector.shape_cast %broadcast_in_dim3A_35 : vector<16xf32> to vector<16xf32>
    tpu.vector_store %arg7[%swap3A_36], %swap3A_39 {strides = array<i32>} : memref<128xf32, #tpu.memory_space<vmem>>, vector<16xf32>,
    %broadcast_in_dim3A_40 = arith.constant 1.000000e+00 : f32
    %broadcast_in_dim3A_41 = vector.broadcast %broadcast_in_dim3A_40 : f32 to vector<16xf32>
    %swap3A_42 = arith.constant 112 : index
    %swap3A_43 = tpu.vector_load %arg7[%swap3A_42] {strides = array<i32>} : memref<128xf32, #tpu.memory_space<vmem>>, vector<16xf32>,
    %swap3A_44 = vector.shape_cast %swap3A_43 : vector<16xf32> to vector<16xf32>
    %swap3A_45 = vector.shape_cast %broadcast_in_dim3A_41 : vector<16xf32> to vector<16xf32>
    tpu.vector_store %arg7[%swap3A_42], %swap3A_45 {strides = array<i32>} : memref<128xf32, #tpu.memory_space<vmem>>, vector<16xf32>,
    %mul3A = arith.constant 512 : i32
    %mul3A_46 = arith.muli %arg1, %mul3A : i32
    %mul3A_47 = arith.constant 512 : i32
    %mul3A_48 = arith.muli %arg1, %mul3A_47 : i32
    "tpu.region"() ({
      %run_scoped3A = tpu.sem_alloc : memref<!tpu.dma_semaphore, #tpu.memory_space<semaphore_mem>>
      %dma_start3A = tpu.memref_slice %arg8[%mul3A_48] : memref<8192xf32, #tpu.memory_space<vmem_shared>> -> memref<512xf32, #tpu.memory_space<vmem_shared>>
      %dma_start3A_59 = tpu.memref_slice %arg4[%mul3A_46] : memref<8192xf32, #tpu.memory_space<hbm>> -> memref<512xf32, #tpu.memory_space<hbm>>
      tpu.enqueue_dma source(%dma_start3A_59 : memref<512xf32, #tpu.memory_space<hbm>>) target(%dma_start3A : memref<512xf32, #tpu.memory_space<vmem_shared>>) target_semaphore(%run_scoped3A : memref<!tpu.dma_semaphore, #tpu.memory_space<semaphore_mem>>)
      %dma_wait3A = tpu.memref_slice %arg8[%mul3A_48] : memref<8192xf32, #tpu.memory_space<vmem_shared>> -> memref<512xf32, #tpu.memory_space<vmem_shared>>
      %dma_wait3A_60 = tpu.memref_slice %arg4[%mul3A_46] : memref<8192xf32, #tpu.memory_space<hbm>> -> memref<512xf32, #tpu.memory_space<hbm>>
      tpu.wait_dma2 semaphore(%run_scoped3A : memref<!tpu.dma_semaphore, #tpu.memory_space<semaphore_mem>>) src(%dma_wait3A_60 : memref<512xf32, #tpu.memory_space<hbm>>) dst(%dma_wait3A : memref<512xf32, #tpu.memory_space<vmem_shared>>)
      tpu.yield
    }) : () -> ()
    %barrier3A = arith.constant 0 : index
    tpu.barrier barrier_id(%barrier3A)
    %scan3A = arith.constant 0 : i32
    %scan3A_49 = arith.constant 0 : i32
    %scan3A_50 = arith.constant 64 : i32
    %scan3A_51 = arith.addi %scan3A_49, %scan3A_50 : i32
    %scan3A_52 = arith.constant 1 : i32
    scf.for %scan3A_59 = %scan3A_49 to %scan3A_51 step %scan3A_52  : i32 {
      %mul3A_60 = arith.constant 8192 : i32
      %mul3A_61 = arith.muli %arg1, %mul3A_60 : i32
      %mul3A_62 = arith.constant 128 : i32
      %mul3A_63 = arith.muli %scan3A_59, %mul3A_62 : i32
      %add3A = arith.addi %mul3A_61, %mul3A_63 : i32
      %eq3A = arith.constant 0 : i32
      %eq3A_64 = arith.cmpi eq, %arg0, %eq3A : i32
      %convert_element_type3A = arith.extui %eq3A_64 : i1 to i32
      %cond3A = arith.constant 0 : i32
      %cond3A_65 = arith.cmpi ne, %convert_element_type3A, %cond3A : i32
      scf.if %cond3A_65 {
        "tpu.region"() ({
          %run_scoped3A = tpu.sem_alloc : memref<!tpu.dma_semaphore, #tpu.memory_space<semaphore_mem>>
          %dma_start3A = tpu.memref_slice %arg2[%add3A] : memref<131072xi32, #tpu.memory_space<hbm>> -> memref<128xi32, #tpu.memory_space<hbm>>
          %dma_start3A_71 = tpu.memref_slice %arg2[%add3A] : memref<131072xi32, #tpu.memory_space<hbm>> -> memref<128xi32, #tpu.memory_space<hbm>>
          tpu.enqueue_dma source(%dma_start3A_71 : memref<128xi32, #tpu.memory_space<hbm>>) target(%arg6 : memref<128xi32, #tpu.memory_space<vmem>>) target_semaphore(%run_scoped3A : memref<!tpu.dma_semaphore, #tpu.memory_space<semaphore_mem>>)
          %dma_wait3A = tpu.memref_slice %arg2[%add3A] : memref<131072xi32, #tpu.memory_space<hbm>> -> memref<128xi32, #tpu.memory_space<hbm>>
          %dma_wait3A_72 = tpu.memref_slice %arg2[%add3A] : memref<131072xi32, #tpu.memory_space<hbm>> -> memref<128xi32, #tpu.memory_space<hbm>>
          tpu.wait_dma2 semaphore(%run_scoped3A : memref<!tpu.dma_semaphore, #tpu.memory_space<semaphore_mem>>) src(%dma_wait3A_72 : memref<128xi32, #tpu.memory_space<hbm>>) dst(%arg6 : memref<128xi32, #tpu.memory_space<vmem>>)
          tpu.yield
        }) : () -> ()
      } else {
      }
      %eq3A_66 = arith.constant 1 : i32
      %eq3A_67 = arith.cmpi eq, %arg0, %eq3A_66 : i32
      %convert_element_type3A_68 = arith.extui %eq3A_67 : i1 to i32
      %cond3A_69 = arith.constant 0 : i32
      %cond3A_70 = arith.cmpi ne, %convert_element_type3A_68, %cond3A_69 : i32
      scf.if %cond3A_70 {
        "tpu.region"() ({
          %run_scoped3A = tpu.sem_alloc : memref<!tpu.dma_semaphore, #tpu.memory_space<semaphore_mem>>
          %dma_start3A = tpu.memref_slice %arg3[%add3A] : memref<131072xi32, #tpu.memory_space<hbm>> -> memref<128xi32, #tpu.memory_space<hbm>>
          %dma_start3A_71 = tpu.memref_slice %arg3[%add3A] : memref<131072xi32, #tpu.memory_space<hbm>> -> memref<128xi32, #tpu.memory_space<hbm>>
          tpu.enqueue_dma source(%dma_start3A_71 : memref<128xi32, #tpu.memory_space<hbm>>) target(%arg6 : memref<128xi32, #tpu.memory_space<vmem>>) target_semaphore(%run_scoped3A : memref<!tpu.dma_semaphore, #tpu.memory_space<semaphore_mem>>)
          %dma_wait3A = tpu.memref_slice %arg3[%add3A] : memref<131072xi32, #tpu.memory_space<hbm>> -> memref<128xi32, #tpu.memory_space<hbm>>
          %dma_wait3A_72 = tpu.memref_slice %arg3[%add3A] : memref<131072xi32, #tpu.memory_space<hbm>> -> memref<128xi32, #tpu.memory_space<hbm>>
          tpu.wait_dma2 semaphore(%run_scoped3A : memref<!tpu.dma_semaphore, #tpu.memory_space<semaphore_mem>>) src(%dma_wait3A_72 : memref<128xi32, #tpu.memory_space<hbm>>) dst(%arg6 : memref<128xi32, #tpu.memory_space<vmem>>)
          tpu.yield
        }) : () -> ()
      } else {
      }
      "tpu.region"() ({
        %run_scoped3A = tpu.sem_alloc : memref<!tpu.dma_semaphore, #tpu.memory_space<semaphore_mem>>
        %dma_start3A = arith.constant 0 : i32
        %dma_start3A_71 = tpu.memref_slice %arg8[%dma_start3A] : memref<8192xf32, #tpu.memory_space<vmem_shared>> -> memref<8192xf32, #tpu.memory_space<vmem_shared>>
        tpu.enqueue_indirect_dma source(%arg7 : memref<128xf32, #tpu.memory_space<vmem>>) target(%dma_start3A_71 : memref<8192xf32, #tpu.memory_space<vmem_shared>>) offsets(%arg6 : memref<128xi32, #tpu.memory_space<vmem>>) semaphore(%run_scoped3A : memref<!tpu.dma_semaphore, #tpu.memory_space<semaphore_mem>>) {add = true}
        %dma_wait3A = arith.constant 0 : i32
        %dma_wait3A_72 = tpu.memref_slice %arg8[%dma_wait3A] : memref<8192xf32, #tpu.memory_space<vmem_shared>> -> memref<8192xf32, #tpu.memory_space<vmem_shared>>
        tpu.wait_indirect_dma semaphore(%run_scoped3A : memref<!tpu.dma_semaphore, #tpu.memory_space<semaphore_mem>>) src(%arg7 : memref<128xf32, #tpu.memory_space<vmem>>) dst(%dma_wait3A_72 : memref<8192xf32, #tpu.memory_space<vmem_shared>>)
        tpu.yield
      }) : () -> ()
    }
    %scan3A_53 = arith.constant 64 : i32
    %barrier3A_54 = arith.constant 0 : index
    tpu.barrier barrier_id(%barrier3A_54)
    %mul3A_55 = arith.constant 512 : i32
    %mul3A_56 = arith.muli %arg1, %mul3A_55 : i32
    %mul3A_57 = arith.constant 512 : i32
    %mul3A_58 = arith.muli %arg1, %mul3A_57 : i32
    "tpu.region"() ({
      %run_scoped3A = tpu.sem_alloc : memref<!tpu.dma_semaphore, #tpu.memory_space<semaphore_mem>>
      %dma_start3A = tpu.memref_slice %arg5[%arg0, %mul3A_58] : memref<2x8192xf32, #tpu.memory_space<hbm>> -> memref<1x512xf32, #tpu.memory_space<hbm>>
      %dma_start3A_59 = tpu.memref_squeeze %dma_start3A : memref<1x512xf32, #tpu.memory_space<hbm>> -> memref<512xf32, #tpu.memory_space<hbm>>
      %dma_start3A_60 = tpu.memref_slice %arg8[%mul3A_56] : memref<8192xf32, #tpu.memory_space<vmem_shared>> -> memref<512xf32, #tpu.memory_space<vmem_shared>>
      tpu.enqueue_dma source(%dma_start3A_60 : memref<512xf32, #tpu.memory_space<vmem_shared>>) target(%dma_start3A_59 : memref<512xf32, #tpu.memory_space<hbm>>) target_semaphore(%run_scoped3A : memref<!tpu.dma_semaphore, #tpu.memory_space<semaphore_mem>>)
      %dma_wait3A = tpu.memref_slice %arg5[%arg0, %mul3A_58] : memref<2x8192xf32, #tpu.memory_space<hbm>> -> memref<1x512xf32, #tpu.memory_space<hbm>>
      %dma_wait3A_61 = tpu.memref_squeeze %dma_wait3A : memref<1x512xf32, #tpu.memory_space<hbm>> -> memref<512xf32, #tpu.memory_space<hbm>>
      %dma_wait3A_62 = tpu.memref_slice %arg8[%mul3A_56] : memref<8192xf32, #tpu.memory_space<vmem_shared>> -> memref<512xf32, #tpu.memory_space<vmem_shared>>
      tpu.wait_dma2 semaphore(%run_scoped3A : memref<!tpu.dma_semaphore, #tpu.memory_space<semaphore_mem>>) src(%dma_wait3A_62 : memref<512xf32, #tpu.memory_space<vmem_shared>>) dst(%dma_wait3A_61 : memref<512xf32, #tpu.memory_space<hbm>>)
      tpu.yield
    }) : () -> ()
    return
  }
}

#map = affine_map<(d0, d1) -> (0, 0)>
#map1 = affine_map<(d0, d1) -> (0, 0, 0)>
module attributes {stable_mosaic.version = 14 : i64} {
  func.func @k(%arg0: i32, %arg1: i32, %arg2: memref<8192x64xf32, #tpu.memory_space<hbm>>, %arg3: memref<8192x64xf32, #tpu.memory_space<hbm>>, %arg4: memref<1024x128xi32, #tpu.memory_space<hbm>>, %arg5: memref<1024x128xi32, #tpu.memory_space<hbm>>, %arg6: memref<1024x128xi32, #tpu.memory_space<hbm>>, %arg7: memref<1024x128xi32, #tpu.memory_space<hbm>>, %arg8: memref<8192x64xf32, #tpu.memory_space<hbm>>, %arg9: memref<2x8192x64xf32, #tpu.memory_space<hbm>>, %arg10: memref<64x128xi32, #tpu.memory_space<vmem>>, %arg11: memref<64x128xi32, #tpu.memory_space<vmem>>, %arg12: memref<2x128x64xf32, #tpu.memory_space<vmem>>, %arg13: memref<8192x64xf32, #tpu.memory_space<vmem_shared>>, %arg14: memref<!tpu.dma_semaphore, #tpu.memory_space<semaphore_mem>>, %arg15: memref<!tpu.dma_semaphore, #tpu.memory_space<semaphore_mem>>) attributes {dimension_semantics = [#tpu.dimension_semantics<core_parallel>, #tpu.dimension_semantics<subcore_parallel>], iteration_bounds = array<i64: 2, 16>, scalar_prefetch = 0 : i64, scratch_operands = 6 : i64, tpu.core_type = #tpu.core_type<sc_vector_subcore>, window_params = [{transform_indices = #map}, {transform_indices = #map}, {transform_indices = #map}, {transform_indices = #map}, {transform_indices = #map}, {transform_indices = #map}, {transform_indices = #map}, {transform_indices = #map1}]} {
    %mul3A = arith.constant 512 : i32
    %mul3A_0 = arith.muli %arg1, %mul3A : i32
    %mul3A_1 = arith.constant 512 : i32
    %mul3A_2 = arith.muli %arg1, %mul3A_1 : i32
    "tpu.region"() ({
      %run_scoped3A = tpu.sem_alloc : memref<!tpu.dma_semaphore, #tpu.memory_space<semaphore_mem>>
      %dma_start3A = arith.constant 0 : i32
      %dma_start3A_30 = tpu.memref_slice %arg13[%mul3A_2, %dma_start3A] : memref<8192x64xf32, #tpu.memory_space<vmem_shared>> -> memref<512x64xf32, #tpu.memory_space<vmem_shared>>
      %dma_start3A_31 = arith.constant 0 : i32
      %dma_start3A_32 = tpu.memref_slice %arg8[%mul3A_0, %dma_start3A_31] : memref<8192x64xf32, #tpu.memory_space<hbm>> -> memref<512x64xf32, #tpu.memory_space<hbm>>
      tpu.enqueue_dma source(%dma_start3A_32 : memref<512x64xf32, #tpu.memory_space<hbm>>) target(%dma_start3A_30 : memref<512x64xf32, #tpu.memory_space<vmem_shared>>) target_semaphore(%run_scoped3A : memref<!tpu.dma_semaphore, #tpu.memory_space<semaphore_mem>>)
      %dma_wait3A = arith.constant 0 : i32
      %dma_wait3A_33 = tpu.memref_slice %arg13[%mul3A_2, %dma_wait3A] : memref<8192x64xf32, #tpu.memory_space<vmem_shared>> -> memref<512x64xf32, #tpu.memory_space<vmem_shared>>
      %dma_wait3A_34 = arith.constant 0 : i32
      %dma_wait3A_35 = tpu.memref_slice %arg8[%mul3A_0, %dma_wait3A_34] : memref<8192x64xf32, #tpu.memory_space<hbm>> -> memref<512x64xf32, #tpu.memory_space<hbm>>
      tpu.wait_dma2 semaphore(%run_scoped3A : memref<!tpu.dma_semaphore, #tpu.memory_space<semaphore_mem>>) src(%dma_wait3A_35 : memref<512x64xf32, #tpu.memory_space<hbm>>) dst(%dma_wait3A_33 : memref<512x64xf32, #tpu.memory_space<vmem_shared>>)
      tpu.yield
    }) : () -> ()
    %eq3A = arith.constant 0 : i32
    %eq3A_3 = arith.cmpi eq, %arg0, %eq3A : i32
    %convert_element_type3A = arith.extui %eq3A_3 : i1 to i32
    %cond3A = arith.constant 0 : i32
    %cond3A_4 = arith.cmpi ne, %convert_element_type3A, %cond3A : i32
    scf.if %cond3A_4 {
      %mul3A_30 = arith.constant 64 : i32
      %mul3A_31 = arith.muli %arg1, %mul3A_30 : i32
      "tpu.region"() ({
        %run_scoped3A = tpu.sem_alloc : memref<!tpu.dma_semaphore, #tpu.memory_space<semaphore_mem>>
        %dma_start3A = arith.constant 0 : i32
        %dma_start3A_34 = tpu.memref_slice %arg4[%mul3A_31, %dma_start3A] : memref<1024x128xi32, #tpu.memory_space<hbm>> -> memref<64x128xi32, #tpu.memory_space<hbm>>
        %dma_start3A_35 = arith.constant 0 : i32
        %dma_start3A_36 = tpu.memref_slice %arg4[%mul3A_31, %dma_start3A_35] : memref<1024x128xi32, #tpu.memory_space<hbm>> -> memref<64x128xi32, #tpu.memory_space<hbm>>
        tpu.enqueue_dma source(%dma_start3A_36 : memref<64x128xi32, #tpu.memory_space<hbm>>) target(%arg10 : memref<64x128xi32, #tpu.memory_space<vmem>>) target_semaphore(%run_scoped3A : memref<!tpu.dma_semaphore, #tpu.memory_space<semaphore_mem>>)
        %dma_wait3A = arith.constant 0 : i32
        %dma_wait3A_37 = tpu.memref_slice %arg4[%mul3A_31, %dma_wait3A] : memref<1024x128xi32, #tpu.memory_space<hbm>> -> memref<64x128xi32, #tpu.memory_space<hbm>>
        %dma_wait3A_38 = arith.constant 0 : i32
        %dma_wait3A_39 = tpu.memref_slice %arg4[%mul3A_31, %dma_wait3A_38] : memref<1024x128xi32, #tpu.memory_space<hbm>> -> memref<64x128xi32, #tpu.memory_space<hbm>>
        tpu.wait_dma2 semaphore(%run_scoped3A : memref<!tpu.dma_semaphore, #tpu.memory_space<semaphore_mem>>) src(%dma_wait3A_39 : memref<64x128xi32, #tpu.memory_space<hbm>>) dst(%arg10 : memref<64x128xi32, #tpu.memory_space<vmem>>)
        tpu.yield
      }) : () -> ()
      %mul3A_32 = arith.constant 64 : i32
      %mul3A_33 = arith.muli %arg1, %mul3A_32 : i32
      "tpu.region"() ({
        %run_scoped3A = tpu.sem_alloc : memref<!tpu.dma_semaphore, #tpu.memory_space<semaphore_mem>>
        %dma_start3A = arith.constant 0 : i32
        %dma_start3A_34 = tpu.memref_slice %arg5[%mul3A_33, %dma_start3A] : memref<1024x128xi32, #tpu.memory_space<hbm>> -> memref<64x128xi32, #tpu.memory_space<hbm>>
        %dma_start3A_35 = arith.constant 0 : i32
        %dma_start3A_36 = tpu.memref_slice %arg5[%mul3A_33, %dma_start3A_35] : memref<1024x128xi32, #tpu.memory_space<hbm>> -> memref<64x128xi32, #tpu.memory_space<hbm>>
        tpu.enqueue_dma source(%dma_start3A_36 : memref<64x128xi32, #tpu.memory_space<hbm>>) target(%arg11 : memref<64x128xi32, #tpu.memory_space<vmem>>) target_semaphore(%run_scoped3A : memref<!tpu.dma_semaphore, #tpu.memory_space<semaphore_mem>>)
        %dma_wait3A = arith.constant 0 : i32
        %dma_wait3A_37 = tpu.memref_slice %arg5[%mul3A_33, %dma_wait3A] : memref<1024x128xi32, #tpu.memory_space<hbm>> -> memref<64x128xi32, #tpu.memory_space<hbm>>
        %dma_wait3A_38 = arith.constant 0 : i32
        %dma_wait3A_39 = tpu.memref_slice %arg5[%mul3A_33, %dma_wait3A_38] : memref<1024x128xi32, #tpu.memory_space<hbm>> -> memref<64x128xi32, #tpu.memory_space<hbm>>
        tpu.wait_dma2 semaphore(%run_scoped3A : memref<!tpu.dma_semaphore, #tpu.memory_space<semaphore_mem>>) src(%dma_wait3A_39 : memref<64x128xi32, #tpu.memory_space<hbm>>) dst(%arg11 : memref<64x128xi32, #tpu.memory_space<vmem>>)
        tpu.yield
      }) : () -> ()
    } else {
    }
    %eq3A_5 = arith.constant 1 : i32
    %eq3A_6 = arith.cmpi eq, %arg0, %eq3A_5 : i32
    %convert_element_type3A_7 = arith.extui %eq3A_6 : i1 to i32
    %cond3A_8 = arith.constant 0 : i32
    %cond3A_9 = arith.cmpi ne, %convert_element_type3A_7, %cond3A_8 : i32
    scf.if %cond3A_9 {
      %mul3A_30 = arith.constant 64 : i32
      %mul3A_31 = arith.muli %arg1, %mul3A_30 : i32
      "tpu.region"() ({
        %run_scoped3A = tpu.sem_alloc : memref<!tpu.dma_semaphore, #tpu.memory_space<semaphore_mem>>
        %dma_start3A = arith.constant 0 : i32
        %dma_start3A_34 = tpu.memref_slice %arg6[%mul3A_31, %dma_start3A] : memref<1024x128xi32, #tpu.memory_space<hbm>> -> memref<64x128xi32, #tpu.memory_space<hbm>>
        %dma_start3A_35 = arith.constant 0 : i32
        %dma_start3A_36 = tpu.memref_slice %arg6[%mul3A_31, %dma_start3A_35] : memref<1024x128xi32, #tpu.memory_space<hbm>> -> memref<64x128xi32, #tpu.memory_space<hbm>>
        tpu.enqueue_dma source(%dma_start3A_36 : memref<64x128xi32, #tpu.memory_space<hbm>>) target(%arg10 : memref<64x128xi32, #tpu.memory_space<vmem>>) target_semaphore(%run_scoped3A : memref<!tpu.dma_semaphore, #tpu.memory_space<semaphore_mem>>)
        %dma_wait3A = arith.constant 0 : i32
        %dma_wait3A_37 = tpu.memref_slice %arg6[%mul3A_31, %dma_wait3A] : memref<1024x128xi32, #tpu.memory_space<hbm>> -> memref<64x128xi32, #tpu.memory_space<hbm>>
        %dma_wait3A_38 = arith.constant 0 : i32
        %dma_wait3A_39 = tpu.memref_slice %arg6[%mul3A_31, %dma_wait3A_38] : memref<1024x128xi32, #tpu.memory_space<hbm>> -> memref<64x128xi32, #tpu.memory_space<hbm>>
        tpu.wait_dma2 semaphore(%run_scoped3A : memref<!tpu.dma_semaphore, #tpu.memory_space<semaphore_mem>>) src(%dma_wait3A_39 : memref<64x128xi32, #tpu.memory_space<hbm>>) dst(%arg10 : memref<64x128xi32, #tpu.memory_space<vmem>>)
        tpu.yield
      }) : () -> ()
      %mul3A_32 = arith.constant 64 : i32
      %mul3A_33 = arith.muli %arg1, %mul3A_32 : i32
      "tpu.region"() ({
        %run_scoped3A = tpu.sem_alloc : memref<!tpu.dma_semaphore, #tpu.memory_space<semaphore_mem>>
        %dma_start3A = arith.constant 0 : i32
        %dma_start3A_34 = tpu.memref_slice %arg7[%mul3A_33, %dma_start3A] : memref<1024x128xi32, #tpu.memory_space<hbm>> -> memref<64x128xi32, #tpu.memory_space<hbm>>
        %dma_start3A_35 = arith.constant 0 : i32
        %dma_start3A_36 = tpu.memref_slice %arg7[%mul3A_33, %dma_start3A_35] : memref<1024x128xi32, #tpu.memory_space<hbm>> -> memref<64x128xi32, #tpu.memory_space<hbm>>
        tpu.enqueue_dma source(%dma_start3A_36 : memref<64x128xi32, #tpu.memory_space<hbm>>) target(%arg11 : memref<64x128xi32, #tpu.memory_space<vmem>>) target_semaphore(%run_scoped3A : memref<!tpu.dma_semaphore, #tpu.memory_space<semaphore_mem>>)
        %dma_wait3A = arith.constant 0 : i32
        %dma_wait3A_37 = tpu.memref_slice %arg7[%mul3A_33, %dma_wait3A] : memref<1024x128xi32, #tpu.memory_space<hbm>> -> memref<64x128xi32, #tpu.memory_space<hbm>>
        %dma_wait3A_38 = arith.constant 0 : i32
        %dma_wait3A_39 = tpu.memref_slice %arg7[%mul3A_33, %dma_wait3A_38] : memref<1024x128xi32, #tpu.memory_space<hbm>> -> memref<64x128xi32, #tpu.memory_space<hbm>>
        tpu.wait_dma2 semaphore(%run_scoped3A : memref<!tpu.dma_semaphore, #tpu.memory_space<semaphore_mem>>) src(%dma_wait3A_39 : memref<64x128xi32, #tpu.memory_space<hbm>>) dst(%arg11 : memref<64x128xi32, #tpu.memory_space<vmem>>)
        tpu.yield
      }) : () -> ()
    } else {
    }
    %barrier3A = arith.constant 0 : index
    tpu.barrier barrier_id(%barrier3A)
    %eq3A_10 = arith.constant 0 : i32
    %eq3A_11 = arith.cmpi eq, %arg0, %eq3A_10 : i32
    %convert_element_type3A_12 = arith.extui %eq3A_11 : i1 to i32
    %cond3A_13 = arith.constant 0 : i32
    %cond3A_14 = arith.cmpi ne, %convert_element_type3A_12, %cond3A_13 : i32
    scf.if %cond3A_14 {
      %dma_start3A = arith.constant 0 : i32
      %dma_start3A_30 = arith.constant 0 : i32
      %dma_start3A_31 = arith.constant 0 : i32
      %dma_start3A_32 = arith.constant 0 : i32
      %dma_start3A_33 = tpu.memref_slice %arg12[%dma_start3A_30, %dma_start3A_31, %dma_start3A_32] : memref<2x128x64xf32, #tpu.memory_space<vmem>> -> memref<1x128x64xf32, #tpu.memory_space<vmem>>
      %dma_start3A_34 = tpu.memref_squeeze %dma_start3A_33 : memref<1x128x64xf32, #tpu.memory_space<vmem>> -> memref<128x64xf32, #tpu.memory_space<vmem>>
      %dma_start3A_35 = arith.constant 0 : i32
      %dma_start3A_36 = tpu.memref_slice %arg10[%dma_start3A, %dma_start3A_35] : memref<64x128xi32, #tpu.memory_space<vmem>> -> memref<1x128xi32, #tpu.memory_space<vmem>>
      %dma_start3A_37 = tpu.memref_squeeze %dma_start3A_36 : memref<1x128xi32, #tpu.memory_space<vmem>> -> memref<128xi32, #tpu.memory_space<vmem>>
      %dma_start3A_38 = arith.constant 0 : i32
      %dma_start3A_39 = arith.constant 0 : i32
      %dma_start3A_40 = tpu.memref_slice %arg2[%dma_start3A_38, %dma_start3A_39] : memref<8192x64xf32, #tpu.memory_space<hbm>> -> memref<8192x64xf32, #tpu.memory_space<hbm>>
      tpu.enqueue_indirect_dma source(%dma_start3A_40 : memref<8192x64xf32, #tpu.memory_space<hbm>>) target(%dma_start3A_34 : memref<128x64xf32, #tpu.memory_space<vmem>>) offsets(%dma_start3A_37 : memref<128xi32, #tpu.memory_space<vmem>>) semaphore(%arg14 : memref<!tpu.dma_semaphore, #tpu.memory_space<semaphore_mem>>)
    } else {
    }
    %eq3A_15 = arith.constant 1 : i32
    %eq3A_16 = arith.cmpi eq, %arg0, %eq3A_15 : i32
    %convert_element_type3A_17 = arith.extui %eq3A_16 : i1 to i32
    %cond3A_18 = arith.constant 0 : i32
    %cond3A_19 = arith.cmpi ne, %convert_element_type3A_17, %cond3A_18 : i32
    scf.if %cond3A_19 {
      %dma_start3A = arith.constant 0 : i32
      %dma_start3A_30 = arith.constant 0 : i32
      %dma_start3A_31 = arith.constant 0 : i32
      %dma_start3A_32 = arith.constant 0 : i32
      %dma_start3A_33 = tpu.memref_slice %arg12[%dma_start3A_30, %dma_start3A_31, %dma_start3A_32] : memref<2x128x64xf32, #tpu.memory_space<vmem>> -> memref<1x128x64xf32, #tpu.memory_space<vmem>>
      %dma_start3A_34 = tpu.memref_squeeze %dma_start3A_33 : memref<1x128x64xf32, #tpu.memory_space<vmem>> -> memref<128x64xf32, #tpu.memory_space<vmem>>
      %dma_start3A_35 = arith.constant 0 : i32
      %dma_start3A_36 = tpu.memref_slice %arg10[%dma_start3A, %dma_start3A_35] : memref<64x128xi32, #tpu.memory_space<vmem>> -> memref<1x128xi32, #tpu.memory_space<vmem>>
      %dma_start3A_37 = tpu.memref_squeeze %dma_start3A_36 : memref<1x128xi32, #tpu.memory_space<vmem>> -> memref<128xi32, #tpu.memory_space<vmem>>
      %dma_start3A_38 = arith.constant 0 : i32
      %dma_start3A_39 = arith.constant 0 : i32
      %dma_start3A_40 = tpu.memref_slice %arg3[%dma_start3A_38, %dma_start3A_39] : memref<8192x64xf32, #tpu.memory_space<hbm>> -> memref<8192x64xf32, #tpu.memory_space<hbm>>
      tpu.enqueue_indirect_dma source(%dma_start3A_40 : memref<8192x64xf32, #tpu.memory_space<hbm>>) target(%dma_start3A_34 : memref<128x64xf32, #tpu.memory_space<vmem>>) offsets(%dma_start3A_37 : memref<128xi32, #tpu.memory_space<vmem>>) semaphore(%arg14 : memref<!tpu.dma_semaphore, #tpu.memory_space<semaphore_mem>>)
    } else {
    }
    %scan3A = arith.constant 0 : i32
    %scan3A_20 = arith.constant 0 : i32
    %scan3A_21 = arith.constant 32 : i32
    %scan3A_22 = arith.addi %scan3A_20, %scan3A_21 : i32
    %scan3A_23 = arith.constant 1 : i32
    scf.for %scan3A_30 = %scan3A_20 to %scan3A_22 step %scan3A_23  : i32 {
      %mul3A_31 = arith.constant 2 : i32
      %mul3A_32 = arith.muli %scan3A_30, %mul3A_31 : i32
      %add3A = arith.constant 1 : i32
      %add3A_33 = arith.addi %mul3A_32, %add3A : i32
      %eq3A_34 = arith.constant 0 : i32
      %eq3A_35 = arith.cmpi eq, %arg0, %eq3A_34 : i32
      %convert_element_type3A_36 = arith.extui %eq3A_35 : i1 to i32
      %cond3A_37 = arith.constant 0 : i32
      %cond3A_38 = arith.cmpi ne, %convert_element_type3A_36, %cond3A_37 : i32
      scf.if %cond3A_38 {
        %dma_start3A = arith.constant 1 : i32
        %dma_start3A_73 = arith.constant 0 : i32
        %dma_start3A_74 = arith.constant 0 : i32
        %dma_start3A_75 = tpu.memref_slice %arg12[%dma_start3A, %dma_start3A_73, %dma_start3A_74] : memref<2x128x64xf32, #tpu.memory_space<vmem>> -> memref<1x128x64xf32, #tpu.memory_space<vmem>>
        %dma_start3A_76 = tpu.memref_squeeze %dma_start3A_75 : memref<1x128x64xf32, #tpu.memory_space<vmem>> -> memref<128x64xf32, #tpu.memory_space<vmem>>
        %dma_start3A_77 = arith.constant 0 : i32
        %dma_start3A_78 = tpu.memref_slice %arg10[%add3A_33, %dma_start3A_77] : memref<64x128xi32, #tpu.memory_space<vmem>> -> memref<1x128xi32, #tpu.memory_space<vmem>>
        %dma_start3A_79 = tpu.memref_squeeze %dma_start3A_78 : memref<1x128xi32, #tpu.memory_space<vmem>> -> memref<128xi32, #tpu.memory_space<vmem>>
        %dma_start3A_80 = arith.constant 0 : i32
        %dma_start3A_81 = arith.constant 0 : i32
        %dma_start3A_82 = tpu.memref_slice %arg2[%dma_start3A_80, %dma_start3A_81] : memref<8192x64xf32, #tpu.memory_space<hbm>> -> memref<8192x64xf32, #tpu.memory_space<hbm>>
        tpu.enqueue_indirect_dma source(%dma_start3A_82 : memref<8192x64xf32, #tpu.memory_space<hbm>>) target(%dma_start3A_76 : memref<128x64xf32, #tpu.memory_space<vmem>>) offsets(%dma_start3A_79 : memref<128xi32, #tpu.memory_space<vmem>>) semaphore(%arg15 : memref<!tpu.dma_semaphore, #tpu.memory_space<semaphore_mem>>)
      } else {
      }
      %eq3A_39 = arith.constant 1 : i32
      %eq3A_40 = arith.cmpi eq, %arg0, %eq3A_39 : i32
      %convert_element_type3A_41 = arith.extui %eq3A_40 : i1 to i32
      %cond3A_42 = arith.constant 0 : i32
      %cond3A_43 = arith.cmpi ne, %convert_element_type3A_41, %cond3A_42 : i32
      scf.if %cond3A_43 {
        %dma_start3A = arith.constant 1 : i32
        %dma_start3A_73 = arith.constant 0 : i32
        %dma_start3A_74 = arith.constant 0 : i32
        %dma_start3A_75 = tpu.memref_slice %arg12[%dma_start3A, %dma_start3A_73, %dma_start3A_74] : memref<2x128x64xf32, #tpu.memory_space<vmem>> -> memref<1x128x64xf32, #tpu.memory_space<vmem>>
        %dma_start3A_76 = tpu.memref_squeeze %dma_start3A_75 : memref<1x128x64xf32, #tpu.memory_space<vmem>> -> memref<128x64xf32, #tpu.memory_space<vmem>>
        %dma_start3A_77 = arith.constant 0 : i32
        %dma_start3A_78 = tpu.memref_slice %arg10[%add3A_33, %dma_start3A_77] : memref<64x128xi32, #tpu.memory_space<vmem>> -> memref<1x128xi32, #tpu.memory_space<vmem>>
        %dma_start3A_79 = tpu.memref_squeeze %dma_start3A_78 : memref<1x128xi32, #tpu.memory_space<vmem>> -> memref<128xi32, #tpu.memory_space<vmem>>
        %dma_start3A_80 = arith.constant 0 : i32
        %dma_start3A_81 = arith.constant 0 : i32
        %dma_start3A_82 = tpu.memref_slice %arg3[%dma_start3A_80, %dma_start3A_81] : memref<8192x64xf32, #tpu.memory_space<hbm>> -> memref<8192x64xf32, #tpu.memory_space<hbm>>
        tpu.enqueue_indirect_dma source(%dma_start3A_82 : memref<8192x64xf32, #tpu.memory_space<hbm>>) target(%dma_start3A_76 : memref<128x64xf32, #tpu.memory_space<vmem>>) offsets(%dma_start3A_79 : memref<128xi32, #tpu.memory_space<vmem>>) semaphore(%arg15 : memref<!tpu.dma_semaphore, #tpu.memory_space<semaphore_mem>>)
      } else {
      }
      %eq3A_44 = arith.constant 0 : i32
      %eq3A_45 = arith.cmpi eq, %arg0, %eq3A_44 : i32
      %convert_element_type3A_46 = arith.extui %eq3A_45 : i1 to i32
      %cond3A_47 = arith.constant 0 : i32
      %cond3A_48 = arith.cmpi ne, %convert_element_type3A_46, %cond3A_47 : i32
      scf.if %cond3A_48 {
        %dma_wait3A = arith.constant 0 : i32
        %dma_wait3A_73 = arith.constant 0 : i32
        %dma_wait3A_74 = arith.constant 0 : i32
        %dma_wait3A_75 = tpu.memref_slice %arg12[%dma_wait3A, %dma_wait3A_73, %dma_wait3A_74] : memref<2x128x64xf32, #tpu.memory_space<vmem>> -> memref<1x128x64xf32, #tpu.memory_space<vmem>>
        %dma_wait3A_76 = tpu.memref_squeeze %dma_wait3A_75 : memref<1x128x64xf32, #tpu.memory_space<vmem>> -> memref<128x64xf32, #tpu.memory_space<vmem>>
        %dma_wait3A_77 = arith.constant 0 : i32
        %dma_wait3A_78 = tpu.memref_slice %arg10[%mul3A_32, %dma_wait3A_77] : memref<64x128xi32, #tpu.memory_space<vmem>> -> memref<1x128xi32, #tpu.memory_space<vmem>>
        %dma_wait3A_79 = tpu.memref_squeeze %dma_wait3A_78 : memref<1x128xi32, #tpu.memory_space<vmem>> -> memref<128xi32, #tpu.memory_space<vmem>>
        %dma_wait3A_80 = arith.constant 0 : i32
        %dma_wait3A_81 = arith.constant 0 : i32
        %dma_wait3A_82 = tpu.memref_slice %arg2[%dma_wait3A_80, %dma_wait3A_81] : memref<8192x64xf32, #tpu.memory_space<hbm>> -> memref<8192x64xf32, #tpu.memory_space<hbm>>
        tpu.wait_indirect_dma semaphore(%arg14 : memref<!tpu.dma_semaphore, #tpu.memory_space<semaphore_mem>>) src(%dma_wait3A_82 : memref<8192x64xf32, #tpu.memory_space<hbm>>) dst(%dma_wait3A_76 : memref<128x64xf32, #tpu.memory_space<vmem>>)
      } else {
      }
      %eq3A_49 = arith.constant 1 : i32
      %eq3A_50 = arith.cmpi eq, %arg0, %eq3A_49 : i32
      %convert_element_type3A_51 = arith.extui %eq3A_50 : i1 to i32
      %cond3A_52 = arith.constant 0 : i32
      %cond3A_53 = arith.cmpi ne, %convert_element_type3A_51, %cond3A_52 : i32
      scf.if %cond3A_53 {
        %dma_wait3A = arith.constant 0 : i32
        %dma_wait3A_73 = arith.constant 0 : i32
        %dma_wait3A_74 = arith.constant 0 : i32
        %dma_wait3A_75 = tpu.memref_slice %arg12[%dma_wait3A, %dma_wait3A_73, %dma_wait3A_74] : memref<2x128x64xf32, #tpu.memory_space<vmem>> -> memref<1x128x64xf32, #tpu.memory_space<vmem>>
        %dma_wait3A_76 = tpu.memref_squeeze %dma_wait3A_75 : memref<1x128x64xf32, #tpu.memory_space<vmem>> -> memref<128x64xf32, #tpu.memory_space<vmem>>
        %dma_wait3A_77 = arith.constant 0 : i32
        %dma_wait3A_78 = tpu.memref_slice %arg10[%mul3A_32, %dma_wait3A_77] : memref<64x128xi32, #tpu.memory_space<vmem>> -> memref<1x128xi32, #tpu.memory_space<vmem>>
        %dma_wait3A_79 = tpu.memref_squeeze %dma_wait3A_78 : memref<1x128xi32, #tpu.memory_space<vmem>> -> memref<128xi32, #tpu.memory_space<vmem>>
        %dma_wait3A_80 = arith.constant 0 : i32
        %dma_wait3A_81 = arith.constant 0 : i32
        %dma_wait3A_82 = tpu.memref_slice %arg3[%dma_wait3A_80, %dma_wait3A_81] : memref<8192x64xf32, #tpu.memory_space<hbm>> -> memref<8192x64xf32, #tpu.memory_space<hbm>>
        tpu.wait_indirect_dma semaphore(%arg14 : memref<!tpu.dma_semaphore, #tpu.memory_space<semaphore_mem>>) src(%dma_wait3A_82 : memref<8192x64xf32, #tpu.memory_space<hbm>>) dst(%dma_wait3A_76 : memref<128x64xf32, #tpu.memory_space<vmem>>)
      } else {
      }
      %run_scoped3A = arith.constant 0 : i32
      "tpu.region"() ({
        %run_scoped3A_73 = tpu.sem_alloc : memref<!tpu.dma_semaphore, #tpu.memory_space<semaphore_mem>>
        %dma_start3A = arith.constant 0 : i32
        %dma_start3A_74 = arith.constant 0 : i32
        %dma_start3A_75 = tpu.memref_slice %arg12[%run_scoped3A, %dma_start3A, %dma_start3A_74] : memref<2x128x64xf32, #tpu.memory_space<vmem>> -> memref<1x128x64xf32, #tpu.memory_space<vmem>>
        %dma_start3A_76 = tpu.memref_squeeze %dma_start3A_75 : memref<1x128x64xf32, #tpu.memory_space<vmem>> -> memref<128x64xf32, #tpu.memory_space<vmem>>
        %dma_start3A_77 = arith.constant 0 : i32
        %dma_start3A_78 = tpu.memref_slice %arg11[%mul3A_32, %dma_start3A_77] : memref<64x128xi32, #tpu.memory_space<vmem>> -> memref<1x128xi32, #tpu.memory_space<vmem>>
        %dma_start3A_79 = tpu.memref_squeeze %dma_start3A_78 : memref<1x128xi32, #tpu.memory_space<vmem>> -> memref<128xi32, #tpu.memory_space<vmem>>
        %dma_start3A_80 = arith.constant 0 : i32
        %dma_start3A_81 = arith.constant 0 : i32
        %dma_start3A_82 = tpu.memref_slice %arg13[%dma_start3A_80, %dma_start3A_81] : memref<8192x64xf32, #tpu.memory_space<vmem_shared>> -> memref<8192x64xf32, #tpu.memory_space<vmem_shared>>
        tpu.enqueue_indirect_dma source(%dma_start3A_76 : memref<128x64xf32, #tpu.memory_space<vmem>>) target(%dma_start3A_82 : memref<8192x64xf32, #tpu.memory_space<vmem_shared>>) offsets(%dma_start3A_79 : memref<128xi32, #tpu.memory_space<vmem>>) semaphore(%run_scoped3A_73 : memref<!tpu.dma_semaphore, #tpu.memory_space<semaphore_mem>>) {add = true}
        %dma_wait3A = arith.constant 0 : i32
        %dma_wait3A_83 = arith.constant 0 : i32
        %dma_wait3A_84 = tpu.memref_slice %arg12[%run_scoped3A, %dma_wait3A, %dma_wait3A_83] : memref<2x128x64xf32, #tpu.memory_space<vmem>> -> memref<1x128x64xf32, #tpu.memory_space<vmem>>
        %dma_wait3A_85 = tpu.memref_squeeze %dma_wait3A_84 : memref<1x128x64xf32, #tpu.memory_space<vmem>> -> memref<128x64xf32, #tpu.memory_space<vmem>>
        %dma_wait3A_86 = arith.constant 0 : i32
        %dma_wait3A_87 = tpu.memref_slice %arg11[%mul3A_32, %dma_wait3A_86] : memref<64x128xi32, #tpu.memory_space<vmem>> -> memref<1x128xi32, #tpu.memory_space<vmem>>
        %dma_wait3A_88 = tpu.memref_squeeze %dma_wait3A_87 : memref<1x128xi32, #tpu.memory_space<vmem>> -> memref<128xi32, #tpu.memory_space<vmem>>
        %dma_wait3A_89 = arith.constant 0 : i32
        %dma_wait3A_90 = arith.constant 0 : i32
        %dma_wait3A_91 = tpu.memref_slice %arg13[%dma_wait3A_89, %dma_wait3A_90] : memref<8192x64xf32, #tpu.memory_space<vmem_shared>> -> memref<8192x64xf32, #tpu.memory_space<vmem_shared>>
        tpu.wait_indirect_dma semaphore(%run_scoped3A_73 : memref<!tpu.dma_semaphore, #tpu.memory_space<semaphore_mem>>) src(%dma_wait3A_85 : memref<128x64xf32, #tpu.memory_space<vmem>>) dst(%dma_wait3A_91 : memref<8192x64xf32, #tpu.memory_space<vmem_shared>>)
        tpu.yield
      }) : () -> ()
      %add3A_54 = arith.constant 2 : i32
      %add3A_55 = arith.addi %mul3A_32, %add3A_54 : i32
      %lt3A = arith.constant 64 : i32
      %lt3A_56 = arith.cmpi slt, %add3A_55, %lt3A : i32
      %convert_element_type3A_57 = arith.extui %lt3A_56 : i1 to i32
      %cond3A_58 = arith.constant 0 : i32
      %cond3A_59 = arith.cmpi ne, %convert_element_type3A_57, %cond3A_58 : i32
      scf.if %cond3A_59 {
        %add3A_73 = arith.constant 2 : i32
        %add3A_74 = arith.addi %mul3A_32, %add3A_73 : i32
        %eq3A_75 = arith.constant 0 : i32
        %eq3A_76 = arith.cmpi eq, %arg0, %eq3A_75 : i32
        %convert_element_type3A_77 = arith.extui %eq3A_76 : i1 to i32
        %cond3A_78 = arith.constant 0 : i32
        %cond3A_79 = arith.cmpi ne, %convert_element_type3A_77, %cond3A_78 : i32
        scf.if %cond3A_79 {
          %dma_start3A = arith.constant 0 : i32
          %dma_start3A_85 = arith.constant 0 : i32
          %dma_start3A_86 = arith.constant 0 : i32
          %dma_start3A_87 = tpu.memref_slice %arg12[%dma_start3A, %dma_start3A_85, %dma_start3A_86] : memref<2x128x64xf32, #tpu.memory_space<vmem>> -> memref<1x128x64xf32, #tpu.memory_space<vmem>>
          %dma_start3A_88 = tpu.memref_squeeze %dma_start3A_87 : memref<1x128x64xf32, #tpu.memory_space<vmem>> -> memref<128x64xf32, #tpu.memory_space<vmem>>
          %dma_start3A_89 = arith.constant 0 : i32
          %dma_start3A_90 = tpu.memref_slice %arg10[%add3A_74, %dma_start3A_89] : memref<64x128xi32, #tpu.memory_space<vmem>> -> memref<1x128xi32, #tpu.memory_space<vmem>>
          %dma_start3A_91 = tpu.memref_squeeze %dma_start3A_90 : memref<1x128xi32, #tpu.memory_space<vmem>> -> memref<128xi32, #tpu.memory_space<vmem>>
          %dma_start3A_92 = arith.constant 0 : i32
          %dma_start3A_93 = arith.constant 0 : i32
          %dma_start3A_94 = tpu.memref_slice %arg2[%dma_start3A_92, %dma_start3A_93] : memref<8192x64xf32, #tpu.memory_space<hbm>> -> memref<8192x64xf32, #tpu.memory_space<hbm>>
          tpu.enqueue_indirect_dma source(%dma_start3A_94 : memref<8192x64xf32, #tpu.memory_space<hbm>>) target(%dma_start3A_88 : memref<128x64xf32, #tpu.memory_space<vmem>>) offsets(%dma_start3A_91 : memref<128xi32, #tpu.memory_space<vmem>>) semaphore(%arg14 : memref<!tpu.dma_semaphore, #tpu.memory_space<semaphore_mem>>)
        } else {
        }
        %eq3A_80 = arith.constant 1 : i32
        %eq3A_81 = arith.cmpi eq, %arg0, %eq3A_80 : i32
        %convert_element_type3A_82 = arith.extui %eq3A_81 : i1 to i32
        %cond3A_83 = arith.constant 0 : i32
        %cond3A_84 = arith.cmpi ne, %convert_element_type3A_82, %cond3A_83 : i32
        scf.if %cond3A_84 {
          %dma_start3A = arith.constant 0 : i32
          %dma_start3A_85 = arith.constant 0 : i32
          %dma_start3A_86 = arith.constant 0 : i32
          %dma_start3A_87 = tpu.memref_slice %arg12[%dma_start3A, %dma_start3A_85, %dma_start3A_86] : memref<2x128x64xf32, #tpu.memory_space<vmem>> -> memref<1x128x64xf32, #tpu.memory_space<vmem>>
          %dma_start3A_88 = tpu.memref_squeeze %dma_start3A_87 : memref<1x128x64xf32, #tpu.memory_space<vmem>> -> memref<128x64xf32, #tpu.memory_space<vmem>>
          %dma_start3A_89 = arith.constant 0 : i32
          %dma_start3A_90 = tpu.memref_slice %arg10[%add3A_74, %dma_start3A_89] : memref<64x128xi32, #tpu.memory_space<vmem>> -> memref<1x128xi32, #tpu.memory_space<vmem>>
          %dma_start3A_91 = tpu.memref_squeeze %dma_start3A_90 : memref<1x128xi32, #tpu.memory_space<vmem>> -> memref<128xi32, #tpu.memory_space<vmem>>
          %dma_start3A_92 = arith.constant 0 : i32
          %dma_start3A_93 = arith.constant 0 : i32
          %dma_start3A_94 = tpu.memref_slice %arg3[%dma_start3A_92, %dma_start3A_93] : memref<8192x64xf32, #tpu.memory_space<hbm>> -> memref<8192x64xf32, #tpu.memory_space<hbm>>
          tpu.enqueue_indirect_dma source(%dma_start3A_94 : memref<8192x64xf32, #tpu.memory_space<hbm>>) target(%dma_start3A_88 : memref<128x64xf32, #tpu.memory_space<vmem>>) offsets(%dma_start3A_91 : memref<128xi32, #tpu.memory_space<vmem>>) semaphore(%arg14 : memref<!tpu.dma_semaphore, #tpu.memory_space<semaphore_mem>>)
        } else {
        }
      } else {
      }
      %add3A_60 = arith.constant 1 : i32
      %add3A_61 = arith.addi %mul3A_32, %add3A_60 : i32
      %eq3A_62 = arith.constant 0 : i32
      %eq3A_63 = arith.cmpi eq, %arg0, %eq3A_62 : i32
      %convert_element_type3A_64 = arith.extui %eq3A_63 : i1 to i32
      %cond3A_65 = arith.constant 0 : i32
      %cond3A_66 = arith.cmpi ne, %convert_element_type3A_64, %cond3A_65 : i32
      scf.if %cond3A_66 {
        %dma_wait3A = arith.constant 1 : i32
        %dma_wait3A_73 = arith.constant 0 : i32
        %dma_wait3A_74 = arith.constant 0 : i32
        %dma_wait3A_75 = tpu.memref_slice %arg12[%dma_wait3A, %dma_wait3A_73, %dma_wait3A_74] : memref<2x128x64xf32, #tpu.memory_space<vmem>> -> memref<1x128x64xf32, #tpu.memory_space<vmem>>
        %dma_wait3A_76 = tpu.memref_squeeze %dma_wait3A_75 : memref<1x128x64xf32, #tpu.memory_space<vmem>> -> memref<128x64xf32, #tpu.memory_space<vmem>>
        %dma_wait3A_77 = arith.constant 0 : i32
        %dma_wait3A_78 = tpu.memref_slice %arg10[%add3A_61, %dma_wait3A_77] : memref<64x128xi32, #tpu.memory_space<vmem>> -> memref<1x128xi32, #tpu.memory_space<vmem>>
        %dma_wait3A_79 = tpu.memref_squeeze %dma_wait3A_78 : memref<1x128xi32, #tpu.memory_space<vmem>> -> memref<128xi32, #tpu.memory_space<vmem>>
        %dma_wait3A_80 = arith.constant 0 : i32
        %dma_wait3A_81 = arith.constant 0 : i32
        %dma_wait3A_82 = tpu.memref_slice %arg2[%dma_wait3A_80, %dma_wait3A_81] : memref<8192x64xf32, #tpu.memory_space<hbm>> -> memref<8192x64xf32, #tpu.memory_space<hbm>>
        tpu.wait_indirect_dma semaphore(%arg15 : memref<!tpu.dma_semaphore, #tpu.memory_space<semaphore_mem>>) src(%dma_wait3A_82 : memref<8192x64xf32, #tpu.memory_space<hbm>>) dst(%dma_wait3A_76 : memref<128x64xf32, #tpu.memory_space<vmem>>)
      } else {
      }
      %eq3A_67 = arith.constant 1 : i32
      %eq3A_68 = arith.cmpi eq, %arg0, %eq3A_67 : i32
      %convert_element_type3A_69 = arith.extui %eq3A_68 : i1 to i32
      %cond3A_70 = arith.constant 0 : i32
      %cond3A_71 = arith.cmpi ne, %convert_element_type3A_69, %cond3A_70 : i32
      scf.if %cond3A_71 {
        %dma_wait3A = arith.constant 1 : i32
        %dma_wait3A_73 = arith.constant 0 : i32
        %dma_wait3A_74 = arith.constant 0 : i32
        %dma_wait3A_75 = tpu.memref_slice %arg12[%dma_wait3A, %dma_wait3A_73, %dma_wait3A_74] : memref<2x128x64xf32, #tpu.memory_space<vmem>> -> memref<1x128x64xf32, #tpu.memory_space<vmem>>
        %dma_wait3A_76 = tpu.memref_squeeze %dma_wait3A_75 : memref<1x128x64xf32, #tpu.memory_space<vmem>> -> memref<128x64xf32, #tpu.memory_space<vmem>>
        %dma_wait3A_77 = arith.constant 0 : i32
        %dma_wait3A_78 = tpu.memref_slice %arg10[%add3A_61, %dma_wait3A_77] : memref<64x128xi32, #tpu.memory_space<vmem>> -> memref<1x128xi32, #tpu.memory_space<vmem>>
        %dma_wait3A_79 = tpu.memref_squeeze %dma_wait3A_78 : memref<1x128xi32, #tpu.memory_space<vmem>> -> memref<128xi32, #tpu.memory_space<vmem>>
        %dma_wait3A_80 = arith.constant 0 : i32
        %dma_wait3A_81 = arith.constant 0 : i32
        %dma_wait3A_82 = tpu.memref_slice %arg3[%dma_wait3A_80, %dma_wait3A_81] : memref<8192x64xf32, #tpu.memory_space<hbm>> -> memref<8192x64xf32, #tpu.memory_space<hbm>>
        tpu.wait_indirect_dma semaphore(%arg15 : memref<!tpu.dma_semaphore, #tpu.memory_space<semaphore_mem>>) src(%dma_wait3A_82 : memref<8192x64xf32, #tpu.memory_space<hbm>>) dst(%dma_wait3A_76 : memref<128x64xf32, #tpu.memory_space<vmem>>)
      } else {
      }
      %run_scoped3A_72 = arith.constant 1 : i32
      "tpu.region"() ({
        %run_scoped3A_73 = tpu.sem_alloc : memref<!tpu.dma_semaphore, #tpu.memory_space<semaphore_mem>>
        %dma_start3A = arith.constant 0 : i32
        %dma_start3A_74 = arith.constant 0 : i32
        %dma_start3A_75 = tpu.memref_slice %arg12[%run_scoped3A_72, %dma_start3A, %dma_start3A_74] : memref<2x128x64xf32, #tpu.memory_space<vmem>> -> memref<1x128x64xf32, #tpu.memory_space<vmem>>
        %dma_start3A_76 = tpu.memref_squeeze %dma_start3A_75 : memref<1x128x64xf32, #tpu.memory_space<vmem>> -> memref<128x64xf32, #tpu.memory_space<vmem>>
        %dma_start3A_77 = arith.constant 0 : i32
        %dma_start3A_78 = tpu.memref_slice %arg11[%add3A_61, %dma_start3A_77] : memref<64x128xi32, #tpu.memory_space<vmem>> -> memref<1x128xi32, #tpu.memory_space<vmem>>
        %dma_start3A_79 = tpu.memref_squeeze %dma_start3A_78 : memref<1x128xi32, #tpu.memory_space<vmem>> -> memref<128xi32, #tpu.memory_space<vmem>>
        %dma_start3A_80 = arith.constant 0 : i32
        %dma_start3A_81 = arith.constant 0 : i32
        %dma_start3A_82 = tpu.memref_slice %arg13[%dma_start3A_80, %dma_start3A_81] : memref<8192x64xf32, #tpu.memory_space<vmem_shared>> -> memref<8192x64xf32, #tpu.memory_space<vmem_shared>>
        tpu.enqueue_indirect_dma source(%dma_start3A_76 : memref<128x64xf32, #tpu.memory_space<vmem>>) target(%dma_start3A_82 : memref<8192x64xf32, #tpu.memory_space<vmem_shared>>) offsets(%dma_start3A_79 : memref<128xi32, #tpu.memory_space<vmem>>) semaphore(%run_scoped3A_73 : memref<!tpu.dma_semaphore, #tpu.memory_space<semaphore_mem>>) {add = true}
        %dma_wait3A = arith.constant 0 : i32
        %dma_wait3A_83 = arith.constant 0 : i32
        %dma_wait3A_84 = tpu.memref_slice %arg12[%run_scoped3A_72, %dma_wait3A, %dma_wait3A_83] : memref<2x128x64xf32, #tpu.memory_space<vmem>> -> memref<1x128x64xf32, #tpu.memory_space<vmem>>
        %dma_wait3A_85 = tpu.memref_squeeze %dma_wait3A_84 : memref<1x128x64xf32, #tpu.memory_space<vmem>> -> memref<128x64xf32, #tpu.memory_space<vmem>>
        %dma_wait3A_86 = arith.constant 0 : i32
        %dma_wait3A_87 = tpu.memref_slice %arg11[%add3A_61, %dma_wait3A_86] : memref<64x128xi32, #tpu.memory_space<vmem>> -> memref<1x128xi32, #tpu.memory_space<vmem>>
        %dma_wait3A_88 = tpu.memref_squeeze %dma_wait3A_87 : memref<1x128xi32, #tpu.memory_space<vmem>> -> memref<128xi32, #tpu.memory_space<vmem>>
        %dma_wait3A_89 = arith.constant 0 : i32
        %dma_wait3A_90 = arith.constant 0 : i32
        %dma_wait3A_91 = tpu.memref_slice %arg13[%dma_wait3A_89, %dma_wait3A_90] : memref<8192x64xf32, #tpu.memory_space<vmem_shared>> -> memref<8192x64xf32, #tpu.memory_space<vmem_shared>>
        tpu.wait_indirect_dma semaphore(%run_scoped3A_73 : memref<!tpu.dma_semaphore, #tpu.memory_space<semaphore_mem>>) src(%dma_wait3A_85 : memref<128x64xf32, #tpu.memory_space<vmem>>) dst(%dma_wait3A_91 : memref<8192x64xf32, #tpu.memory_space<vmem_shared>>)
        tpu.yield
      }) : () -> ()
    }
    %scan3A_24 = arith.constant 32 : i32
    %barrier3A_25 = arith.constant 0 : index
    tpu.barrier barrier_id(%barrier3A_25)
    %mul3A_26 = arith.constant 512 : i32
    %mul3A_27 = arith.muli %arg1, %mul3A_26 : i32
    %mul3A_28 = arith.constant 512 : i32
    %mul3A_29 = arith.muli %arg1, %mul3A_28 : i32
    "tpu.region"() ({
      %run_scoped3A = tpu.sem_alloc : memref<!tpu.dma_semaphore, #tpu.memory_space<semaphore_mem>>
      %dma_start3A = arith.constant 0 : i32
      %dma_start3A_30 = tpu.memref_slice %arg9[%arg0, %mul3A_29, %dma_start3A] : memref<2x8192x64xf32, #tpu.memory_space<hbm>> -> memref<1x512x64xf32, #tpu.memory_space<hbm>>
      %dma_start3A_31 = tpu.memref_squeeze %dma_start3A_30 : memref<1x512x64xf32, #tpu.memory_space<hbm>> -> memref<512x64xf32, #tpu.memory_space<hbm>>
      %dma_start3A_32 = arith.constant 0 : i32
      %dma_start3A_33 = tpu.memref_slice %arg13[%mul3A_27, %dma_start3A_32] : memref<8192x64xf32, #tpu.memory_space<vmem_shared>> -> memref<512x64xf32, #tpu.memory_space<vmem_shared>>
      tpu.enqueue_dma source(%dma_start3A_33 : memref<512x64xf32, #tpu.memory_space<vmem_shared>>) target(%dma_start3A_31 : memref<512x64xf32, #tpu.memory_space<hbm>>) target_semaphore(%run_scoped3A : memref<!tpu.dma_semaphore, #tpu.memory_space<semaphore_mem>>)
      %dma_wait3A = arith.constant 0 : i32
      %dma_wait3A_34 = tpu.memref_slice %arg9[%arg0, %mul3A_29, %dma_wait3A] : memref<2x8192x64xf32, #tpu.memory_space<hbm>> -> memref<1x512x64xf32, #tpu.memory_space<hbm>>
      %dma_wait3A_35 = tpu.memref_squeeze %dma_wait3A_34 : memref<1x512x64xf32, #tpu.memory_space<hbm>> -> memref<512x64xf32, #tpu.memory_space<hbm>>
      %dma_wait3A_36 = arith.constant 0 : i32
      %dma_wait3A_37 = tpu.memref_slice %arg13[%mul3A_27, %dma_wait3A_36] : memref<8192x64xf32, #tpu.memory_space<vmem_shared>> -> memref<512x64xf32, #tpu.memory_space<vmem_shared>>
      tpu.wait_dma2 semaphore(%run_scoped3A : memref<!tpu.dma_semaphore, #tpu.memory_space<semaphore_mem>>) src(%dma_wait3A_37 : memref<512x64xf32, #tpu.memory_space<vmem_shared>>) dst(%dma_wait3A_35 : memref<512x64xf32, #tpu.memory_space<hbm>>)
      tpu.yield
    }) : () -> ()
    return
  }
}

#map = affine_map<(d0, d1) -> (0, 0)>
#map1 = affine_map<(d0, d1) -> (0, 0, 0)>
module attributes {stable_mosaic.version = 14 : i64} {
  func.func @k(%arg0: i32, %arg1: i32, %arg2: memref<8192x32xf32, #tpu.memory_space<hbm>>, %arg3: memref<8192x32xf32, #tpu.memory_space<hbm>>, %arg4: memref<1024x128xi32, #tpu.memory_space<hbm>>, %arg5: memref<1024x128xi32, #tpu.memory_space<hbm>>, %arg6: memref<1024x128xi32, #tpu.memory_space<hbm>>, %arg7: memref<1024x128xi32, #tpu.memory_space<hbm>>, %arg8: memref<8192x32xf32, #tpu.memory_space<hbm>>, %arg9: memref<2x8192x32xf32, #tpu.memory_space<hbm>>, %arg10: memref<64x128xi32, #tpu.memory_space<vmem>>, %arg11: memref<64x128xi32, #tpu.memory_space<vmem>>, %arg12: memref<2x128x32xf32, #tpu.memory_space<vmem>>, %arg13: memref<8192x32xf32, #tpu.memory_space<vmem_shared>>, %arg14: memref<!tpu.dma_semaphore, #tpu.memory_space<semaphore_mem>>, %arg15: memref<!tpu.dma_semaphore, #tpu.memory_space<semaphore_mem>>) attributes {dimension_semantics = [#tpu.dimension_semantics<core_parallel>, #tpu.dimension_semantics<subcore_parallel>], iteration_bounds = array<i64: 2, 16>, scalar_prefetch = 0 : i64, scratch_operands = 6 : i64, tpu.core_type = #tpu.core_type<sc_vector_subcore>, window_params = [{transform_indices = #map}, {transform_indices = #map}, {transform_indices = #map}, {transform_indices = #map}, {transform_indices = #map}, {transform_indices = #map}, {transform_indices = #map}, {transform_indices = #map1}]} {
    %mul3A = arith.constant 512 : i32
    %mul3A_0 = arith.muli %arg1, %mul3A : i32
    %mul3A_1 = arith.constant 512 : i32
    %mul3A_2 = arith.muli %arg1, %mul3A_1 : i32
    "tpu.region"() ({
      %run_scoped3A = tpu.sem_alloc : memref<!tpu.dma_semaphore, #tpu.memory_space<semaphore_mem>>
      %dma_start3A = arith.constant 0 : i32
      %dma_start3A_30 = tpu.memref_slice %arg13[%mul3A_2, %dma_start3A] : memref<8192x32xf32, #tpu.memory_space<vmem_shared>> -> memref<512x32xf32, #tpu.memory_space<vmem_shared>>
      %dma_start3A_31 = arith.constant 0 : i32
      %dma_start3A_32 = tpu.memref_slice %arg8[%mul3A_0, %dma_start3A_31] : memref<8192x32xf32, #tpu.memory_space<hbm>> -> memref<512x32xf32, #tpu.memory_space<hbm>>
      tpu.enqueue_dma source(%dma_start3A_32 : memref<512x32xf32, #tpu.memory_space<hbm>>) target(%dma_start3A_30 : memref<512x32xf32, #tpu.memory_space<vmem_shared>>) target_semaphore(%run_scoped3A : memref<!tpu.dma_semaphore, #tpu.memory_space<semaphore_mem>>)
      %dma_wait3A = arith.constant 0 : i32
      %dma_wait3A_33 = tpu.memref_slice %arg13[%mul3A_2, %dma_wait3A] : memref<8192x32xf32, #tpu.memory_space<vmem_shared>> -> memref<512x32xf32, #tpu.memory_space<vmem_shared>>
      %dma_wait3A_34 = arith.constant 0 : i32
      %dma_wait3A_35 = tpu.memref_slice %arg8[%mul3A_0, %dma_wait3A_34] : memref<8192x32xf32, #tpu.memory_space<hbm>> -> memref<512x32xf32, #tpu.memory_space<hbm>>
      tpu.wait_dma2 semaphore(%run_scoped3A : memref<!tpu.dma_semaphore, #tpu.memory_space<semaphore_mem>>) src(%dma_wait3A_35 : memref<512x32xf32, #tpu.memory_space<hbm>>) dst(%dma_wait3A_33 : memref<512x32xf32, #tpu.memory_space<vmem_shared>>)
      tpu.yield
    }) : () -> ()
    %eq3A = arith.constant 0 : i32
    %eq3A_3 = arith.cmpi eq, %arg0, %eq3A : i32
    %convert_element_type3A = arith.extui %eq3A_3 : i1 to i32
    %cond3A = arith.constant 0 : i32
    %cond3A_4 = arith.cmpi ne, %convert_element_type3A, %cond3A : i32
    scf.if %cond3A_4 {
      %mul3A_30 = arith.constant 64 : i32
      %mul3A_31 = arith.muli %arg1, %mul3A_30 : i32
      "tpu.region"() ({
        %run_scoped3A = tpu.sem_alloc : memref<!tpu.dma_semaphore, #tpu.memory_space<semaphore_mem>>
        %dma_start3A = arith.constant 0 : i32
        %dma_start3A_34 = tpu.memref_slice %arg4[%mul3A_31, %dma_start3A] : memref<1024x128xi32, #tpu.memory_space<hbm>> -> memref<64x128xi32, #tpu.memory_space<hbm>>
        %dma_start3A_35 = arith.constant 0 : i32
        %dma_start3A_36 = tpu.memref_slice %arg4[%mul3A_31, %dma_start3A_35] : memref<1024x128xi32, #tpu.memory_space<hbm>> -> memref<64x128xi32, #tpu.memory_space<hbm>>
        tpu.enqueue_dma source(%dma_start3A_36 : memref<64x128xi32, #tpu.memory_space<hbm>>) target(%arg10 : memref<64x128xi32, #tpu.memory_space<vmem>>) target_semaphore(%run_scoped3A : memref<!tpu.dma_semaphore, #tpu.memory_space<semaphore_mem>>)
        %dma_wait3A = arith.constant 0 : i32
        %dma_wait3A_37 = tpu.memref_slice %arg4[%mul3A_31, %dma_wait3A] : memref<1024x128xi32, #tpu.memory_space<hbm>> -> memref<64x128xi32, #tpu.memory_space<hbm>>
        %dma_wait3A_38 = arith.constant 0 : i32
        %dma_wait3A_39 = tpu.memref_slice %arg4[%mul3A_31, %dma_wait3A_38] : memref<1024x128xi32, #tpu.memory_space<hbm>> -> memref<64x128xi32, #tpu.memory_space<hbm>>
        tpu.wait_dma2 semaphore(%run_scoped3A : memref<!tpu.dma_semaphore, #tpu.memory_space<semaphore_mem>>) src(%dma_wait3A_39 : memref<64x128xi32, #tpu.memory_space<hbm>>) dst(%arg10 : memref<64x128xi32, #tpu.memory_space<vmem>>)
        tpu.yield
      }) : () -> ()
      %mul3A_32 = arith.constant 64 : i32
      %mul3A_33 = arith.muli %arg1, %mul3A_32 : i32
      "tpu.region"() ({
        %run_scoped3A = tpu.sem_alloc : memref<!tpu.dma_semaphore, #tpu.memory_space<semaphore_mem>>
        %dma_start3A = arith.constant 0 : i32
        %dma_start3A_34 = tpu.memref_slice %arg5[%mul3A_33, %dma_start3A] : memref<1024x128xi32, #tpu.memory_space<hbm>> -> memref<64x128xi32, #tpu.memory_space<hbm>>
        %dma_start3A_35 = arith.constant 0 : i32
        %dma_start3A_36 = tpu.memref_slice %arg5[%mul3A_33, %dma_start3A_35] : memref<1024x128xi32, #tpu.memory_space<hbm>> -> memref<64x128xi32, #tpu.memory_space<hbm>>
        tpu.enqueue_dma source(%dma_start3A_36 : memref<64x128xi32, #tpu.memory_space<hbm>>) target(%arg11 : memref<64x128xi32, #tpu.memory_space<vmem>>) target_semaphore(%run_scoped3A : memref<!tpu.dma_semaphore, #tpu.memory_space<semaphore_mem>>)
        %dma_wait3A = arith.constant 0 : i32
        %dma_wait3A_37 = tpu.memref_slice %arg5[%mul3A_33, %dma_wait3A] : memref<1024x128xi32, #tpu.memory_space<hbm>> -> memref<64x128xi32, #tpu.memory_space<hbm>>
        %dma_wait3A_38 = arith.constant 0 : i32
        %dma_wait3A_39 = tpu.memref_slice %arg5[%mul3A_33, %dma_wait3A_38] : memref<1024x128xi32, #tpu.memory_space<hbm>> -> memref<64x128xi32, #tpu.memory_space<hbm>>
        tpu.wait_dma2 semaphore(%run_scoped3A : memref<!tpu.dma_semaphore, #tpu.memory_space<semaphore_mem>>) src(%dma_wait3A_39 : memref<64x128xi32, #tpu.memory_space<hbm>>) dst(%arg11 : memref<64x128xi32, #tpu.memory_space<vmem>>)
        tpu.yield
      }) : () -> ()
    } else {
    }
    %eq3A_5 = arith.constant 1 : i32
    %eq3A_6 = arith.cmpi eq, %arg0, %eq3A_5 : i32
    %convert_element_type3A_7 = arith.extui %eq3A_6 : i1 to i32
    %cond3A_8 = arith.constant 0 : i32
    %cond3A_9 = arith.cmpi ne, %convert_element_type3A_7, %cond3A_8 : i32
    scf.if %cond3A_9 {
      %mul3A_30 = arith.constant 64 : i32
      %mul3A_31 = arith.muli %arg1, %mul3A_30 : i32
      "tpu.region"() ({
        %run_scoped3A = tpu.sem_alloc : memref<!tpu.dma_semaphore, #tpu.memory_space<semaphore_mem>>
        %dma_start3A = arith.constant 0 : i32
        %dma_start3A_34 = tpu.memref_slice %arg6[%mul3A_31, %dma_start3A] : memref<1024x128xi32, #tpu.memory_space<hbm>> -> memref<64x128xi32, #tpu.memory_space<hbm>>
        %dma_start3A_35 = arith.constant 0 : i32
        %dma_start3A_36 = tpu.memref_slice %arg6[%mul3A_31, %dma_start3A_35] : memref<1024x128xi32, #tpu.memory_space<hbm>> -> memref<64x128xi32, #tpu.memory_space<hbm>>
        tpu.enqueue_dma source(%dma_start3A_36 : memref<64x128xi32, #tpu.memory_space<hbm>>) target(%arg10 : memref<64x128xi32, #tpu.memory_space<vmem>>) target_semaphore(%run_scoped3A : memref<!tpu.dma_semaphore, #tpu.memory_space<semaphore_mem>>)
        %dma_wait3A = arith.constant 0 : i32
        %dma_wait3A_37 = tpu.memref_slice %arg6[%mul3A_31, %dma_wait3A] : memref<1024x128xi32, #tpu.memory_space<hbm>> -> memref<64x128xi32, #tpu.memory_space<hbm>>
        %dma_wait3A_38 = arith.constant 0 : i32
        %dma_wait3A_39 = tpu.memref_slice %arg6[%mul3A_31, %dma_wait3A_38] : memref<1024x128xi32, #tpu.memory_space<hbm>> -> memref<64x128xi32, #tpu.memory_space<hbm>>
        tpu.wait_dma2 semaphore(%run_scoped3A : memref<!tpu.dma_semaphore, #tpu.memory_space<semaphore_mem>>) src(%dma_wait3A_39 : memref<64x128xi32, #tpu.memory_space<hbm>>) dst(%arg10 : memref<64x128xi32, #tpu.memory_space<vmem>>)
        tpu.yield
      }) : () -> ()
      %mul3A_32 = arith.constant 64 : i32
      %mul3A_33 = arith.muli %arg1, %mul3A_32 : i32
      "tpu.region"() ({
        %run_scoped3A = tpu.sem_alloc : memref<!tpu.dma_semaphore, #tpu.memory_space<semaphore_mem>>
        %dma_start3A = arith.constant 0 : i32
        %dma_start3A_34 = tpu.memref_slice %arg7[%mul3A_33, %dma_start3A] : memref<1024x128xi32, #tpu.memory_space<hbm>> -> memref<64x128xi32, #tpu.memory_space<hbm>>
        %dma_start3A_35 = arith.constant 0 : i32
        %dma_start3A_36 = tpu.memref_slice %arg7[%mul3A_33, %dma_start3A_35] : memref<1024x128xi32, #tpu.memory_space<hbm>> -> memref<64x128xi32, #tpu.memory_space<hbm>>
        tpu.enqueue_dma source(%dma_start3A_36 : memref<64x128xi32, #tpu.memory_space<hbm>>) target(%arg11 : memref<64x128xi32, #tpu.memory_space<vmem>>) target_semaphore(%run_scoped3A : memref<!tpu.dma_semaphore, #tpu.memory_space<semaphore_mem>>)
        %dma_wait3A = arith.constant 0 : i32
        %dma_wait3A_37 = tpu.memref_slice %arg7[%mul3A_33, %dma_wait3A] : memref<1024x128xi32, #tpu.memory_space<hbm>> -> memref<64x128xi32, #tpu.memory_space<hbm>>
        %dma_wait3A_38 = arith.constant 0 : i32
        %dma_wait3A_39 = tpu.memref_slice %arg7[%mul3A_33, %dma_wait3A_38] : memref<1024x128xi32, #tpu.memory_space<hbm>> -> memref<64x128xi32, #tpu.memory_space<hbm>>
        tpu.wait_dma2 semaphore(%run_scoped3A : memref<!tpu.dma_semaphore, #tpu.memory_space<semaphore_mem>>) src(%dma_wait3A_39 : memref<64x128xi32, #tpu.memory_space<hbm>>) dst(%arg11 : memref<64x128xi32, #tpu.memory_space<vmem>>)
        tpu.yield
      }) : () -> ()
    } else {
    }
    %barrier3A = arith.constant 0 : index
    tpu.barrier barrier_id(%barrier3A)
    %eq3A_10 = arith.constant 0 : i32
    %eq3A_11 = arith.cmpi eq, %arg0, %eq3A_10 : i32
    %convert_element_type3A_12 = arith.extui %eq3A_11 : i1 to i32
    %cond3A_13 = arith.constant 0 : i32
    %cond3A_14 = arith.cmpi ne, %convert_element_type3A_12, %cond3A_13 : i32
    scf.if %cond3A_14 {
      %dma_start3A = arith.constant 0 : i32
      %dma_start3A_30 = arith.constant 0 : i32
      %dma_start3A_31 = arith.constant 0 : i32
      %dma_start3A_32 = arith.constant 0 : i32
      %dma_start3A_33 = tpu.memref_slice %arg12[%dma_start3A_30, %dma_start3A_31, %dma_start3A_32] : memref<2x128x32xf32, #tpu.memory_space<vmem>> -> memref<1x128x32xf32, #tpu.memory_space<vmem>>
      %dma_start3A_34 = tpu.memref_squeeze %dma_start3A_33 : memref<1x128x32xf32, #tpu.memory_space<vmem>> -> memref<128x32xf32, #tpu.memory_space<vmem>>
      %dma_start3A_35 = arith.constant 0 : i32
      %dma_start3A_36 = tpu.memref_slice %arg10[%dma_start3A, %dma_start3A_35] : memref<64x128xi32, #tpu.memory_space<vmem>> -> memref<1x128xi32, #tpu.memory_space<vmem>>
      %dma_start3A_37 = tpu.memref_squeeze %dma_start3A_36 : memref<1x128xi32, #tpu.memory_space<vmem>> -> memref<128xi32, #tpu.memory_space<vmem>>
      %dma_start3A_38 = arith.constant 0 : i32
      %dma_start3A_39 = arith.constant 0 : i32
      %dma_start3A_40 = tpu.memref_slice %arg2[%dma_start3A_38, %dma_start3A_39] : memref<8192x32xf32, #tpu.memory_space<hbm>> -> memref<8192x32xf32, #tpu.memory_space<hbm>>
      tpu.enqueue_indirect_dma source(%dma_start3A_40 : memref<8192x32xf32, #tpu.memory_space<hbm>>) target(%dma_start3A_34 : memref<128x32xf32, #tpu.memory_space<vmem>>) offsets(%dma_start3A_37 : memref<128xi32, #tpu.memory_space<vmem>>) semaphore(%arg14 : memref<!tpu.dma_semaphore, #tpu.memory_space<semaphore_mem>>)
    } else {
    }
    %eq3A_15 = arith.constant 1 : i32
    %eq3A_16 = arith.cmpi eq, %arg0, %eq3A_15 : i32
    %convert_element_type3A_17 = arith.extui %eq3A_16 : i1 to i32
    %cond3A_18 = arith.constant 0 : i32
    %cond3A_19 = arith.cmpi ne, %convert_element_type3A_17, %cond3A_18 : i32
    scf.if %cond3A_19 {
      %dma_start3A = arith.constant 0 : i32
      %dma_start3A_30 = arith.constant 0 : i32
      %dma_start3A_31 = arith.constant 0 : i32
      %dma_start3A_32 = arith.constant 0 : i32
      %dma_start3A_33 = tpu.memref_slice %arg12[%dma_start3A_30, %dma_start3A_31, %dma_start3A_32] : memref<2x128x32xf32, #tpu.memory_space<vmem>> -> memref<1x128x32xf32, #tpu.memory_space<vmem>>
      %dma_start3A_34 = tpu.memref_squeeze %dma_start3A_33 : memref<1x128x32xf32, #tpu.memory_space<vmem>> -> memref<128x32xf32, #tpu.memory_space<vmem>>
      %dma_start3A_35 = arith.constant 0 : i32
      %dma_start3A_36 = tpu.memref_slice %arg10[%dma_start3A, %dma_start3A_35] : memref<64x128xi32, #tpu.memory_space<vmem>> -> memref<1x128xi32, #tpu.memory_space<vmem>>
      %dma_start3A_37 = tpu.memref_squeeze %dma_start3A_36 : memref<1x128xi32, #tpu.memory_space<vmem>> -> memref<128xi32, #tpu.memory_space<vmem>>
      %dma_start3A_38 = arith.constant 0 : i32
      %dma_start3A_39 = arith.constant 0 : i32
      %dma_start3A_40 = tpu.memref_slice %arg3[%dma_start3A_38, %dma_start3A_39] : memref<8192x32xf32, #tpu.memory_space<hbm>> -> memref<8192x32xf32, #tpu.memory_space<hbm>>
      tpu.enqueue_indirect_dma source(%dma_start3A_40 : memref<8192x32xf32, #tpu.memory_space<hbm>>) target(%dma_start3A_34 : memref<128x32xf32, #tpu.memory_space<vmem>>) offsets(%dma_start3A_37 : memref<128xi32, #tpu.memory_space<vmem>>) semaphore(%arg14 : memref<!tpu.dma_semaphore, #tpu.memory_space<semaphore_mem>>)
    } else {
    }
    %scan3A = arith.constant 0 : i32
    %scan3A_20 = arith.constant 0 : i32
    %scan3A_21 = arith.constant 32 : i32
    %scan3A_22 = arith.addi %scan3A_20, %scan3A_21 : i32
    %scan3A_23 = arith.constant 1 : i32
    scf.for %scan3A_30 = %scan3A_20 to %scan3A_22 step %scan3A_23  : i32 {
      %mul3A_31 = arith.constant 2 : i32
      %mul3A_32 = arith.muli %scan3A_30, %mul3A_31 : i32
      %add3A = arith.constant 1 : i32
      %add3A_33 = arith.addi %mul3A_32, %add3A : i32
      %eq3A_34 = arith.constant 0 : i32
      %eq3A_35 = arith.cmpi eq, %arg0, %eq3A_34 : i32
      %convert_element_type3A_36 = arith.extui %eq3A_35 : i1 to i32
      %cond3A_37 = arith.constant 0 : i32
      %cond3A_38 = arith.cmpi ne, %convert_element_type3A_36, %cond3A_37 : i32
      scf.if %cond3A_38 {
        %dma_start3A = arith.constant 1 : i32
        %dma_start3A_73 = arith.constant 0 : i32
        %dma_start3A_74 = arith.constant 0 : i32
        %dma_start3A_75 = tpu.memref_slice %arg12[%dma_start3A, %dma_start3A_73, %dma_start3A_74] : memref<2x128x32xf32, #tpu.memory_space<vmem>> -> memref<1x128x32xf32, #tpu.memory_space<vmem>>
        %dma_start3A_76 = tpu.memref_squeeze %dma_start3A_75 : memref<1x128x32xf32, #tpu.memory_space<vmem>> -> memref<128x32xf32, #tpu.memory_space<vmem>>
        %dma_start3A_77 = arith.constant 0 : i32
        %dma_start3A_78 = tpu.memref_slice %arg10[%add3A_33, %dma_start3A_77] : memref<64x128xi32, #tpu.memory_space<vmem>> -> memref<1x128xi32, #tpu.memory_space<vmem>>
        %dma_start3A_79 = tpu.memref_squeeze %dma_start3A_78 : memref<1x128xi32, #tpu.memory_space<vmem>> -> memref<128xi32, #tpu.memory_space<vmem>>
        %dma_start3A_80 = arith.constant 0 : i32
        %dma_start3A_81 = arith.constant 0 : i32
        %dma_start3A_82 = tpu.memref_slice %arg2[%dma_start3A_80, %dma_start3A_81] : memref<8192x32xf32, #tpu.memory_space<hbm>> -> memref<8192x32xf32, #tpu.memory_space<hbm>>
        tpu.enqueue_indirect_dma source(%dma_start3A_82 : memref<8192x32xf32, #tpu.memory_space<hbm>>) target(%dma_start3A_76 : memref<128x32xf32, #tpu.memory_space<vmem>>) offsets(%dma_start3A_79 : memref<128xi32, #tpu.memory_space<vmem>>) semaphore(%arg15 : memref<!tpu.dma_semaphore, #tpu.memory_space<semaphore_mem>>)
      } else {
      }
      %eq3A_39 = arith.constant 1 : i32
      %eq3A_40 = arith.cmpi eq, %arg0, %eq3A_39 : i32
      %convert_element_type3A_41 = arith.extui %eq3A_40 : i1 to i32
      %cond3A_42 = arith.constant 0 : i32
      %cond3A_43 = arith.cmpi ne, %convert_element_type3A_41, %cond3A_42 : i32
      scf.if %cond3A_43 {
        %dma_start3A = arith.constant 1 : i32
        %dma_start3A_73 = arith.constant 0 : i32
        %dma_start3A_74 = arith.constant 0 : i32
        %dma_start3A_75 = tpu.memref_slice %arg12[%dma_start3A, %dma_start3A_73, %dma_start3A_74] : memref<2x128x32xf32, #tpu.memory_space<vmem>> -> memref<1x128x32xf32, #tpu.memory_space<vmem>>
        %dma_start3A_76 = tpu.memref_squeeze %dma_start3A_75 : memref<1x128x32xf32, #tpu.memory_space<vmem>> -> memref<128x32xf32, #tpu.memory_space<vmem>>
        %dma_start3A_77 = arith.constant 0 : i32
        %dma_start3A_78 = tpu.memref_slice %arg10[%add3A_33, %dma_start3A_77] : memref<64x128xi32, #tpu.memory_space<vmem>> -> memref<1x128xi32, #tpu.memory_space<vmem>>
        %dma_start3A_79 = tpu.memref_squeeze %dma_start3A_78 : memref<1x128xi32, #tpu.memory_space<vmem>> -> memref<128xi32, #tpu.memory_space<vmem>>
        %dma_start3A_80 = arith.constant 0 : i32
        %dma_start3A_81 = arith.constant 0 : i32
        %dma_start3A_82 = tpu.memref_slice %arg3[%dma_start3A_80, %dma_start3A_81] : memref<8192x32xf32, #tpu.memory_space<hbm>> -> memref<8192x32xf32, #tpu.memory_space<hbm>>
        tpu.enqueue_indirect_dma source(%dma_start3A_82 : memref<8192x32xf32, #tpu.memory_space<hbm>>) target(%dma_start3A_76 : memref<128x32xf32, #tpu.memory_space<vmem>>) offsets(%dma_start3A_79 : memref<128xi32, #tpu.memory_space<vmem>>) semaphore(%arg15 : memref<!tpu.dma_semaphore, #tpu.memory_space<semaphore_mem>>)
      } else {
      }
      %eq3A_44 = arith.constant 0 : i32
      %eq3A_45 = arith.cmpi eq, %arg0, %eq3A_44 : i32
      %convert_element_type3A_46 = arith.extui %eq3A_45 : i1 to i32
      %cond3A_47 = arith.constant 0 : i32
      %cond3A_48 = arith.cmpi ne, %convert_element_type3A_46, %cond3A_47 : i32
      scf.if %cond3A_48 {
        %dma_wait3A = arith.constant 0 : i32
        %dma_wait3A_73 = arith.constant 0 : i32
        %dma_wait3A_74 = arith.constant 0 : i32
        %dma_wait3A_75 = tpu.memref_slice %arg12[%dma_wait3A, %dma_wait3A_73, %dma_wait3A_74] : memref<2x128x32xf32, #tpu.memory_space<vmem>> -> memref<1x128x32xf32, #tpu.memory_space<vmem>>
        %dma_wait3A_76 = tpu.memref_squeeze %dma_wait3A_75 : memref<1x128x32xf32, #tpu.memory_space<vmem>> -> memref<128x32xf32, #tpu.memory_space<vmem>>
        %dma_wait3A_77 = arith.constant 0 : i32
        %dma_wait3A_78 = tpu.memref_slice %arg10[%mul3A_32, %dma_wait3A_77] : memref<64x128xi32, #tpu.memory_space<vmem>> -> memref<1x128xi32, #tpu.memory_space<vmem>>
        %dma_wait3A_79 = tpu.memref_squeeze %dma_wait3A_78 : memref<1x128xi32, #tpu.memory_space<vmem>> -> memref<128xi32, #tpu.memory_space<vmem>>
        %dma_wait3A_80 = arith.constant 0 : i32
        %dma_wait3A_81 = arith.constant 0 : i32
        %dma_wait3A_82 = tpu.memref_slice %arg2[%dma_wait3A_80, %dma_wait3A_81] : memref<8192x32xf32, #tpu.memory_space<hbm>> -> memref<8192x32xf32, #tpu.memory_space<hbm>>
        tpu.wait_indirect_dma semaphore(%arg14 : memref<!tpu.dma_semaphore, #tpu.memory_space<semaphore_mem>>) src(%dma_wait3A_82 : memref<8192x32xf32, #tpu.memory_space<hbm>>) dst(%dma_wait3A_76 : memref<128x32xf32, #tpu.memory_space<vmem>>)
      } else {
      }
      %eq3A_49 = arith.constant 1 : i32
      %eq3A_50 = arith.cmpi eq, %arg0, %eq3A_49 : i32
      %convert_element_type3A_51 = arith.extui %eq3A_50 : i1 to i32
      %cond3A_52 = arith.constant 0 : i32
      %cond3A_53 = arith.cmpi ne, %convert_element_type3A_51, %cond3A_52 : i32
      scf.if %cond3A_53 {
        %dma_wait3A = arith.constant 0 : i32
        %dma_wait3A_73 = arith.constant 0 : i32
        %dma_wait3A_74 = arith.constant 0 : i32
        %dma_wait3A_75 = tpu.memref_slice %arg12[%dma_wait3A, %dma_wait3A_73, %dma_wait3A_74] : memref<2x128x32xf32, #tpu.memory_space<vmem>> -> memref<1x128x32xf32, #tpu.memory_space<vmem>>
        %dma_wait3A_76 = tpu.memref_squeeze %dma_wait3A_75 : memref<1x128x32xf32, #tpu.memory_space<vmem>> -> memref<128x32xf32, #tpu.memory_space<vmem>>
        %dma_wait3A_77 = arith.constant 0 : i32
        %dma_wait3A_78 = tpu.memref_slice %arg10[%mul3A_32, %dma_wait3A_77] : memref<64x128xi32, #tpu.memory_space<vmem>> -> memref<1x128xi32, #tpu.memory_space<vmem>>
        %dma_wait3A_79 = tpu.memref_squeeze %dma_wait3A_78 : memref<1x128xi32, #tpu.memory_space<vmem>> -> memref<128xi32, #tpu.memory_space<vmem>>
        %dma_wait3A_80 = arith.constant 0 : i32
        %dma_wait3A_81 = arith.constant 0 : i32
        %dma_wait3A_82 = tpu.memref_slice %arg3[%dma_wait3A_80, %dma_wait3A_81] : memref<8192x32xf32, #tpu.memory_space<hbm>> -> memref<8192x32xf32, #tpu.memory_space<hbm>>
        tpu.wait_indirect_dma semaphore(%arg14 : memref<!tpu.dma_semaphore, #tpu.memory_space<semaphore_mem>>) src(%dma_wait3A_82 : memref<8192x32xf32, #tpu.memory_space<hbm>>) dst(%dma_wait3A_76 : memref<128x32xf32, #tpu.memory_space<vmem>>)
      } else {
      }
      %run_scoped3A = arith.constant 0 : i32
      "tpu.region"() ({
        %run_scoped3A_73 = tpu.sem_alloc : memref<!tpu.dma_semaphore, #tpu.memory_space<semaphore_mem>>
        %dma_start3A = arith.constant 0 : i32
        %dma_start3A_74 = arith.constant 0 : i32
        %dma_start3A_75 = tpu.memref_slice %arg12[%run_scoped3A, %dma_start3A, %dma_start3A_74] : memref<2x128x32xf32, #tpu.memory_space<vmem>> -> memref<1x128x32xf32, #tpu.memory_space<vmem>>
        %dma_start3A_76 = tpu.memref_squeeze %dma_start3A_75 : memref<1x128x32xf32, #tpu.memory_space<vmem>> -> memref<128x32xf32, #tpu.memory_space<vmem>>
        %dma_start3A_77 = arith.constant 0 : i32
        %dma_start3A_78 = tpu.memref_slice %arg11[%mul3A_32, %dma_start3A_77] : memref<64x128xi32, #tpu.memory_space<vmem>> -> memref<1x128xi32, #tpu.memory_space<vmem>>
        %dma_start3A_79 = tpu.memref_squeeze %dma_start3A_78 : memref<1x128xi32, #tpu.memory_space<vmem>> -> memref<128xi32, #tpu.memory_space<vmem>>
        %dma_start3A_80 = arith.constant 0 : i32
        %dma_start3A_81 = arith.constant 0 : i32
        %dma_start3A_82 = tpu.memref_slice %arg13[%dma_start3A_80, %dma_start3A_81] : memref<8192x32xf32, #tpu.memory_space<vmem_shared>> -> memref<8192x32xf32, #tpu.memory_space<vmem_shared>>
        tpu.enqueue_indirect_dma source(%dma_start3A_76 : memref<128x32xf32, #tpu.memory_space<vmem>>) target(%dma_start3A_82 : memref<8192x32xf32, #tpu.memory_space<vmem_shared>>) offsets(%dma_start3A_79 : memref<128xi32, #tpu.memory_space<vmem>>) semaphore(%run_scoped3A_73 : memref<!tpu.dma_semaphore, #tpu.memory_space<semaphore_mem>>) {add = true}
        %dma_wait3A = arith.constant 0 : i32
        %dma_wait3A_83 = arith.constant 0 : i32
        %dma_wait3A_84 = tpu.memref_slice %arg12[%run_scoped3A, %dma_wait3A, %dma_wait3A_83] : memref<2x128x32xf32, #tpu.memory_space<vmem>> -> memref<1x128x32xf32, #tpu.memory_space<vmem>>
        %dma_wait3A_85 = tpu.memref_squeeze %dma_wait3A_84 : memref<1x128x32xf32, #tpu.memory_space<vmem>> -> memref<128x32xf32, #tpu.memory_space<vmem>>
        %dma_wait3A_86 = arith.constant 0 : i32
        %dma_wait3A_87 = tpu.memref_slice %arg11[%mul3A_32, %dma_wait3A_86] : memref<64x128xi32, #tpu.memory_space<vmem>> -> memref<1x128xi32, #tpu.memory_space<vmem>>
        %dma_wait3A_88 = tpu.memref_squeeze %dma_wait3A_87 : memref<1x128xi32, #tpu.memory_space<vmem>> -> memref<128xi32, #tpu.memory_space<vmem>>
        %dma_wait3A_89 = arith.constant 0 : i32
        %dma_wait3A_90 = arith.constant 0 : i32
        %dma_wait3A_91 = tpu.memref_slice %arg13[%dma_wait3A_89, %dma_wait3A_90] : memref<8192x32xf32, #tpu.memory_space<vmem_shared>> -> memref<8192x32xf32, #tpu.memory_space<vmem_shared>>
        tpu.wait_indirect_dma semaphore(%run_scoped3A_73 : memref<!tpu.dma_semaphore, #tpu.memory_space<semaphore_mem>>) src(%dma_wait3A_85 : memref<128x32xf32, #tpu.memory_space<vmem>>) dst(%dma_wait3A_91 : memref<8192x32xf32, #tpu.memory_space<vmem_shared>>)
        tpu.yield
      }) : () -> ()
      %add3A_54 = arith.constant 2 : i32
      %add3A_55 = arith.addi %mul3A_32, %add3A_54 : i32
      %lt3A = arith.constant 64 : i32
      %lt3A_56 = arith.cmpi slt, %add3A_55, %lt3A : i32
      %convert_element_type3A_57 = arith.extui %lt3A_56 : i1 to i32
      %cond3A_58 = arith.constant 0 : i32
      %cond3A_59 = arith.cmpi ne, %convert_element_type3A_57, %cond3A_58 : i32
      scf.if %cond3A_59 {
        %add3A_73 = arith.constant 2 : i32
        %add3A_74 = arith.addi %mul3A_32, %add3A_73 : i32
        %eq3A_75 = arith.constant 0 : i32
        %eq3A_76 = arith.cmpi eq, %arg0, %eq3A_75 : i32
        %convert_element_type3A_77 = arith.extui %eq3A_76 : i1 to i32
        %cond3A_78 = arith.constant 0 : i32
        %cond3A_79 = arith.cmpi ne, %convert_element_type3A_77, %cond3A_78 : i32
        scf.if %cond3A_79 {
          %dma_start3A = arith.constant 0 : i32
          %dma_start3A_85 = arith.constant 0 : i32
          %dma_start3A_86 = arith.constant 0 : i32
          %dma_start3A_87 = tpu.memref_slice %arg12[%dma_start3A, %dma_start3A_85, %dma_start3A_86] : memref<2x128x32xf32, #tpu.memory_space<vmem>> -> memref<1x128x32xf32, #tpu.memory_space<vmem>>
          %dma_start3A_88 = tpu.memref_squeeze %dma_start3A_87 : memref<1x128x32xf32, #tpu.memory_space<vmem>> -> memref<128x32xf32, #tpu.memory_space<vmem>>
          %dma_start3A_89 = arith.constant 0 : i32
          %dma_start3A_90 = tpu.memref_slice %arg10[%add3A_74, %dma_start3A_89] : memref<64x128xi32, #tpu.memory_space<vmem>> -> memref<1x128xi32, #tpu.memory_space<vmem>>
          %dma_start3A_91 = tpu.memref_squeeze %dma_start3A_90 : memref<1x128xi32, #tpu.memory_space<vmem>> -> memref<128xi32, #tpu.memory_space<vmem>>
          %dma_start3A_92 = arith.constant 0 : i32
          %dma_start3A_93 = arith.constant 0 : i32
          %dma_start3A_94 = tpu.memref_slice %arg2[%dma_start3A_92, %dma_start3A_93] : memref<8192x32xf32, #tpu.memory_space<hbm>> -> memref<8192x32xf32, #tpu.memory_space<hbm>>
          tpu.enqueue_indirect_dma source(%dma_start3A_94 : memref<8192x32xf32, #tpu.memory_space<hbm>>) target(%dma_start3A_88 : memref<128x32xf32, #tpu.memory_space<vmem>>) offsets(%dma_start3A_91 : memref<128xi32, #tpu.memory_space<vmem>>) semaphore(%arg14 : memref<!tpu.dma_semaphore, #tpu.memory_space<semaphore_mem>>)
        } else {
        }
        %eq3A_80 = arith.constant 1 : i32
        %eq3A_81 = arith.cmpi eq, %arg0, %eq3A_80 : i32
        %convert_element_type3A_82 = arith.extui %eq3A_81 : i1 to i32
        %cond3A_83 = arith.constant 0 : i32
        %cond3A_84 = arith.cmpi ne, %convert_element_type3A_82, %cond3A_83 : i32
        scf.if %cond3A_84 {
          %dma_start3A = arith.constant 0 : i32
          %dma_start3A_85 = arith.constant 0 : i32
          %dma_start3A_86 = arith.constant 0 : i32
          %dma_start3A_87 = tpu.memref_slice %arg12[%dma_start3A, %dma_start3A_85, %dma_start3A_86] : memref<2x128x32xf32, #tpu.memory_space<vmem>> -> memref<1x128x32xf32, #tpu.memory_space<vmem>>
          %dma_start3A_88 = tpu.memref_squeeze %dma_start3A_87 : memref<1x128x32xf32, #tpu.memory_space<vmem>> -> memref<128x32xf32, #tpu.memory_space<vmem>>
          %dma_start3A_89 = arith.constant 0 : i32
          %dma_start3A_90 = tpu.memref_slice %arg10[%add3A_74, %dma_start3A_89] : memref<64x128xi32, #tpu.memory_space<vmem>> -> memref<1x128xi32, #tpu.memory_space<vmem>>
          %dma_start3A_91 = tpu.memref_squeeze %dma_start3A_90 : memref<1x128xi32, #tpu.memory_space<vmem>> -> memref<128xi32, #tpu.memory_space<vmem>>
          %dma_start3A_92 = arith.constant 0 : i32
          %dma_start3A_93 = arith.constant 0 : i32
          %dma_start3A_94 = tpu.memref_slice %arg3[%dma_start3A_92, %dma_start3A_93] : memref<8192x32xf32, #tpu.memory_space<hbm>> -> memref<8192x32xf32, #tpu.memory_space<hbm>>
          tpu.enqueue_indirect_dma source(%dma_start3A_94 : memref<8192x32xf32, #tpu.memory_space<hbm>>) target(%dma_start3A_88 : memref<128x32xf32, #tpu.memory_space<vmem>>) offsets(%dma_start3A_91 : memref<128xi32, #tpu.memory_space<vmem>>) semaphore(%arg14 : memref<!tpu.dma_semaphore, #tpu.memory_space<semaphore_mem>>)
        } else {
        }
      } else {
      }
      %add3A_60 = arith.constant 1 : i32
      %add3A_61 = arith.addi %mul3A_32, %add3A_60 : i32
      %eq3A_62 = arith.constant 0 : i32
      %eq3A_63 = arith.cmpi eq, %arg0, %eq3A_62 : i32
      %convert_element_type3A_64 = arith.extui %eq3A_63 : i1 to i32
      %cond3A_65 = arith.constant 0 : i32
      %cond3A_66 = arith.cmpi ne, %convert_element_type3A_64, %cond3A_65 : i32
      scf.if %cond3A_66 {
        %dma_wait3A = arith.constant 1 : i32
        %dma_wait3A_73 = arith.constant 0 : i32
        %dma_wait3A_74 = arith.constant 0 : i32
        %dma_wait3A_75 = tpu.memref_slice %arg12[%dma_wait3A, %dma_wait3A_73, %dma_wait3A_74] : memref<2x128x32xf32, #tpu.memory_space<vmem>> -> memref<1x128x32xf32, #tpu.memory_space<vmem>>
        %dma_wait3A_76 = tpu.memref_squeeze %dma_wait3A_75 : memref<1x128x32xf32, #tpu.memory_space<vmem>> -> memref<128x32xf32, #tpu.memory_space<vmem>>
        %dma_wait3A_77 = arith.constant 0 : i32
        %dma_wait3A_78 = tpu.memref_slice %arg10[%add3A_61, %dma_wait3A_77] : memref<64x128xi32, #tpu.memory_space<vmem>> -> memref<1x128xi32, #tpu.memory_space<vmem>>
        %dma_wait3A_79 = tpu.memref_squeeze %dma_wait3A_78 : memref<1x128xi32, #tpu.memory_space<vmem>> -> memref<128xi32, #tpu.memory_space<vmem>>
        %dma_wait3A_80 = arith.constant 0 : i32
        %dma_wait3A_81 = arith.constant 0 : i32
        %dma_wait3A_82 = tpu.memref_slice %arg2[%dma_wait3A_80, %dma_wait3A_81] : memref<8192x32xf32, #tpu.memory_space<hbm>> -> memref<8192x32xf32, #tpu.memory_space<hbm>>
        tpu.wait_indirect_dma semaphore(%arg15 : memref<!tpu.dma_semaphore, #tpu.memory_space<semaphore_mem>>) src(%dma_wait3A_82 : memref<8192x32xf32, #tpu.memory_space<hbm>>) dst(%dma_wait3A_76 : memref<128x32xf32, #tpu.memory_space<vmem>>)
      } else {
      }
      %eq3A_67 = arith.constant 1 : i32
      %eq3A_68 = arith.cmpi eq, %arg0, %eq3A_67 : i32
      %convert_element_type3A_69 = arith.extui %eq3A_68 : i1 to i32
      %cond3A_70 = arith.constant 0 : i32
      %cond3A_71 = arith.cmpi ne, %convert_element_type3A_69, %cond3A_70 : i32
      scf.if %cond3A_71 {
        %dma_wait3A = arith.constant 1 : i32
        %dma_wait3A_73 = arith.constant 0 : i32
        %dma_wait3A_74 = arith.constant 0 : i32
        %dma_wait3A_75 = tpu.memref_slice %arg12[%dma_wait3A, %dma_wait3A_73, %dma_wait3A_74] : memref<2x128x32xf32, #tpu.memory_space<vmem>> -> memref<1x128x32xf32, #tpu.memory_space<vmem>>
        %dma_wait3A_76 = tpu.memref_squeeze %dma_wait3A_75 : memref<1x128x32xf32, #tpu.memory_space<vmem>> -> memref<128x32xf32, #tpu.memory_space<vmem>>
        %dma_wait3A_77 = arith.constant 0 : i32
        %dma_wait3A_78 = tpu.memref_slice %arg10[%add3A_61, %dma_wait3A_77] : memref<64x128xi32, #tpu.memory_space<vmem>> -> memref<1x128xi32, #tpu.memory_space<vmem>>
        %dma_wait3A_79 = tpu.memref_squeeze %dma_wait3A_78 : memref<1x128xi32, #tpu.memory_space<vmem>> -> memref<128xi32, #tpu.memory_space<vmem>>
        %dma_wait3A_80 = arith.constant 0 : i32
        %dma_wait3A_81 = arith.constant 0 : i32
        %dma_wait3A_82 = tpu.memref_slice %arg3[%dma_wait3A_80, %dma_wait3A_81] : memref<8192x32xf32, #tpu.memory_space<hbm>> -> memref<8192x32xf32, #tpu.memory_space<hbm>>
        tpu.wait_indirect_dma semaphore(%arg15 : memref<!tpu.dma_semaphore, #tpu.memory_space<semaphore_mem>>) src(%dma_wait3A_82 : memref<8192x32xf32, #tpu.memory_space<hbm>>) dst(%dma_wait3A_76 : memref<128x32xf32, #tpu.memory_space<vmem>>)
      } else {
      }
      %run_scoped3A_72 = arith.constant 1 : i32
      "tpu.region"() ({
        %run_scoped3A_73 = tpu.sem_alloc : memref<!tpu.dma_semaphore, #tpu.memory_space<semaphore_mem>>
        %dma_start3A = arith.constant 0 : i32
        %dma_start3A_74 = arith.constant 0 : i32
        %dma_start3A_75 = tpu.memref_slice %arg12[%run_scoped3A_72, %dma_start3A, %dma_start3A_74] : memref<2x128x32xf32, #tpu.memory_space<vmem>> -> memref<1x128x32xf32, #tpu.memory_space<vmem>>
        %dma_start3A_76 = tpu.memref_squeeze %dma_start3A_75 : memref<1x128x32xf32, #tpu.memory_space<vmem>> -> memref<128x32xf32, #tpu.memory_space<vmem>>
        %dma_start3A_77 = arith.constant 0 : i32
        %dma_start3A_78 = tpu.memref_slice %arg11[%add3A_61, %dma_start3A_77] : memref<64x128xi32, #tpu.memory_space<vmem>> -> memref<1x128xi32, #tpu.memory_space<vmem>>
        %dma_start3A_79 = tpu.memref_squeeze %dma_start3A_78 : memref<1x128xi32, #tpu.memory_space<vmem>> -> memref<128xi32, #tpu.memory_space<vmem>>
        %dma_start3A_80 = arith.constant 0 : i32
        %dma_start3A_81 = arith.constant 0 : i32
        %dma_start3A_82 = tpu.memref_slice %arg13[%dma_start3A_80, %dma_start3A_81] : memref<8192x32xf32, #tpu.memory_space<vmem_shared>> -> memref<8192x32xf32, #tpu.memory_space<vmem_shared>>
        tpu.enqueue_indirect_dma source(%dma_start3A_76 : memref<128x32xf32, #tpu.memory_space<vmem>>) target(%dma_start3A_82 : memref<8192x32xf32, #tpu.memory_space<vmem_shared>>) offsets(%dma_start3A_79 : memref<128xi32, #tpu.memory_space<vmem>>) semaphore(%run_scoped3A_73 : memref<!tpu.dma_semaphore, #tpu.memory_space<semaphore_mem>>) {add = true}
        %dma_wait3A = arith.constant 0 : i32
        %dma_wait3A_83 = arith.constant 0 : i32
        %dma_wait3A_84 = tpu.memref_slice %arg12[%run_scoped3A_72, %dma_wait3A, %dma_wait3A_83] : memref<2x128x32xf32, #tpu.memory_space<vmem>> -> memref<1x128x32xf32, #tpu.memory_space<vmem>>
        %dma_wait3A_85 = tpu.memref_squeeze %dma_wait3A_84 : memref<1x128x32xf32, #tpu.memory_space<vmem>> -> memref<128x32xf32, #tpu.memory_space<vmem>>
        %dma_wait3A_86 = arith.constant 0 : i32
        %dma_wait3A_87 = tpu.memref_slice %arg11[%add3A_61, %dma_wait3A_86] : memref<64x128xi32, #tpu.memory_space<vmem>> -> memref<1x128xi32, #tpu.memory_space<vmem>>
        %dma_wait3A_88 = tpu.memref_squeeze %dma_wait3A_87 : memref<1x128xi32, #tpu.memory_space<vmem>> -> memref<128xi32, #tpu.memory_space<vmem>>
        %dma_wait3A_89 = arith.constant 0 : i32
        %dma_wait3A_90 = arith.constant 0 : i32
        %dma_wait3A_91 = tpu.memref_slice %arg13[%dma_wait3A_89, %dma_wait3A_90] : memref<8192x32xf32, #tpu.memory_space<vmem_shared>> -> memref<8192x32xf32, #tpu.memory_space<vmem_shared>>
        tpu.wait_indirect_dma semaphore(%run_scoped3A_73 : memref<!tpu.dma_semaphore, #tpu.memory_space<semaphore_mem>>) src(%dma_wait3A_85 : memref<128x32xf32, #tpu.memory_space<vmem>>) dst(%dma_wait3A_91 : memref<8192x32xf32, #tpu.memory_space<vmem_shared>>)
        tpu.yield
      }) : () -> ()
    }
    %scan3A_24 = arith.constant 32 : i32
    %barrier3A_25 = arith.constant 0 : index
    tpu.barrier barrier_id(%barrier3A_25)
    %mul3A_26 = arith.constant 512 : i32
    %mul3A_27 = arith.muli %arg1, %mul3A_26 : i32
    %mul3A_28 = arith.constant 512 : i32
    %mul3A_29 = arith.muli %arg1, %mul3A_28 : i32
    "tpu.region"() ({
      %run_scoped3A = tpu.sem_alloc : memref<!tpu.dma_semaphore, #tpu.memory_space<semaphore_mem>>
      %dma_start3A = arith.constant 0 : i32
      %dma_start3A_30 = tpu.memref_slice %arg9[%arg0, %mul3A_29, %dma_start3A] : memref<2x8192x32xf32, #tpu.memory_space<hbm>> -> memref<1x512x32xf32, #tpu.memory_space<hbm>>
      %dma_start3A_31 = tpu.memref_squeeze %dma_start3A_30 : memref<1x512x32xf32, #tpu.memory_space<hbm>> -> memref<512x32xf32, #tpu.memory_space<hbm>>
      %dma_start3A_32 = arith.constant 0 : i32
      %dma_start3A_33 = tpu.memref_slice %arg13[%mul3A_27, %dma_start3A_32] : memref<8192x32xf32, #tpu.memory_space<vmem_shared>> -> memref<512x32xf32, #tpu.memory_space<vmem_shared>>
      tpu.enqueue_dma source(%dma_start3A_33 : memref<512x32xf32, #tpu.memory_space<vmem_shared>>) target(%dma_start3A_31 : memref<512x32xf32, #tpu.memory_space<hbm>>) target_semaphore(%run_scoped3A : memref<!tpu.dma_semaphore, #tpu.memory_space<semaphore_mem>>)
      %dma_wait3A = arith.constant 0 : i32
      %dma_wait3A_34 = tpu.memref_slice %arg9[%arg0, %mul3A_29, %dma_wait3A] : memref<2x8192x32xf32, #tpu.memory_space<hbm>> -> memref<1x512x32xf32, #tpu.memory_space<hbm>>
      %dma_wait3A_35 = tpu.memref_squeeze %dma_wait3A_34 : memref<1x512x32xf32, #tpu.memory_space<hbm>> -> memref<512x32xf32, #tpu.memory_space<hbm>>
      %dma_wait3A_36 = arith.constant 0 : i32
      %dma_wait3A_37 = tpu.memref_slice %arg13[%mul3A_27, %dma_wait3A_36] : memref<8192x32xf32, #tpu.memory_space<vmem_shared>> -> memref<512x32xf32, #tpu.memory_space<vmem_shared>>
      tpu.wait_dma2 semaphore(%run_scoped3A : memref<!tpu.dma_semaphore, #tpu.memory_space<semaphore_mem>>) src(%dma_wait3A_37 : memref<512x32xf32, #tpu.memory_space<vmem_shared>>) dst(%dma_wait3A_35 : memref<512x32xf32, #tpu.memory_space<hbm>>)
      tpu.yield
    }) : () -> ()
    return
  }
}

module attributes {stable_mosaic.version = 14 : i64} {
  func.func @body(%arg0: i32, %arg1: memref<512x128xf32, #tpu.memory_space<vmem>>, %arg2: memref<128x128xf32, #tpu.memory_space<vmem>>, %arg3: memref<512x1xf32, #tpu.memory_space<vmem>>, %arg4: memref<512x128xf32, #tpu.memory_space<vmem>>) attributes {dimension_semantics = [#tpu.dimension_semantics<arbitrary>], iteration_bounds = array<i64: 32>, scalar_prefetch = 0 : i64, scratch_operands = 0 : i64, tpu.core_type = #tpu.core_type<tc>, window_params = [{transform_indices = @transform_0, window_bounds = array<i64: 512, 128>}, {pipeline_mode = #tpu.pipeline_mode<synchronous>, transform_indices = @transform_1, window_bounds = array<i64: 128, 128>}, {transform_indices = @transform_2, window_bounds = array<i64: 512, 1>}, {transform_indices = @transform_3, window_bounds = array<i64: 512, 128>}]} {
    %get3A = arith.constant 0 : index
    %get3A_0 = arith.constant 0 : index
    %get3A_1 = vector.load %arg3[%get3A, %get3A_0] : memref<512x1xf32, #tpu.memory_space<vmem>>, vector<512x1xf32>
    %add3A = arith.constant 1.000000e+00 : f32
    %add3A_2 = vector.broadcast %add3A : f32 to vector<512x1xf32>
    %add3A_3 = arith.addf %get3A_1, %add3A_2 : vector<512x1xf32>
    %pow3A = arith.constant -5.000000e-01 : f32
    %pow3A_4 = vector.broadcast %pow3A : f32 to vector<512x1xf32>
    %pow3A_5 = math.powf %add3A_3, %pow3A_4 : vector<512x1xf32>
    %get3A_6 = arith.constant 0 : index
    %get3A_7 = arith.constant 0 : index
    %get3A_8 = vector.load %arg1[%get3A_6, %get3A_7] : memref<512x128xf32, #tpu.memory_space<vmem>>, vector<512x128xf32>
    %get3A_9 = arith.constant 0 : index
    %get3A_10 = arith.constant 0 : index
    %get3A_11 = vector.load %arg2[%get3A_9, %get3A_10] : memref<128x128xf32, #tpu.memory_space<vmem>>, vector<128x128xf32>
    %dot_general3A = arith.constant dense<0.000000e+00> : vector<512x128xf32>
    %dot_general3A_12 = tpu.matmul %get3A_8, %get3A_11, %dot_general3A {dimension_numbers = #tpu.dot_dimension_numbers<[1], [0], [0], [1], [0, 0, 1, 1], [], []>, transpose_lhs_hint = false} : vector<512x128xf32>, vector<128x128xf32>, vector<512x128xf32> -> vector<512x128xf32>
    %mul3A = vector.broadcast %pow3A_5 : vector<512x1xf32> to vector<512x128xf32>
    %mul3A_13 = arith.mulf %mul3A, %dot_general3A_12 : vector<512x128xf32>
    %swap3A = arith.constant 0 : index
    %swap3A_14 = arith.constant 0 : index
    %swap3A_15 = vector.load %arg4[%swap3A, %swap3A_14] : memref<512x128xf32, #tpu.memory_space<vmem>>, vector<512x128xf32>
    tpu.vector_store %arg4[%swap3A, %swap3A_14], %mul3A_13 {strides = array<i32>} : memref<512x128xf32, #tpu.memory_space<vmem>>, vector<512x128xf32>,
    return
  }
  func.func @transform_0(%arg0: i32) -> (i32, i32) {
    %c0_i32 = arith.constant 0 : i32
    %c0_i32_0 = arith.constant 0 : i32
    return %arg0, %c0_i32 : i32, i32
  }
  func.func @transform_1(%arg0: i32) -> (i32, i32) {
    %c0_i32 = arith.constant 0 : i32
    %c0_i32_0 = arith.constant 0 : i32
    %c0_i32_1 = arith.constant 0 : i32
    return %c0_i32, %c0_i32_0 : i32, i32
  }
  func.func @transform_2(%arg0: i32) -> (i32, i32) {
    %c0_i32 = arith.constant 0 : i32
    %c0_i32_0 = arith.constant 0 : i32
    return %arg0, %c0_i32 : i32, i32
  }
  func.func @transform_3(%arg0: i32) -> (i32, i32) {
    %c0_i32 = arith.constant 0 : i32
    %c0_i32_0 = arith.constant 0 : i32
    return %arg0, %c0_i32 : i32, i32
  }
}

module attributes {stable_mosaic.version = 14 : i64} {
  func.func @body(%arg0: i32, %arg1: memref<512x128xf32, #tpu.memory_space<vmem>>, %arg2: memref<512x128xf32, #tpu.memory_space<vmem>>, %arg3: memref<512x1xf32, #tpu.memory_space<vmem>>, %arg4: memref<1x128xf32, #tpu.memory_space<vmem>>, %arg5: memref<128x64xf32, #tpu.memory_space<vmem>>, %arg6: memref<512x128xf32, #tpu.memory_space<vmem>>, %arg7: memref<512x64xf32, #tpu.memory_space<vmem>>) attributes {dimension_semantics = [#tpu.dimension_semantics<arbitrary>], iteration_bounds = array<i64: 32>, scalar_prefetch = 0 : i64, scratch_operands = 0 : i64, tpu.core_type = #tpu.core_type<tc>, window_params = [{transform_indices = @transform_0, window_bounds = array<i64: 512, 128>}, {transform_indices = @transform_1, window_bounds = array<i64: 512, 128>}, {transform_indices = @transform_2, window_bounds = array<i64: 512, 1>}, {pipeline_mode = #tpu.pipeline_mode<synchronous>, transform_indices = @transform_3, window_bounds = array<i64: 1, 128>}, {pipeline_mode = #tpu.pipeline_mode<synchronous>, transform_indices = @transform_4, window_bounds = array<i64: 128, 64>}, {transform_indices = @transform_5, window_bounds = array<i64: 512, 128>}, {transform_indices = @transform_6, window_bounds = array<i64: 512, 64>}]} {
    %get3A = arith.constant 0 : index
    %get3A_0 = arith.constant 0 : index
    %get3A_1 = vector.load %arg3[%get3A, %get3A_0] : memref<512x1xf32, #tpu.memory_space<vmem>>, vector<512x1xf32>
    %add3A = arith.constant 1.000000e+00 : f32
    %add3A_2 = vector.broadcast %add3A : f32 to vector<512x1xf32>
    %add3A_3 = arith.addf %get3A_1, %add3A_2 : vector<512x1xf32>
    %pow3A = arith.constant -5.000000e-01 : f32
    %pow3A_4 = vector.broadcast %pow3A : f32 to vector<512x1xf32>
    %pow3A_5 = math.powf %add3A_3, %pow3A_4 : vector<512x1xf32>
    %get3A_6 = arith.constant 0 : index
    %get3A_7 = arith.constant 0 : index
    %get3A_8 = vector.load %arg1[%get3A_6, %get3A_7] : memref<512x128xf32, #tpu.memory_space<vmem>>, vector<512x128xf32>
    %get3A_9 = arith.constant 0 : index
    %get3A_10 = arith.constant 0 : index
    %get3A_11 = vector.load %arg2[%get3A_9, %get3A_10] : memref<512x128xf32, #tpu.memory_space<vmem>>, vector<512x128xf32>
    %add3A_12 = arith.addf %get3A_8, %get3A_11 : vector<512x128xf32>
    %mul3A = vector.broadcast %pow3A_5 : vector<512x1xf32> to vector<512x128xf32>
    %mul3A_13 = arith.mulf %mul3A, %add3A_12 : vector<512x128xf32>
    %get3A_14 = arith.constant 0 : index
    %get3A_15 = arith.constant 0 : index
    %get3A_16 = vector.load %arg4[%get3A_14, %get3A_15] : memref<1x128xf32, #tpu.memory_space<vmem>>, vector<1x128xf32>
    %add3A_17 = vector.broadcast %get3A_16 : vector<1x128xf32> to vector<512x128xf32>
    %add3A_18 = arith.addf %mul3A_13, %add3A_17 : vector<512x128xf32>
    %swap3A = arith.constant 0 : index
    %swap3A_19 = arith.constant 0 : index
    %swap3A_20 = vector.load %arg6[%swap3A, %swap3A_19] : memref<512x128xf32, #tpu.memory_space<vmem>>, vector<512x128xf32>
    tpu.vector_store %arg6[%swap3A, %swap3A_19], %add3A_18 {strides = array<i32>} : memref<512x128xf32, #tpu.memory_space<vmem>>, vector<512x128xf32>,
    %max3A = arith.constant 0.000000e+00 : f32
    %max3A_21 = vector.broadcast %max3A : f32 to vector<512x128xf32>
    %max3A_22 = arith.maximumf %add3A_18, %max3A_21 : vector<512x128xf32>
    %get3A_23 = arith.constant 0 : index
    %get3A_24 = arith.constant 0 : index
    %get3A_25 = vector.load %arg5[%get3A_23, %get3A_24] : memref<128x64xf32, #tpu.memory_space<vmem>>, vector<128x64xf32>
    %dot_general3A = arith.constant dense<0.000000e+00> : vector<512x64xf32>
    %dot_general3A_26 = tpu.matmul %max3A_22, %get3A_25, %dot_general3A {dimension_numbers = #tpu.dot_dimension_numbers<[1], [0], [0], [1], [0, 0, 1, 1], [], []>, transpose_lhs_hint = false} : vector<512x128xf32>, vector<128x64xf32>, vector<512x64xf32> -> vector<512x64xf32>
    %mul3A_27 = vector.broadcast %pow3A_5 : vector<512x1xf32> to vector<512x64xf32>
    %mul3A_28 = arith.mulf %mul3A_27, %dot_general3A_26 : vector<512x64xf32>
    %swap3A_29 = arith.constant 0 : index
    %swap3A_30 = arith.constant 0 : index
    %swap3A_31 = vector.load %arg7[%swap3A_29, %swap3A_30] : memref<512x64xf32, #tpu.memory_space<vmem>>, vector<512x64xf32>
    tpu.vector_store %arg7[%swap3A_29, %swap3A_30], %mul3A_28 {strides = array<i32>} : memref<512x64xf32, #tpu.memory_space<vmem>>, vector<512x64xf32>,
    return
  }
  func.func @transform_0(%arg0: i32) -> (i32, i32) {
    %c0_i32 = arith.constant 0 : i32
    %c0_i32_0 = arith.constant 0 : i32
    return %arg0, %c0_i32 : i32, i32
  }
  func.func @transform_1(%arg0: i32) -> (i32, i32) {
    %c0_i32 = arith.constant 0 : i32
    %c0_i32_0 = arith.constant 0 : i32
    return %arg0, %c0_i32 : i32, i32
  }
  func.func @transform_2(%arg0: i32) -> (i32, i32) {
    %c0_i32 = arith.constant 0 : i32
    %c0_i32_0 = arith.constant 0 : i32
    return %arg0, %c0_i32 : i32, i32
  }
  func.func @transform_3(%arg0: i32) -> (i32, i32) {
    %c0_i32 = arith.constant 0 : i32
    %c0_i32_0 = arith.constant 0 : i32
    %c0_i32_1 = arith.constant 0 : i32
    return %c0_i32, %c0_i32_0 : i32, i32
  }
  func.func @transform_4(%arg0: i32) -> (i32, i32) {
    %c0_i32 = arith.constant 0 : i32
    %c0_i32_0 = arith.constant 0 : i32
    %c0_i32_1 = arith.constant 0 : i32
    return %c0_i32, %c0_i32_0 : i32, i32
  }
  func.func @transform_5(%arg0: i32) -> (i32, i32) {
    %c0_i32 = arith.constant 0 : i32
    %c0_i32_0 = arith.constant 0 : i32
    return %arg0, %c0_i32 : i32, i32
  }
  func.func @transform_6(%arg0: i32) -> (i32, i32) {
    %c0_i32 = arith.constant 0 : i32
    %c0_i32_0 = arith.constant 0 : i32
    return %arg0, %c0_i32 : i32, i32
  }
}

module attributes {stable_mosaic.version = 14 : i64} {
  func.func @body(%arg0: i32, %arg1: memref<512x64xf32, #tpu.memory_space<vmem>>, %arg2: memref<512x64xf32, #tpu.memory_space<vmem>>, %arg3: memref<512x1xf32, #tpu.memory_space<vmem>>, %arg4: memref<1x64xf32, #tpu.memory_space<vmem>>, %arg5: memref<64x32xf32, #tpu.memory_space<vmem>>, %arg6: memref<512x64xf32, #tpu.memory_space<vmem>>, %arg7: memref<512x32xf32, #tpu.memory_space<vmem>>) attributes {dimension_semantics = [#tpu.dimension_semantics<arbitrary>], iteration_bounds = array<i64: 32>, scalar_prefetch = 0 : i64, scratch_operands = 0 : i64, tpu.core_type = #tpu.core_type<tc>, window_params = [{transform_indices = @transform_0, window_bounds = array<i64: 512, 64>}, {transform_indices = @transform_1, window_bounds = array<i64: 512, 64>}, {transform_indices = @transform_2, window_bounds = array<i64: 512, 1>}, {pipeline_mode = #tpu.pipeline_mode<synchronous>, transform_indices = @transform_3, window_bounds = array<i64: 1, 64>}, {pipeline_mode = #tpu.pipeline_mode<synchronous>, transform_indices = @transform_4, window_bounds = array<i64: 64, 32>}, {transform_indices = @transform_5, window_bounds = array<i64: 512, 64>}, {transform_indices = @transform_6, window_bounds = array<i64: 512, 32>}]} {
    %get3A = arith.constant 0 : index
    %get3A_0 = arith.constant 0 : index
    %get3A_1 = vector.load %arg3[%get3A, %get3A_0] : memref<512x1xf32, #tpu.memory_space<vmem>>, vector<512x1xf32>
    %add3A = arith.constant 1.000000e+00 : f32
    %add3A_2 = vector.broadcast %add3A : f32 to vector<512x1xf32>
    %add3A_3 = arith.addf %get3A_1, %add3A_2 : vector<512x1xf32>
    %pow3A = arith.constant -5.000000e-01 : f32
    %pow3A_4 = vector.broadcast %pow3A : f32 to vector<512x1xf32>
    %pow3A_5 = math.powf %add3A_3, %pow3A_4 : vector<512x1xf32>
    %get3A_6 = arith.constant 0 : index
    %get3A_7 = arith.constant 0 : index
    %get3A_8 = vector.load %arg1[%get3A_6, %get3A_7] : memref<512x64xf32, #tpu.memory_space<vmem>>, vector<512x64xf32>
    %get3A_9 = arith.constant 0 : index
    %get3A_10 = arith.constant 0 : index
    %get3A_11 = vector.load %arg2[%get3A_9, %get3A_10] : memref<512x64xf32, #tpu.memory_space<vmem>>, vector<512x64xf32>
    %add3A_12 = arith.addf %get3A_8, %get3A_11 : vector<512x64xf32>
    %mul3A = vector.broadcast %pow3A_5 : vector<512x1xf32> to vector<512x64xf32>
    %mul3A_13 = arith.mulf %mul3A, %add3A_12 : vector<512x64xf32>
    %get3A_14 = arith.constant 0 : index
    %get3A_15 = arith.constant 0 : index
    %get3A_16 = vector.load %arg4[%get3A_14, %get3A_15] : memref<1x64xf32, #tpu.memory_space<vmem>>, vector<1x64xf32>
    %add3A_17 = vector.broadcast %get3A_16 : vector<1x64xf32> to vector<512x64xf32>
    %add3A_18 = arith.addf %mul3A_13, %add3A_17 : vector<512x64xf32>
    %swap3A = arith.constant 0 : index
    %swap3A_19 = arith.constant 0 : index
    %swap3A_20 = vector.load %arg6[%swap3A, %swap3A_19] : memref<512x64xf32, #tpu.memory_space<vmem>>, vector<512x64xf32>
    tpu.vector_store %arg6[%swap3A, %swap3A_19], %add3A_18 {strides = array<i32>} : memref<512x64xf32, #tpu.memory_space<vmem>>, vector<512x64xf32>,
    %max3A = arith.constant 0.000000e+00 : f32
    %max3A_21 = vector.broadcast %max3A : f32 to vector<512x64xf32>
    %max3A_22 = arith.maximumf %add3A_18, %max3A_21 : vector<512x64xf32>
    %get3A_23 = arith.constant 0 : index
    %get3A_24 = arith.constant 0 : index
    %get3A_25 = vector.load %arg5[%get3A_23, %get3A_24] : memref<64x32xf32, #tpu.memory_space<vmem>>, vector<64x32xf32>
    %dot_general3A = arith.constant dense<0.000000e+00> : vector<512x32xf32>
    %dot_general3A_26 = tpu.matmul %max3A_22, %get3A_25, %dot_general3A {dimension_numbers = #tpu.dot_dimension_numbers<[1], [0], [0], [1], [0, 0, 1, 1], [], []>, transpose_lhs_hint = false} : vector<512x64xf32>, vector<64x32xf32>, vector<512x32xf32> -> vector<512x32xf32>
    %mul3A_27 = vector.broadcast %pow3A_5 : vector<512x1xf32> to vector<512x32xf32>
    %mul3A_28 = arith.mulf %mul3A_27, %dot_general3A_26 : vector<512x32xf32>
    %swap3A_29 = arith.constant 0 : index
    %swap3A_30 = arith.constant 0 : index
    %swap3A_31 = vector.load %arg7[%swap3A_29, %swap3A_30] : memref<512x32xf32, #tpu.memory_space<vmem>>, vector<512x32xf32>
    tpu.vector_store %arg7[%swap3A_29, %swap3A_30], %mul3A_28 {strides = array<i32>} : memref<512x32xf32, #tpu.memory_space<vmem>>, vector<512x32xf32>,
    return
  }
  func.func @transform_0(%arg0: i32) -> (i32, i32) {
    %c0_i32 = arith.constant 0 : i32
    %c0_i32_0 = arith.constant 0 : i32
    return %arg0, %c0_i32 : i32, i32
  }
  func.func @transform_1(%arg0: i32) -> (i32, i32) {
    %c0_i32 = arith.constant 0 : i32
    %c0_i32_0 = arith.constant 0 : i32
    return %arg0, %c0_i32 : i32, i32
  }
  func.func @transform_2(%arg0: i32) -> (i32, i32) {
    %c0_i32 = arith.constant 0 : i32
    %c0_i32_0 = arith.constant 0 : i32
    return %arg0, %c0_i32 : i32, i32
  }
  func.func @transform_3(%arg0: i32) -> (i32, i32) {
    %c0_i32 = arith.constant 0 : i32
    %c0_i32_0 = arith.constant 0 : i32
    %c0_i32_1 = arith.constant 0 : i32
    return %c0_i32, %c0_i32_0 : i32, i32
  }
  func.func @transform_4(%arg0: i32) -> (i32, i32) {
    %c0_i32 = arith.constant 0 : i32
    %c0_i32_0 = arith.constant 0 : i32
    %c0_i32_1 = arith.constant 0 : i32
    return %c0_i32, %c0_i32_0 : i32, i32
  }
  func.func @transform_5(%arg0: i32) -> (i32, i32) {
    %c0_i32 = arith.constant 0 : i32
    %c0_i32_0 = arith.constant 0 : i32
    return %arg0, %c0_i32 : i32, i32
  }
  func.func @transform_6(%arg0: i32) -> (i32, i32) {
    %c0_i32 = arith.constant 0 : i32
    %c0_i32_0 = arith.constant 0 : i32
    return %arg0, %c0_i32 : i32, i32
  }
}

module attributes {stable_mosaic.version = 14 : i64} {
  func.func @body(%arg0: i32, %arg1: memref<1x64x128xf32, #tpu.memory_space<vmem>>, %arg2: memref<1x128x64xf32, #tpu.memory_space<vmem>>, %arg3: memref<1x64x128xf32, #tpu.memory_space<vmem>>, %arg4: memref<1x128x64xf32, #tpu.memory_space<vmem>>, %arg5: memref<128x1xf32, #tpu.memory_space<vmem>>, %arg6: memref<128x1xf32, #tpu.memory_space<vmem>>, %arg7: memref<1x128x128xf32, #tpu.memory_space<vmem>>, %arg8: memref<1x128x128xf32, #tpu.memory_space<vmem>>) attributes {dimension_semantics = [#tpu.dimension_semantics<arbitrary>], iteration_bounds = array<i64: 128>, scalar_prefetch = 0 : i64, scratch_operands = 0 : i64, tpu.core_type = #tpu.core_type<tc>, window_params = [{transform_indices = @transform_0, window_bounds = array<i64: 1, 64, 128>}, {transform_indices = @transform_1, window_bounds = array<i64: 1, 128, 64>}, {transform_indices = @transform_2, window_bounds = array<i64: 1, 64, 128>}, {transform_indices = @transform_3, window_bounds = array<i64: 1, 128, 64>}, {pipeline_mode = #tpu.pipeline_mode<synchronous>, transform_indices = @transform_4, window_bounds = array<i64: 128, 1>}, {pipeline_mode = #tpu.pipeline_mode<synchronous>, transform_indices = @transform_5, window_bounds = array<i64: 128, 1>}, {transform_indices = @transform_6, window_bounds = array<i64: 1, 128, 128>}, {transform_indices = @transform_7, window_bounds = array<i64: 1, 128, 128>}]} {
    %get3A = arith.constant 0 : index
    %get3A_0 = arith.constant 0 : index
    %get3A_1 = arith.constant 0 : index
    %get3A_2 = vector.load %arg1[%get3A, %get3A_0, %get3A_1] : memref<1x64x128xf32, #tpu.memory_space<vmem>>, vector<1x64x128xf32>
    %get3A_3 = vector.shape_cast %get3A_2 : vector<1x64x128xf32> to vector<64x128xf32>
    %get3A_4 = arith.constant 0 : index
    %get3A_5 = arith.constant 0 : index
    %get3A_6 = arith.constant 0 : index
    %get3A_7 = vector.load %arg3[%get3A_4, %get3A_5, %get3A_6] : memref<1x64x128xf32, #tpu.memory_space<vmem>>, vector<1x64x128xf32>
    %get3A_8 = vector.shape_cast %get3A_7 : vector<1x64x128xf32> to vector<64x128xf32>
    %get3A_9 = arith.constant 0 : index
    %get3A_10 = arith.constant 0 : index
    %get3A_11 = arith.constant 0 : index
    %get3A_12 = vector.load %arg4[%get3A_9, %get3A_10, %get3A_11] : memref<1x128x64xf32, #tpu.memory_space<vmem>>, vector<1x128x64xf32>
    %get3A_13 = vector.shape_cast %get3A_12 : vector<1x128x64xf32> to vector<128x64xf32>
    %dot_general3A = arith.constant dense<0.000000e+00> : vector<64x64xf32>
    %dot_general3A_14 = tpu.matmul %get3A_3, %get3A_13, %dot_general3A {dimension_numbers = #tpu.dot_dimension_numbers<[1], [0], [0], [1], [0, 0, 1, 1], [], []>, transpose_lhs_hint = false} : vector<64x128xf32>, vector<128x64xf32>, vector<64x64xf32> -> vector<64x64xf32>
    %neg3A = arith.constant 0.000000e+00 : f32
    %neg3A_15 = vector.broadcast %neg3A : f32 to vector<64x64xf32>
    %neg3A_16 = arith.subf %neg3A_15, %dot_general3A_14 : vector<64x64xf32>
    %get3A_17 = arith.constant 0 : index
    %get3A_18 = arith.constant 0 : index
    %get3A_19 = arith.constant 0 : index
    %get3A_20 = vector.load %arg2[%get3A_17, %get3A_18, %get3A_19] : memref<1x128x64xf32, #tpu.memory_space<vmem>>, vector<1x128x64xf32>
    %get3A_21 = vector.shape_cast %get3A_20 : vector<1x128x64xf32> to vector<128x64xf32>
    %dot_general3A_22 = arith.constant dense<0.000000e+00> : vector<64x64xf32>
    %dot_general3A_23 = tpu.matmul %get3A_8, %get3A_21, %dot_general3A_22 {dimension_numbers = #tpu.dot_dimension_numbers<[1], [0], [0], [1], [0, 0, 1, 1], [], []>, transpose_lhs_hint = false} : vector<64x128xf32>, vector<128x64xf32>, vector<64x64xf32> -> vector<64x64xf32>
    %neg3A_24 = arith.constant 0.000000e+00 : f32
    %neg3A_25 = vector.broadcast %neg3A_24 : f32 to vector<64x64xf32>
    %neg3A_26 = arith.subf %neg3A_25, %dot_general3A_23 : vector<64x64xf32>
    %get3A_27 = arith.constant 0 : index
    %get3A_28 = arith.constant 0 : index
    %get3A_29 = vector.load %arg5[%get3A_27, %get3A_28] : memref<128x1xf32, #tpu.memory_space<vmem>>, vector<128x1xf32>
    %dot_general3A_30 = arith.constant dense<0.000000e+00> : vector<64x1xf32>
    %dot_general3A_31 = tpu.matmul %get3A_3, %get3A_29, %dot_general3A_30 {dimension_numbers = #tpu.dot_dimension_numbers<[1], [0], [0], [1], [0, 0, 1, 1], [], []>, transpose_lhs_hint = false} : vector<64x128xf32>, vector<128x1xf32>, vector<64x1xf32> -> vector<64x1xf32>
    %neg3A_32 = arith.constant 0.000000e+00 : f32
    %neg3A_33 = vector.broadcast %neg3A_32 : f32 to vector<64x1xf32>
    %neg3A_34 = arith.subf %neg3A_33, %dot_general3A_31 : vector<64x1xf32>
    %get3A_35 = arith.constant 0 : index
    %get3A_36 = arith.constant 0 : index
    %get3A_37 = vector.load %arg6[%get3A_35, %get3A_36] : memref<128x1xf32, #tpu.memory_space<vmem>>, vector<128x1xf32>
    %dot_general3A_38 = arith.constant dense<0.000000e+00> : vector<64x1xf32>
    %dot_general3A_39 = tpu.matmul %get3A_8, %get3A_37, %dot_general3A_38 {dimension_numbers = #tpu.dot_dimension_numbers<[1], [0], [0], [1], [0, 0, 1, 1], [], []>, transpose_lhs_hint = false} : vector<64x128xf32>, vector<128x1xf32>, vector<64x1xf32> -> vector<64x1xf32>
    %neg3A_40 = arith.constant 0.000000e+00 : f32
    %neg3A_41 = vector.broadcast %neg3A_40 : f32 to vector<64x1xf32>
    %neg3A_42 = arith.subf %neg3A_41, %dot_general3A_39 : vector<64x1xf32>
    %iota3A = tpu.iota {dimensions = array<i32: 0>} : vector<64x64xi32>
    %iota3A_43 = tpu.iota {dimensions = array<i32: 1>} : vector<64x64xi32>
    %eq3A = arith.cmpi eq, %iota3A, %iota3A_43 : vector<64x64xi32>
    %jit3A = arith.constant 9.999900e+04 : f32
    %broadcast_in_dim3A = vector.shape_cast %neg3A_34 : vector<64x1xf32> to vector<64x1xf32>
    %broadcast_in_dim3A_44 = vector.broadcast %broadcast_in_dim3A : vector<64x1xf32> to vector<64x64xf32>
    %broadcast_in_dim3A_45 = vector.broadcast %jit3A : f32 to vector<64x64xf32>
    %select_n3A = arith.select %eq3A, %broadcast_in_dim3A_44, %broadcast_in_dim3A_45 : vector<64x64xi1>, vector<64x64xf32>
    %jit3A_46 = arith.constant 9.999900e+04 : f32
    %broadcast_in_dim3A_47 = vector.shape_cast %neg3A_42 : vector<64x1xf32> to vector<64x1xf32>
    %broadcast_in_dim3A_48 = vector.broadcast %broadcast_in_dim3A_47 : vector<64x1xf32> to vector<64x64xf32>
    %broadcast_in_dim3A_49 = vector.broadcast %jit3A_46 : f32 to vector<64x64xf32>
    %select_n3A_50 = arith.select %eq3A, %broadcast_in_dim3A_48, %broadcast_in_dim3A_49 : vector<64x64xi1>, vector<64x64xf32>
    %broadcast_in_dim3A_51 = arith.constant 0.000000e+00 : f32
    %broadcast_in_dim3A_52 = vector.broadcast %broadcast_in_dim3A_51 : f32 to vector<64x64xf32>
    %concatenate3A = tpu.concatenate %neg3A_16, %select_n3A in 1 : vector<64x64xf32>, vector<64x64xf32> -> vector<64x128xf32>
    %concatenate3A_53 = tpu.concatenate %select_n3A_50, %broadcast_in_dim3A_52 in 1 : vector<64x64xf32>, vector<64x64xf32> -> vector<64x128xf32>
    %concatenate3A_54 = tpu.concatenate %concatenate3A, %concatenate3A_53 in 0 : vector<64x128xf32>, vector<64x128xf32> -> vector<128x128xf32>
    %swap3A = arith.constant 0 : index
    %swap3A_55 = arith.constant 0 : index
    %swap3A_56 = arith.constant 0 : index
    %swap3A_57 = vector.load %arg7[%swap3A, %swap3A_55, %swap3A_56] : memref<1x128x128xf32, #tpu.memory_space<vmem>>, vector<1x128x128xf32>
    %swap3A_58 = vector.shape_cast %swap3A_57 : vector<1x128x128xf32> to vector<128x128xf32>
    %swap3A_59 = vector.shape_cast %concatenate3A_54 : vector<128x128xf32> to vector<1x128x128xf32>
    tpu.vector_store %arg7[%swap3A, %swap3A_55, %swap3A_56], %swap3A_59 {strides = array<i32>} : memref<1x128x128xf32, #tpu.memory_space<vmem>>, vector<1x128x128xf32>,
    %concatenate3A_60 = tpu.concatenate %neg3A_26, %select_n3A_50 in 1 : vector<64x64xf32>, vector<64x64xf32> -> vector<64x128xf32>
    %concatenate3A_61 = tpu.concatenate %select_n3A, %broadcast_in_dim3A_52 in 1 : vector<64x64xf32>, vector<64x64xf32> -> vector<64x128xf32>
    %concatenate3A_62 = tpu.concatenate %concatenate3A_60, %concatenate3A_61 in 0 : vector<64x128xf32>, vector<64x128xf32> -> vector<128x128xf32>
    %swap3A_63 = arith.constant 0 : index
    %swap3A_64 = arith.constant 0 : index
    %swap3A_65 = arith.constant 0 : index
    %swap3A_66 = vector.load %arg8[%swap3A_63, %swap3A_64, %swap3A_65] : memref<1x128x128xf32, #tpu.memory_space<vmem>>, vector<1x128x128xf32>
    %swap3A_67 = vector.shape_cast %swap3A_66 : vector<1x128x128xf32> to vector<128x128xf32>
    %swap3A_68 = vector.shape_cast %concatenate3A_62 : vector<128x128xf32> to vector<1x128x128xf32>
    tpu.vector_store %arg8[%swap3A_63, %swap3A_64, %swap3A_65], %swap3A_68 {strides = array<i32>} : memref<1x128x128xf32, #tpu.memory_space<vmem>>, vector<1x128x128xf32>,
    return
  }
  func.func @transform_0(%arg0: i32) -> (i32, i32, i32) {
    %c0_i32 = arith.constant 0 : i32
    %c0_i32_0 = arith.constant 0 : i32
    %c0_i32_1 = arith.constant 0 : i32
    return %arg0, %c0_i32, %c0_i32_0 : i32, i32, i32
  }
  func.func @transform_1(%arg0: i32) -> (i32, i32, i32) {
    %c0_i32 = arith.constant 0 : i32
    %c0_i32_0 = arith.constant 0 : i32
    %c0_i32_1 = arith.constant 0 : i32
    return %arg0, %c0_i32, %c0_i32_0 : i32, i32, i32
  }
  func.func @transform_2(%arg0: i32) -> (i32, i32, i32) {
    %c0_i32 = arith.constant 0 : i32
    %c0_i32_0 = arith.constant 0 : i32
    %c0_i32_1 = arith.constant 0 : i32
    return %arg0, %c0_i32, %c0_i32_0 : i32, i32, i32
  }
  func.func @transform_3(%arg0: i32) -> (i32, i32, i32) {
    %c0_i32 = arith.constant 0 : i32
    %c0_i32_0 = arith.constant 0 : i32
    %c0_i32_1 = arith.constant 0 : i32
    return %arg0, %c0_i32, %c0_i32_0 : i32, i32, i32
  }
  func.func @transform_4(%arg0: i32) -> (i32, i32) {
    %c0_i32 = arith.constant 0 : i32
    %c0_i32_0 = arith.constant 0 : i32
    %c0_i32_1 = arith.constant 0 : i32
    return %c0_i32, %c0_i32_0 : i32, i32
  }
  func.func @transform_5(%arg0: i32) -> (i32, i32) {
    %c0_i32 = arith.constant 0 : i32
    %c0_i32_0 = arith.constant 0 : i32
    %c0_i32_1 = arith.constant 0 : i32
    return %c0_i32, %c0_i32_0 : i32, i32
  }
  func.func @transform_6(%arg0: i32) -> (i32, i32, i32) {
    %c0_i32 = arith.constant 0 : i32
    %c0_i32_0 = arith.constant 0 : i32
    %c0_i32_1 = arith.constant 0 : i32
    return %arg0, %c0_i32, %c0_i32_0 : i32, i32, i32
  }
  func.func @transform_7(%arg0: i32) -> (i32, i32, i32) {
    %c0_i32 = arith.constant 0 : i32
    %c0_i32_0 = arith.constant 0 : i32
    %c0_i32_1 = arith.constant 0 : i32
    return %arg0, %c0_i32, %c0_i32_0 : i32, i32, i32
  }
}

module attributes {stable_mosaic.version = 14 : i64} {
  func.func @body(%arg0: i32, %arg1: memref<1x64x64xf32, #tpu.memory_space<vmem>>, %arg2: memref<1x64x64xf32, #tpu.memory_space<vmem>>, %arg3: memref<1x64x64xf32, #tpu.memory_space<vmem>>, %arg4: memref<1x64x64xf32, #tpu.memory_space<vmem>>, %arg5: memref<64x1xf32, #tpu.memory_space<vmem>>, %arg6: memref<64x1xf32, #tpu.memory_space<vmem>>, %arg7: memref<1x128x128xf32, #tpu.memory_space<vmem>>, %arg8: memref<1x128x128xf32, #tpu.memory_space<vmem>>) attributes {dimension_semantics = [#tpu.dimension_semantics<arbitrary>], iteration_bounds = array<i64: 128>, scalar_prefetch = 0 : i64, scratch_operands = 0 : i64, tpu.core_type = #tpu.core_type<tc>, window_params = [{transform_indices = @transform_0, window_bounds = array<i64: 1, 64, 64>}, {transform_indices = @transform_1, window_bounds = array<i64: 1, 64, 64>}, {transform_indices = @transform_2, window_bounds = array<i64: 1, 64, 64>}, {transform_indices = @transform_3, window_bounds = array<i64: 1, 64, 64>}, {pipeline_mode = #tpu.pipeline_mode<synchronous>, transform_indices = @transform_4, window_bounds = array<i64: 64, 1>}, {pipeline_mode = #tpu.pipeline_mode<synchronous>, transform_indices = @transform_5, window_bounds = array<i64: 64, 1>}, {transform_indices = @transform_6, window_bounds = array<i64: 1, 128, 128>}, {transform_indices = @transform_7, window_bounds = array<i64: 1, 128, 128>}]} {
    %get3A = arith.constant 0 : index
    %get3A_0 = arith.constant 0 : index
    %get3A_1 = arith.constant 0 : index
    %get3A_2 = vector.load %arg1[%get3A, %get3A_0, %get3A_1] : memref<1x64x64xf32, #tpu.memory_space<vmem>>, vector<1x64x64xf32>
    %get3A_3 = vector.shape_cast %get3A_2 : vector<1x64x64xf32> to vector<64x64xf32>
    %get3A_4 = arith.constant 0 : index
    %get3A_5 = arith.constant 0 : index
    %get3A_6 = arith.constant 0 : index
    %get3A_7 = vector.load %arg3[%get3A_4, %get3A_5, %get3A_6] : memref<1x64x64xf32, #tpu.memory_space<vmem>>, vector<1x64x64xf32>
    %get3A_8 = vector.shape_cast %get3A_7 : vector<1x64x64xf32> to vector<64x64xf32>
    %get3A_9 = arith.constant 0 : index
    %get3A_10 = arith.constant 0 : index
    %get3A_11 = arith.constant 0 : index
    %get3A_12 = vector.load %arg4[%get3A_9, %get3A_10, %get3A_11] : memref<1x64x64xf32, #tpu.memory_space<vmem>>, vector<1x64x64xf32>
    %get3A_13 = vector.shape_cast %get3A_12 : vector<1x64x64xf32> to vector<64x64xf32>
    %dot_general3A = arith.constant dense<0.000000e+00> : vector<64x64xf32>
    %dot_general3A_14 = tpu.matmul %get3A_3, %get3A_13, %dot_general3A {dimension_numbers = #tpu.dot_dimension_numbers<[1], [0], [0], [1], [0, 0, 1, 1], [], []>, transpose_lhs_hint = false} : vector<64x64xf32>, vector<64x64xf32>, vector<64x64xf32> -> vector<64x64xf32>
    %neg3A = arith.constant 0.000000e+00 : f32
    %neg3A_15 = vector.broadcast %neg3A : f32 to vector<64x64xf32>
    %neg3A_16 = arith.subf %neg3A_15, %dot_general3A_14 : vector<64x64xf32>
    %get3A_17 = arith.constant 0 : index
    %get3A_18 = arith.constant 0 : index
    %get3A_19 = arith.constant 0 : index
    %get3A_20 = vector.load %arg2[%get3A_17, %get3A_18, %get3A_19] : memref<1x64x64xf32, #tpu.memory_space<vmem>>, vector<1x64x64xf32>
    %get3A_21 = vector.shape_cast %get3A_20 : vector<1x64x64xf32> to vector<64x64xf32>
    %dot_general3A_22 = arith.constant dense<0.000000e+00> : vector<64x64xf32>
    %dot_general3A_23 = tpu.matmul %get3A_8, %get3A_21, %dot_general3A_22 {dimension_numbers = #tpu.dot_dimension_numbers<[1], [0], [0], [1], [0, 0, 1, 1], [], []>, transpose_lhs_hint = false} : vector<64x64xf32>, vector<64x64xf32>, vector<64x64xf32> -> vector<64x64xf32>
    %neg3A_24 = arith.constant 0.000000e+00 : f32
    %neg3A_25 = vector.broadcast %neg3A_24 : f32 to vector<64x64xf32>
    %neg3A_26 = arith.subf %neg3A_25, %dot_general3A_23 : vector<64x64xf32>
    %get3A_27 = arith.constant 0 : index
    %get3A_28 = arith.constant 0 : index
    %get3A_29 = vector.load %arg5[%get3A_27, %get3A_28] : memref<64x1xf32, #tpu.memory_space<vmem>>, vector<64x1xf32>
    %dot_general3A_30 = arith.constant dense<0.000000e+00> : vector<64x1xf32>
    %dot_general3A_31 = tpu.matmul %get3A_3, %get3A_29, %dot_general3A_30 {dimension_numbers = #tpu.dot_dimension_numbers<[1], [0], [0], [1], [0, 0, 1, 1], [], []>, transpose_lhs_hint = false} : vector<64x64xf32>, vector<64x1xf32>, vector<64x1xf32> -> vector<64x1xf32>
    %neg3A_32 = arith.constant 0.000000e+00 : f32
    %neg3A_33 = vector.broadcast %neg3A_32 : f32 to vector<64x1xf32>
    %neg3A_34 = arith.subf %neg3A_33, %dot_general3A_31 : vector<64x1xf32>
    %get3A_35 = arith.constant 0 : index
    %get3A_36 = arith.constant 0 : index
    %get3A_37 = vector.load %arg6[%get3A_35, %get3A_36] : memref<64x1xf32, #tpu.memory_space<vmem>>, vector<64x1xf32>
    %dot_general3A_38 = arith.constant dense<0.000000e+00> : vector<64x1xf32>
    %dot_general3A_39 = tpu.matmul %get3A_8, %get3A_37, %dot_general3A_38 {dimension_numbers = #tpu.dot_dimension_numbers<[1], [0], [0], [1], [0, 0, 1, 1], [], []>, transpose_lhs_hint = false} : vector<64x64xf32>, vector<64x1xf32>, vector<64x1xf32> -> vector<64x1xf32>
    %neg3A_40 = arith.constant 0.000000e+00 : f32
    %neg3A_41 = vector.broadcast %neg3A_40 : f32 to vector<64x1xf32>
    %neg3A_42 = arith.subf %neg3A_41, %dot_general3A_39 : vector<64x1xf32>
    %iota3A = tpu.iota {dimensions = array<i32: 0>} : vector<64x64xi32>
    %iota3A_43 = tpu.iota {dimensions = array<i32: 1>} : vector<64x64xi32>
    %eq3A = arith.cmpi eq, %iota3A, %iota3A_43 : vector<64x64xi32>
    %jit3A = arith.constant 9.999900e+04 : f32
    %broadcast_in_dim3A = vector.shape_cast %neg3A_34 : vector<64x1xf32> to vector<64x1xf32>
    %broadcast_in_dim3A_44 = vector.broadcast %broadcast_in_dim3A : vector<64x1xf32> to vector<64x64xf32>
    %broadcast_in_dim3A_45 = vector.broadcast %jit3A : f32 to vector<64x64xf32>
    %select_n3A = arith.select %eq3A, %broadcast_in_dim3A_44, %broadcast_in_dim3A_45 : vector<64x64xi1>, vector<64x64xf32>
    %jit3A_46 = arith.constant 9.999900e+04 : f32
    %broadcast_in_dim3A_47 = vector.shape_cast %neg3A_42 : vector<64x1xf32> to vector<64x1xf32>
    %broadcast_in_dim3A_48 = vector.broadcast %broadcast_in_dim3A_47 : vector<64x1xf32> to vector<64x64xf32>
    %broadcast_in_dim3A_49 = vector.broadcast %jit3A_46 : f32 to vector<64x64xf32>
    %select_n3A_50 = arith.select %eq3A, %broadcast_in_dim3A_48, %broadcast_in_dim3A_49 : vector<64x64xi1>, vector<64x64xf32>
    %broadcast_in_dim3A_51 = arith.constant 0.000000e+00 : f32
    %broadcast_in_dim3A_52 = vector.broadcast %broadcast_in_dim3A_51 : f32 to vector<64x64xf32>
    %concatenate3A = tpu.concatenate %neg3A_16, %select_n3A in 1 : vector<64x64xf32>, vector<64x64xf32> -> vector<64x128xf32>
    %concatenate3A_53 = tpu.concatenate %select_n3A_50, %broadcast_in_dim3A_52 in 1 : vector<64x64xf32>, vector<64x64xf32> -> vector<64x128xf32>
    %concatenate3A_54 = tpu.concatenate %concatenate3A, %concatenate3A_53 in 0 : vector<64x128xf32>, vector<64x128xf32> -> vector<128x128xf32>
    %swap3A = arith.constant 0 : index
    %swap3A_55 = arith.constant 0 : index
    %swap3A_56 = arith.constant 0 : index
    %swap3A_57 = vector.load %arg7[%swap3A, %swap3A_55, %swap3A_56] : memref<1x128x128xf32, #tpu.memory_space<vmem>>, vector<1x128x128xf32>
    %swap3A_58 = vector.shape_cast %swap3A_57 : vector<1x128x128xf32> to vector<128x128xf32>
    %swap3A_59 = vector.shape_cast %concatenate3A_54 : vector<128x128xf32> to vector<1x128x128xf32>
    tpu.vector_store %arg7[%swap3A, %swap3A_55, %swap3A_56], %swap3A_59 {strides = array<i32>} : memref<1x128x128xf32, #tpu.memory_space<vmem>>, vector<1x128x128xf32>,
    %concatenate3A_60 = tpu.concatenate %neg3A_26, %select_n3A_50 in 1 : vector<64x64xf32>, vector<64x64xf32> -> vector<64x128xf32>
    %concatenate3A_61 = tpu.concatenate %select_n3A, %broadcast_in_dim3A_52 in 1 : vector<64x64xf32>, vector<64x64xf32> -> vector<64x128xf32>
    %concatenate3A_62 = tpu.concatenate %concatenate3A_60, %concatenate3A_61 in 0 : vector<64x128xf32>, vector<64x128xf32> -> vector<128x128xf32>
    %swap3A_63 = arith.constant 0 : index
    %swap3A_64 = arith.constant 0 : index
    %swap3A_65 = arith.constant 0 : index
    %swap3A_66 = vector.load %arg8[%swap3A_63, %swap3A_64, %swap3A_65] : memref<1x128x128xf32, #tpu.memory_space<vmem>>, vector<1x128x128xf32>
    %swap3A_67 = vector.shape_cast %swap3A_66 : vector<1x128x128xf32> to vector<128x128xf32>
    %swap3A_68 = vector.shape_cast %concatenate3A_62 : vector<128x128xf32> to vector<1x128x128xf32>
    tpu.vector_store %arg8[%swap3A_63, %swap3A_64, %swap3A_65], %swap3A_68 {strides = array<i32>} : memref<1x128x128xf32, #tpu.memory_space<vmem>>, vector<1x128x128xf32>,
    return
  }
  func.func @transform_0(%arg0: i32) -> (i32, i32, i32) {
    %c0_i32 = arith.constant 0 : i32
    %c0_i32_0 = arith.constant 0 : i32
    %c0_i32_1 = arith.constant 0 : i32
    return %arg0, %c0_i32, %c0_i32_0 : i32, i32, i32
  }
  func.func @transform_1(%arg0: i32) -> (i32, i32, i32) {
    %c0_i32 = arith.constant 0 : i32
    %c0_i32_0 = arith.constant 0 : i32
    %c0_i32_1 = arith.constant 0 : i32
    return %arg0, %c0_i32, %c0_i32_0 : i32, i32, i32
  }
  func.func @transform_2(%arg0: i32) -> (i32, i32, i32) {
    %c0_i32 = arith.constant 0 : i32
    %c0_i32_0 = arith.constant 0 : i32
    %c0_i32_1 = arith.constant 0 : i32
    return %arg0, %c0_i32, %c0_i32_0 : i32, i32, i32
  }
  func.func @transform_3(%arg0: i32) -> (i32, i32, i32) {
    %c0_i32 = arith.constant 0 : i32
    %c0_i32_0 = arith.constant 0 : i32
    %c0_i32_1 = arith.constant 0 : i32
    return %arg0, %c0_i32, %c0_i32_0 : i32, i32, i32
  }
  func.func @transform_4(%arg0: i32) -> (i32, i32) {
    %c0_i32 = arith.constant 0 : i32
    %c0_i32_0 = arith.constant 0 : i32
    %c0_i32_1 = arith.constant 0 : i32
    return %c0_i32, %c0_i32_0 : i32, i32
  }
  func.func @transform_5(%arg0: i32) -> (i32, i32) {
    %c0_i32 = arith.constant 0 : i32
    %c0_i32_0 = arith.constant 0 : i32
    %c0_i32_1 = arith.constant 0 : i32
    return %c0_i32, %c0_i32_0 : i32, i32
  }
  func.func @transform_6(%arg0: i32) -> (i32, i32, i32) {
    %c0_i32 = arith.constant 0 : i32
    %c0_i32_0 = arith.constant 0 : i32
    %c0_i32_1 = arith.constant 0 : i32
    return %arg0, %c0_i32, %c0_i32_0 : i32, i32, i32
  }
  func.func @transform_7(%arg0: i32) -> (i32, i32, i32) {
    %c0_i32 = arith.constant 0 : i32
    %c0_i32_0 = arith.constant 0 : i32
    %c0_i32_1 = arith.constant 0 : i32
    return %arg0, %c0_i32, %c0_i32_0 : i32, i32, i32
  }
}

module attributes {stable_mosaic.version = 14 : i64} {
  func.func @body(%arg0: i32, %arg1: memref<512x32xf32, #tpu.memory_space<vmem>>, %arg2: memref<512x32xf32, #tpu.memory_space<vmem>>, %arg3: memref<512x1xf32, #tpu.memory_space<vmem>>, %arg4: memref<1x32xf32, #tpu.memory_space<vmem>>, %arg5: memref<512x32xf32, #tpu.memory_space<vmem>>) attributes {dimension_semantics = [#tpu.dimension_semantics<arbitrary>], iteration_bounds = array<i64: 32>, scalar_prefetch = 0 : i64, scratch_operands = 0 : i64, tpu.core_type = #tpu.core_type<tc>, window_params = [{transform_indices = @transform_0, window_bounds = array<i64: 512, 32>}, {transform_indices = @transform_1, window_bounds = array<i64: 512, 32>}, {transform_indices = @transform_2, window_bounds = array<i64: 512, 1>}, {pipeline_mode = #tpu.pipeline_mode<synchronous>, transform_indices = @transform_3, window_bounds = array<i64: 1, 32>}, {transform_indices = @transform_4, window_bounds = array<i64: 512, 32>}]} {
    %get3A = arith.constant 0 : index
    %get3A_0 = arith.constant 0 : index
    %get3A_1 = vector.load %arg3[%get3A, %get3A_0] : memref<512x1xf32, #tpu.memory_space<vmem>>, vector<512x1xf32>
    %add3A = arith.constant 1.000000e+00 : f32
    %add3A_2 = vector.broadcast %add3A : f32 to vector<512x1xf32>
    %add3A_3 = arith.addf %get3A_1, %add3A_2 : vector<512x1xf32>
    %pow3A = arith.constant -5.000000e-01 : f32
    %pow3A_4 = vector.broadcast %pow3A : f32 to vector<512x1xf32>
    %pow3A_5 = math.powf %add3A_3, %pow3A_4 : vector<512x1xf32>
    %get3A_6 = arith.constant 0 : index
    %get3A_7 = arith.constant 0 : index
    %get3A_8 = vector.load %arg1[%get3A_6, %get3A_7] : memref<512x32xf32, #tpu.memory_space<vmem>>, vector<512x32xf32>
    %get3A_9 = arith.constant 0 : index
    %get3A_10 = arith.constant 0 : index
    %get3A_11 = vector.load %arg2[%get3A_9, %get3A_10] : memref<512x32xf32, #tpu.memory_space<vmem>>, vector<512x32xf32>
    %add3A_12 = arith.addf %get3A_8, %get3A_11 : vector<512x32xf32>
    %mul3A = vector.broadcast %pow3A_5 : vector<512x1xf32> to vector<512x32xf32>
    %mul3A_13 = arith.mulf %mul3A, %add3A_12 : vector<512x32xf32>
    %get3A_14 = arith.constant 0 : index
    %get3A_15 = arith.constant 0 : index
    %get3A_16 = vector.load %arg4[%get3A_14, %get3A_15] : memref<1x32xf32, #tpu.memory_space<vmem>>, vector<1x32xf32>
    %add3A_17 = vector.broadcast %get3A_16 : vector<1x32xf32> to vector<512x32xf32>
    %add3A_18 = arith.addf %mul3A_13, %add3A_17 : vector<512x32xf32>
    %swap3A = arith.constant 0 : index
    %swap3A_19 = arith.constant 0 : index
    %swap3A_20 = vector.load %arg5[%swap3A, %swap3A_19] : memref<512x32xf32, #tpu.memory_space<vmem>>, vector<512x32xf32>
    tpu.vector_store %arg5[%swap3A, %swap3A_19], %add3A_18 {strides = array<i32>} : memref<512x32xf32, #tpu.memory_space<vmem>>, vector<512x32xf32>,
    return
  }
  func.func @transform_0(%arg0: i32) -> (i32, i32) {
    %c0_i32 = arith.constant 0 : i32
    %c0_i32_0 = arith.constant 0 : i32
    return %arg0, %c0_i32 : i32, i32
  }
  func.func @transform_1(%arg0: i32) -> (i32, i32) {
    %c0_i32 = arith.constant 0 : i32
    %c0_i32_0 = arith.constant 0 : i32
    return %arg0, %c0_i32 : i32, i32
  }
  func.func @transform_2(%arg0: i32) -> (i32, i32) {
    %c0_i32 = arith.constant 0 : i32
    %c0_i32_0 = arith.constant 0 : i32
    return %arg0, %c0_i32 : i32, i32
  }
  func.func @transform_3(%arg0: i32) -> (i32, i32) {
    %c0_i32 = arith.constant 0 : i32
    %c0_i32_0 = arith.constant 0 : i32
    %c0_i32_1 = arith.constant 0 : i32
    return %c0_i32, %c0_i32_0 : i32, i32
  }
  func.func @transform_4(%arg0: i32) -> (i32, i32) {
    %c0_i32 = arith.constant 0 : i32
    %c0_i32_0 = arith.constant 0 : i32
    return %arg0, %c0_i32 : i32, i32
  }
}

module attributes {stable_mosaic.version = 14 : i64} {
  func.func @body(%arg0: i32, %arg1: memref<1x64x32xf32, #tpu.memory_space<vmem>>, %arg2: memref<1x32x64xf32, #tpu.memory_space<vmem>>, %arg3: memref<1x64x32xf32, #tpu.memory_space<vmem>>, %arg4: memref<1x32x64xf32, #tpu.memory_space<vmem>>, %arg5: memref<32x1xf32, #tpu.memory_space<vmem>>, %arg6: memref<32x1xf32, #tpu.memory_space<vmem>>, %arg7: memref<1x128x128xf32, #tpu.memory_space<vmem>>, %arg8: memref<1x128x128xf32, #tpu.memory_space<vmem>>) attributes {dimension_semantics = [#tpu.dimension_semantics<arbitrary>], iteration_bounds = array<i64: 128>, scalar_prefetch = 0 : i64, scratch_operands = 0 : i64, tpu.core_type = #tpu.core_type<tc>, window_params = [{transform_indices = @transform_0, window_bounds = array<i64: 1, 64, 32>}, {transform_indices = @transform_1, window_bounds = array<i64: 1, 32, 64>}, {transform_indices = @transform_2, window_bounds = array<i64: 1, 64, 32>}, {transform_indices = @transform_3, window_bounds = array<i64: 1, 32, 64>}, {pipeline_mode = #tpu.pipeline_mode<synchronous>, transform_indices = @transform_4, window_bounds = array<i64: 32, 1>}, {pipeline_mode = #tpu.pipeline_mode<synchronous>, transform_indices = @transform_5, window_bounds = array<i64: 32, 1>}, {transform_indices = @transform_6, window_bounds = array<i64: 1, 128, 128>}, {transform_indices = @transform_7, window_bounds = array<i64: 1, 128, 128>}]} {
    %get3A = arith.constant 0 : index
    %get3A_0 = arith.constant 0 : index
    %get3A_1 = arith.constant 0 : index
    %get3A_2 = vector.load %arg1[%get3A, %get3A_0, %get3A_1] : memref<1x64x32xf32, #tpu.memory_space<vmem>>, vector<1x64x32xf32>
    %get3A_3 = vector.shape_cast %get3A_2 : vector<1x64x32xf32> to vector<64x32xf32>
    %get3A_4 = arith.constant 0 : index
    %get3A_5 = arith.constant 0 : index
    %get3A_6 = arith.constant 0 : index
    %get3A_7 = vector.load %arg3[%get3A_4, %get3A_5, %get3A_6] : memref<1x64x32xf32, #tpu.memory_space<vmem>>, vector<1x64x32xf32>
    %get3A_8 = vector.shape_cast %get3A_7 : vector<1x64x32xf32> to vector<64x32xf32>
    %get3A_9 = arith.constant 0 : index
    %get3A_10 = arith.constant 0 : index
    %get3A_11 = arith.constant 0 : index
    %get3A_12 = vector.load %arg4[%get3A_9, %get3A_10, %get3A_11] : memref<1x32x64xf32, #tpu.memory_space<vmem>>, vector<1x32x64xf32>
    %get3A_13 = vector.shape_cast %get3A_12 : vector<1x32x64xf32> to vector<32x64xf32>
    %dot_general3A = arith.constant dense<0.000000e+00> : vector<64x64xf32>
    %dot_general3A_14 = tpu.matmul %get3A_3, %get3A_13, %dot_general3A {dimension_numbers = #tpu.dot_dimension_numbers<[1], [0], [0], [1], [0, 0, 1, 1], [], []>, transpose_lhs_hint = false} : vector<64x32xf32>, vector<32x64xf32>, vector<64x64xf32> -> vector<64x64xf32>
    %neg3A = arith.constant 0.000000e+00 : f32
    %neg3A_15 = vector.broadcast %neg3A : f32 to vector<64x64xf32>
    %neg3A_16 = arith.subf %neg3A_15, %dot_general3A_14 : vector<64x64xf32>
    %get3A_17 = arith.constant 0 : index
    %get3A_18 = arith.constant 0 : index
    %get3A_19 = arith.constant 0 : index
    %get3A_20 = vector.load %arg2[%get3A_17, %get3A_18, %get3A_19] : memref<1x32x64xf32, #tpu.memory_space<vmem>>, vector<1x32x64xf32>
    %get3A_21 = vector.shape_cast %get3A_20 : vector<1x32x64xf32> to vector<32x64xf32>
    %dot_general3A_22 = arith.constant dense<0.000000e+00> : vector<64x64xf32>
    %dot_general3A_23 = tpu.matmul %get3A_8, %get3A_21, %dot_general3A_22 {dimension_numbers = #tpu.dot_dimension_numbers<[1], [0], [0], [1], [0, 0, 1, 1], [], []>, transpose_lhs_hint = false} : vector<64x32xf32>, vector<32x64xf32>, vector<64x64xf32> -> vector<64x64xf32>
    %neg3A_24 = arith.constant 0.000000e+00 : f32
    %neg3A_25 = vector.broadcast %neg3A_24 : f32 to vector<64x64xf32>
    %neg3A_26 = arith.subf %neg3A_25, %dot_general3A_23 : vector<64x64xf32>
    %get3A_27 = arith.constant 0 : index
    %get3A_28 = arith.constant 0 : index
    %get3A_29 = vector.load %arg5[%get3A_27, %get3A_28] : memref<32x1xf32, #tpu.memory_space<vmem>>, vector<32x1xf32>
    %dot_general3A_30 = arith.constant dense<0.000000e+00> : vector<64x1xf32>
    %dot_general3A_31 = tpu.matmul %get3A_3, %get3A_29, %dot_general3A_30 {dimension_numbers = #tpu.dot_dimension_numbers<[1], [0], [0], [1], [0, 0, 1, 1], [], []>, transpose_lhs_hint = false} : vector<64x32xf32>, vector<32x1xf32>, vector<64x1xf32> -> vector<64x1xf32>
    %neg3A_32 = arith.constant 0.000000e+00 : f32
    %neg3A_33 = vector.broadcast %neg3A_32 : f32 to vector<64x1xf32>
    %neg3A_34 = arith.subf %neg3A_33, %dot_general3A_31 : vector<64x1xf32>
    %get3A_35 = arith.constant 0 : index
    %get3A_36 = arith.constant 0 : index
    %get3A_37 = vector.load %arg6[%get3A_35, %get3A_36] : memref<32x1xf32, #tpu.memory_space<vmem>>, vector<32x1xf32>
    %dot_general3A_38 = arith.constant dense<0.000000e+00> : vector<64x1xf32>
    %dot_general3A_39 = tpu.matmul %get3A_8, %get3A_37, %dot_general3A_38 {dimension_numbers = #tpu.dot_dimension_numbers<[1], [0], [0], [1], [0, 0, 1, 1], [], []>, transpose_lhs_hint = false} : vector<64x32xf32>, vector<32x1xf32>, vector<64x1xf32> -> vector<64x1xf32>
    %neg3A_40 = arith.constant 0.000000e+00 : f32
    %neg3A_41 = vector.broadcast %neg3A_40 : f32 to vector<64x1xf32>
    %neg3A_42 = arith.subf %neg3A_41, %dot_general3A_39 : vector<64x1xf32>
    %iota3A = tpu.iota {dimensions = array<i32: 0>} : vector<64x64xi32>
    %iota3A_43 = tpu.iota {dimensions = array<i32: 1>} : vector<64x64xi32>
    %eq3A = arith.cmpi eq, %iota3A, %iota3A_43 : vector<64x64xi32>
    %jit3A = arith.constant 9.999900e+04 : f32
    %broadcast_in_dim3A = vector.shape_cast %neg3A_34 : vector<64x1xf32> to vector<64x1xf32>
    %broadcast_in_dim3A_44 = vector.broadcast %broadcast_in_dim3A : vector<64x1xf32> to vector<64x64xf32>
    %broadcast_in_dim3A_45 = vector.broadcast %jit3A : f32 to vector<64x64xf32>
    %select_n3A = arith.select %eq3A, %broadcast_in_dim3A_44, %broadcast_in_dim3A_45 : vector<64x64xi1>, vector<64x64xf32>
    %jit3A_46 = arith.constant 9.999900e+04 : f32
    %broadcast_in_dim3A_47 = vector.shape_cast %neg3A_42 : vector<64x1xf32> to vector<64x1xf32>
    %broadcast_in_dim3A_48 = vector.broadcast %broadcast_in_dim3A_47 : vector<64x1xf32> to vector<64x64xf32>
    %broadcast_in_dim3A_49 = vector.broadcast %jit3A_46 : f32 to vector<64x64xf32>
    %select_n3A_50 = arith.select %eq3A, %broadcast_in_dim3A_48, %broadcast_in_dim3A_49 : vector<64x64xi1>, vector<64x64xf32>
    %broadcast_in_dim3A_51 = arith.constant 0.000000e+00 : f32
    %broadcast_in_dim3A_52 = vector.broadcast %broadcast_in_dim3A_51 : f32 to vector<64x64xf32>
    %concatenate3A = tpu.concatenate %neg3A_16, %select_n3A in 1 : vector<64x64xf32>, vector<64x64xf32> -> vector<64x128xf32>
    %concatenate3A_53 = tpu.concatenate %select_n3A_50, %broadcast_in_dim3A_52 in 1 : vector<64x64xf32>, vector<64x64xf32> -> vector<64x128xf32>
    %concatenate3A_54 = tpu.concatenate %concatenate3A, %concatenate3A_53 in 0 : vector<64x128xf32>, vector<64x128xf32> -> vector<128x128xf32>
    %swap3A = arith.constant 0 : index
    %swap3A_55 = arith.constant 0 : index
    %swap3A_56 = arith.constant 0 : index
    %swap3A_57 = vector.load %arg7[%swap3A, %swap3A_55, %swap3A_56] : memref<1x128x128xf32, #tpu.memory_space<vmem>>, vector<1x128x128xf32>
    %swap3A_58 = vector.shape_cast %swap3A_57 : vector<1x128x128xf32> to vector<128x128xf32>
    %swap3A_59 = vector.shape_cast %concatenate3A_54 : vector<128x128xf32> to vector<1x128x128xf32>
    tpu.vector_store %arg7[%swap3A, %swap3A_55, %swap3A_56], %swap3A_59 {strides = array<i32>} : memref<1x128x128xf32, #tpu.memory_space<vmem>>, vector<1x128x128xf32>,
    %concatenate3A_60 = tpu.concatenate %neg3A_26, %select_n3A_50 in 1 : vector<64x64xf32>, vector<64x64xf32> -> vector<64x128xf32>
    %concatenate3A_61 = tpu.concatenate %select_n3A, %broadcast_in_dim3A_52 in 1 : vector<64x64xf32>, vector<64x64xf32> -> vector<64x128xf32>
    %concatenate3A_62 = tpu.concatenate %concatenate3A_60, %concatenate3A_61 in 0 : vector<64x128xf32>, vector<64x128xf32> -> vector<128x128xf32>
    %swap3A_63 = arith.constant 0 : index
    %swap3A_64 = arith.constant 0 : index
    %swap3A_65 = arith.constant 0 : index
    %swap3A_66 = vector.load %arg8[%swap3A_63, %swap3A_64, %swap3A_65] : memref<1x128x128xf32, #tpu.memory_space<vmem>>, vector<1x128x128xf32>
    %swap3A_67 = vector.shape_cast %swap3A_66 : vector<1x128x128xf32> to vector<128x128xf32>
    %swap3A_68 = vector.shape_cast %concatenate3A_62 : vector<128x128xf32> to vector<1x128x128xf32>
    tpu.vector_store %arg8[%swap3A_63, %swap3A_64, %swap3A_65], %swap3A_68 {strides = array<i32>} : memref<1x128x128xf32, #tpu.memory_space<vmem>>, vector<1x128x128xf32>,
    return
  }
  func.func @transform_0(%arg0: i32) -> (i32, i32, i32) {
    %c0_i32 = arith.constant 0 : i32
    %c0_i32_0 = arith.constant 0 : i32
    %c0_i32_1 = arith.constant 0 : i32
    return %arg0, %c0_i32, %c0_i32_0 : i32, i32, i32
  }
  func.func @transform_1(%arg0: i32) -> (i32, i32, i32) {
    %c0_i32 = arith.constant 0 : i32
    %c0_i32_0 = arith.constant 0 : i32
    %c0_i32_1 = arith.constant 0 : i32
    return %arg0, %c0_i32, %c0_i32_0 : i32, i32, i32
  }
  func.func @transform_2(%arg0: i32) -> (i32, i32, i32) {
    %c0_i32 = arith.constant 0 : i32
    %c0_i32_0 = arith.constant 0 : i32
    %c0_i32_1 = arith.constant 0 : i32
    return %arg0, %c0_i32, %c0_i32_0 : i32, i32, i32
  }
  func.func @transform_3(%arg0: i32) -> (i32, i32, i32) {
    %c0_i32 = arith.constant 0 : i32
    %c0_i32_0 = arith.constant 0 : i32
    %c0_i32_1 = arith.constant 0 : i32
    return %arg0, %c0_i32, %c0_i32_0 : i32, i32, i32
  }
  func.func @transform_4(%arg0: i32) -> (i32, i32) {
    %c0_i32 = arith.constant 0 : i32
    %c0_i32_0 = arith.constant 0 : i32
    %c0_i32_1 = arith.constant 0 : i32
    return %c0_i32, %c0_i32_0 : i32, i32
  }
  func.func @transform_5(%arg0: i32) -> (i32, i32) {
    %c0_i32 = arith.constant 0 : i32
    %c0_i32_0 = arith.constant 0 : i32
    %c0_i32_1 = arith.constant 0 : i32
    return %c0_i32, %c0_i32_0 : i32, i32
  }
  func.func @transform_6(%arg0: i32) -> (i32, i32, i32) {
    %c0_i32 = arith.constant 0 : i32
    %c0_i32_0 = arith.constant 0 : i32
    %c0_i32_1 = arith.constant 0 : i32
    return %arg0, %c0_i32, %c0_i32_0 : i32, i32, i32
  }
  func.func @transform_7(%arg0: i32) -> (i32, i32, i32) {
    %c0_i32 = arith.constant 0 : i32
    %c0_i32_0 = arith.constant 0 : i32
    %c0_i32_1 = arith.constant 0 : i32
    return %arg0, %c0_i32, %c0_i32_0 : i32, i32, i32
  }
}

module attributes {stable_mosaic.version = 14 : i64} {
  func.func @_greedy_body(%arg0: i32, %arg1: memref<64x128x128xf32, #tpu.memory_space<vmem>>, %arg2: memref<64x128x128xf32, #tpu.memory_space<vmem>>, %arg3: memref<64x1xf32, #tpu.memory_space<vmem>>, %arg4: memref<64x128x128xf32, #tpu.memory_space<vmem>>, %arg5: memref<64x1xi32, #tpu.memory_space<vmem>>, %arg6: memref<64x1xi32, #tpu.memory_space<vmem>>) attributes {dimension_semantics = [#tpu.dimension_semantics<arbitrary>], iteration_bounds = array<i64: 6>, scalar_prefetch = 0 : i64, scratch_operands = 3 : i64, tpu.core_type = #tpu.core_type<tc>, window_params = [{transform_indices = @transform_0, window_bounds = array<i64: 64, 128, 128>}, {transform_indices = @transform_1, window_bounds = array<i64: 64, 128, 128>}, {transform_indices = @transform_2, window_bounds = array<i64: 64, 1>}]} {
    %get3A = arith.constant 0 : index
    %get3A_0 = arith.constant 0 : index
    %get3A_1 = arith.constant 0 : index
    %get3A_2 = vector.load %arg1[%get3A, %get3A_0, %get3A_1] : memref<64x128x128xf32, #tpu.memory_space<vmem>>, vector<64x128x128xf32>
    %swap3A = arith.constant 0 : index
    %swap3A_3 = arith.constant 0 : index
    %swap3A_4 = arith.constant 0 : index
    %swap3A_5 = vector.load %arg4[%swap3A, %swap3A_3, %swap3A_4] : memref<64x128x128xf32, #tpu.memory_space<vmem>>, vector<64x128x128xf32>
    tpu.vector_store %arg4[%swap3A, %swap3A_3, %swap3A_4], %get3A_2 {strides = array<i32>} : memref<64x128x128xf32, #tpu.memory_space<vmem>>, vector<64x128x128xf32>,
    %iota3A = tpu.iota {dimensions = array<i32: 1>} : vector<64x128xi32>
    %convert_element_type3A = arith.sitofp %iota3A : vector<64x128xi32> to vector<64x128xf32>
    %broadcast_in_dim3A = arith.constant 9.99999995E+11 : f32
    %broadcast_in_dim3A_6 = vector.broadcast %broadcast_in_dim3A : f32 to vector<1x128xf32>
    %broadcast_in_dim3A_7 = arith.constant 0.000000e+00 : f32
    %broadcast_in_dim3A_8 = vector.broadcast %broadcast_in_dim3A_7 : f32 to vector<64x128xf32>
    %broadcast_in_dim3A_9 = arith.constant 0.000000e+00 : f32
    %broadcast_in_dim3A_10 = vector.broadcast %broadcast_in_dim3A_9 : f32 to vector<64x1xf32>
    %scan3A = arith.constant 9.99999995E+11 : f32
    %scan3A_11 = arith.constant 0 : i32
    %scan3A_12 = arith.constant 128 : i32
    %scan3A_13 = arith.addi %scan3A_11, %scan3A_12 : i32
    %scan3A_14 = arith.constant 1 : i32
    %scan3A_15:3 = scf.for %scan3A_19 = %scan3A_11 to %scan3A_13 step %scan3A_14 iter_args(%scan3A_20 = %broadcast_in_dim3A_8, %scan3A_21 = %broadcast_in_dim3A_8, %scan3A_22 = %broadcast_in_dim3A_10) -> (vector<64x128xf32>, vector<64x128xf32>, vector<64x1xf32>)  : i32 {
      %get3A_23 = arith.constant 0 : index
      %get3A_24 = arith.constant 0 : index
      %get3A_25 = arith.constant 0 : index
      %get3A_26 = vector.load %arg4[%get3A_23, %get3A_24, %get3A_25] : memref<64x128x128xf32, #tpu.memory_space<vmem>>, vector<64x128x128xf32>
      %reduce_min3A = arith.constant dense<0x7F800000> : vector<64x128xf32>
      %reduce_min3A_27 = vector.multi_reduction <minimumf>, %get3A_26, %reduce_min3A [1] : vector<64x128x128xf32> to vector<64x128xf32>
      %add3A = arith.addf %reduce_min3A_27, %scan3A_20 : vector<64x128xf32>
      %reduce_min3A_28 = arith.constant dense<0x7F800000> : vector<64xf32>
      %reduce_min3A_29 = vector.multi_reduction <minimumf>, %add3A, %reduce_min3A_28 [1] : vector<64x128xf32> to vector<64xf32>
      %broadcast_in_dim3A_30 = vector.shape_cast %reduce_min3A_29 : vector<64xf32> to vector<64x1xf32>
      %eq3A = vector.broadcast %broadcast_in_dim3A_30 : vector<64x1xf32> to vector<64x128xf32>
      %eq3A_31 = arith.cmpf oeq, %add3A, %eq3A : vector<64x128xf32>
      %jit3A = arith.constant 9.999900e+04 : f32
      %broadcast_in_dim3A_32 = vector.broadcast %jit3A : f32 to vector<64x128xf32>
      %select_n3A = arith.select %eq3A_31, %convert_element_type3A, %broadcast_in_dim3A_32 : vector<64x128xi1>, vector<64x128xf32>
      %reduce_min3A_33 = arith.constant dense<0x7F800000> : vector<64xf32>
      %reduce_min3A_34 = vector.multi_reduction <minimumf>, %select_n3A, %reduce_min3A_33 [1] : vector<64x128xf32> to vector<64xf32>
      %broadcast_in_dim3A_35 = vector.shape_cast %reduce_min3A_34 : vector<64xf32> to vector<64x1xf32>
      %add3A_36 = arith.addf %scan3A_22, %broadcast_in_dim3A_30 : vector<64x1xf32>
      %convert_element_type3A_37 = arith.fptosi %broadcast_in_dim3A_35 : vector<64x1xf32> to vector<64x1xi32>
      %swap3A_38 = arith.constant 0 : index
      %swap3A_39 = arith.constant 0 : index
      %swap3A_40 = vector.load %arg5[%swap3A_38, %swap3A_39] : memref<64x1xi32, #tpu.memory_space<vmem>>, vector<64x1xi32>
      tpu.vector_store %arg5[%swap3A_38, %swap3A_39], %convert_element_type3A_37 {strides = array<i32>} : memref<64x1xi32, #tpu.memory_space<vmem>>, vector<64x1xi32>,
      %get3A_41 = arith.constant 0 : index
      %get3A_42 = arith.constant 0 : index
      %get3A_43 = vector.load %arg5[%get3A_41, %get3A_42] : memref<64x1xi32, #tpu.memory_space<vmem>>, vector<1x1xi32>
      %get3A_44 = vector.extract %get3A_43[0, 0] : i32 from vector<1x1xi32>
      %get3A_45 = arith.constant 0 : index
      %get3A_46 = arith.index_cast %get3A_44 : i32 to index
      %get3A_47 = arith.constant 0 : index
      %get3A_48 = vector.load %arg2[%get3A_45, %get3A_46, %get3A_47] : memref<64x128x128xf32, #tpu.memory_space<vmem>>, vector<1x1x128xf32>
      %get3A_49 = vector.shape_cast %get3A_48 : vector<1x1x128xf32> to vector<1x128xf32>
      %get3A_50 = arith.constant 1 : index
      %get3A_51 = arith.constant 0 : index
      %get3A_52 = vector.load %arg5[%get3A_50, %get3A_51] : memref<64x1xi32, #tpu.memory_space<vmem>>, vector<1x1xi32>
      %get3A_53 = vector.extract %get3A_52[0, 0] : i32 from vector<1x1xi32>
      %get3A_54 = arith.constant 1 : index
      %get3A_55 = arith.index_cast %get3A_53 : i32 to index
      %get3A_56 = arith.constant 0 : index
      %get3A_57 = vector.load %arg2[%get3A_54, %get3A_55, %get3A_56] : memref<64x128x128xf32, #tpu.memory_space<vmem>>, vector<1x1x128xf32>
      %get3A_58 = vector.shape_cast %get3A_57 : vector<1x1x128xf32> to vector<1x128xf32>
      %get3A_59 = arith.constant 2 : index
      %get3A_60 = arith.constant 0 : index
      %get3A_61 = vector.load %arg5[%get3A_59, %get3A_60] : memref<64x1xi32, #tpu.memory_space<vmem>>, vector<1x1xi32>
      %get3A_62 = vector.extract %get3A_61[0, 0] : i32 from vector<1x1xi32>
      %get3A_63 = arith.constant 2 : index
      %get3A_64 = arith.index_cast %get3A_62 : i32 to index
      %get3A_65 = arith.constant 0 : index
      %get3A_66 = vector.load %arg2[%get3A_63, %get3A_64, %get3A_65] : memref<64x128x128xf32, #tpu.memory_space<vmem>>, vector<1x1x128xf32>
      %get3A_67 = vector.shape_cast %get3A_66 : vector<1x1x128xf32> to vector<1x128xf32>
      %get3A_68 = arith.constant 3 : index
      %get3A_69 = arith.constant 0 : index
      %get3A_70 = vector.load %arg5[%get3A_68, %get3A_69] : memref<64x1xi32, #tpu.memory_space<vmem>>, vector<1x1xi32>
      %get3A_71 = vector.extract %get3A_70[0, 0] : i32 from vector<1x1xi32>
      %get3A_72 = arith.constant 3 : index
      %get3A_73 = arith.index_cast %get3A_71 : i32 to index
      %get3A_74 = arith.constant 0 : index
      %get3A_75 = vector.load %arg2[%get3A_72, %get3A_73, %get3A_74] : memref<64x128x128xf32, #tpu.memory_space<vmem>>, vector<1x1x128xf32>
      %get3A_76 = vector.shape_cast %get3A_75 : vector<1x1x128xf32> to vector<1x128xf32>
      %get3A_77 = arith.constant 4 : index
      %get3A_78 = arith.constant 0 : index
      %get3A_79 = vector.load %arg5[%get3A_77, %get3A_78] : memref<64x1xi32, #tpu.memory_space<vmem>>, vector<1x1xi32>
      %get3A_80 = vector.extract %get3A_79[0, 0] : i32 from vector<1x1xi32>
      %get3A_81 = arith.constant 4 : index
      %get3A_82 = arith.index_cast %get3A_80 : i32 to index
      %get3A_83 = arith.constant 0 : index
      %get3A_84 = vector.load %arg2[%get3A_81, %get3A_82, %get3A_83] : memref<64x128x128xf32, #tpu.memory_space<vmem>>, vector<1x1x128xf32>
      %get3A_85 = vector.shape_cast %get3A_84 : vector<1x1x128xf32> to vector<1x128xf32>
      %get3A_86 = arith.constant 5 : index
      %get3A_87 = arith.constant 0 : index
      %get3A_88 = vector.load %arg5[%get3A_86, %get3A_87] : memref<64x1xi32, #tpu.memory_space<vmem>>, vector<1x1xi32>
      %get3A_89 = vector.extract %get3A_88[0, 0] : i32 from vector<1x1xi32>
      %get3A_90 = arith.constant 5 : index
      %get3A_91 = arith.index_cast %get3A_89 : i32 to index
      %get3A_92 = arith.constant 0 : index
      %get3A_93 = vector.load %arg2[%get3A_90, %get3A_91, %get3A_92] : memref<64x128x128xf32, #tpu.memory_space<vmem>>, vector<1x1x128xf32>
      %get3A_94 = vector.shape_cast %get3A_93 : vector<1x1x128xf32> to vector<1x128xf32>
      %get3A_95 = arith.constant 6 : index
      %get3A_96 = arith.constant 0 : index
      %get3A_97 = vector.load %arg5[%get3A_95, %get3A_96] : memref<64x1xi32, #tpu.memory_space<vmem>>, vector<1x1xi32>
      %get3A_98 = vector.extract %get3A_97[0, 0] : i32 from vector<1x1xi32>
      %get3A_99 = arith.constant 6 : index
      %get3A_100 = arith.index_cast %get3A_98 : i32 to index
      %get3A_101 = arith.constant 0 : index
      %get3A_102 = vector.load %arg2[%get3A_99, %get3A_100, %get3A_101] : memref<64x128x128xf32, #tpu.memory_space<vmem>>, vector<1x1x128xf32>
      %get3A_103 = vector.shape_cast %get3A_102 : vector<1x1x128xf32> to vector<1x128xf32>
      %get3A_104 = arith.constant 7 : index
      %get3A_105 = arith.constant 0 : index
      %get3A_106 = vector.load %arg5[%get3A_104, %get3A_105] : memref<64x1xi32, #tpu.memory_space<vmem>>, vector<1x1xi32>
      %get3A_107 = vector.extract %get3A_106[0, 0] : i32 from vector<1x1xi32>
      %get3A_108 = arith.constant 7 : index
      %get3A_109 = arith.index_cast %get3A_107 : i32 to index
      %get3A_110 = arith.constant 0 : index
      %get3A_111 = vector.load %arg2[%get3A_108, %get3A_109, %get3A_110] : memref<64x128x128xf32, #tpu.memory_space<vmem>>, vector<1x1x128xf32>
      %get3A_112 = vector.shape_cast %get3A_111 : vector<1x1x128xf32> to vector<1x128xf32>
      %get3A_113 = arith.constant 8 : index
      %get3A_114 = arith.constant 0 : index
      %get3A_115 = vector.load %arg5[%get3A_113, %get3A_114] : memref<64x1xi32, #tpu.memory_space<vmem>>, vector<1x1xi32>
      %get3A_116 = vector.extract %get3A_115[0, 0] : i32 from vector<1x1xi32>
      %get3A_117 = arith.constant 8 : index
      %get3A_118 = arith.index_cast %get3A_116 : i32 to index
      %get3A_119 = arith.constant 0 : index
      %get3A_120 = vector.load %arg2[%get3A_117, %get3A_118, %get3A_119] : memref<64x128x128xf32, #tpu.memory_space<vmem>>, vector<1x1x128xf32>
      %get3A_121 = vector.shape_cast %get3A_120 : vector<1x1x128xf32> to vector<1x128xf32>
      %get3A_122 = arith.constant 9 : index
      %get3A_123 = arith.constant 0 : index
      %get3A_124 = vector.load %arg5[%get3A_122, %get3A_123] : memref<64x1xi32, #tpu.memory_space<vmem>>, vector<1x1xi32>
      %get3A_125 = vector.extract %get3A_124[0, 0] : i32 from vector<1x1xi32>
      %get3A_126 = arith.constant 9 : index
      %get3A_127 = arith.index_cast %get3A_125 : i32 to index
      %get3A_128 = arith.constant 0 : index
      %get3A_129 = vector.load %arg2[%get3A_126, %get3A_127, %get3A_128] : memref<64x128x128xf32, #tpu.memory_space<vmem>>, vector<1x1x128xf32>
      %get3A_130 = vector.shape_cast %get3A_129 : vector<1x1x128xf32> to vector<1x128xf32>
      %get3A_131 = arith.constant 10 : index
      %get3A_132 = arith.constant 0 : index
      %get3A_133 = vector.load %arg5[%get3A_131, %get3A_132] : memref<64x1xi32, #tpu.memory_space<vmem>>, vector<1x1xi32>
      %get3A_134 = vector.extract %get3A_133[0, 0] : i32 from vector<1x1xi32>
      %get3A_135 = arith.constant 10 : index
      %get3A_136 = arith.index_cast %get3A_134 : i32 to index
      %get3A_137 = arith.constant 0 : index
      %get3A_138 = vector.load %arg2[%get3A_135, %get3A_136, %get3A_137] : memref<64x128x128xf32, #tpu.memory_space<vmem>>, vector<1x1x128xf32>
      %get3A_139 = vector.shape_cast %get3A_138 : vector<1x1x128xf32> to vector<1x128xf32>
      %get3A_140 = arith.constant 11 : index
      %get3A_141 = arith.constant 0 : index
      %get3A_142 = vector.load %arg5[%get3A_140, %get3A_141] : memref<64x1xi32, #tpu.memory_space<vmem>>, vector<1x1xi32>
      %get3A_143 = vector.extract %get3A_142[0, 0] : i32 from vector<1x1xi32>
      %get3A_144 = arith.constant 11 : index
      %get3A_145 = arith.index_cast %get3A_143 : i32 to index
      %get3A_146 = arith.constant 0 : index
      %get3A_147 = vector.load %arg2[%get3A_144, %get3A_145, %get3A_146] : memref<64x128x128xf32, #tpu.memory_space<vmem>>, vector<1x1x128xf32>
      %get3A_148 = vector.shape_cast %get3A_147 : vector<1x1x128xf32> to vector<1x128xf32>
      %get3A_149 = arith.constant 12 : index
      %get3A_150 = arith.constant 0 : index
      %get3A_151 = vector.load %arg5[%get3A_149, %get3A_150] : memref<64x1xi32, #tpu.memory_space<vmem>>, vector<1x1xi32>
      %get3A_152 = vector.extract %get3A_151[0, 0] : i32 from vector<1x1xi32>
      %get3A_153 = arith.constant 12 : index
      %get3A_154 = arith.index_cast %get3A_152 : i32 to index
      %get3A_155 = arith.constant 0 : index
      %get3A_156 = vector.load %arg2[%get3A_153, %get3A_154, %get3A_155] : memref<64x128x128xf32, #tpu.memory_space<vmem>>, vector<1x1x128xf32>
      %get3A_157 = vector.shape_cast %get3A_156 : vector<1x1x128xf32> to vector<1x128xf32>
      %get3A_158 = arith.constant 13 : index
      %get3A_159 = arith.constant 0 : index
      %get3A_160 = vector.load %arg5[%get3A_158, %get3A_159] : memref<64x1xi32, #tpu.memory_space<vmem>>, vector<1x1xi32>
      %get3A_161 = vector.extract %get3A_160[0, 0] : i32 from vector<1x1xi32>
      %get3A_162 = arith.constant 13 : index
      %get3A_163 = arith.index_cast %get3A_161 : i32 to index
      %get3A_164 = arith.constant 0 : index
      %get3A_165 = vector.load %arg2[%get3A_162, %get3A_163, %get3A_164] : memref<64x128x128xf32, #tpu.memory_space<vmem>>, vector<1x1x128xf32>
      %get3A_166 = vector.shape_cast %get3A_165 : vector<1x1x128xf32> to vector<1x128xf32>
      %get3A_167 = arith.constant 14 : index
      %get3A_168 = arith.constant 0 : index
      %get3A_169 = vector.load %arg5[%get3A_167, %get3A_168] : memref<64x1xi32, #tpu.memory_space<vmem>>, vector<1x1xi32>
      %get3A_170 = vector.extract %get3A_169[0, 0] : i32 from vector<1x1xi32>
      %get3A_171 = arith.constant 14 : index
      %get3A_172 = arith.index_cast %get3A_170 : i32 to index
      %get3A_173 = arith.constant 0 : index
      %get3A_174 = vector.load %arg2[%get3A_171, %get3A_172, %get3A_173] : memref<64x128x128xf32, #tpu.memory_space<vmem>>, vector<1x1x128xf32>
      %get3A_175 = vector.shape_cast %get3A_174 : vector<1x1x128xf32> to vector<1x128xf32>
      %get3A_176 = arith.constant 15 : index
      %get3A_177 = arith.constant 0 : index
      %get3A_178 = vector.load %arg5[%get3A_176, %get3A_177] : memref<64x1xi32, #tpu.memory_space<vmem>>, vector<1x1xi32>
      %get3A_179 = vector.extract %get3A_178[0, 0] : i32 from vector<1x1xi32>
      %get3A_180 = arith.constant 15 : index
      %get3A_181 = arith.index_cast %get3A_179 : i32 to index
      %get3A_182 = arith.constant 0 : index
      %get3A_183 = vector.load %arg2[%get3A_180, %get3A_181, %get3A_182] : memref<64x128x128xf32, #tpu.memory_space<vmem>>, vector<1x1x128xf32>
      %get3A_184 = vector.shape_cast %get3A_183 : vector<1x1x128xf32> to vector<1x128xf32>
      %get3A_185 = arith.constant 16 : index
      %get3A_186 = arith.constant 0 : index
      %get3A_187 = vector.load %arg5[%get3A_185, %get3A_186] : memref<64x1xi32, #tpu.memory_space<vmem>>, vector<1x1xi32>
      %get3A_188 = vector.extract %get3A_187[0, 0] : i32 from vector<1x1xi32>
      %get3A_189 = arith.constant 16 : index
      %get3A_190 = arith.index_cast %get3A_188 : i32 to index
      %get3A_191 = arith.constant 0 : index
      %get3A_192 = vector.load %arg2[%get3A_189, %get3A_190, %get3A_191] : memref<64x128x128xf32, #tpu.memory_space<vmem>>, vector<1x1x128xf32>
      %get3A_193 = vector.shape_cast %get3A_192 : vector<1x1x128xf32> to vector<1x128xf32>
      %get3A_194 = arith.constant 17 : index
      %get3A_195 = arith.constant 0 : index
      %get3A_196 = vector.load %arg5[%get3A_194, %get3A_195] : memref<64x1xi32, #tpu.memory_space<vmem>>, vector<1x1xi32>
      %get3A_197 = vector.extract %get3A_196[0, 0] : i32 from vector<1x1xi32>
      %get3A_198 = arith.constant 17 : index
      %get3A_199 = arith.index_cast %get3A_197 : i32 to index
      %get3A_200 = arith.constant 0 : index
      %get3A_201 = vector.load %arg2[%get3A_198, %get3A_199, %get3A_200] : memref<64x128x128xf32, #tpu.memory_space<vmem>>, vector<1x1x128xf32>
      %get3A_202 = vector.shape_cast %get3A_201 : vector<1x1x128xf32> to vector<1x128xf32>
      %get3A_203 = arith.constant 18 : index
      %get3A_204 = arith.constant 0 : index
      %get3A_205 = vector.load %arg5[%get3A_203, %get3A_204] : memref<64x1xi32, #tpu.memory_space<vmem>>, vector<1x1xi32>
      %get3A_206 = vector.extract %get3A_205[0, 0] : i32 from vector<1x1xi32>
      %get3A_207 = arith.constant 18 : index
      %get3A_208 = arith.index_cast %get3A_206 : i32 to index
      %get3A_209 = arith.constant 0 : index
      %get3A_210 = vector.load %arg2[%get3A_207, %get3A_208, %get3A_209] : memref<64x128x128xf32, #tpu.memory_space<vmem>>, vector<1x1x128xf32>
      %get3A_211 = vector.shape_cast %get3A_210 : vector<1x1x128xf32> to vector<1x128xf32>
      %get3A_212 = arith.constant 19 : index
      %get3A_213 = arith.constant 0 : index
      %get3A_214 = vector.load %arg5[%get3A_212, %get3A_213] : memref<64x1xi32, #tpu.memory_space<vmem>>, vector<1x1xi32>
      %get3A_215 = vector.extract %get3A_214[0, 0] : i32 from vector<1x1xi32>
      %get3A_216 = arith.constant 19 : index
      %get3A_217 = arith.index_cast %get3A_215 : i32 to index
      %get3A_218 = arith.constant 0 : index
      %get3A_219 = vector.load %arg2[%get3A_216, %get3A_217, %get3A_218] : memref<64x128x128xf32, #tpu.memory_space<vmem>>, vector<1x1x128xf32>
      %get3A_220 = vector.shape_cast %get3A_219 : vector<1x1x128xf32> to vector<1x128xf32>
      %get3A_221 = arith.constant 20 : index
      %get3A_222 = arith.constant 0 : index
      %get3A_223 = vector.load %arg5[%get3A_221, %get3A_222] : memref<64x1xi32, #tpu.memory_space<vmem>>, vector<1x1xi32>
      %get3A_224 = vector.extract %get3A_223[0, 0] : i32 from vector<1x1xi32>
      %get3A_225 = arith.constant 20 : index
      %get3A_226 = arith.index_cast %get3A_224 : i32 to index
      %get3A_227 = arith.constant 0 : index
      %get3A_228 = vector.load %arg2[%get3A_225, %get3A_226, %get3A_227] : memref<64x128x128xf32, #tpu.memory_space<vmem>>, vector<1x1x128xf32>
      %get3A_229 = vector.shape_cast %get3A_228 : vector<1x1x128xf32> to vector<1x128xf32>
      %get3A_230 = arith.constant 21 : index
      %get3A_231 = arith.constant 0 : index
      %get3A_232 = vector.load %arg5[%get3A_230, %get3A_231] : memref<64x1xi32, #tpu.memory_space<vmem>>, vector<1x1xi32>
      %get3A_233 = vector.extract %get3A_232[0, 0] : i32 from vector<1x1xi32>
      %get3A_234 = arith.constant 21 : index
      %get3A_235 = arith.index_cast %get3A_233 : i32 to index
      %get3A_236 = arith.constant 0 : index
      %get3A_237 = vector.load %arg2[%get3A_234, %get3A_235, %get3A_236] : memref<64x128x128xf32, #tpu.memory_space<vmem>>, vector<1x1x128xf32>
      %get3A_238 = vector.shape_cast %get3A_237 : vector<1x1x128xf32> to vector<1x128xf32>
      %get3A_239 = arith.constant 22 : index
      %get3A_240 = arith.constant 0 : index
      %get3A_241 = vector.load %arg5[%get3A_239, %get3A_240] : memref<64x1xi32, #tpu.memory_space<vmem>>, vector<1x1xi32>
      %get3A_242 = vector.extract %get3A_241[0, 0] : i32 from vector<1x1xi32>
      %get3A_243 = arith.constant 22 : index
      %get3A_244 = arith.index_cast %get3A_242 : i32 to index
      %get3A_245 = arith.constant 0 : index
      %get3A_246 = vector.load %arg2[%get3A_243, %get3A_244, %get3A_245] : memref<64x128x128xf32, #tpu.memory_space<vmem>>, vector<1x1x128xf32>
      %get3A_247 = vector.shape_cast %get3A_246 : vector<1x1x128xf32> to vector<1x128xf32>
      %get3A_248 = arith.constant 23 : index
      %get3A_249 = arith.constant 0 : index
      %get3A_250 = vector.load %arg5[%get3A_248, %get3A_249] : memref<64x1xi32, #tpu.memory_space<vmem>>, vector<1x1xi32>
      %get3A_251 = vector.extract %get3A_250[0, 0] : i32 from vector<1x1xi32>
      %get3A_252 = arith.constant 23 : index
      %get3A_253 = arith.index_cast %get3A_251 : i32 to index
      %get3A_254 = arith.constant 0 : index
      %get3A_255 = vector.load %arg2[%get3A_252, %get3A_253, %get3A_254] : memref<64x128x128xf32, #tpu.memory_space<vmem>>, vector<1x1x128xf32>
      %get3A_256 = vector.shape_cast %get3A_255 : vector<1x1x128xf32> to vector<1x128xf32>
      %get3A_257 = arith.constant 24 : index
      %get3A_258 = arith.constant 0 : index
      %get3A_259 = vector.load %arg5[%get3A_257, %get3A_258] : memref<64x1xi32, #tpu.memory_space<vmem>>, vector<1x1xi32>
      %get3A_260 = vector.extract %get3A_259[0, 0] : i32 from vector<1x1xi32>
      %get3A_261 = arith.constant 24 : index
      %get3A_262 = arith.index_cast %get3A_260 : i32 to index
      %get3A_263 = arith.constant 0 : index
      %get3A_264 = vector.load %arg2[%get3A_261, %get3A_262, %get3A_263] : memref<64x128x128xf32, #tpu.memory_space<vmem>>, vector<1x1x128xf32>
      %get3A_265 = vector.shape_cast %get3A_264 : vector<1x1x128xf32> to vector<1x128xf32>
      %get3A_266 = arith.constant 25 : index
      %get3A_267 = arith.constant 0 : index
      %get3A_268 = vector.load %arg5[%get3A_266, %get3A_267] : memref<64x1xi32, #tpu.memory_space<vmem>>, vector<1x1xi32>
      %get3A_269 = vector.extract %get3A_268[0, 0] : i32 from vector<1x1xi32>
      %get3A_270 = arith.constant 25 : index
      %get3A_271 = arith.index_cast %get3A_269 : i32 to index
      %get3A_272 = arith.constant 0 : index
      %get3A_273 = vector.load %arg2[%get3A_270, %get3A_271, %get3A_272] : memref<64x128x128xf32, #tpu.memory_space<vmem>>, vector<1x1x128xf32>
      %get3A_274 = vector.shape_cast %get3A_273 : vector<1x1x128xf32> to vector<1x128xf32>
      %get3A_275 = arith.constant 26 : index
      %get3A_276 = arith.constant 0 : index
      %get3A_277 = vector.load %arg5[%get3A_275, %get3A_276] : memref<64x1xi32, #tpu.memory_space<vmem>>, vector<1x1xi32>
      %get3A_278 = vector.extract %get3A_277[0, 0] : i32 from vector<1x1xi32>
      %get3A_279 = arith.constant 26 : index
      %get3A_280 = arith.index_cast %get3A_278 : i32 to index
      %get3A_281 = arith.constant 0 : index
      %get3A_282 = vector.load %arg2[%get3A_279, %get3A_280, %get3A_281] : memref<64x128x128xf32, #tpu.memory_space<vmem>>, vector<1x1x128xf32>
      %get3A_283 = vector.shape_cast %get3A_282 : vector<1x1x128xf32> to vector<1x128xf32>
      %get3A_284 = arith.constant 27 : index
      %get3A_285 = arith.constant 0 : index
      %get3A_286 = vector.load %arg5[%get3A_284, %get3A_285] : memref<64x1xi32, #tpu.memory_space<vmem>>, vector<1x1xi32>
      %get3A_287 = vector.extract %get3A_286[0, 0] : i32 from vector<1x1xi32>
      %get3A_288 = arith.constant 27 : index
      %get3A_289 = arith.index_cast %get3A_287 : i32 to index
      %get3A_290 = arith.constant 0 : index
      %get3A_291 = vector.load %arg2[%get3A_288, %get3A_289, %get3A_290] : memref<64x128x128xf32, #tpu.memory_space<vmem>>, vector<1x1x128xf32>
      %get3A_292 = vector.shape_cast %get3A_291 : vector<1x1x128xf32> to vector<1x128xf32>
      %get3A_293 = arith.constant 28 : index
      %get3A_294 = arith.constant 0 : index
      %get3A_295 = vector.load %arg5[%get3A_293, %get3A_294] : memref<64x1xi32, #tpu.memory_space<vmem>>, vector<1x1xi32>
      %get3A_296 = vector.extract %get3A_295[0, 0] : i32 from vector<1x1xi32>
      %get3A_297 = arith.constant 28 : index
      %get3A_298 = arith.index_cast %get3A_296 : i32 to index
      %get3A_299 = arith.constant 0 : index
      %get3A_300 = vector.load %arg2[%get3A_297, %get3A_298, %get3A_299] : memref<64x128x128xf32, #tpu.memory_space<vmem>>, vector<1x1x128xf32>
      %get3A_301 = vector.shape_cast %get3A_300 : vector<1x1x128xf32> to vector<1x128xf32>
      %get3A_302 = arith.constant 29 : index
      %get3A_303 = arith.constant 0 : index
      %get3A_304 = vector.load %arg5[%get3A_302, %get3A_303] : memref<64x1xi32, #tpu.memory_space<vmem>>, vector<1x1xi32>
      %get3A_305 = vector.extract %get3A_304[0, 0] : i32 from vector<1x1xi32>
      %get3A_306 = arith.constant 29 : index
      %get3A_307 = arith.index_cast %get3A_305 : i32 to index
      %get3A_308 = arith.constant 0 : index
      %get3A_309 = vector.load %arg2[%get3A_306, %get3A_307, %get3A_308] : memref<64x128x128xf32, #tpu.memory_space<vmem>>, vector<1x1x128xf32>
      %get3A_310 = vector.shape_cast %get3A_309 : vector<1x1x128xf32> to vector<1x128xf32>
      %get3A_311 = arith.constant 30 : index
      %get3A_312 = arith.constant 0 : index
      %get3A_313 = vector.load %arg5[%get3A_311, %get3A_312] : memref<64x1xi32, #tpu.memory_space<vmem>>, vector<1x1xi32>
      %get3A_314 = vector.extract %get3A_313[0, 0] : i32 from vector<1x1xi32>
      %get3A_315 = arith.constant 30 : index
      %get3A_316 = arith.index_cast %get3A_314 : i32 to index
      %get3A_317 = arith.constant 0 : index
      %get3A_318 = vector.load %arg2[%get3A_315, %get3A_316, %get3A_317] : memref<64x128x128xf32, #tpu.memory_space<vmem>>, vector<1x1x128xf32>
      %get3A_319 = vector.shape_cast %get3A_318 : vector<1x1x128xf32> to vector<1x128xf32>
      %get3A_320 = arith.constant 31 : index
      %get3A_321 = arith.constant 0 : index
      %get3A_322 = vector.load %arg5[%get3A_320, %get3A_321] : memref<64x1xi32, #tpu.memory_space<vmem>>, vector<1x1xi32>
      %get3A_323 = vector.extract %get3A_322[0, 0] : i32 from vector<1x1xi32>
      %get3A_324 = arith.constant 31 : index
      %get3A_325 = arith.index_cast %get3A_323 : i32 to index
      %get3A_326 = arith.constant 0 : index
      %get3A_327 = vector.load %arg2[%get3A_324, %get3A_325, %get3A_326] : memref<64x128x128xf32, #tpu.memory_space<vmem>>, vector<1x1x128xf32>
      %get3A_328 = vector.shape_cast %get3A_327 : vector<1x1x128xf32> to vector<1x128xf32>
      %get3A_329 = arith.constant 32 : index
      %get3A_330 = arith.constant 0 : index
      %get3A_331 = vector.load %arg5[%get3A_329, %get3A_330] : memref<64x1xi32, #tpu.memory_space<vmem>>, vector<1x1xi32>
      %get3A_332 = vector.extract %get3A_331[0, 0] : i32 from vector<1x1xi32>
      %get3A_333 = arith.constant 32 : index
      %get3A_334 = arith.index_cast %get3A_332 : i32 to index
      %get3A_335 = arith.constant 0 : index
      %get3A_336 = vector.load %arg2[%get3A_333, %get3A_334, %get3A_335] : memref<64x128x128xf32, #tpu.memory_space<vmem>>, vector<1x1x128xf32>
      %get3A_337 = vector.shape_cast %get3A_336 : vector<1x1x128xf32> to vector<1x128xf32>
      %get3A_338 = arith.constant 33 : index
      %get3A_339 = arith.constant 0 : index
      %get3A_340 = vector.load %arg5[%get3A_338, %get3A_339] : memref<64x1xi32, #tpu.memory_space<vmem>>, vector<1x1xi32>
      %get3A_341 = vector.extract %get3A_340[0, 0] : i32 from vector<1x1xi32>
      %get3A_342 = arith.constant 33 : index
      %get3A_343 = arith.index_cast %get3A_341 : i32 to index
      %get3A_344 = arith.constant 0 : index
      %get3A_345 = vector.load %arg2[%get3A_342, %get3A_343, %get3A_344] : memref<64x128x128xf32, #tpu.memory_space<vmem>>, vector<1x1x128xf32>
      %get3A_346 = vector.shape_cast %get3A_345 : vector<1x1x128xf32> to vector<1x128xf32>
      %get3A_347 = arith.constant 34 : index
      %get3A_348 = arith.constant 0 : index
      %get3A_349 = vector.load %arg5[%get3A_347, %get3A_348] : memref<64x1xi32, #tpu.memory_space<vmem>>, vector<1x1xi32>
      %get3A_350 = vector.extract %get3A_349[0, 0] : i32 from vector<1x1xi32>
      %get3A_351 = arith.constant 34 : index
      %get3A_352 = arith.index_cast %get3A_350 : i32 to index
      %get3A_353 = arith.constant 0 : index
      %get3A_354 = vector.load %arg2[%get3A_351, %get3A_352, %get3A_353] : memref<64x128x128xf32, #tpu.memory_space<vmem>>, vector<1x1x128xf32>
      %get3A_355 = vector.shape_cast %get3A_354 : vector<1x1x128xf32> to vector<1x128xf32>
      %get3A_356 = arith.constant 35 : index
      %get3A_357 = arith.constant 0 : index
      %get3A_358 = vector.load %arg5[%get3A_356, %get3A_357] : memref<64x1xi32, #tpu.memory_space<vmem>>, vector<1x1xi32>
      %get3A_359 = vector.extract %get3A_358[0, 0] : i32 from vector<1x1xi32>
      %get3A_360 = arith.constant 35 : index
      %get3A_361 = arith.index_cast %get3A_359 : i32 to index
      %get3A_362 = arith.constant 0 : index
      %get3A_363 = vector.load %arg2[%get3A_360, %get3A_361, %get3A_362] : memref<64x128x128xf32, #tpu.memory_space<vmem>>, vector<1x1x128xf32>
      %get3A_364 = vector.shape_cast %get3A_363 : vector<1x1x128xf32> to vector<1x128xf32>
      %get3A_365 = arith.constant 36 : index
      %get3A_366 = arith.constant 0 : index
      %get3A_367 = vector.load %arg5[%get3A_365, %get3A_366] : memref<64x1xi32, #tpu.memory_space<vmem>>, vector<1x1xi32>
      %get3A_368 = vector.extract %get3A_367[0, 0] : i32 from vector<1x1xi32>
      %get3A_369 = arith.constant 36 : index
      %get3A_370 = arith.index_cast %get3A_368 : i32 to index
      %get3A_371 = arith.constant 0 : index
      %get3A_372 = vector.load %arg2[%get3A_369, %get3A_370, %get3A_371] : memref<64x128x128xf32, #tpu.memory_space<vmem>>, vector<1x1x128xf32>
      %get3A_373 = vector.shape_cast %get3A_372 : vector<1x1x128xf32> to vector<1x128xf32>
      %get3A_374 = arith.constant 37 : index
      %get3A_375 = arith.constant 0 : index
      %get3A_376 = vector.load %arg5[%get3A_374, %get3A_375] : memref<64x1xi32, #tpu.memory_space<vmem>>, vector<1x1xi32>
      %get3A_377 = vector.extract %get3A_376[0, 0] : i32 from vector<1x1xi32>
      %get3A_378 = arith.constant 37 : index
      %get3A_379 = arith.index_cast %get3A_377 : i32 to index
      %get3A_380 = arith.constant 0 : index
      %get3A_381 = vector.load %arg2[%get3A_378, %get3A_379, %get3A_380] : memref<64x128x128xf32, #tpu.memory_space<vmem>>, vector<1x1x128xf32>
      %get3A_382 = vector.shape_cast %get3A_381 : vector<1x1x128xf32> to vector<1x128xf32>
      %get3A_383 = arith.constant 38 : index
      %get3A_384 = arith.constant 0 : index
      %get3A_385 = vector.load %arg5[%get3A_383, %get3A_384] : memref<64x1xi32, #tpu.memory_space<vmem>>, vector<1x1xi32>
      %get3A_386 = vector.extract %get3A_385[0, 0] : i32 from vector<1x1xi32>
      %get3A_387 = arith.constant 38 : index
      %get3A_388 = arith.index_cast %get3A_386 : i32 to index
      %get3A_389 = arith.constant 0 : index
      %get3A_390 = vector.load %arg2[%get3A_387, %get3A_388, %get3A_389] : memref<64x128x128xf32, #tpu.memory_space<vmem>>, vector<1x1x128xf32>
      %get3A_391 = vector.shape_cast %get3A_390 : vector<1x1x128xf32> to vector<1x128xf32>
      %get3A_392 = arith.constant 39 : index
      %get3A_393 = arith.constant 0 : index
      %get3A_394 = vector.load %arg5[%get3A_392, %get3A_393] : memref<64x1xi32, #tpu.memory_space<vmem>>, vector<1x1xi32>
      %get3A_395 = vector.extract %get3A_394[0, 0] : i32 from vector<1x1xi32>
      %get3A_396 = arith.constant 39 : index
      %get3A_397 = arith.index_cast %get3A_395 : i32 to index
      %get3A_398 = arith.constant 0 : index
      %get3A_399 = vector.load %arg2[%get3A_396, %get3A_397, %get3A_398] : memref<64x128x128xf32, #tpu.memory_space<vmem>>, vector<1x1x128xf32>
      %get3A_400 = vector.shape_cast %get3A_399 : vector<1x1x128xf32> to vector<1x128xf32>
      %get3A_401 = arith.constant 40 : index
      %get3A_402 = arith.constant 0 : index
      %get3A_403 = vector.load %arg5[%get3A_401, %get3A_402] : memref<64x1xi32, #tpu.memory_space<vmem>>, vector<1x1xi32>
      %get3A_404 = vector.extract %get3A_403[0, 0] : i32 from vector<1x1xi32>
      %get3A_405 = arith.constant 40 : index
      %get3A_406 = arith.index_cast %get3A_404 : i32 to index
      %get3A_407 = arith.constant 0 : index
      %get3A_408 = vector.load %arg2[%get3A_405, %get3A_406, %get3A_407] : memref<64x128x128xf32, #tpu.memory_space<vmem>>, vector<1x1x128xf32>
      %get3A_409 = vector.shape_cast %get3A_408 : vector<1x1x128xf32> to vector<1x128xf32>
      %get3A_410 = arith.constant 41 : index
      %get3A_411 = arith.constant 0 : index
      %get3A_412 = vector.load %arg5[%get3A_410, %get3A_411] : memref<64x1xi32, #tpu.memory_space<vmem>>, vector<1x1xi32>
      %get3A_413 = vector.extract %get3A_412[0, 0] : i32 from vector<1x1xi32>
      %get3A_414 = arith.constant 41 : index
      %get3A_415 = arith.index_cast %get3A_413 : i32 to index
      %get3A_416 = arith.constant 0 : index
      %get3A_417 = vector.load %arg2[%get3A_414, %get3A_415, %get3A_416] : memref<64x128x128xf32, #tpu.memory_space<vmem>>, vector<1x1x128xf32>
      %get3A_418 = vector.shape_cast %get3A_417 : vector<1x1x128xf32> to vector<1x128xf32>
      %get3A_419 = arith.constant 42 : index
      %get3A_420 = arith.constant 0 : index
      %get3A_421 = vector.load %arg5[%get3A_419, %get3A_420] : memref<64x1xi32, #tpu.memory_space<vmem>>, vector<1x1xi32>
      %get3A_422 = vector.extract %get3A_421[0, 0] : i32 from vector<1x1xi32>
      %get3A_423 = arith.constant 42 : index
      %get3A_424 = arith.index_cast %get3A_422 : i32 to index
      %get3A_425 = arith.constant 0 : index
      %get3A_426 = vector.load %arg2[%get3A_423, %get3A_424, %get3A_425] : memref<64x128x128xf32, #tpu.memory_space<vmem>>, vector<1x1x128xf32>
      %get3A_427 = vector.shape_cast %get3A_426 : vector<1x1x128xf32> to vector<1x128xf32>
      %get3A_428 = arith.constant 43 : index
      %get3A_429 = arith.constant 0 : index
      %get3A_430 = vector.load %arg5[%get3A_428, %get3A_429] : memref<64x1xi32, #tpu.memory_space<vmem>>, vector<1x1xi32>
      %get3A_431 = vector.extract %get3A_430[0, 0] : i32 from vector<1x1xi32>
      %get3A_432 = arith.constant 43 : index
      %get3A_433 = arith.index_cast %get3A_431 : i32 to index
      %get3A_434 = arith.constant 0 : index
      %get3A_435 = vector.load %arg2[%get3A_432, %get3A_433, %get3A_434] : memref<64x128x128xf32, #tpu.memory_space<vmem>>, vector<1x1x128xf32>
      %get3A_436 = vector.shape_cast %get3A_435 : vector<1x1x128xf32> to vector<1x128xf32>
      %get3A_437 = arith.constant 44 : index
      %get3A_438 = arith.constant 0 : index
      %get3A_439 = vector.load %arg5[%get3A_437, %get3A_438] : memref<64x1xi32, #tpu.memory_space<vmem>>, vector<1x1xi32>
      %get3A_440 = vector.extract %get3A_439[0, 0] : i32 from vector<1x1xi32>
      %get3A_441 = arith.constant 44 : index
      %get3A_442 = arith.index_cast %get3A_440 : i32 to index
      %get3A_443 = arith.constant 0 : index
      %get3A_444 = vector.load %arg2[%get3A_441, %get3A_442, %get3A_443] : memref<64x128x128xf32, #tpu.memory_space<vmem>>, vector<1x1x128xf32>
      %get3A_445 = vector.shape_cast %get3A_444 : vector<1x1x128xf32> to vector<1x128xf32>
      %get3A_446 = arith.constant 45 : index
      %get3A_447 = arith.constant 0 : index
      %get3A_448 = vector.load %arg5[%get3A_446, %get3A_447] : memref<64x1xi32, #tpu.memory_space<vmem>>, vector<1x1xi32>
      %get3A_449 = vector.extract %get3A_448[0, 0] : i32 from vector<1x1xi32>
      %get3A_450 = arith.constant 45 : index
      %get3A_451 = arith.index_cast %get3A_449 : i32 to index
      %get3A_452 = arith.constant 0 : index
      %get3A_453 = vector.load %arg2[%get3A_450, %get3A_451, %get3A_452] : memref<64x128x128xf32, #tpu.memory_space<vmem>>, vector<1x1x128xf32>
      %get3A_454 = vector.shape_cast %get3A_453 : vector<1x1x128xf32> to vector<1x128xf32>
      %get3A_455 = arith.constant 46 : index
      %get3A_456 = arith.constant 0 : index
      %get3A_457 = vector.load %arg5[%get3A_455, %get3A_456] : memref<64x1xi32, #tpu.memory_space<vmem>>, vector<1x1xi32>
      %get3A_458 = vector.extract %get3A_457[0, 0] : i32 from vector<1x1xi32>
      %get3A_459 = arith.constant 46 : index
      %get3A_460 = arith.index_cast %get3A_458 : i32 to index
      %get3A_461 = arith.constant 0 : index
      %get3A_462 = vector.load %arg2[%get3A_459, %get3A_460, %get3A_461] : memref<64x128x128xf32, #tpu.memory_space<vmem>>, vector<1x1x128xf32>
      %get3A_463 = vector.shape_cast %get3A_462 : vector<1x1x128xf32> to vector<1x128xf32>
      %get3A_464 = arith.constant 47 : index
      %get3A_465 = arith.constant 0 : index
      %get3A_466 = vector.load %arg5[%get3A_464, %get3A_465] : memref<64x1xi32, #tpu.memory_space<vmem>>, vector<1x1xi32>
      %get3A_467 = vector.extract %get3A_466[0, 0] : i32 from vector<1x1xi32>
      %get3A_468 = arith.constant 47 : index
      %get3A_469 = arith.index_cast %get3A_467 : i32 to index
      %get3A_470 = arith.constant 0 : index
      %get3A_471 = vector.load %arg2[%get3A_468, %get3A_469, %get3A_470] : memref<64x128x128xf32, #tpu.memory_space<vmem>>, vector<1x1x128xf32>
      %get3A_472 = vector.shape_cast %get3A_471 : vector<1x1x128xf32> to vector<1x128xf32>
      %get3A_473 = arith.constant 48 : index
      %get3A_474 = arith.constant 0 : index
      %get3A_475 = vector.load %arg5[%get3A_473, %get3A_474] : memref<64x1xi32, #tpu.memory_space<vmem>>, vector<1x1xi32>
      %get3A_476 = vector.extract %get3A_475[0, 0] : i32 from vector<1x1xi32>
      %get3A_477 = arith.constant 48 : index
      %get3A_478 = arith.index_cast %get3A_476 : i32 to index
      %get3A_479 = arith.constant 0 : index
      %get3A_480 = vector.load %arg2[%get3A_477, %get3A_478, %get3A_479] : memref<64x128x128xf32, #tpu.memory_space<vmem>>, vector<1x1x128xf32>
      %get3A_481 = vector.shape_cast %get3A_480 : vector<1x1x128xf32> to vector<1x128xf32>
      %get3A_482 = arith.constant 49 : index
      %get3A_483 = arith.constant 0 : index
      %get3A_484 = vector.load %arg5[%get3A_482, %get3A_483] : memref<64x1xi32, #tpu.memory_space<vmem>>, vector<1x1xi32>
      %get3A_485 = vector.extract %get3A_484[0, 0] : i32 from vector<1x1xi32>
      %get3A_486 = arith.constant 49 : index
      %get3A_487 = arith.index_cast %get3A_485 : i32 to index
      %get3A_488 = arith.constant 0 : index
      %get3A_489 = vector.load %arg2[%get3A_486, %get3A_487, %get3A_488] : memref<64x128x128xf32, #tpu.memory_space<vmem>>, vector<1x1x128xf32>
      %get3A_490 = vector.shape_cast %get3A_489 : vector<1x1x128xf32> to vector<1x128xf32>
      %get3A_491 = arith.constant 50 : index
      %get3A_492 = arith.constant 0 : index
      %get3A_493 = vector.load %arg5[%get3A_491, %get3A_492] : memref<64x1xi32, #tpu.memory_space<vmem>>, vector<1x1xi32>
      %get3A_494 = vector.extract %get3A_493[0, 0] : i32 from vector<1x1xi32>
      %get3A_495 = arith.constant 50 : index
      %get3A_496 = arith.index_cast %get3A_494 : i32 to index
      %get3A_497 = arith.constant 0 : index
      %get3A_498 = vector.load %arg2[%get3A_495, %get3A_496, %get3A_497] : memref<64x128x128xf32, #tpu.memory_space<vmem>>, vector<1x1x128xf32>
      %get3A_499 = vector.shape_cast %get3A_498 : vector<1x1x128xf32> to vector<1x128xf32>
      %get3A_500 = arith.constant 51 : index
      %get3A_501 = arith.constant 0 : index
      %get3A_502 = vector.load %arg5[%get3A_500, %get3A_501] : memref<64x1xi32, #tpu.memory_space<vmem>>, vector<1x1xi32>
      %get3A_503 = vector.extract %get3A_502[0, 0] : i32 from vector<1x1xi32>
      %get3A_504 = arith.constant 51 : index
      %get3A_505 = arith.index_cast %get3A_503 : i32 to index
      %get3A_506 = arith.constant 0 : index
      %get3A_507 = vector.load %arg2[%get3A_504, %get3A_505, %get3A_506] : memref<64x128x128xf32, #tpu.memory_space<vmem>>, vector<1x1x128xf32>
      %get3A_508 = vector.shape_cast %get3A_507 : vector<1x1x128xf32> to vector<1x128xf32>
      %get3A_509 = arith.constant 52 : index
      %get3A_510 = arith.constant 0 : index
      %get3A_511 = vector.load %arg5[%get3A_509, %get3A_510] : memref<64x1xi32, #tpu.memory_space<vmem>>, vector<1x1xi32>
      %get3A_512 = vector.extract %get3A_511[0, 0] : i32 from vector<1x1xi32>
      %get3A_513 = arith.constant 52 : index
      %get3A_514 = arith.index_cast %get3A_512 : i32 to index
      %get3A_515 = arith.constant 0 : index
      %get3A_516 = vector.load %arg2[%get3A_513, %get3A_514, %get3A_515] : memref<64x128x128xf32, #tpu.memory_space<vmem>>, vector<1x1x128xf32>
      %get3A_517 = vector.shape_cast %get3A_516 : vector<1x1x128xf32> to vector<1x128xf32>
      %get3A_518 = arith.constant 53 : index
      %get3A_519 = arith.constant 0 : index
      %get3A_520 = vector.load %arg5[%get3A_518, %get3A_519] : memref<64x1xi32, #tpu.memory_space<vmem>>, vector<1x1xi32>
      %get3A_521 = vector.extract %get3A_520[0, 0] : i32 from vector<1x1xi32>
      %get3A_522 = arith.constant 53 : index
      %get3A_523 = arith.index_cast %get3A_521 : i32 to index
      %get3A_524 = arith.constant 0 : index
      %get3A_525 = vector.load %arg2[%get3A_522, %get3A_523, %get3A_524] : memref<64x128x128xf32, #tpu.memory_space<vmem>>, vector<1x1x128xf32>
      %get3A_526 = vector.shape_cast %get3A_525 : vector<1x1x128xf32> to vector<1x128xf32>
      %get3A_527 = arith.constant 54 : index
      %get3A_528 = arith.constant 0 : index
      %get3A_529 = vector.load %arg5[%get3A_527, %get3A_528] : memref<64x1xi32, #tpu.memory_space<vmem>>, vector<1x1xi32>
      %get3A_530 = vector.extract %get3A_529[0, 0] : i32 from vector<1x1xi32>
      %get3A_531 = arith.constant 54 : index
      %get3A_532 = arith.index_cast %get3A_530 : i32 to index
      %get3A_533 = arith.constant 0 : index
      %get3A_534 = vector.load %arg2[%get3A_531, %get3A_532, %get3A_533] : memref<64x128x128xf32, #tpu.memory_space<vmem>>, vector<1x1x128xf32>
      %get3A_535 = vector.shape_cast %get3A_534 : vector<1x1x128xf32> to vector<1x128xf32>
      %get3A_536 = arith.constant 55 : index
      %get3A_537 = arith.constant 0 : index
      %get3A_538 = vector.load %arg5[%get3A_536, %get3A_537] : memref<64x1xi32, #tpu.memory_space<vmem>>, vector<1x1xi32>
      %get3A_539 = vector.extract %get3A_538[0, 0] : i32 from vector<1x1xi32>
      %get3A_540 = arith.constant 55 : index
      %get3A_541 = arith.index_cast %get3A_539 : i32 to index
      %get3A_542 = arith.constant 0 : index
      %get3A_543 = vector.load %arg2[%get3A_540, %get3A_541, %get3A_542] : memref<64x128x128xf32, #tpu.memory_space<vmem>>, vector<1x1x128xf32>
      %get3A_544 = vector.shape_cast %get3A_543 : vector<1x1x128xf32> to vector<1x128xf32>
      %get3A_545 = arith.constant 56 : index
      %get3A_546 = arith.constant 0 : index
      %get3A_547 = vector.load %arg5[%get3A_545, %get3A_546] : memref<64x1xi32, #tpu.memory_space<vmem>>, vector<1x1xi32>
      %get3A_548 = vector.extract %get3A_547[0, 0] : i32 from vector<1x1xi32>
      %get3A_549 = arith.constant 56 : index
      %get3A_550 = arith.index_cast %get3A_548 : i32 to index
      %get3A_551 = arith.constant 0 : index
      %get3A_552 = vector.load %arg2[%get3A_549, %get3A_550, %get3A_551] : memref<64x128x128xf32, #tpu.memory_space<vmem>>, vector<1x1x128xf32>
      %get3A_553 = vector.shape_cast %get3A_552 : vector<1x1x128xf32> to vector<1x128xf32>
      %get3A_554 = arith.constant 57 : index
      %get3A_555 = arith.constant 0 : index
      %get3A_556 = vector.load %arg5[%get3A_554, %get3A_555] : memref<64x1xi32, #tpu.memory_space<vmem>>, vector<1x1xi32>
      %get3A_557 = vector.extract %get3A_556[0, 0] : i32 from vector<1x1xi32>
      %get3A_558 = arith.constant 57 : index
      %get3A_559 = arith.index_cast %get3A_557 : i32 to index
      %get3A_560 = arith.constant 0 : index
      %get3A_561 = vector.load %arg2[%get3A_558, %get3A_559, %get3A_560] : memref<64x128x128xf32, #tpu.memory_space<vmem>>, vector<1x1x128xf32>
      %get3A_562 = vector.shape_cast %get3A_561 : vector<1x1x128xf32> to vector<1x128xf32>
      %get3A_563 = arith.constant 58 : index
      %get3A_564 = arith.constant 0 : index
      %get3A_565 = vector.load %arg5[%get3A_563, %get3A_564] : memref<64x1xi32, #tpu.memory_space<vmem>>, vector<1x1xi32>
      %get3A_566 = vector.extract %get3A_565[0, 0] : i32 from vector<1x1xi32>
      %get3A_567 = arith.constant 58 : index
      %get3A_568 = arith.index_cast %get3A_566 : i32 to index
      %get3A_569 = arith.constant 0 : index
      %get3A_570 = vector.load %arg2[%get3A_567, %get3A_568, %get3A_569] : memref<64x128x128xf32, #tpu.memory_space<vmem>>, vector<1x1x128xf32>
      %get3A_571 = vector.shape_cast %get3A_570 : vector<1x1x128xf32> to vector<1x128xf32>
      %get3A_572 = arith.constant 59 : index
      %get3A_573 = arith.constant 0 : index
      %get3A_574 = vector.load %arg5[%get3A_572, %get3A_573] : memref<64x1xi32, #tpu.memory_space<vmem>>, vector<1x1xi32>
      %get3A_575 = vector.extract %get3A_574[0, 0] : i32 from vector<1x1xi32>
      %get3A_576 = arith.constant 59 : index
      %get3A_577 = arith.index_cast %get3A_575 : i32 to index
      %get3A_578 = arith.constant 0 : index
      %get3A_579 = vector.load %arg2[%get3A_576, %get3A_577, %get3A_578] : memref<64x128x128xf32, #tpu.memory_space<vmem>>, vector<1x1x128xf32>
      %get3A_580 = vector.shape_cast %get3A_579 : vector<1x1x128xf32> to vector<1x128xf32>
      %get3A_581 = arith.constant 60 : index
      %get3A_582 = arith.constant 0 : index
      %get3A_583 = vector.load %arg5[%get3A_581, %get3A_582] : memref<64x1xi32, #tpu.memory_space<vmem>>, vector<1x1xi32>
      %get3A_584 = vector.extract %get3A_583[0, 0] : i32 from vector<1x1xi32>
      %get3A_585 = arith.constant 60 : index
      %get3A_586 = arith.index_cast %get3A_584 : i32 to index
      %get3A_587 = arith.constant 0 : index
      %get3A_588 = vector.load %arg2[%get3A_585, %get3A_586, %get3A_587] : memref<64x128x128xf32, #tpu.memory_space<vmem>>, vector<1x1x128xf32>
      %get3A_589 = vector.shape_cast %get3A_588 : vector<1x1x128xf32> to vector<1x128xf32>
      %get3A_590 = arith.constant 61 : index
      %get3A_591 = arith.constant 0 : index
      %get3A_592 = vector.load %arg5[%get3A_590, %get3A_591] : memref<64x1xi32, #tpu.memory_space<vmem>>, vector<1x1xi32>
      %get3A_593 = vector.extract %get3A_592[0, 0] : i32 from vector<1x1xi32>
      %get3A_594 = arith.constant 61 : index
      %get3A_595 = arith.index_cast %get3A_593 : i32 to index
      %get3A_596 = arith.constant 0 : index
      %get3A_597 = vector.load %arg2[%get3A_594, %get3A_595, %get3A_596] : memref<64x128x128xf32, #tpu.memory_space<vmem>>, vector<1x1x128xf32>
      %get3A_598 = vector.shape_cast %get3A_597 : vector<1x1x128xf32> to vector<1x128xf32>
      %get3A_599 = arith.constant 62 : index
      %get3A_600 = arith.constant 0 : index
      %get3A_601 = vector.load %arg5[%get3A_599, %get3A_600] : memref<64x1xi32, #tpu.memory_space<vmem>>, vector<1x1xi32>
      %get3A_602 = vector.extract %get3A_601[0, 0] : i32 from vector<1x1xi32>
      %get3A_603 = arith.constant 62 : index
      %get3A_604 = arith.index_cast %get3A_602 : i32 to index
      %get3A_605 = arith.constant 0 : index
      %get3A_606 = vector.load %arg2[%get3A_603, %get3A_604, %get3A_605] : memref<64x128x128xf32, #tpu.memory_space<vmem>>, vector<1x1x128xf32>
      %get3A_607 = vector.shape_cast %get3A_606 : vector<1x1x128xf32> to vector<1x128xf32>
      %get3A_608 = arith.constant 63 : index
      %get3A_609 = arith.constant 0 : index
      %get3A_610 = vector.load %arg5[%get3A_608, %get3A_609] : memref<64x1xi32, #tpu.memory_space<vmem>>, vector<1x1xi32>
      %get3A_611 = vector.extract %get3A_610[0, 0] : i32 from vector<1x1xi32>
      %get3A_612 = arith.constant 63 : index
      %get3A_613 = arith.index_cast %get3A_611 : i32 to index
      %get3A_614 = arith.constant 0 : index
      %get3A_615 = vector.load %arg2[%get3A_612, %get3A_613, %get3A_614] : memref<64x128x128xf32, #tpu.memory_space<vmem>>, vector<1x1x128xf32>
      %get3A_616 = vector.shape_cast %get3A_615 : vector<1x1x128xf32> to vector<1x128xf32>
      %concatenate3A = tpu.concatenate %get3A_49, %get3A_58, %get3A_67, %get3A_76, %get3A_85, %get3A_94, %get3A_103, %get3A_112, %get3A_121, %get3A_130, %get3A_139, %get3A_148, %get3A_157, %get3A_166, %get3A_175, %get3A_184, %get3A_193, %get3A_202, %get3A_211, %get3A_220, %get3A_229, %get3A_238, %get3A_247, %get3A_256, %get3A_265, %get3A_274, %get3A_283, %get3A_292, %get3A_301, %get3A_310, %get3A_319, %get3A_328, %get3A_337, %get3A_346, %get3A_355, %get3A_364, %get3A_373, %get3A_382, %get3A_391, %get3A_400, %get3A_409, %get3A_418, %get3A_427, %get3A_436, %get3A_445, %get3A_454, %get3A_463, %get3A_472, %get3A_481, %get3A_490, %get3A_499, %get3A_508, %get3A_517, %get3A_526, %get3A_535, %get3A_544, %get3A_553, %get3A_562, %get3A_571, %get3A_580, %get3A_589, %get3A_598, %get3A_607, %get3A_616 in 0 : vector<1x128xf32>, vector<1x128xf32>, vector<1x128xf32>, vector<1x128xf32>, vector<1x128xf32>, vector<1x128xf32>, vector<1x128xf32>, vector<1x128xf32>, vector<1x128xf32>, vector<1x128xf32>, vector<1x128xf32>, vector<1x128xf32>, vector<1x128xf32>, vector<1x128xf32>, vector<1x128xf32>, vector<1x128xf32>, vector<1x128xf32>, vector<1x128xf32>, vector<1x128xf32>, vector<1x128xf32>, vector<1x128xf32>, vector<1x128xf32>, vector<1x128xf32>, vector<1x128xf32>, vector<1x128xf32>, vector<1x128xf32>, vector<1x128xf32>, vector<1x128xf32>, vector<1x128xf32>, vector<1x128xf32>, vector<1x128xf32>, vector<1x128xf32>, vector<1x128xf32>, vector<1x128xf32>, vector<1x128xf32>, vector<1x128xf32>, vector<1x128xf32>, vector<1x128xf32>, vector<1x128xf32>, vector<1x128xf32>, vector<1x128xf32>, vector<1x128xf32>, vector<1x128xf32>, vector<1x128xf32>, vector<1x128xf32>, vector<1x128xf32>, vector<1x128xf32>, vector<1x128xf32>, vector<1x128xf32>, vector<1x128xf32>, vector<1x128xf32>, vector<1x128xf32>, vector<1x128xf32>, vector<1x128xf32>, vector<1x128xf32>, vector<1x128xf32>, vector<1x128xf32>, vector<1x128xf32>, vector<1x128xf32>, vector<1x128xf32>, vector<1x128xf32>, vector<1x128xf32>, vector<1x128xf32>, vector<1x128xf32> -> vector<64x128xf32>
      %add3A_617 = arith.addf %concatenate3A, %scan3A_21 : vector<64x128xf32>
      %eq3A_618 = vector.broadcast %broadcast_in_dim3A_30 : vector<64x1xf32> to vector<64x128xf32>
      %eq3A_619 = arith.cmpf oeq, %add3A_617, %eq3A_618 : vector<64x128xf32>
      %jit3A_620 = arith.constant 9.999900e+04 : f32
      %broadcast_in_dim3A_621 = vector.broadcast %jit3A_620 : f32 to vector<64x128xf32>
      %select_n3A_622 = arith.select %eq3A_619, %convert_element_type3A, %broadcast_in_dim3A_621 : vector<64x128xi1>, vector<64x128xf32>
      %reduce_min3A_623 = arith.constant dense<0x7F800000> : vector<64xf32>
      %reduce_min3A_624 = vector.multi_reduction <minimumf>, %select_n3A_622, %reduce_min3A_623 [1] : vector<64x128xf32> to vector<64xf32>
      %broadcast_in_dim3A_625 = vector.shape_cast %reduce_min3A_624 : vector<64xf32> to vector<64x1xf32>
      %convert_element_type3A_626 = arith.fptosi %broadcast_in_dim3A_625 : vector<64x1xf32> to vector<64x1xi32>
      %swap3A_627 = arith.constant 0 : index
      %swap3A_628 = arith.constant 0 : index
      %swap3A_629 = vector.load %arg6[%swap3A_627, %swap3A_628] : memref<64x1xi32, #tpu.memory_space<vmem>>, vector<64x1xi32>
      tpu.vector_store %arg6[%swap3A_627, %swap3A_628], %convert_element_type3A_626 {strides = array<i32>} : memref<64x1xi32, #tpu.memory_space<vmem>>, vector<64x1xi32>,
      %get3A_630 = arith.constant 0 : index
      %get3A_631 = arith.constant 0 : index
      %get3A_632 = vector.load %arg6[%get3A_630, %get3A_631] : memref<64x1xi32, #tpu.memory_space<vmem>>, vector<1x1xi32>
      %get3A_633 = vector.extract %get3A_632[0, 0] : i32 from vector<1x1xi32>
      %swap3A_634 = arith.constant 0 : index
      %swap3A_635 = arith.index_cast %get3A_633 : i32 to index
      %swap3A_636 = arith.constant 0 : index
      %swap3A_637 = vector.load %arg4[%swap3A_634, %swap3A_635, %swap3A_636] : memref<64x128x128xf32, #tpu.memory_space<vmem>>, vector<1x1x128xf32>
      %swap3A_638 = vector.shape_cast %swap3A_637 : vector<1x1x128xf32> to vector<1x128xf32>
      %swap3A_639 = vector.shape_cast %broadcast_in_dim3A_6 : vector<1x128xf32> to vector<1x1x128xf32>
      tpu.vector_store %arg4[%swap3A_634, %swap3A_635, %swap3A_636], %swap3A_639 {strides = array<i32>} : memref<64x128x128xf32, #tpu.memory_space<vmem>>, vector<1x1x128xf32>,
      %get3A_640 = arith.constant 1 : index
      %get3A_641 = arith.constant 0 : index
      %get3A_642 = vector.load %arg6[%get3A_640, %get3A_641] : memref<64x1xi32, #tpu.memory_space<vmem>>, vector<1x1xi32>
      %get3A_643 = vector.extract %get3A_642[0, 0] : i32 from vector<1x1xi32>
      %swap3A_644 = arith.constant 1 : index
      %swap3A_645 = arith.index_cast %get3A_643 : i32 to index
      %swap3A_646 = arith.constant 0 : index
      %swap3A_647 = vector.load %arg4[%swap3A_644, %swap3A_645, %swap3A_646] : memref<64x128x128xf32, #tpu.memory_space<vmem>>, vector<1x1x128xf32>
      %swap3A_648 = vector.shape_cast %swap3A_647 : vector<1x1x128xf32> to vector<1x128xf32>
      %swap3A_649 = vector.shape_cast %broadcast_in_dim3A_6 : vector<1x128xf32> to vector<1x1x128xf32>
      tpu.vector_store %arg4[%swap3A_644, %swap3A_645, %swap3A_646], %swap3A_649 {strides = array<i32>} : memref<64x128x128xf32, #tpu.memory_space<vmem>>, vector<1x1x128xf32>,
      %get3A_650 = arith.constant 2 : index
      %get3A_651 = arith.constant 0 : index
      %get3A_652 = vector.load %arg6[%get3A_650, %get3A_651] : memref<64x1xi32, #tpu.memory_space<vmem>>, vector<1x1xi32>
      %get3A_653 = vector.extract %get3A_652[0, 0] : i32 from vector<1x1xi32>
      %swap3A_654 = arith.constant 2 : index
      %swap3A_655 = arith.index_cast %get3A_653 : i32 to index
      %swap3A_656 = arith.constant 0 : index
      %swap3A_657 = vector.load %arg4[%swap3A_654, %swap3A_655, %swap3A_656] : memref<64x128x128xf32, #tpu.memory_space<vmem>>, vector<1x1x128xf32>
      %swap3A_658 = vector.shape_cast %swap3A_657 : vector<1x1x128xf32> to vector<1x128xf32>
      %swap3A_659 = vector.shape_cast %broadcast_in_dim3A_6 : vector<1x128xf32> to vector<1x1x128xf32>
      tpu.vector_store %arg4[%swap3A_654, %swap3A_655, %swap3A_656], %swap3A_659 {strides = array<i32>} : memref<64x128x128xf32, #tpu.memory_space<vmem>>, vector<1x1x128xf32>,
      %get3A_660 = arith.constant 3 : index
      %get3A_661 = arith.constant 0 : index
      %get3A_662 = vector.load %arg6[%get3A_660, %get3A_661] : memref<64x1xi32, #tpu.memory_space<vmem>>, vector<1x1xi32>
      %get3A_663 = vector.extract %get3A_662[0, 0] : i32 from vector<1x1xi32>
      %swap3A_664 = arith.constant 3 : index
      %swap3A_665 = arith.index_cast %get3A_663 : i32 to index
      %swap3A_666 = arith.constant 0 : index
      %swap3A_667 = vector.load %arg4[%swap3A_664, %swap3A_665, %swap3A_666] : memref<64x128x128xf32, #tpu.memory_space<vmem>>, vector<1x1x128xf32>
      %swap3A_668 = vector.shape_cast %swap3A_667 : vector<1x1x128xf32> to vector<1x128xf32>
      %swap3A_669 = vector.shape_cast %broadcast_in_dim3A_6 : vector<1x128xf32> to vector<1x1x128xf32>
      tpu.vector_store %arg4[%swap3A_664, %swap3A_665, %swap3A_666], %swap3A_669 {strides = array<i32>} : memref<64x128x128xf32, #tpu.memory_space<vmem>>, vector<1x1x128xf32>,
      %get3A_670 = arith.constant 4 : index
      %get3A_671 = arith.constant 0 : index
      %get3A_672 = vector.load %arg6[%get3A_670, %get3A_671] : memref<64x1xi32, #tpu.memory_space<vmem>>, vector<1x1xi32>
      %get3A_673 = vector.extract %get3A_672[0, 0] : i32 from vector<1x1xi32>
      %swap3A_674 = arith.constant 4 : index
      %swap3A_675 = arith.index_cast %get3A_673 : i32 to index
      %swap3A_676 = arith.constant 0 : index
      %swap3A_677 = vector.load %arg4[%swap3A_674, %swap3A_675, %swap3A_676] : memref<64x128x128xf32, #tpu.memory_space<vmem>>, vector<1x1x128xf32>
      %swap3A_678 = vector.shape_cast %swap3A_677 : vector<1x1x128xf32> to vector<1x128xf32>
      %swap3A_679 = vector.shape_cast %broadcast_in_dim3A_6 : vector<1x128xf32> to vector<1x1x128xf32>
      tpu.vector_store %arg4[%swap3A_674, %swap3A_675, %swap3A_676], %swap3A_679 {strides = array<i32>} : memref<64x128x128xf32, #tpu.memory_space<vmem>>, vector<1x1x128xf32>,
      %get3A_680 = arith.constant 5 : index
      %get3A_681 = arith.constant 0 : index
      %get3A_682 = vector.load %arg6[%get3A_680, %get3A_681] : memref<64x1xi32, #tpu.memory_space<vmem>>, vector<1x1xi32>
      %get3A_683 = vector.extract %get3A_682[0, 0] : i32 from vector<1x1xi32>
      %swap3A_684 = arith.constant 5 : index
      %swap3A_685 = arith.index_cast %get3A_683 : i32 to index
      %swap3A_686 = arith.constant 0 : index
      %swap3A_687 = vector.load %arg4[%swap3A_684, %swap3A_685, %swap3A_686] : memref<64x128x128xf32, #tpu.memory_space<vmem>>, vector<1x1x128xf32>
      %swap3A_688 = vector.shape_cast %swap3A_687 : vector<1x1x128xf32> to vector<1x128xf32>
      %swap3A_689 = vector.shape_cast %broadcast_in_dim3A_6 : vector<1x128xf32> to vector<1x1x128xf32>
      tpu.vector_store %arg4[%swap3A_684, %swap3A_685, %swap3A_686], %swap3A_689 {strides = array<i32>} : memref<64x128x128xf32, #tpu.memory_space<vmem>>, vector<1x1x128xf32>,
      %get3A_690 = arith.constant 6 : index
      %get3A_691 = arith.constant 0 : index
      %get3A_692 = vector.load %arg6[%get3A_690, %get3A_691] : memref<64x1xi32, #tpu.memory_space<vmem>>, vector<1x1xi32>
      %get3A_693 = vector.extract %get3A_692[0, 0] : i32 from vector<1x1xi32>
      %swap3A_694 = arith.constant 6 : index
      %swap3A_695 = arith.index_cast %get3A_693 : i32 to index
      %swap3A_696 = arith.constant 0 : index
      %swap3A_697 = vector.load %arg4[%swap3A_694, %swap3A_695, %swap3A_696] : memref<64x128x128xf32, #tpu.memory_space<vmem>>, vector<1x1x128xf32>
      %swap3A_698 = vector.shape_cast %swap3A_697 : vector<1x1x128xf32> to vector<1x128xf32>
      %swap3A_699 = vector.shape_cast %broadcast_in_dim3A_6 : vector<1x128xf32> to vector<1x1x128xf32>
      tpu.vector_store %arg4[%swap3A_694, %swap3A_695, %swap3A_696], %swap3A_699 {strides = array<i32>} : memref<64x128x128xf32, #tpu.memory_space<vmem>>, vector<1x1x128xf32>,
      %get3A_700 = arith.constant 7 : index
      %get3A_701 = arith.constant 0 : index
      %get3A_702 = vector.load %arg6[%get3A_700, %get3A_701] : memref<64x1xi32, #tpu.memory_space<vmem>>, vector<1x1xi32>
      %get3A_703 = vector.extract %get3A_702[0, 0] : i32 from vector<1x1xi32>
      %swap3A_704 = arith.constant 7 : index
      %swap3A_705 = arith.index_cast %get3A_703 : i32 to index
      %swap3A_706 = arith.constant 0 : index
      %swap3A_707 = vector.load %arg4[%swap3A_704, %swap3A_705, %swap3A_706] : memref<64x128x128xf32, #tpu.memory_space<vmem>>, vector<1x1x128xf32>
      %swap3A_708 = vector.shape_cast %swap3A_707 : vector<1x1x128xf32> to vector<1x128xf32>
      %swap3A_709 = vector.shape_cast %broadcast_in_dim3A_6 : vector<1x128xf32> to vector<1x1x128xf32>
      tpu.vector_store %arg4[%swap3A_704, %swap3A_705, %swap3A_706], %swap3A_709 {strides = array<i32>} : memref<64x128x128xf32, #tpu.memory_space<vmem>>, vector<1x1x128xf32>,
      %get3A_710 = arith.constant 8 : index
      %get3A_711 = arith.constant 0 : index
      %get3A_712 = vector.load %arg6[%get3A_710, %get3A_711] : memref<64x1xi32, #tpu.memory_space<vmem>>, vector<1x1xi32>
      %get3A_713 = vector.extract %get3A_712[0, 0] : i32 from vector<1x1xi32>
      %swap3A_714 = arith.constant 8 : index
      %swap3A_715 = arith.index_cast %get3A_713 : i32 to index
      %swap3A_716 = arith.constant 0 : index
      %swap3A_717 = vector.load %arg4[%swap3A_714, %swap3A_715, %swap3A_716] : memref<64x128x128xf32, #tpu.memory_space<vmem>>, vector<1x1x128xf32>
      %swap3A_718 = vector.shape_cast %swap3A_717 : vector<1x1x128xf32> to vector<1x128xf32>
      %swap3A_719 = vector.shape_cast %broadcast_in_dim3A_6 : vector<1x128xf32> to vector<1x1x128xf32>
      tpu.vector_store %arg4[%swap3A_714, %swap3A_715, %swap3A_716], %swap3A_719 {strides = array<i32>} : memref<64x128x128xf32, #tpu.memory_space<vmem>>, vector<1x1x128xf32>,
      %get3A_720 = arith.constant 9 : index
      %get3A_721 = arith.constant 0 : index
      %get3A_722 = vector.load %arg6[%get3A_720, %get3A_721] : memref<64x1xi32, #tpu.memory_space<vmem>>, vector<1x1xi32>
      %get3A_723 = vector.extract %get3A_722[0, 0] : i32 from vector<1x1xi32>
      %swap3A_724 = arith.constant 9 : index
      %swap3A_725 = arith.index_cast %get3A_723 : i32 to index
      %swap3A_726 = arith.constant 0 : index
      %swap3A_727 = vector.load %arg4[%swap3A_724, %swap3A_725, %swap3A_726] : memref<64x128x128xf32, #tpu.memory_space<vmem>>, vector<1x1x128xf32>
      %swap3A_728 = vector.shape_cast %swap3A_727 : vector<1x1x128xf32> to vector<1x128xf32>
      %swap3A_729 = vector.shape_cast %broadcast_in_dim3A_6 : vector<1x128xf32> to vector<1x1x128xf32>
      tpu.vector_store %arg4[%swap3A_724, %swap3A_725, %swap3A_726], %swap3A_729 {strides = array<i32>} : memref<64x128x128xf32, #tpu.memory_space<vmem>>, vector<1x1x128xf32>,
      %get3A_730 = arith.constant 10 : index
      %get3A_731 = arith.constant 0 : index
      %get3A_732 = vector.load %arg6[%get3A_730, %get3A_731] : memref<64x1xi32, #tpu.memory_space<vmem>>, vector<1x1xi32>
      %get3A_733 = vector.extract %get3A_732[0, 0] : i32 from vector<1x1xi32>
      %swap3A_734 = arith.constant 10 : index
      %swap3A_735 = arith.index_cast %get3A_733 : i32 to index
      %swap3A_736 = arith.constant 0 : index
      %swap3A_737 = vector.load %arg4[%swap3A_734, %swap3A_735, %swap3A_736] : memref<64x128x128xf32, #tpu.memory_space<vmem>>, vector<1x1x128xf32>
      %swap3A_738 = vector.shape_cast %swap3A_737 : vector<1x1x128xf32> to vector<1x128xf32>
      %swap3A_739 = vector.shape_cast %broadcast_in_dim3A_6 : vector<1x128xf32> to vector<1x1x128xf32>
      tpu.vector_store %arg4[%swap3A_734, %swap3A_735, %swap3A_736], %swap3A_739 {strides = array<i32>} : memref<64x128x128xf32, #tpu.memory_space<vmem>>, vector<1x1x128xf32>,
      %get3A_740 = arith.constant 11 : index
      %get3A_741 = arith.constant 0 : index
      %get3A_742 = vector.load %arg6[%get3A_740, %get3A_741] : memref<64x1xi32, #tpu.memory_space<vmem>>, vector<1x1xi32>
      %get3A_743 = vector.extract %get3A_742[0, 0] : i32 from vector<1x1xi32>
      %swap3A_744 = arith.constant 11 : index
      %swap3A_745 = arith.index_cast %get3A_743 : i32 to index
      %swap3A_746 = arith.constant 0 : index
      %swap3A_747 = vector.load %arg4[%swap3A_744, %swap3A_745, %swap3A_746] : memref<64x128x128xf32, #tpu.memory_space<vmem>>, vector<1x1x128xf32>
      %swap3A_748 = vector.shape_cast %swap3A_747 : vector<1x1x128xf32> to vector<1x128xf32>
      %swap3A_749 = vector.shape_cast %broadcast_in_dim3A_6 : vector<1x128xf32> to vector<1x1x128xf32>
      tpu.vector_store %arg4[%swap3A_744, %swap3A_745, %swap3A_746], %swap3A_749 {strides = array<i32>} : memref<64x128x128xf32, #tpu.memory_space<vmem>>, vector<1x1x128xf32>,
      %get3A_750 = arith.constant 12 : index
      %get3A_751 = arith.constant 0 : index
      %get3A_752 = vector.load %arg6[%get3A_750, %get3A_751] : memref<64x1xi32, #tpu.memory_space<vmem>>, vector<1x1xi32>
      %get3A_753 = vector.extract %get3A_752[0, 0] : i32 from vector<1x1xi32>
      %swap3A_754 = arith.constant 12 : index
      %swap3A_755 = arith.index_cast %get3A_753 : i32 to index
      %swap3A_756 = arith.constant 0 : index
      %swap3A_757 = vector.load %arg4[%swap3A_754, %swap3A_755, %swap3A_756] : memref<64x128x128xf32, #tpu.memory_space<vmem>>, vector<1x1x128xf32>
      %swap3A_758 = vector.shape_cast %swap3A_757 : vector<1x1x128xf32> to vector<1x128xf32>
      %swap3A_759 = vector.shape_cast %broadcast_in_dim3A_6 : vector<1x128xf32> to vector<1x1x128xf32>
      tpu.vector_store %arg4[%swap3A_754, %swap3A_755, %swap3A_756], %swap3A_759 {strides = array<i32>} : memref<64x128x128xf32, #tpu.memory_space<vmem>>, vector<1x1x128xf32>,
      %get3A_760 = arith.constant 13 : index
      %get3A_761 = arith.constant 0 : index
      %get3A_762 = vector.load %arg6[%get3A_760, %get3A_761] : memref<64x1xi32, #tpu.memory_space<vmem>>, vector<1x1xi32>
      %get3A_763 = vector.extract %get3A_762[0, 0] : i32 from vector<1x1xi32>
      %swap3A_764 = arith.constant 13 : index
      %swap3A_765 = arith.index_cast %get3A_763 : i32 to index
      %swap3A_766 = arith.constant 0 : index
      %swap3A_767 = vector.load %arg4[%swap3A_764, %swap3A_765, %swap3A_766] : memref<64x128x128xf32, #tpu.memory_space<vmem>>, vector<1x1x128xf32>
      %swap3A_768 = vector.shape_cast %swap3A_767 : vector<1x1x128xf32> to vector<1x128xf32>
      %swap3A_769 = vector.shape_cast %broadcast_in_dim3A_6 : vector<1x128xf32> to vector<1x1x128xf32>
      tpu.vector_store %arg4[%swap3A_764, %swap3A_765, %swap3A_766], %swap3A_769 {strides = array<i32>} : memref<64x128x128xf32, #tpu.memory_space<vmem>>, vector<1x1x128xf32>,
      %get3A_770 = arith.constant 14 : index
      %get3A_771 = arith.constant 0 : index
      %get3A_772 = vector.load %arg6[%get3A_770, %get3A_771] : memref<64x1xi32, #tpu.memory_space<vmem>>, vector<1x1xi32>
      %get3A_773 = vector.extract %get3A_772[0, 0] : i32 from vector<1x1xi32>
      %swap3A_774 = arith.constant 14 : index
      %swap3A_775 = arith.index_cast %get3A_773 : i32 to index
      %swap3A_776 = arith.constant 0 : index
      %swap3A_777 = vector.load %arg4[%swap3A_774, %swap3A_775, %swap3A_776] : memref<64x128x128xf32, #tpu.memory_space<vmem>>, vector<1x1x128xf32>
      %swap3A_778 = vector.shape_cast %swap3A_777 : vector<1x1x128xf32> to vector<1x128xf32>
      %swap3A_779 = vector.shape_cast %broadcast_in_dim3A_6 : vector<1x128xf32> to vector<1x1x128xf32>
      tpu.vector_store %arg4[%swap3A_774, %swap3A_775, %swap3A_776], %swap3A_779 {strides = array<i32>} : memref<64x128x128xf32, #tpu.memory_space<vmem>>, vector<1x1x128xf32>,
      %get3A_780 = arith.constant 15 : index
      %get3A_781 = arith.constant 0 : index
      %get3A_782 = vector.load %arg6[%get3A_780, %get3A_781] : memref<64x1xi32, #tpu.memory_space<vmem>>, vector<1x1xi32>
      %get3A_783 = vector.extract %get3A_782[0, 0] : i32 from vector<1x1xi32>
      %swap3A_784 = arith.constant 15 : index
      %swap3A_785 = arith.index_cast %get3A_783 : i32 to index
      %swap3A_786 = arith.constant 0 : index
      %swap3A_787 = vector.load %arg4[%swap3A_784, %swap3A_785, %swap3A_786] : memref<64x128x128xf32, #tpu.memory_space<vmem>>, vector<1x1x128xf32>
      %swap3A_788 = vector.shape_cast %swap3A_787 : vector<1x1x128xf32> to vector<1x128xf32>
      %swap3A_789 = vector.shape_cast %broadcast_in_dim3A_6 : vector<1x128xf32> to vector<1x1x128xf32>
      tpu.vector_store %arg4[%swap3A_784, %swap3A_785, %swap3A_786], %swap3A_789 {strides = array<i32>} : memref<64x128x128xf32, #tpu.memory_space<vmem>>, vector<1x1x128xf32>,
      %get3A_790 = arith.constant 16 : index
      %get3A_791 = arith.constant 0 : index
      %get3A_792 = vector.load %arg6[%get3A_790, %get3A_791] : memref<64x1xi32, #tpu.memory_space<vmem>>, vector<1x1xi32>
      %get3A_793 = vector.extract %get3A_792[0, 0] : i32 from vector<1x1xi32>
      %swap3A_794 = arith.constant 16 : index
      %swap3A_795 = arith.index_cast %get3A_793 : i32 to index
      %swap3A_796 = arith.constant 0 : index
      %swap3A_797 = vector.load %arg4[%swap3A_794, %swap3A_795, %swap3A_796] : memref<64x128x128xf32, #tpu.memory_space<vmem>>, vector<1x1x128xf32>
      %swap3A_798 = vector.shape_cast %swap3A_797 : vector<1x1x128xf32> to vector<1x128xf32>
      %swap3A_799 = vector.shape_cast %broadcast_in_dim3A_6 : vector<1x128xf32> to vector<1x1x128xf32>
      tpu.vector_store %arg4[%swap3A_794, %swap3A_795, %swap3A_796], %swap3A_799 {strides = array<i32>} : memref<64x128x128xf32, #tpu.memory_space<vmem>>, vector<1x1x128xf32>,
      %get3A_800 = arith.constant 17 : index
      %get3A_801 = arith.constant 0 : index
      %get3A_802 = vector.load %arg6[%get3A_800, %get3A_801] : memref<64x1xi32, #tpu.memory_space<vmem>>, vector<1x1xi32>
      %get3A_803 = vector.extract %get3A_802[0, 0] : i32 from vector<1x1xi32>
      %swap3A_804 = arith.constant 17 : index
      %swap3A_805 = arith.index_cast %get3A_803 : i32 to index
      %swap3A_806 = arith.constant 0 : index
      %swap3A_807 = vector.load %arg4[%swap3A_804, %swap3A_805, %swap3A_806] : memref<64x128x128xf32, #tpu.memory_space<vmem>>, vector<1x1x128xf32>
      %swap3A_808 = vector.shape_cast %swap3A_807 : vector<1x1x128xf32> to vector<1x128xf32>
      %swap3A_809 = vector.shape_cast %broadcast_in_dim3A_6 : vector<1x128xf32> to vector<1x1x128xf32>
      tpu.vector_store %arg4[%swap3A_804, %swap3A_805, %swap3A_806], %swap3A_809 {strides = array<i32>} : memref<64x128x128xf32, #tpu.memory_space<vmem>>, vector<1x1x128xf32>,
      %get3A_810 = arith.constant 18 : index
      %get3A_811 = arith.constant 0 : index
      %get3A_812 = vector.load %arg6[%get3A_810, %get3A_811] : memref<64x1xi32, #tpu.memory_space<vmem>>, vector<1x1xi32>
      %get3A_813 = vector.extract %get3A_812[0, 0] : i32 from vector<1x1xi32>
      %swap3A_814 = arith.constant 18 : index
      %swap3A_815 = arith.index_cast %get3A_813 : i32 to index
      %swap3A_816 = arith.constant 0 : index
      %swap3A_817 = vector.load %arg4[%swap3A_814, %swap3A_815, %swap3A_816] : memref<64x128x128xf32, #tpu.memory_space<vmem>>, vector<1x1x128xf32>
      %swap3A_818 = vector.shape_cast %swap3A_817 : vector<1x1x128xf32> to vector<1x128xf32>
      %swap3A_819 = vector.shape_cast %broadcast_in_dim3A_6 : vector<1x128xf32> to vector<1x1x128xf32>
      tpu.vector_store %arg4[%swap3A_814, %swap3A_815, %swap3A_816], %swap3A_819 {strides = array<i32>} : memref<64x128x128xf32, #tpu.memory_space<vmem>>, vector<1x1x128xf32>,
      %get3A_820 = arith.constant 19 : index
      %get3A_821 = arith.constant 0 : index
      %get3A_822 = vector.load %arg6[%get3A_820, %get3A_821] : memref<64x1xi32, #tpu.memory_space<vmem>>, vector<1x1xi32>
      %get3A_823 = vector.extract %get3A_822[0, 0] : i32 from vector<1x1xi32>
      %swap3A_824 = arith.constant 19 : index
      %swap3A_825 = arith.index_cast %get3A_823 : i32 to index
      %swap3A_826 = arith.constant 0 : index
      %swap3A_827 = vector.load %arg4[%swap3A_824, %swap3A_825, %swap3A_826] : memref<64x128x128xf32, #tpu.memory_space<vmem>>, vector<1x1x128xf32>
      %swap3A_828 = vector.shape_cast %swap3A_827 : vector<1x1x128xf32> to vector<1x128xf32>
      %swap3A_829 = vector.shape_cast %broadcast_in_dim3A_6 : vector<1x128xf32> to vector<1x1x128xf32>
      tpu.vector_store %arg4[%swap3A_824, %swap3A_825, %swap3A_826], %swap3A_829 {strides = array<i32>} : memref<64x128x128xf32, #tpu.memory_space<vmem>>, vector<1x1x128xf32>,
      %get3A_830 = arith.constant 20 : index
      %get3A_831 = arith.constant 0 : index
      %get3A_832 = vector.load %arg6[%get3A_830, %get3A_831] : memref<64x1xi32, #tpu.memory_space<vmem>>, vector<1x1xi32>
      %get3A_833 = vector.extract %get3A_832[0, 0] : i32 from vector<1x1xi32>
      %swap3A_834 = arith.constant 20 : index
      %swap3A_835 = arith.index_cast %get3A_833 : i32 to index
      %swap3A_836 = arith.constant 0 : index
      %swap3A_837 = vector.load %arg4[%swap3A_834, %swap3A_835, %swap3A_836] : memref<64x128x128xf32, #tpu.memory_space<vmem>>, vector<1x1x128xf32>
      %swap3A_838 = vector.shape_cast %swap3A_837 : vector<1x1x128xf32> to vector<1x128xf32>
      %swap3A_839 = vector.shape_cast %broadcast_in_dim3A_6 : vector<1x128xf32> to vector<1x1x128xf32>
      tpu.vector_store %arg4[%swap3A_834, %swap3A_835, %swap3A_836], %swap3A_839 {strides = array<i32>} : memref<64x128x128xf32, #tpu.memory_space<vmem>>, vector<1x1x128xf32>,
      %get3A_840 = arith.constant 21 : index
      %get3A_841 = arith.constant 0 : index
      %get3A_842 = vector.load %arg6[%get3A_840, %get3A_841] : memref<64x1xi32, #tpu.memory_space<vmem>>, vector<1x1xi32>
      %get3A_843 = vector.extract %get3A_842[0, 0] : i32 from vector<1x1xi32>
      %swap3A_844 = arith.constant 21 : index
      %swap3A_845 = arith.index_cast %get3A_843 : i32 to index
      %swap3A_846 = arith.constant 0 : index
      %swap3A_847 = vector.load %arg4[%swap3A_844, %swap3A_845, %swap3A_846] : memref<64x128x128xf32, #tpu.memory_space<vmem>>, vector<1x1x128xf32>
      %swap3A_848 = vector.shape_cast %swap3A_847 : vector<1x1x128xf32> to vector<1x128xf32>
      %swap3A_849 = vector.shape_cast %broadcast_in_dim3A_6 : vector<1x128xf32> to vector<1x1x128xf32>
      tpu.vector_store %arg4[%swap3A_844, %swap3A_845, %swap3A_846], %swap3A_849 {strides = array<i32>} : memref<64x128x128xf32, #tpu.memory_space<vmem>>, vector<1x1x128xf32>,
      %get3A_850 = arith.constant 22 : index
      %get3A_851 = arith.constant 0 : index
      %get3A_852 = vector.load %arg6[%get3A_850, %get3A_851] : memref<64x1xi32, #tpu.memory_space<vmem>>, vector<1x1xi32>
      %get3A_853 = vector.extract %get3A_852[0, 0] : i32 from vector<1x1xi32>
      %swap3A_854 = arith.constant 22 : index
      %swap3A_855 = arith.index_cast %get3A_853 : i32 to index
      %swap3A_856 = arith.constant 0 : index
      %swap3A_857 = vector.load %arg4[%swap3A_854, %swap3A_855, %swap3A_856] : memref<64x128x128xf32, #tpu.memory_space<vmem>>, vector<1x1x128xf32>
      %swap3A_858 = vector.shape_cast %swap3A_857 : vector<1x1x128xf32> to vector<1x128xf32>
      %swap3A_859 = vector.shape_cast %broadcast_in_dim3A_6 : vector<1x128xf32> to vector<1x1x128xf32>
      tpu.vector_store %arg4[%swap3A_854, %swap3A_855, %swap3A_856], %swap3A_859 {strides = array<i32>} : memref<64x128x128xf32, #tpu.memory_space<vmem>>, vector<1x1x128xf32>,
      %get3A_860 = arith.constant 23 : index
      %get3A_861 = arith.constant 0 : index
      %get3A_862 = vector.load %arg6[%get3A_860, %get3A_861] : memref<64x1xi32, #tpu.memory_space<vmem>>, vector<1x1xi32>
      %get3A_863 = vector.extract %get3A_862[0, 0] : i32 from vector<1x1xi32>
      %swap3A_864 = arith.constant 23 : index
      %swap3A_865 = arith.index_cast %get3A_863 : i32 to index
      %swap3A_866 = arith.constant 0 : index
      %swap3A_867 = vector.load %arg4[%swap3A_864, %swap3A_865, %swap3A_866] : memref<64x128x128xf32, #tpu.memory_space<vmem>>, vector<1x1x128xf32>
      %swap3A_868 = vector.shape_cast %swap3A_867 : vector<1x1x128xf32> to vector<1x128xf32>
      %swap3A_869 = vector.shape_cast %broadcast_in_dim3A_6 : vector<1x128xf32> to vector<1x1x128xf32>
      tpu.vector_store %arg4[%swap3A_864, %swap3A_865, %swap3A_866], %swap3A_869 {strides = array<i32>} : memref<64x128x128xf32, #tpu.memory_space<vmem>>, vector<1x1x128xf32>,
      %get3A_870 = arith.constant 24 : index
      %get3A_871 = arith.constant 0 : index
      %get3A_872 = vector.load %arg6[%get3A_870, %get3A_871] : memref<64x1xi32, #tpu.memory_space<vmem>>, vector<1x1xi32>
      %get3A_873 = vector.extract %get3A_872[0, 0] : i32 from vector<1x1xi32>
      %swap3A_874 = arith.constant 24 : index
      %swap3A_875 = arith.index_cast %get3A_873 : i32 to index
      %swap3A_876 = arith.constant 0 : index
      %swap3A_877 = vector.load %arg4[%swap3A_874, %swap3A_875, %swap3A_876] : memref<64x128x128xf32, #tpu.memory_space<vmem>>, vector<1x1x128xf32>
      %swap3A_878 = vector.shape_cast %swap3A_877 : vector<1x1x128xf32> to vector<1x128xf32>
      %swap3A_879 = vector.shape_cast %broadcast_in_dim3A_6 : vector<1x128xf32> to vector<1x1x128xf32>
      tpu.vector_store %arg4[%swap3A_874, %swap3A_875, %swap3A_876], %swap3A_879 {strides = array<i32>} : memref<64x128x128xf32, #tpu.memory_space<vmem>>, vector<1x1x128xf32>,
      %get3A_880 = arith.constant 25 : index
      %get3A_881 = arith.constant 0 : index
      %get3A_882 = vector.load %arg6[%get3A_880, %get3A_881] : memref<64x1xi32, #tpu.memory_space<vmem>>, vector<1x1xi32>
      %get3A_883 = vector.extract %get3A_882[0, 0] : i32 from vector<1x1xi32>
      %swap3A_884 = arith.constant 25 : index
      %swap3A_885 = arith.index_cast %get3A_883 : i32 to index
      %swap3A_886 = arith.constant 0 : index
      %swap3A_887 = vector.load %arg4[%swap3A_884, %swap3A_885, %swap3A_886] : memref<64x128x128xf32, #tpu.memory_space<vmem>>, vector<1x1x128xf32>
      %swap3A_888 = vector.shape_cast %swap3A_887 : vector<1x1x128xf32> to vector<1x128xf32>
      %swap3A_889 = vector.shape_cast %broadcast_in_dim3A_6 : vector<1x128xf32> to vector<1x1x128xf32>
      tpu.vector_store %arg4[%swap3A_884, %swap3A_885, %swap3A_886], %swap3A_889 {strides = array<i32>} : memref<64x128x128xf32, #tpu.memory_space<vmem>>, vector<1x1x128xf32>,
      %get3A_890 = arith.constant 26 : index
      %get3A_891 = arith.constant 0 : index
      %get3A_892 = vector.load %arg6[%get3A_890, %get3A_891] : memref<64x1xi32, #tpu.memory_space<vmem>>, vector<1x1xi32>
      %get3A_893 = vector.extract %get3A_892[0, 0] : i32 from vector<1x1xi32>
      %swap3A_894 = arith.constant 26 : index
      %swap3A_895 = arith.index_cast %get3A_893 : i32 to index
      %swap3A_896 = arith.constant 0 : index
      %swap3A_897 = vector.load %arg4[%swap3A_894, %swap3A_895, %swap3A_896] : memref<64x128x128xf32, #tpu.memory_space<vmem>>, vector<1x1x128xf32>
      %swap3A_898 = vector.shape_cast %swap3A_897 : vector<1x1x128xf32> to vector<1x128xf32>
      %swap3A_899 = vector.shape_cast %broadcast_in_dim3A_6 : vector<1x128xf32> to vector<1x1x128xf32>
      tpu.vector_store %arg4[%swap3A_894, %swap3A_895, %swap3A_896], %swap3A_899 {strides = array<i32>} : memref<64x128x128xf32, #tpu.memory_space<vmem>>, vector<1x1x128xf32>,
      %get3A_900 = arith.constant 27 : index
      %get3A_901 = arith.constant 0 : index
      %get3A_902 = vector.load %arg6[%get3A_900, %get3A_901] : memref<64x1xi32, #tpu.memory_space<vmem>>, vector<1x1xi32>
      %get3A_903 = vector.extract %get3A_902[0, 0] : i32 from vector<1x1xi32>
      %swap3A_904 = arith.constant 27 : index
      %swap3A_905 = arith.index_cast %get3A_903 : i32 to index
      %swap3A_906 = arith.constant 0 : index
      %swap3A_907 = vector.load %arg4[%swap3A_904, %swap3A_905, %swap3A_906] : memref<64x128x128xf32, #tpu.memory_space<vmem>>, vector<1x1x128xf32>
      %swap3A_908 = vector.shape_cast %swap3A_907 : vector<1x1x128xf32> to vector<1x128xf32>
      %swap3A_909 = vector.shape_cast %broadcast_in_dim3A_6 : vector<1x128xf32> to vector<1x1x128xf32>
      tpu.vector_store %arg4[%swap3A_904, %swap3A_905, %swap3A_906], %swap3A_909 {strides = array<i32>} : memref<64x128x128xf32, #tpu.memory_space<vmem>>, vector<1x1x128xf32>,
      %get3A_910 = arith.constant 28 : index
      %get3A_911 = arith.constant 0 : index
      %get3A_912 = vector.load %arg6[%get3A_910, %get3A_911] : memref<64x1xi32, #tpu.memory_space<vmem>>, vector<1x1xi32>
      %get3A_913 = vector.extract %get3A_912[0, 0] : i32 from vector<1x1xi32>
      %swap3A_914 = arith.constant 28 : index
      %swap3A_915 = arith.index_cast %get3A_913 : i32 to index
      %swap3A_916 = arith.constant 0 : index
      %swap3A_917 = vector.load %arg4[%swap3A_914, %swap3A_915, %swap3A_916] : memref<64x128x128xf32, #tpu.memory_space<vmem>>, vector<1x1x128xf32>
      %swap3A_918 = vector.shape_cast %swap3A_917 : vector<1x1x128xf32> to vector<1x128xf32>
      %swap3A_919 = vector.shape_cast %broadcast_in_dim3A_6 : vector<1x128xf32> to vector<1x1x128xf32>
      tpu.vector_store %arg4[%swap3A_914, %swap3A_915, %swap3A_916], %swap3A_919 {strides = array<i32>} : memref<64x128x128xf32, #tpu.memory_space<vmem>>, vector<1x1x128xf32>,
      %get3A_920 = arith.constant 29 : index
      %get3A_921 = arith.constant 0 : index
      %get3A_922 = vector.load %arg6[%get3A_920, %get3A_921] : memref<64x1xi32, #tpu.memory_space<vmem>>, vector<1x1xi32>
      %get3A_923 = vector.extract %get3A_922[0, 0] : i32 from vector<1x1xi32>
      %swap3A_924 = arith.constant 29 : index
      %swap3A_925 = arith.index_cast %get3A_923 : i32 to index
      %swap3A_926 = arith.constant 0 : index
      %swap3A_927 = vector.load %arg4[%swap3A_924, %swap3A_925, %swap3A_926] : memref<64x128x128xf32, #tpu.memory_space<vmem>>, vector<1x1x128xf32>
      %swap3A_928 = vector.shape_cast %swap3A_927 : vector<1x1x128xf32> to vector<1x128xf32>
      %swap3A_929 = vector.shape_cast %broadcast_in_dim3A_6 : vector<1x128xf32> to vector<1x1x128xf32>
      tpu.vector_store %arg4[%swap3A_924, %swap3A_925, %swap3A_926], %swap3A_929 {strides = array<i32>} : memref<64x128x128xf32, #tpu.memory_space<vmem>>, vector<1x1x128xf32>,
      %get3A_930 = arith.constant 30 : index
      %get3A_931 = arith.constant 0 : index
      %get3A_932 = vector.load %arg6[%get3A_930, %get3A_931] : memref<64x1xi32, #tpu.memory_space<vmem>>, vector<1x1xi32>
      %get3A_933 = vector.extract %get3A_932[0, 0] : i32 from vector<1x1xi32>
      %swap3A_934 = arith.constant 30 : index
      %swap3A_935 = arith.index_cast %get3A_933 : i32 to index
      %swap3A_936 = arith.constant 0 : index
      %swap3A_937 = vector.load %arg4[%swap3A_934, %swap3A_935, %swap3A_936] : memref<64x128x128xf32, #tpu.memory_space<vmem>>, vector<1x1x128xf32>
      %swap3A_938 = vector.shape_cast %swap3A_937 : vector<1x1x128xf32> to vector<1x128xf32>
      %swap3A_939 = vector.shape_cast %broadcast_in_dim3A_6 : vector<1x128xf32> to vector<1x1x128xf32>
      tpu.vector_store %arg4[%swap3A_934, %swap3A_935, %swap3A_936], %swap3A_939 {strides = array<i32>} : memref<64x128x128xf32, #tpu.memory_space<vmem>>, vector<1x1x128xf32>,
      %get3A_940 = arith.constant 31 : index
      %get3A_941 = arith.constant 0 : index
      %get3A_942 = vector.load %arg6[%get3A_940, %get3A_941] : memref<64x1xi32, #tpu.memory_space<vmem>>, vector<1x1xi32>
      %get3A_943 = vector.extract %get3A_942[0, 0] : i32 from vector<1x1xi32>
      %swap3A_944 = arith.constant 31 : index
      %swap3A_945 = arith.index_cast %get3A_943 : i32 to index
      %swap3A_946 = arith.constant 0 : index
      %swap3A_947 = vector.load %arg4[%swap3A_944, %swap3A_945, %swap3A_946] : memref<64x128x128xf32, #tpu.memory_space<vmem>>, vector<1x1x128xf32>
      %swap3A_948 = vector.shape_cast %swap3A_947 : vector<1x1x128xf32> to vector<1x128xf32>
      %swap3A_949 = vector.shape_cast %broadcast_in_dim3A_6 : vector<1x128xf32> to vector<1x1x128xf32>
      tpu.vector_store %arg4[%swap3A_944, %swap3A_945, %swap3A_946], %swap3A_949 {strides = array<i32>} : memref<64x128x128xf32, #tpu.memory_space<vmem>>, vector<1x1x128xf32>,
      %get3A_950 = arith.constant 32 : index
      %get3A_951 = arith.constant 0 : index
      %get3A_952 = vector.load %arg6[%get3A_950, %get3A_951] : memref<64x1xi32, #tpu.memory_space<vmem>>, vector<1x1xi32>
      %get3A_953 = vector.extract %get3A_952[0, 0] : i32 from vector<1x1xi32>
      %swap3A_954 = arith.constant 32 : index
      %swap3A_955 = arith.index_cast %get3A_953 : i32 to index
      %swap3A_956 = arith.constant 0 : index
      %swap3A_957 = vector.load %arg4[%swap3A_954, %swap3A_955, %swap3A_956] : memref<64x128x128xf32, #tpu.memory_space<vmem>>, vector<1x1x128xf32>
      %swap3A_958 = vector.shape_cast %swap3A_957 : vector<1x1x128xf32> to vector<1x128xf32>
      %swap3A_959 = vector.shape_cast %broadcast_in_dim3A_6 : vector<1x128xf32> to vector<1x1x128xf32>
      tpu.vector_store %arg4[%swap3A_954, %swap3A_955, %swap3A_956], %swap3A_959 {strides = array<i32>} : memref<64x128x128xf32, #tpu.memory_space<vmem>>, vector<1x1x128xf32>,
      %get3A_960 = arith.constant 33 : index
      %get3A_961 = arith.constant 0 : index
      %get3A_962 = vector.load %arg6[%get3A_960, %get3A_961] : memref<64x1xi32, #tpu.memory_space<vmem>>, vector<1x1xi32>
      %get3A_963 = vector.extract %get3A_962[0, 0] : i32 from vector<1x1xi32>
      %swap3A_964 = arith.constant 33 : index
      %swap3A_965 = arith.index_cast %get3A_963 : i32 to index
      %swap3A_966 = arith.constant 0 : index
      %swap3A_967 = vector.load %arg4[%swap3A_964, %swap3A_965, %swap3A_966] : memref<64x128x128xf32, #tpu.memory_space<vmem>>, vector<1x1x128xf32>
      %swap3A_968 = vector.shape_cast %swap3A_967 : vector<1x1x128xf32> to vector<1x128xf32>
      %swap3A_969 = vector.shape_cast %broadcast_in_dim3A_6 : vector<1x128xf32> to vector<1x1x128xf32>
      tpu.vector_store %arg4[%swap3A_964, %swap3A_965, %swap3A_966], %swap3A_969 {strides = array<i32>} : memref<64x128x128xf32, #tpu.memory_space<vmem>>, vector<1x1x128xf32>,
      %get3A_970 = arith.constant 34 : index
      %get3A_971 = arith.constant 0 : index
      %get3A_972 = vector.load %arg6[%get3A_970, %get3A_971] : memref<64x1xi32, #tpu.memory_space<vmem>>, vector<1x1xi32>
      %get3A_973 = vector.extract %get3A_972[0, 0] : i32 from vector<1x1xi32>
      %swap3A_974 = arith.constant 34 : index
      %swap3A_975 = arith.index_cast %get3A_973 : i32 to index
      %swap3A_976 = arith.constant 0 : index
      %swap3A_977 = vector.load %arg4[%swap3A_974, %swap3A_975, %swap3A_976] : memref<64x128x128xf32, #tpu.memory_space<vmem>>, vector<1x1x128xf32>
      %swap3A_978 = vector.shape_cast %swap3A_977 : vector<1x1x128xf32> to vector<1x128xf32>
      %swap3A_979 = vector.shape_cast %broadcast_in_dim3A_6 : vector<1x128xf32> to vector<1x1x128xf32>
      tpu.vector_store %arg4[%swap3A_974, %swap3A_975, %swap3A_976], %swap3A_979 {strides = array<i32>} : memref<64x128x128xf32, #tpu.memory_space<vmem>>, vector<1x1x128xf32>,
      %get3A_980 = arith.constant 35 : index
      %get3A_981 = arith.constant 0 : index
      %get3A_982 = vector.load %arg6[%get3A_980, %get3A_981] : memref<64x1xi32, #tpu.memory_space<vmem>>, vector<1x1xi32>
      %get3A_983 = vector.extract %get3A_982[0, 0] : i32 from vector<1x1xi32>
      %swap3A_984 = arith.constant 35 : index
      %swap3A_985 = arith.index_cast %get3A_983 : i32 to index
      %swap3A_986 = arith.constant 0 : index
      %swap3A_987 = vector.load %arg4[%swap3A_984, %swap3A_985, %swap3A_986] : memref<64x128x128xf32, #tpu.memory_space<vmem>>, vector<1x1x128xf32>
      %swap3A_988 = vector.shape_cast %swap3A_987 : vector<1x1x128xf32> to vector<1x128xf32>
      %swap3A_989 = vector.shape_cast %broadcast_in_dim3A_6 : vector<1x128xf32> to vector<1x1x128xf32>
      tpu.vector_store %arg4[%swap3A_984, %swap3A_985, %swap3A_986], %swap3A_989 {strides = array<i32>} : memref<64x128x128xf32, #tpu.memory_space<vmem>>, vector<1x1x128xf32>,
      %get3A_990 = arith.constant 36 : index
      %get3A_991 = arith.constant 0 : index
      %get3A_992 = vector.load %arg6[%get3A_990, %get3A_991] : memref<64x1xi32, #tpu.memory_space<vmem>>, vector<1x1xi32>
      %get3A_993 = vector.extract %get3A_992[0, 0] : i32 from vector<1x1xi32>
      %swap3A_994 = arith.constant 36 : index
      %swap3A_995 = arith.index_cast %get3A_993 : i32 to index
      %swap3A_996 = arith.constant 0 : index
      %swap3A_997 = vector.load %arg4[%swap3A_994, %swap3A_995, %swap3A_996] : memref<64x128x128xf32, #tpu.memory_space<vmem>>, vector<1x1x128xf32>
      %swap3A_998 = vector.shape_cast %swap3A_997 : vector<1x1x128xf32> to vector<1x128xf32>
      %swap3A_999 = vector.shape_cast %broadcast_in_dim3A_6 : vector<1x128xf32> to vector<1x1x128xf32>
      tpu.vector_store %arg4[%swap3A_994, %swap3A_995, %swap3A_996], %swap3A_999 {strides = array<i32>} : memref<64x128x128xf32, #tpu.memory_space<vmem>>, vector<1x1x128xf32>,
      %get3A_1000 = arith.constant 37 : index
      %get3A_1001 = arith.constant 0 : index
      %get3A_1002 = vector.load %arg6[%get3A_1000, %get3A_1001] : memref<64x1xi32, #tpu.memory_space<vmem>>, vector<1x1xi32>
      %get3A_1003 = vector.extract %get3A_1002[0, 0] : i32 from vector<1x1xi32>
      %swap3A_1004 = arith.constant 37 : index
      %swap3A_1005 = arith.index_cast %get3A_1003 : i32 to index
      %swap3A_1006 = arith.constant 0 : index
      %swap3A_1007 = vector.load %arg4[%swap3A_1004, %swap3A_1005, %swap3A_1006] : memref<64x128x128xf32, #tpu.memory_space<vmem>>, vector<1x1x128xf32>
      %swap3A_1008 = vector.shape_cast %swap3A_1007 : vector<1x1x128xf32> to vector<1x128xf32>
      %swap3A_1009 = vector.shape_cast %broadcast_in_dim3A_6 : vector<1x128xf32> to vector<1x1x128xf32>
      tpu.vector_store %arg4[%swap3A_1004, %swap3A_1005, %swap3A_1006], %swap3A_1009 {strides = array<i32>} : memref<64x128x128xf32, #tpu.memory_space<vmem>>, vector<1x1x128xf32>,
      %get3A_1010 = arith.constant 38 : index
      %get3A_1011 = arith.constant 0 : index
      %get3A_1012 = vector.load %arg6[%get3A_1010, %get3A_1011] : memref<64x1xi32, #tpu.memory_space<vmem>>, vector<1x1xi32>
      %get3A_1013 = vector.extract %get3A_1012[0, 0] : i32 from vector<1x1xi32>
      %swap3A_1014 = arith.constant 38 : index
      %swap3A_1015 = arith.index_cast %get3A_1013 : i32 to index
      %swap3A_1016 = arith.constant 0 : index
      %swap3A_1017 = vector.load %arg4[%swap3A_1014, %swap3A_1015, %swap3A_1016] : memref<64x128x128xf32, #tpu.memory_space<vmem>>, vector<1x1x128xf32>
      %swap3A_1018 = vector.shape_cast %swap3A_1017 : vector<1x1x128xf32> to vector<1x128xf32>
      %swap3A_1019 = vector.shape_cast %broadcast_in_dim3A_6 : vector<1x128xf32> to vector<1x1x128xf32>
      tpu.vector_store %arg4[%swap3A_1014, %swap3A_1015, %swap3A_1016], %swap3A_1019 {strides = array<i32>} : memref<64x128x128xf32, #tpu.memory_space<vmem>>, vector<1x1x128xf32>,
      %get3A_1020 = arith.constant 39 : index
      %get3A_1021 = arith.constant 0 : index
      %get3A_1022 = vector.load %arg6[%get3A_1020, %get3A_1021] : memref<64x1xi32, #tpu.memory_space<vmem>>, vector<1x1xi32>
      %get3A_1023 = vector.extract %get3A_1022[0, 0] : i32 from vector<1x1xi32>
      %swap3A_1024 = arith.constant 39 : index
      %swap3A_1025 = arith.index_cast %get3A_1023 : i32 to index
      %swap3A_1026 = arith.constant 0 : index
      %swap3A_1027 = vector.load %arg4[%swap3A_1024, %swap3A_1025, %swap3A_1026] : memref<64x128x128xf32, #tpu.memory_space<vmem>>, vector<1x1x128xf32>
      %swap3A_1028 = vector.shape_cast %swap3A_1027 : vector<1x1x128xf32> to vector<1x128xf32>
      %swap3A_1029 = vector.shape_cast %broadcast_in_dim3A_6 : vector<1x128xf32> to vector<1x1x128xf32>
      tpu.vector_store %arg4[%swap3A_1024, %swap3A_1025, %swap3A_1026], %swap3A_1029 {strides = array<i32>} : memref<64x128x128xf32, #tpu.memory_space<vmem>>, vector<1x1x128xf32>,
      %get3A_1030 = arith.constant 40 : index
      %get3A_1031 = arith.constant 0 : index
      %get3A_1032 = vector.load %arg6[%get3A_1030, %get3A_1031] : memref<64x1xi32, #tpu.memory_space<vmem>>, vector<1x1xi32>
      %get3A_1033 = vector.extract %get3A_1032[0, 0] : i32 from vector<1x1xi32>
      %swap3A_1034 = arith.constant 40 : index
      %swap3A_1035 = arith.index_cast %get3A_1033 : i32 to index
      %swap3A_1036 = arith.constant 0 : index
      %swap3A_1037 = vector.load %arg4[%swap3A_1034, %swap3A_1035, %swap3A_1036] : memref<64x128x128xf32, #tpu.memory_space<vmem>>, vector<1x1x128xf32>
      %swap3A_1038 = vector.shape_cast %swap3A_1037 : vector<1x1x128xf32> to vector<1x128xf32>
      %swap3A_1039 = vector.shape_cast %broadcast_in_dim3A_6 : vector<1x128xf32> to vector<1x1x128xf32>
      tpu.vector_store %arg4[%swap3A_1034, %swap3A_1035, %swap3A_1036], %swap3A_1039 {strides = array<i32>} : memref<64x128x128xf32, #tpu.memory_space<vmem>>, vector<1x1x128xf32>,
      %get3A_1040 = arith.constant 41 : index
      %get3A_1041 = arith.constant 0 : index
      %get3A_1042 = vector.load %arg6[%get3A_1040, %get3A_1041] : memref<64x1xi32, #tpu.memory_space<vmem>>, vector<1x1xi32>
      %get3A_1043 = vector.extract %get3A_1042[0, 0] : i32 from vector<1x1xi32>
      %swap3A_1044 = arith.constant 41 : index
      %swap3A_1045 = arith.index_cast %get3A_1043 : i32 to index
      %swap3A_1046 = arith.constant 0 : index
      %swap3A_1047 = vector.load %arg4[%swap3A_1044, %swap3A_1045, %swap3A_1046] : memref<64x128x128xf32, #tpu.memory_space<vmem>>, vector<1x1x128xf32>
      %swap3A_1048 = vector.shape_cast %swap3A_1047 : vector<1x1x128xf32> to vector<1x128xf32>
      %swap3A_1049 = vector.shape_cast %broadcast_in_dim3A_6 : vector<1x128xf32> to vector<1x1x128xf32>
      tpu.vector_store %arg4[%swap3A_1044, %swap3A_1045, %swap3A_1046], %swap3A_1049 {strides = array<i32>} : memref<64x128x128xf32, #tpu.memory_space<vmem>>, vector<1x1x128xf32>,
      %get3A_1050 = arith.constant 42 : index
      %get3A_1051 = arith.constant 0 : index
      %get3A_1052 = vector.load %arg6[%get3A_1050, %get3A_1051] : memref<64x1xi32, #tpu.memory_space<vmem>>, vector<1x1xi32>
      %get3A_1053 = vector.extract %get3A_1052[0, 0] : i32 from vector<1x1xi32>
      %swap3A_1054 = arith.constant 42 : index
      %swap3A_1055 = arith.index_cast %get3A_1053 : i32 to index
      %swap3A_1056 = arith.constant 0 : index
      %swap3A_1057 = vector.load %arg4[%swap3A_1054, %swap3A_1055, %swap3A_1056] : memref<64x128x128xf32, #tpu.memory_space<vmem>>, vector<1x1x128xf32>
      %swap3A_1058 = vector.shape_cast %swap3A_1057 : vector<1x1x128xf32> to vector<1x128xf32>
      %swap3A_1059 = vector.shape_cast %broadcast_in_dim3A_6 : vector<1x128xf32> to vector<1x1x128xf32>
      tpu.vector_store %arg4[%swap3A_1054, %swap3A_1055, %swap3A_1056], %swap3A_1059 {strides = array<i32>} : memref<64x128x128xf32, #tpu.memory_space<vmem>>, vector<1x1x128xf32>,
      %get3A_1060 = arith.constant 43 : index
      %get3A_1061 = arith.constant 0 : index
      %get3A_1062 = vector.load %arg6[%get3A_1060, %get3A_1061] : memref<64x1xi32, #tpu.memory_space<vmem>>, vector<1x1xi32>
      %get3A_1063 = vector.extract %get3A_1062[0, 0] : i32 from vector<1x1xi32>
      %swap3A_1064 = arith.constant 43 : index
      %swap3A_1065 = arith.index_cast %get3A_1063 : i32 to index
      %swap3A_1066 = arith.constant 0 : index
      %swap3A_1067 = vector.load %arg4[%swap3A_1064, %swap3A_1065, %swap3A_1066] : memref<64x128x128xf32, #tpu.memory_space<vmem>>, vector<1x1x128xf32>
      %swap3A_1068 = vector.shape_cast %swap3A_1067 : vector<1x1x128xf32> to vector<1x128xf32>
      %swap3A_1069 = vector.shape_cast %broadcast_in_dim3A_6 : vector<1x128xf32> to vector<1x1x128xf32>
      tpu.vector_store %arg4[%swap3A_1064, %swap3A_1065, %swap3A_1066], %swap3A_1069 {strides = array<i32>} : memref<64x128x128xf32, #tpu.memory_space<vmem>>, vector<1x1x128xf32>,
      %get3A_1070 = arith.constant 44 : index
      %get3A_1071 = arith.constant 0 : index
      %get3A_1072 = vector.load %arg6[%get3A_1070, %get3A_1071] : memref<64x1xi32, #tpu.memory_space<vmem>>, vector<1x1xi32>
      %get3A_1073 = vector.extract %get3A_1072[0, 0] : i32 from vector<1x1xi32>
      %swap3A_1074 = arith.constant 44 : index
      %swap3A_1075 = arith.index_cast %get3A_1073 : i32 to index
      %swap3A_1076 = arith.constant 0 : index
      %swap3A_1077 = vector.load %arg4[%swap3A_1074, %swap3A_1075, %swap3A_1076] : memref<64x128x128xf32, #tpu.memory_space<vmem>>, vector<1x1x128xf32>
      %swap3A_1078 = vector.shape_cast %swap3A_1077 : vector<1x1x128xf32> to vector<1x128xf32>
      %swap3A_1079 = vector.shape_cast %broadcast_in_dim3A_6 : vector<1x128xf32> to vector<1x1x128xf32>
      tpu.vector_store %arg4[%swap3A_1074, %swap3A_1075, %swap3A_1076], %swap3A_1079 {strides = array<i32>} : memref<64x128x128xf32, #tpu.memory_space<vmem>>, vector<1x1x128xf32>,
      %get3A_1080 = arith.constant 45 : index
      %get3A_1081 = arith.constant 0 : index
      %get3A_1082 = vector.load %arg6[%get3A_1080, %get3A_1081] : memref<64x1xi32, #tpu.memory_space<vmem>>, vector<1x1xi32>
      %get3A_1083 = vector.extract %get3A_1082[0, 0] : i32 from vector<1x1xi32>
      %swap3A_1084 = arith.constant 45 : index
      %swap3A_1085 = arith.index_cast %get3A_1083 : i32 to index
      %swap3A_1086 = arith.constant 0 : index
      %swap3A_1087 = vector.load %arg4[%swap3A_1084, %swap3A_1085, %swap3A_1086] : memref<64x128x128xf32, #tpu.memory_space<vmem>>, vector<1x1x128xf32>
      %swap3A_1088 = vector.shape_cast %swap3A_1087 : vector<1x1x128xf32> to vector<1x128xf32>
      %swap3A_1089 = vector.shape_cast %broadcast_in_dim3A_6 : vector<1x128xf32> to vector<1x1x128xf32>
      tpu.vector_store %arg4[%swap3A_1084, %swap3A_1085, %swap3A_1086], %swap3A_1089 {strides = array<i32>} : memref<64x128x128xf32, #tpu.memory_space<vmem>>, vector<1x1x128xf32>,
      %get3A_1090 = arith.constant 46 : index
      %get3A_1091 = arith.constant 0 : index
      %get3A_1092 = vector.load %arg6[%get3A_1090, %get3A_1091] : memref<64x1xi32, #tpu.memory_space<vmem>>, vector<1x1xi32>
      %get3A_1093 = vector.extract %get3A_1092[0, 0] : i32 from vector<1x1xi32>
      %swap3A_1094 = arith.constant 46 : index
      %swap3A_1095 = arith.index_cast %get3A_1093 : i32 to index
      %swap3A_1096 = arith.constant 0 : index
      %swap3A_1097 = vector.load %arg4[%swap3A_1094, %swap3A_1095, %swap3A_1096] : memref<64x128x128xf32, #tpu.memory_space<vmem>>, vector<1x1x128xf32>
      %swap3A_1098 = vector.shape_cast %swap3A_1097 : vector<1x1x128xf32> to vector<1x128xf32>
      %swap3A_1099 = vector.shape_cast %broadcast_in_dim3A_6 : vector<1x128xf32> to vector<1x1x128xf32>
      tpu.vector_store %arg4[%swap3A_1094, %swap3A_1095, %swap3A_1096], %swap3A_1099 {strides = array<i32>} : memref<64x128x128xf32, #tpu.memory_space<vmem>>, vector<1x1x128xf32>,
      %get3A_1100 = arith.constant 47 : index
      %get3A_1101 = arith.constant 0 : index
      %get3A_1102 = vector.load %arg6[%get3A_1100, %get3A_1101] : memref<64x1xi32, #tpu.memory_space<vmem>>, vector<1x1xi32>
      %get3A_1103 = vector.extract %get3A_1102[0, 0] : i32 from vector<1x1xi32>
      %swap3A_1104 = arith.constant 47 : index
      %swap3A_1105 = arith.index_cast %get3A_1103 : i32 to index
      %swap3A_1106 = arith.constant 0 : index
      %swap3A_1107 = vector.load %arg4[%swap3A_1104, %swap3A_1105, %swap3A_1106] : memref<64x128x128xf32, #tpu.memory_space<vmem>>, vector<1x1x128xf32>
      %swap3A_1108 = vector.shape_cast %swap3A_1107 : vector<1x1x128xf32> to vector<1x128xf32>
      %swap3A_1109 = vector.shape_cast %broadcast_in_dim3A_6 : vector<1x128xf32> to vector<1x1x128xf32>
      tpu.vector_store %arg4[%swap3A_1104, %swap3A_1105, %swap3A_1106], %swap3A_1109 {strides = array<i32>} : memref<64x128x128xf32, #tpu.memory_space<vmem>>, vector<1x1x128xf32>,
      %get3A_1110 = arith.constant 48 : index
      %get3A_1111 = arith.constant 0 : index
      %get3A_1112 = vector.load %arg6[%get3A_1110, %get3A_1111] : memref<64x1xi32, #tpu.memory_space<vmem>>, vector<1x1xi32>
      %get3A_1113 = vector.extract %get3A_1112[0, 0] : i32 from vector<1x1xi32>
      %swap3A_1114 = arith.constant 48 : index
      %swap3A_1115 = arith.index_cast %get3A_1113 : i32 to index
      %swap3A_1116 = arith.constant 0 : index
      %swap3A_1117 = vector.load %arg4[%swap3A_1114, %swap3A_1115, %swap3A_1116] : memref<64x128x128xf32, #tpu.memory_space<vmem>>, vector<1x1x128xf32>
      %swap3A_1118 = vector.shape_cast %swap3A_1117 : vector<1x1x128xf32> to vector<1x128xf32>
      %swap3A_1119 = vector.shape_cast %broadcast_in_dim3A_6 : vector<1x128xf32> to vector<1x1x128xf32>
      tpu.vector_store %arg4[%swap3A_1114, %swap3A_1115, %swap3A_1116], %swap3A_1119 {strides = array<i32>} : memref<64x128x128xf32, #tpu.memory_space<vmem>>, vector<1x1x128xf32>,
      %get3A_1120 = arith.constant 49 : index
      %get3A_1121 = arith.constant 0 : index
      %get3A_1122 = vector.load %arg6[%get3A_1120, %get3A_1121] : memref<64x1xi32, #tpu.memory_space<vmem>>, vector<1x1xi32>
      %get3A_1123 = vector.extract %get3A_1122[0, 0] : i32 from vector<1x1xi32>
      %swap3A_1124 = arith.constant 49 : index
      %swap3A_1125 = arith.index_cast %get3A_1123 : i32 to index
      %swap3A_1126 = arith.constant 0 : index
      %swap3A_1127 = vector.load %arg4[%swap3A_1124, %swap3A_1125, %swap3A_1126] : memref<64x128x128xf32, #tpu.memory_space<vmem>>, vector<1x1x128xf32>
      %swap3A_1128 = vector.shape_cast %swap3A_1127 : vector<1x1x128xf32> to vector<1x128xf32>
      %swap3A_1129 = vector.shape_cast %broadcast_in_dim3A_6 : vector<1x128xf32> to vector<1x1x128xf32>
      tpu.vector_store %arg4[%swap3A_1124, %swap3A_1125, %swap3A_1126], %swap3A_1129 {strides = array<i32>} : memref<64x128x128xf32, #tpu.memory_space<vmem>>, vector<1x1x128xf32>,
      %get3A_1130 = arith.constant 50 : index
      %get3A_1131 = arith.constant 0 : index
      %get3A_1132 = vector.load %arg6[%get3A_1130, %get3A_1131] : memref<64x1xi32, #tpu.memory_space<vmem>>, vector<1x1xi32>
      %get3A_1133 = vector.extract %get3A_1132[0, 0] : i32 from vector<1x1xi32>
      %swap3A_1134 = arith.constant 50 : index
      %swap3A_1135 = arith.index_cast %get3A_1133 : i32 to index
      %swap3A_1136 = arith.constant 0 : index
      %swap3A_1137 = vector.load %arg4[%swap3A_1134, %swap3A_1135, %swap3A_1136] : memref<64x128x128xf32, #tpu.memory_space<vmem>>, vector<1x1x128xf32>
      %swap3A_1138 = vector.shape_cast %swap3A_1137 : vector<1x1x128xf32> to vector<1x128xf32>
      %swap3A_1139 = vector.shape_cast %broadcast_in_dim3A_6 : vector<1x128xf32> to vector<1x1x128xf32>
      tpu.vector_store %arg4[%swap3A_1134, %swap3A_1135, %swap3A_1136], %swap3A_1139 {strides = array<i32>} : memref<64x128x128xf32, #tpu.memory_space<vmem>>, vector<1x1x128xf32>,
      %get3A_1140 = arith.constant 51 : index
      %get3A_1141 = arith.constant 0 : index
      %get3A_1142 = vector.load %arg6[%get3A_1140, %get3A_1141] : memref<64x1xi32, #tpu.memory_space<vmem>>, vector<1x1xi32>
      %get3A_1143 = vector.extract %get3A_1142[0, 0] : i32 from vector<1x1xi32>
      %swap3A_1144 = arith.constant 51 : index
      %swap3A_1145 = arith.index_cast %get3A_1143 : i32 to index
      %swap3A_1146 = arith.constant 0 : index
      %swap3A_1147 = vector.load %arg4[%swap3A_1144, %swap3A_1145, %swap3A_1146] : memref<64x128x128xf32, #tpu.memory_space<vmem>>, vector<1x1x128xf32>
      %swap3A_1148 = vector.shape_cast %swap3A_1147 : vector<1x1x128xf32> to vector<1x128xf32>
      %swap3A_1149 = vector.shape_cast %broadcast_in_dim3A_6 : vector<1x128xf32> to vector<1x1x128xf32>
      tpu.vector_store %arg4[%swap3A_1144, %swap3A_1145, %swap3A_1146], %swap3A_1149 {strides = array<i32>} : memref<64x128x128xf32, #tpu.memory_space<vmem>>, vector<1x1x128xf32>,
      %get3A_1150 = arith.constant 52 : index
      %get3A_1151 = arith.constant 0 : index
      %get3A_1152 = vector.load %arg6[%get3A_1150, %get3A_1151] : memref<64x1xi32, #tpu.memory_space<vmem>>, vector<1x1xi32>
      %get3A_1153 = vector.extract %get3A_1152[0, 0] : i32 from vector<1x1xi32>
      %swap3A_1154 = arith.constant 52 : index
      %swap3A_1155 = arith.index_cast %get3A_1153 : i32 to index
      %swap3A_1156 = arith.constant 0 : index
      %swap3A_1157 = vector.load %arg4[%swap3A_1154, %swap3A_1155, %swap3A_1156] : memref<64x128x128xf32, #tpu.memory_space<vmem>>, vector<1x1x128xf32>
      %swap3A_1158 = vector.shape_cast %swap3A_1157 : vector<1x1x128xf32> to vector<1x128xf32>
      %swap3A_1159 = vector.shape_cast %broadcast_in_dim3A_6 : vector<1x128xf32> to vector<1x1x128xf32>
      tpu.vector_store %arg4[%swap3A_1154, %swap3A_1155, %swap3A_1156], %swap3A_1159 {strides = array<i32>} : memref<64x128x128xf32, #tpu.memory_space<vmem>>, vector<1x1x128xf32>,
      %get3A_1160 = arith.constant 53 : index
      %get3A_1161 = arith.constant 0 : index
      %get3A_1162 = vector.load %arg6[%get3A_1160, %get3A_1161] : memref<64x1xi32, #tpu.memory_space<vmem>>, vector<1x1xi32>
      %get3A_1163 = vector.extract %get3A_1162[0, 0] : i32 from vector<1x1xi32>
      %swap3A_1164 = arith.constant 53 : index
      %swap3A_1165 = arith.index_cast %get3A_1163 : i32 to index
      %swap3A_1166 = arith.constant 0 : index
      %swap3A_1167 = vector.load %arg4[%swap3A_1164, %swap3A_1165, %swap3A_1166] : memref<64x128x128xf32, #tpu.memory_space<vmem>>, vector<1x1x128xf32>
      %swap3A_1168 = vector.shape_cast %swap3A_1167 : vector<1x1x128xf32> to vector<1x128xf32>
      %swap3A_1169 = vector.shape_cast %broadcast_in_dim3A_6 : vector<1x128xf32> to vector<1x1x128xf32>
      tpu.vector_store %arg4[%swap3A_1164, %swap3A_1165, %swap3A_1166], %swap3A_1169 {strides = array<i32>} : memref<64x128x128xf32, #tpu.memory_space<vmem>>, vector<1x1x128xf32>,
      %get3A_1170 = arith.constant 54 : index
      %get3A_1171 = arith.constant 0 : index
      %get3A_1172 = vector.load %arg6[%get3A_1170, %get3A_1171] : memref<64x1xi32, #tpu.memory_space<vmem>>, vector<1x1xi32>
      %get3A_1173 = vector.extract %get3A_1172[0, 0] : i32 from vector<1x1xi32>
      %swap3A_1174 = arith.constant 54 : index
      %swap3A_1175 = arith.index_cast %get3A_1173 : i32 to index
      %swap3A_1176 = arith.constant 0 : index
      %swap3A_1177 = vector.load %arg4[%swap3A_1174, %swap3A_1175, %swap3A_1176] : memref<64x128x128xf32, #tpu.memory_space<vmem>>, vector<1x1x128xf32>
      %swap3A_1178 = vector.shape_cast %swap3A_1177 : vector<1x1x128xf32> to vector<1x128xf32>
      %swap3A_1179 = vector.shape_cast %broadcast_in_dim3A_6 : vector<1x128xf32> to vector<1x1x128xf32>
      tpu.vector_store %arg4[%swap3A_1174, %swap3A_1175, %swap3A_1176], %swap3A_1179 {strides = array<i32>} : memref<64x128x128xf32, #tpu.memory_space<vmem>>, vector<1x1x128xf32>,
      %get3A_1180 = arith.constant 55 : index
      %get3A_1181 = arith.constant 0 : index
      %get3A_1182 = vector.load %arg6[%get3A_1180, %get3A_1181] : memref<64x1xi32, #tpu.memory_space<vmem>>, vector<1x1xi32>
      %get3A_1183 = vector.extract %get3A_1182[0, 0] : i32 from vector<1x1xi32>
      %swap3A_1184 = arith.constant 55 : index
      %swap3A_1185 = arith.index_cast %get3A_1183 : i32 to index
      %swap3A_1186 = arith.constant 0 : index
      %swap3A_1187 = vector.load %arg4[%swap3A_1184, %swap3A_1185, %swap3A_1186] : memref<64x128x128xf32, #tpu.memory_space<vmem>>, vector<1x1x128xf32>
      %swap3A_1188 = vector.shape_cast %swap3A_1187 : vector<1x1x128xf32> to vector<1x128xf32>
      %swap3A_1189 = vector.shape_cast %broadcast_in_dim3A_6 : vector<1x128xf32> to vector<1x1x128xf32>
      tpu.vector_store %arg4[%swap3A_1184, %swap3A_1185, %swap3A_1186], %swap3A_1189 {strides = array<i32>} : memref<64x128x128xf32, #tpu.memory_space<vmem>>, vector<1x1x128xf32>,
      %get3A_1190 = arith.constant 56 : index
      %get3A_1191 = arith.constant 0 : index
      %get3A_1192 = vector.load %arg6[%get3A_1190, %get3A_1191] : memref<64x1xi32, #tpu.memory_space<vmem>>, vector<1x1xi32>
      %get3A_1193 = vector.extract %get3A_1192[0, 0] : i32 from vector<1x1xi32>
      %swap3A_1194 = arith.constant 56 : index
      %swap3A_1195 = arith.index_cast %get3A_1193 : i32 to index
      %swap3A_1196 = arith.constant 0 : index
      %swap3A_1197 = vector.load %arg4[%swap3A_1194, %swap3A_1195, %swap3A_1196] : memref<64x128x128xf32, #tpu.memory_space<vmem>>, vector<1x1x128xf32>
      %swap3A_1198 = vector.shape_cast %swap3A_1197 : vector<1x1x128xf32> to vector<1x128xf32>
      %swap3A_1199 = vector.shape_cast %broadcast_in_dim3A_6 : vector<1x128xf32> to vector<1x1x128xf32>
      tpu.vector_store %arg4[%swap3A_1194, %swap3A_1195, %swap3A_1196], %swap3A_1199 {strides = array<i32>} : memref<64x128x128xf32, #tpu.memory_space<vmem>>, vector<1x1x128xf32>,
      %get3A_1200 = arith.constant 57 : index
      %get3A_1201 = arith.constant 0 : index
      %get3A_1202 = vector.load %arg6[%get3A_1200, %get3A_1201] : memref<64x1xi32, #tpu.memory_space<vmem>>, vector<1x1xi32>
      %get3A_1203 = vector.extract %get3A_1202[0, 0] : i32 from vector<1x1xi32>
      %swap3A_1204 = arith.constant 57 : index
      %swap3A_1205 = arith.index_cast %get3A_1203 : i32 to index
      %swap3A_1206 = arith.constant 0 : index
      %swap3A_1207 = vector.load %arg4[%swap3A_1204, %swap3A_1205, %swap3A_1206] : memref<64x128x128xf32, #tpu.memory_space<vmem>>, vector<1x1x128xf32>
      %swap3A_1208 = vector.shape_cast %swap3A_1207 : vector<1x1x128xf32> to vector<1x128xf32>
      %swap3A_1209 = vector.shape_cast %broadcast_in_dim3A_6 : vector<1x128xf32> to vector<1x1x128xf32>
      tpu.vector_store %arg4[%swap3A_1204, %swap3A_1205, %swap3A_1206], %swap3A_1209 {strides = array<i32>} : memref<64x128x128xf32, #tpu.memory_space<vmem>>, vector<1x1x128xf32>,
      %get3A_1210 = arith.constant 58 : index
      %get3A_1211 = arith.constant 0 : index
      %get3A_1212 = vector.load %arg6[%get3A_1210, %get3A_1211] : memref<64x1xi32, #tpu.memory_space<vmem>>, vector<1x1xi32>
      %get3A_1213 = vector.extract %get3A_1212[0, 0] : i32 from vector<1x1xi32>
      %swap3A_1214 = arith.constant 58 : index
      %swap3A_1215 = arith.index_cast %get3A_1213 : i32 to index
      %swap3A_1216 = arith.constant 0 : index
      %swap3A_1217 = vector.load %arg4[%swap3A_1214, %swap3A_1215, %swap3A_1216] : memref<64x128x128xf32, #tpu.memory_space<vmem>>, vector<1x1x128xf32>
      %swap3A_1218 = vector.shape_cast %swap3A_1217 : vector<1x1x128xf32> to vector<1x128xf32>
      %swap3A_1219 = vector.shape_cast %broadcast_in_dim3A_6 : vector<1x128xf32> to vector<1x1x128xf32>
      tpu.vector_store %arg4[%swap3A_1214, %swap3A_1215, %swap3A_1216], %swap3A_1219 {strides = array<i32>} : memref<64x128x128xf32, #tpu.memory_space<vmem>>, vector<1x1x128xf32>,
      %get3A_1220 = arith.constant 59 : index
      %get3A_1221 = arith.constant 0 : index
      %get3A_1222 = vector.load %arg6[%get3A_1220, %get3A_1221] : memref<64x1xi32, #tpu.memory_space<vmem>>, vector<1x1xi32>
      %get3A_1223 = vector.extract %get3A_1222[0, 0] : i32 from vector<1x1xi32>
      %swap3A_1224 = arith.constant 59 : index
      %swap3A_1225 = arith.index_cast %get3A_1223 : i32 to index
      %swap3A_1226 = arith.constant 0 : index
      %swap3A_1227 = vector.load %arg4[%swap3A_1224, %swap3A_1225, %swap3A_1226] : memref<64x128x128xf32, #tpu.memory_space<vmem>>, vector<1x1x128xf32>
      %swap3A_1228 = vector.shape_cast %swap3A_1227 : vector<1x1x128xf32> to vector<1x128xf32>
      %swap3A_1229 = vector.shape_cast %broadcast_in_dim3A_6 : vector<1x128xf32> to vector<1x1x128xf32>
      tpu.vector_store %arg4[%swap3A_1224, %swap3A_1225, %swap3A_1226], %swap3A_1229 {strides = array<i32>} : memref<64x128x128xf32, #tpu.memory_space<vmem>>, vector<1x1x128xf32>,
      %get3A_1230 = arith.constant 60 : index
      %get3A_1231 = arith.constant 0 : index
      %get3A_1232 = vector.load %arg6[%get3A_1230, %get3A_1231] : memref<64x1xi32, #tpu.memory_space<vmem>>, vector<1x1xi32>
      %get3A_1233 = vector.extract %get3A_1232[0, 0] : i32 from vector<1x1xi32>
      %swap3A_1234 = arith.constant 60 : index
      %swap3A_1235 = arith.index_cast %get3A_1233 : i32 to index
      %swap3A_1236 = arith.constant 0 : index
      %swap3A_1237 = vector.load %arg4[%swap3A_1234, %swap3A_1235, %swap3A_1236] : memref<64x128x128xf32, #tpu.memory_space<vmem>>, vector<1x1x128xf32>
      %swap3A_1238 = vector.shape_cast %swap3A_1237 : vector<1x1x128xf32> to vector<1x128xf32>
      %swap3A_1239 = vector.shape_cast %broadcast_in_dim3A_6 : vector<1x128xf32> to vector<1x1x128xf32>
      tpu.vector_store %arg4[%swap3A_1234, %swap3A_1235, %swap3A_1236], %swap3A_1239 {strides = array<i32>} : memref<64x128x128xf32, #tpu.memory_space<vmem>>, vector<1x1x128xf32>,
      %get3A_1240 = arith.constant 61 : index
      %get3A_1241 = arith.constant 0 : index
      %get3A_1242 = vector.load %arg6[%get3A_1240, %get3A_1241] : memref<64x1xi32, #tpu.memory_space<vmem>>, vector<1x1xi32>
      %get3A_1243 = vector.extract %get3A_1242[0, 0] : i32 from vector<1x1xi32>
      %swap3A_1244 = arith.constant 61 : index
      %swap3A_1245 = arith.index_cast %get3A_1243 : i32 to index
      %swap3A_1246 = arith.constant 0 : index
      %swap3A_1247 = vector.load %arg4[%swap3A_1244, %swap3A_1245, %swap3A_1246] : memref<64x128x128xf32, #tpu.memory_space<vmem>>, vector<1x1x128xf32>
      %swap3A_1248 = vector.shape_cast %swap3A_1247 : vector<1x1x128xf32> to vector<1x128xf32>
      %swap3A_1249 = vector.shape_cast %broadcast_in_dim3A_6 : vector<1x128xf32> to vector<1x1x128xf32>
      tpu.vector_store %arg4[%swap3A_1244, %swap3A_1245, %swap3A_1246], %swap3A_1249 {strides = array<i32>} : memref<64x128x128xf32, #tpu.memory_space<vmem>>, vector<1x1x128xf32>,
      %get3A_1250 = arith.constant 62 : index
      %get3A_1251 = arith.constant 0 : index
      %get3A_1252 = vector.load %arg6[%get3A_1250, %get3A_1251] : memref<64x1xi32, #tpu.memory_space<vmem>>, vector<1x1xi32>
      %get3A_1253 = vector.extract %get3A_1252[0, 0] : i32 from vector<1x1xi32>
      %swap3A_1254 = arith.constant 62 : index
      %swap3A_1255 = arith.index_cast %get3A_1253 : i32 to index
      %swap3A_1256 = arith.constant 0 : index
      %swap3A_1257 = vector.load %arg4[%swap3A_1254, %swap3A_1255, %swap3A_1256] : memref<64x128x128xf32, #tpu.memory_space<vmem>>, vector<1x1x128xf32>
      %swap3A_1258 = vector.shape_cast %swap3A_1257 : vector<1x1x128xf32> to vector<1x128xf32>
      %swap3A_1259 = vector.shape_cast %broadcast_in_dim3A_6 : vector<1x128xf32> to vector<1x1x128xf32>
      tpu.vector_store %arg4[%swap3A_1254, %swap3A_1255, %swap3A_1256], %swap3A_1259 {strides = array<i32>} : memref<64x128x128xf32, #tpu.memory_space<vmem>>, vector<1x1x128xf32>,
      %get3A_1260 = arith.constant 63 : index
      %get3A_1261 = arith.constant 0 : index
      %get3A_1262 = vector.load %arg6[%get3A_1260, %get3A_1261] : memref<64x1xi32, #tpu.memory_space<vmem>>, vector<1x1xi32>
      %get3A_1263 = vector.extract %get3A_1262[0, 0] : i32 from vector<1x1xi32>
      %swap3A_1264 = arith.constant 63 : index
      %swap3A_1265 = arith.index_cast %get3A_1263 : i32 to index
      %swap3A_1266 = arith.constant 0 : index
      %swap3A_1267 = vector.load %arg4[%swap3A_1264, %swap3A_1265, %swap3A_1266] : memref<64x128x128xf32, #tpu.memory_space<vmem>>, vector<1x1x128xf32>
      %swap3A_1268 = vector.shape_cast %swap3A_1267 : vector<1x1x128xf32> to vector<1x128xf32>
      %swap3A_1269 = vector.shape_cast %broadcast_in_dim3A_6 : vector<1x128xf32> to vector<1x1x128xf32>
      tpu.vector_store %arg4[%swap3A_1264, %swap3A_1265, %swap3A_1266], %swap3A_1269 {strides = array<i32>} : memref<64x128x128xf32, #tpu.memory_space<vmem>>, vector<1x1x128xf32>,
      %eq3A_1270 = vector.broadcast %broadcast_in_dim3A_35 : vector<64x1xf32> to vector<64x128xf32>
      %eq3A_1271 = arith.cmpf oeq, %convert_element_type3A, %eq3A_1270 : vector<64x128xf32>
      %broadcast_in_dim3A_1272 = vector.broadcast %scan3A : f32 to vector<64x128xf32>
      %select_n3A_1273 = arith.select %eq3A_1271, %broadcast_in_dim3A_1272, %scan3A_20 : vector<64x128xi1>, vector<64x128xf32>
      %eq3A_1274 = vector.broadcast %broadcast_in_dim3A_625 : vector<64x1xf32> to vector<64x128xf32>
      %eq3A_1275 = arith.cmpf oeq, %convert_element_type3A, %eq3A_1274 : vector<64x128xf32>
      %broadcast_in_dim3A_1276 = vector.broadcast %scan3A : f32 to vector<64x128xf32>
      %select_n3A_1277 = arith.select %eq3A_1275, %broadcast_in_dim3A_1276, %scan3A_21 : vector<64x128xi1>, vector<64x128xf32>
      scf.yield %select_n3A_1273, %select_n3A_1277, %add3A_36 : vector<64x128xf32>, vector<64x128xf32>, vector<64x1xf32>
    }
    %swap3A_16 = arith.constant 0 : index
    %swap3A_17 = arith.constant 0 : index
    %swap3A_18 = vector.load %arg3[%swap3A_16, %swap3A_17] : memref<64x1xf32, #tpu.memory_space<vmem>>, vector<64x1xf32>
    tpu.vector_store %arg3[%swap3A_16, %swap3A_17], %scan3A_15#2 {strides = array<i32>} : memref<64x1xf32, #tpu.memory_space<vmem>>, vector<64x1xf32>,
    return
  }
  func.func @transform_0(%arg0: i32) -> (i32, i32, i32) {
    %c0_i32 = arith.constant 0 : i32
    %c0_i32_0 = arith.constant 0 : i32
    %c0_i32_1 = arith.constant 0 : i32
    return %arg0, %c0_i32, %c0_i32_0 : i32, i32, i32
  }
  func.func @transform_1(%arg0: i32) -> (i32, i32, i32) {
    %c0_i32 = arith.constant 0 : i32
    %c0_i32_0 = arith.constant 0 : i32
    %c0_i32_1 = arith.constant 0 : i32
    return %arg0, %c0_i32, %c0_i32_0 : i32, i32, i32
  }
  func.func @transform_2(%arg0: i32) -> (i32, i32) {
    %c0_i32 = arith.constant 0 : i32
    %c0_i32_0 = arith.constant 0 : i32
    return %arg0, %c0_i32 : i32, i32
  }
}

</mosaic_0001>

<sc_bundles>
// kernel: kernel.14.cloned.1.call-start
scs
__scs_entry_jumppad:
0x0: {  	(pc) =	sbr.rel $0x88, $3  }
0x1: {  	(tag) =	ssettag $0x0;
	lr =	simm.s32 $0x1  }
0x2: {  	[smem:$0x3F8F] =	sst lr;
	_ =	strace $0xD0000000  }
0x3: {  	_ = 	snop  }
0x4: {  	_ = 	snop  }
0x5: {  	_ = 	snop  }
0x6: {  	_ = 	snop  }
0x7: {  	_ = 	snop  }
__scs_overlays_trampoline_lowered:
0x8: {  	[smem:$0x3F9E] =	sst s0  }
0x9: {  	[smem:$0x3F9F] =	sst s1  }
0xa: {  	[smem:$0x3FA0] =	sst s2  }
0xb: {  	[smem:$0x3FA1] =	sst s3  }
0xc: {  	[smem:$0x3FA2] =	sst s4  }
0xd: {  	[smem:$0x3FA3] =	sst s5  }
0xe: {  	[smem:$0x3FA4] =	sst s6  }
0xf: {  	[smem:$0x3FA5] =	sst s7  }
0x10: {  	[smem:$0x3FA6] =	sst s8  }
0x11: {  	[smem:$0x3FA7] =	sst s9;
	s0 =	simm.s32 @!p0 $0x0  }
0x12: {  	s1 =	sld [smem:$0x3F8D];
	s0 =	simm.s32 @p0 $0x1  }
0x13: {  	[smem:$0x3FA8] =	sst s0;
	s0 =	simm.s32 @!p1 $0x0  }
0x14: {  	s2 =	sld [smem:$0x3F8C];
	s0 =	simm.s32 @p1 $0x1  }
0x15: {  	[smem:$0x3FA9] =	sst s0;
	s0 =	simm.s32 @!p2 $0x0  }
0x16: {  	s3 =	sld [smem:$0x3FDB];
	s0 =	simm.s32 @p2 $0x1  }
0x17: {  	s4 =	simm.s32 $0x1BF5;
	[smem:$0x3FAB] =	sst s0  }
0x18: {  	s0 =	sld [smem:$0x3F8E];
	_ =	swait.ge [sflag:s4], $0x0  }
0x19: {  	s7 =	sld [smem:$0x3F8F]  }
0x1a: {  	s8 =	sadd.s32 $0xFFFFE003, lr  }
0x1b: {  	s9 =	sadd.s32 $0xFFFFFEF7, lr;
	s5 =	simm.s32 $0xFFFFFFFF;
	p2 =	slt.u32 s8, $0xFFFFF086  }
0x1c: {  	p1 =	slt.u32 s9, $0xF7A;
	s5 =	simm.s32 @!p2 $0x0  }
0x1d: {  	s5 =	simm.s32 @p1 $0x1;
	p0 =	seq.s32 s7, s2  }
0x1e: {  	s7 =	smul.u32 @!p0 $0xF7A, s2;
	p2 =	seq.s32 @!p0 s5, $0x0  }
0x1f: {  	s9 =	smul.u32 $0xF7A, s1;
	s8 =	simm.s32 @!p0 $0x1BF5;
	p2 =	por !p2, p0  }
0x20: {  	[sflag:s8] =	ssyncset.s32 @!p0 $0xFFFFF086;
	s6 =	sadd.s32 @!p0 s3, s7;
	s7 =	simm.s32 @!p0 $0x108  }
0x21: {  	s3 =	sadd.s32 s3, s9;
	s6 =	sadd.s32 @!p0 $0x88, s6;
	s7 =	simm.s32 @p2 $0x1082  }
0x22: {  	[simem:s7], [sflag:s8] =	dma.local @!p0 [hbm:s6], $0xF7A  }
0x23: {  	s9 =	sor.u32 $0xD0000000, s2;
	s6 =	simm.s32 $0x108;
	_ =	swait.ge @!p0 [sflag:s8], $0x0  }
0x24: {  	s3 =	sadd.s32 $0x88, s3;
	s6 =	simm.s32 @!p1 $0x1082;
	[sflag:s4] =	ssyncset.s32 $0xFFFFF086  }
0x25: {  	[simem:s6], [sflag:s4] =	dma.local [hbm:s3], $0xF7A  }
0x26: {  	[smem:$0x3F8F] =	sst s1;
	(tag) =	ssettag s2;
	_ =	strace s9  }
0x27: {  	s1 =	sld [smem:$0x3F9F]  }
0x28: {  	s2 =	sld [smem:$0x3FA0]  }
0x29: {  	s4 =	sld [smem:$0x3FA2]  }
0x2a: {  	p0 =	seq.s32 s5, $0x0;
	s5 =	sld [smem:$0x3FA3]  }
0x2b: {  	s6 =	sld [smem:$0x3FA4]  }
0x2c: {  	s7 =	sld [smem:$0x3FA5]  }
0x2d: {  	s3 =	simm.s32 $0x108;
	s8 =	sld [smem:$0x3FA6]  }
0x2e: {  	s3 =	simm.s32 @!p0 $0x1082;
	s9 =	sld [smem:$0x3FA7]  }
0x2f: {  	lr =	sadd.s32 s0, s3;
	s0 =	sld [smem:$0x3F9E]  }
0x30: {  	s3 =	sld [smem:$0x3FA1]  }
0x31: {  	[smem:$0x3FAA] =	sst s10  }
0x32: {  	s10 =	sld [smem:$0x3FA8];
	_ =	sdelay $0x3  }
0x33: {  	p0 =	seq.s32 s10, $0x1;
	s10 =	sld [smem:$0x3FAA];
	_ =	sdelay $0x3  }
0x34: {  	[smem:$0x3FAA] =	sst s10  }
0x35: {  	s10 =	sld [smem:$0x3FA9];
	_ =	sdelay $0x3  }
0x36: {  	p1 =	seq.s32 s10, $0x1;
	s10 =	sld [smem:$0x3FAA];
	_ =	sdelay $0x3  }
0x37: {  	[smem:$0x3FAA] =	sst s10  }
0x38: {  	s10 =	sld [smem:$0x3FAB]  }
0x39: {  	_ = 	snop;
	(pc) =	sbr.ind lr, $3  }
0x3a: {  	_ = 	snop  }
0x3b: {  	_ = 	snop  }
0x3c: {  	p2 =	seq.s32 s10, $0x1;
	s10 =	sld [smem:$0x3FAA]  }
0x3d: {  	_ =	shalt  }
0x3e: {  	_ =	shalt  }
0x3f: {  	_ =	shalt  }
0x40: {  	_ =	shalt  }
0x41: {  	_ =	shalt  }
0x42: {  	_ =	shalt  }
0x43: {  	_ =	shalt  }
0x44: {  	_ =	shalt  }
0x45: {  	_ =	shalt  }
0x46: {  	_ =	shalt  }
0x47: {  	_ =	shalt  }
0x48: {  	_ =	shalt  }
0x49: {  	_ =	shalt  }
0x4a: {  	_ =	shalt  }
0x4b: {  	_ =	shalt  }
0x4c: {  	_ =	shalt  }
0x4d: {  	_ =	shalt  }
0x4e: {  	_ =	shalt  }
0x4f: {  	_ =	shalt  }
0x50: {  	_ =	shalt  }
0x51: {  	_ =	shalt  }
0x52: {  	_ =	shalt  }
0x53: {  	_ =	shalt  }
0x54: {  	_ =	shalt  }
0x55: {  	_ =	shalt  }
0x56: {  	_ =	shalt  }
0x57: {  	_ =	shalt  }
0x58: {  	_ =	shalt  }
0x59: {  	_ =	shalt  }
0x5a: {  	_ =	shalt  }
0x5b: {  	_ =	shalt  }
0x5c: {  	_ =	shalt  }
0x5d: {  	_ =	shalt  }
0x5e: {  	_ =	shalt  }
0x5f: {  	_ =	shalt  }
0x60: {  	_ =	shalt  }
0x61: {  	_ =	shalt  }
0x62: {  	_ =	shalt  }
0x63: {  	_ =	shalt  }
0x64: {  	_ =	shalt  }
0x65: {  	_ =	shalt  }
0x66: {  	_ =	shalt  }
0x67: {  	_ =	shalt  }
0x68: {  	_ =	shalt  }
0x69: {  	_ =	shalt  }
0x6a: {  	_ =	shalt  }
0x6b: {  	_ =	shalt  }
0x6c: {  	_ =	shalt  }
0x6d: {  	_ =	shalt  }
0x6e: {  	_ =	shalt  }
0x6f: {  	_ =	shalt  }
0x70: {  	_ =	shalt  }
0x71: {  	_ =	shalt  }
0x72: {  	_ =	shalt  }
0x73: {  	_ =	shalt  }
0x74: {  	_ =	shalt  }
0x75: {  	_ =	shalt  }
0x76: {  	_ =	shalt  }
0x77: {  	_ =	shalt  }
0x78: {  	_ =	shalt  }
0x79: {  	_ =	shalt  }
0x7a: {  	_ =	shalt  }
0x7b: {  	_ =	shalt  }
0x7c: {  	_ =	shalt  }
0x7d: {  	_ =	shalt  }
0x7e: {  	_ =	shalt  }
0x7f: {  	_ =	shalt  }
0x80: {  	_ =	shalt  }
0x81: {  	_ =	shalt  }
0x82: {  	_ =	shalt  }
0x83: {  	_ =	shalt  }
0x84: {  	_ =	shalt  }
0x85: {  	_ =	shalt  }
0x86: {  	_ =	shalt  }
0x87: {  	_ =	shalt  }
.Lfunc_end0:
.L_simem_size_0:
called_computation_lowered:
.L_overlay_start_0:
0x88: {  	s2 =	sld [smem:$0x3FD9]  }
0x89: {  	s3 =	sld [smem:$0x3FFE];
	_ =	sdelay $0x1  }
0x8a: {  	s1 =	srdreg.scid  }
0x8b: {  	s0 =	sand.u32 $0x1, s1  }
0x8c: {  	s16 =	sshll.u32 s0, $0xA;
	s2 =	sadd.s32 s3, s2  }
0x8d: {  	s2 =	sadd.s32 s2, s16  }
0x8e: {  	[smem:$0x3FB6] =	sst s2  }
0x8f: {  	_ = 	snop  }
0x90: {  	(tm) =	ssettm $0x1  }
0x91: {  	s17 =	sld [smem:$0x3FFB];
	_ =	sdelay $0x3  }
0x92: {  	_ =	strace s17  }
0x93: {  	s2 =	sld [smem:$0x3FFC];
	_ =	sdelay $0x3  }
0x94: {  	_ =	strace s2  }
0x95: {  	s2 =	sld [smem:$0x3FFD];
	_ =	sdelay $0x3  }
0x96: {  	_ =	strace s2  }
0x97: {  	_ =	strace $0x8FFFFFFF  }
0x98: {  	s18 =	sld [smem:$0x3FDB];
	_ =	sdelay $0x1  }
0x99: {  	s19 =	simm.s32 $_scs_section_size  }
0x9a: {  	s4 =	simm.s32 $_size__tile_overlayer_lowered;
	s5 =	simm.s32 $_tile_overlayer_lowered  }
0x9b: {  	s22 =	simm.s32 $0x1BFF;
	s21 =	sshll.u32 s5, $0x1;
	s2 =	sadd.s32 s19, s18  }
0x9c: {  	s6 =	simm.s32 $0x0;
	s20 =	sshll.u32 s4, $0x1;
	s4 =	sadd.s32 s21, s2  }
0x9d: {  	[timem:s6], [sflag:s22] =	dma.local [hbm:s4], s20  }
0x9e: {  	_ =	swait.ge [sflag:s22], s20  }
0x9f: {  	s3 =	ssub.s32 $0x0, s20;
	[sflag:s22] =	ssyncset.done $0x0  }
0xa0: {  	[sflag:s22] =	ssyncadd.s32 s3;
	_ =	sdelay $0x1  }
0xa1: {  	s23 =	simm.s32 $0x1B8B  }
0xa2: {  	_ =	swait.ge [sflag:s23], $0x1  }
0xa3: {  	[sflag:s23] =	ssyncset.done $0x0  }
0xa4: {  	s25 =	simm.s32 $0x1B8E;
	s24 =	sld [smem:$0x3FFE];
	[sflag:s23] =	ssyncadd.s32 $0xFFFFFFFF  }
0xa5: {  	s26 =	simm.s32 $execute0_lowered;
	[smem:$0x3FD2] =	sst s25  }
0xa6: {  	s4 =	sshll.u32 s26, $0x1;
	_ =	strace $0x80000046;
	[dreg:$0x1] =	wrdreg $0xFFFFFFFF  }
0xa7: {  	s28 =	simm.s32 $_size_execute0_lowered;
	s2 =	sadd.s32 s2, s4;
	[dreg:$0x0] =	wrdreg $0x0  }
0xa8: {  	s4 =	sshll.u32 s28, $0x1;
	[dreg:$0x2] =	wrdreg s2  }
0xa9: {  	[dreg:$0x3] =	wrdreg s4  }
0xaa: {  	[dreg:$0x4] =	wrdreg $0xC0  }
0xab: {  	_ =	task [dreg:s6], $0x5FFFF  }
0xac: {  	[dreg:$0x1] =	wrdreg $0xFFFFFFFF  }
0xad: {  	[dreg:$0x0] =	wrdreg $0x60  }
0xae: {  	[dreg:$0x2] =	wrdreg s24  }
0xaf: {  	[dreg:$0x3] =	wrdreg $0x1000  }
0xb0: {  	[dreg:$0x4] =	wrdreg $0x9  }
0xb1: {  	_ =	task.clear_ibuf [dreg:s6], $0x5FFFF;
	_ =	strace $0x90000046  }
0xb2: {  	s29 =	simm.s32 $0x9;
	_ =	strace $0x80000048  }
0xb3: {  	_ =	swait.ge [sflag:s29], $0x1  }
0xb4: {  	[sflag:s29] =	ssyncadd.s32 $0xFFFFFFFF  }
0xb5: {  	_ =	strace $0x90000048  }
0xb6: {  	_ =	sfence  }
0xb7: {  	s30 =	sld [smem:$0x0];
	_ =	sdelay $0x2  }
0xb8: {  	s31 =	sshll.u32 s1, $0xD;
	s1 =	sshrl.u32 s1, $0x2  }
0xb9: {  	s3 =	sand.u32 $0x4000, s31;
	s1 =	sadd.s32 s1, s30  }
0xba: {  	s0 =	sor.u32 s3, s0;
	s1 =	sshll.u32 s1, $0x11  }
0xbb: {  	s0 =	sor.u32 s1, s0  }
0xbc: {  	s0 =	sadd.s32 $0x8F2B, s0  }
0xbd: {  	[sflag:s0] =	ssyncadd.remote.s32 $0x1  }
0xbe: {  	_ =	sfence.sel $0xFFFF  }
0xbf: {  	[dreg:$0x0] =	wrdreg $0xFFFFFFFF;
	(pc) =	sbr.abs _section_cstart, $3  }
0xc0: {  	[dreg:$0x1] =	wrdreg $0xFFFFFFFF  }
0xc1: {  	_ =	task.clear_ibuf [dreg:s6], $0x2FFFF;
	_ =	strace $0x9FFFFFFF  }
0xc2: {  	(tm) =	ssettm $0x7FFFFFFF  }
0xc3: {  	_ =	shalt  }
tec
execute0_lowered:
.L_overlay_start_1:
0x0: {  	(tag) =	ssettag $0x1  }
0x1: {  	s6 =	rddreg [dreg:$0x0]  }
0x2: {  	s1 =	rddreg [dreg:$0x1]  }
0x3: {  	s0 =	rddreg [dreg:$0x2]  }
0x4: {  	s3 =	simm.s32 $0x0;
	s4 =	srdreg.scid;
	s2 =	stileid.u32  }
0x5: {  	s12 =	simm.s32 $0x12C00;
	s13 =	simm.s32 $0x10;
	s14 =	simm.s32 $0x0  }
0x6: {  	[smem:$0x7FF] =	sst s3;
	s4 =	sand.u32 $0x1, s4;
	s5 =	sshll.u32 s2, $0x6  }
0x7: {  	s29 =	sshll.u32 s2, $0x7;
	s11 =	sshll.u32 s2, $0x9;
	s31 =	sshll.u32 s2, $0xA  }
0x8: {  	_ =	strace $0x80000047;
	s7 =	sshll.u32 s4, $0x4;
	s8 =	ssub.s32 $0x2, s4  }
0x9: {  	s9 =	sadd.s32 s5, s6;
	s11 =	sadd.s32 s11, s1;
	p0 =	seq.s32 s4, $0x1  }
0xa: {  	s5 =	sor.u32 $0x1C01, s5;
	s7 =	sadd.s32 s7, s6;
	s10 =	sshrl.u32 s8, $0x1  }
0xb: {  	s4 =	sadd.s32 $0x16C00, s9;
	s12 =	simm.s32 @!p0 $0xAC00;
	s9 =	sshrl.u32 s11, $0x3  }
0xc: {  	s11 =	simm.s32 $0x80;
	s8 =	ssub.s32 s8, s10;
	s7 =	sadd.s32 s29, s7  }
0xd: {  	s30 =	sadd.s32 s12, s6;
	s10 =	simm.s32 $0x1;
	s12 =	simm.s32 $0x20  }
0xe: {  	v0 =	vimm.f32 $1.000000000e+00;
	s6 =	sadd.s32 $0x17000, s7;
	s7 =	smax.u32 s8, $0x1;
	s8 =	sadd.s32 s31, s30  }
.LBB2_1:
0xf: {  	[tilespmem:$0x80] =	vst v0  }
0x10: {  	[tilespmem:$0x90] =	vst v0  }
0x11: {  	[tilespmem:$0xA0] =	vst v0  }
0x12: {  	[tilespmem:$0xB0] =	vst v0  }
0x13: {  	[tilespmem:$0xC0] =	vst v0  }
0x14: {  	[tilespmem:$0xD0] =	vst v0  }
0x15: {  	[tilespmem:$0xE0] =	vst v0  }
0x16: {  	[tilespmem:$0xF0] =	vst v0  }
0x17: {  	[spmem:s9], [sflag:s5] =	dma.local [hbm:s4], $0x40  }
0x18: {  	_ =	swait.ge [sflag:s10], $0x40  }
0x19: {  	[sflag:s10] =	ssyncset.done $0x0  }
0x1a: {  	[sflag:s10] =	ssyncadd.s32 $0xFFFFFFC0  }
0x1b: {  	s15 =	sadd.s32 $0x0, s8;
	[bflag:$0x0] =	sbarrier.arrive $0xFFFF  }
0x1c: {  	[tilespmem:s3], [sflag:$0x1] =	stream.linear.gather [hbm4b:s15+s3], $0x80, $0x38;
	[tilespmem:$0x300] =	vst v63  }
0x1d: {  	_ =	swait.ge [sflag:s10], $0x80  }
0x1e: {  	[sflag:s10] =	ssyncset.done $0x0  }
0x1f: {  	[sflag:s10] =	ssyncadd.s32 $0xFFFFFF80  }
0x20: {  	[spmem:s1] =	stream.indirect.scatter.add.f32 [tilespmem:s11], [sflag:$0x1], $0x1, s3, s11, $0xb8;
	[tilespmem:$0x300] =	vst v63  }
0x21: {  	_ =	swait.ge [sflag:s10], $0x80  }
0x22: {  	s16 =	simm.s32 $0x20;
	s15 =	simm.s32 $0x10;
	[sflag:s10] =	ssyncset.done $0x0  }
.LBB2_2:
0x23: {  	s17 =	sadd.s32 s15, s8  }
0x24: {  	[sflag:s10] =	ssyncadd.s32 $0xFFFFFF80;
	s15 =	smov.u32 s16;
	s18 =	sadd.s32 $0x10, s16  }
0x25: {  	[tilespmem:s3], [sflag:$0x1] =	stream.linear.gather [hbm4b:s17+s3], $0x80, $0x38;
	[tilespmem:$0x300] =	vst v63  }
0x26: {  	p0 =	sne.s32 s16, $0x3F0;
	_ =	swait.ge [sflag:s10], $0x80  }
.Ltmp0:
0x27: {  	[sflag:s10] =	ssyncset.done $0x0;
	(pc) =	sbr.rel @p0 .LBB2_2-.Ltmp0, $4  }
0x28: {  	[sflag:s10] =	ssyncadd.s32 $0xFFFFFF80  }
0x29: {  	[spmem:s1] =	stream.indirect.scatter.add.f32 [tilespmem:s11], [sflag:$0x1], $0x1, s3, s11, $0xb8;
	[tilespmem:$0x300] =	vst v63  }
0x2a: {  	_ =	swait.ge [sflag:s10], $0x80  }
0x2b: {  	s16 =	smov.u32 s18;
	[sflag:s10] =	ssyncset.done $0x0  }
0x2c: {  	s15 =	sadd.s32 s15, s8;
	[sflag:s10] =	ssyncadd.s32 $0xFFFFFF80  }
0x2d: {  	[tilespmem:s3], [sflag:$0x1] =	stream.linear.gather [hbm4b:s15+s3], $0x80, $0x38;
	[tilespmem:$0x300] =	vst v63  }
0x2e: {  	_ =	swait.ge [sflag:s10], $0x80  }
0x2f: {  	[sflag:s10] =	ssyncset.done $0x0  }
0x30: {  	[sflag:s10] =	ssyncadd.s32 $0xFFFFFF80  }
0x31: {  	[spmem:s1] =	stream.indirect.scatter.add.f32 [tilespmem:s11], [sflag:$0x1], $0x1, s3, s11, $0xb8;
	[tilespmem:$0x300] =	vst v63  }
0x32: {  	_ =	swait.ge [sflag:s10], $0x80  }
0x33: {  	s14 =	sadd.s32 $0x1, s14;
	[sflag:s10] =	ssyncset.done $0x0  }
0x34: {  	p0 =	sne.s32 s14, s7;
	[sflag:s10] =	ssyncadd.s32 $0xFFFFFF80  }
.Ltmp1:
0x35: {  	[bflag:$0x0] =	sbarrier.arrive $0xFFFF;
	(pc) =	sbr.rel @p0 .LBB2_1-.Ltmp1, $4  }
0x36: {  	[hbm:s6@s12], [sflag:s5] =	dma.strided [spmem:s9@s13], $0x40, s10, $0x10   }
0x37: {  	_ =	swait.ge [sflag:s10], $0x40  }
0x38: {  	[sflag:s10] =	ssyncset.done $0x0  }
0x39: {  	[sflag:s10] =	ssyncadd.s32 $0xFFFFFFC0  }
0x3a: {  	_ =	sfence.sel $0x180000  }
0x3b: {  	[bflag:$0x0] =	sbarrier.arrive $0xFFFF  }
0x3c: {  	p0 =	sne.s32 s2, $0x0;
	_ =	strace $0x90000047  }
0x3d: {  	s0 =	sadd.s32 @!p0 $0x100000, s0;
	[bflag:$0x2] =	sbarrier.arrive $0xFFFF  }
0x3e: {  	[sflag:s0] =	ssyncadd.tile.s32 @!p0 $0x1;
	_ =	shalt  }
.Lfunc_end2:
_tile_overlayer_lowered:
.L_overlay_start_2:
0x3f: {  	(tag) =	ssettag $0x2  }
0x40: {  	s0 =	rddreg [dreg:$0x0];
	s2 =	stileid.u32  }
0x41: {  	s1 =	rddreg [dreg:$0x1];
	p0 =	sne.s32 s2, $0x0  }
0x42: {  	s3 =	rddreg [dreg:$0x2];
	[bflag:$0x3] =	sbarrier.arrive $0xFFFF;
	s2 =	simm.s32 @!p0 $0x1C01  }
0x43: {  	[timem:s3], [sflag:s2] =	dma.local @!p0 [hbm:s0], s1  }
0x44: {  	s0 =	simm.s32 @!p0 $0x1  }
0x45: {  	_ =	swait.ge @!p0 [sflag:s0], s1  }
0x46: {  	s1 =	ssub.s32 @!p0 $0x0, s1;
	[sflag:s0] =	ssyncset.done @!p0 $0x0  }
0x47: {  	[sflag:s0] =	ssyncadd.s32 @!p0 s1  }
0x48: {  	[bflag:$0x3] =	sbarrier.arrive $0xFFFF  }
0x49: {  	_ =	shalt  }

// kernel: kernel.17.cloned.1.call-start
scs
__scs_entry_jumppad:
0x0: {  	(pc) =	sbr.rel $0x88, $3  }
0x1: {  	(tag) =	ssettag $0x0;
	lr =	simm.s32 $0x1  }
0x2: {  	[smem:$0x3F8F] =	sst lr;
	_ =	strace $0xD0000000  }
0x3: {  	_ = 	snop  }
0x4: {  	_ = 	snop  }
0x5: {  	_ = 	snop  }
0x6: {  	_ = 	snop  }
0x7: {  	_ = 	snop  }
__scs_overlays_trampoline_lowered:
0x8: {  	[smem:$0x3F9E] =	sst s0  }
0x9: {  	[smem:$0x3F9F] =	sst s1  }
0xa: {  	[smem:$0x3FA0] =	sst s2  }
0xb: {  	[smem:$0x3FA1] =	sst s3  }
0xc: {  	[smem:$0x3FA2] =	sst s4  }
0xd: {  	[smem:$0x3FA3] =	sst s5  }
0xe: {  	[smem:$0x3FA4] =	sst s6  }
0xf: {  	[smem:$0x3FA5] =	sst s7  }
0x10: {  	[smem:$0x3FA6] =	sst s8  }
0x11: {  	[smem:$0x3FA7] =	sst s9;
	s0 =	simm.s32 @!p0 $0x0  }
0x12: {  	s1 =	sld [smem:$0x3F8D];
	s0 =	simm.s32 @p0 $0x1  }
0x13: {  	[smem:$0x3FA8] =	sst s0;
	s0 =	simm.s32 @!p1 $0x0  }
0x14: {  	s2 =	sld [smem:$0x3F8C];
	s0 =	simm.s32 @p1 $0x1  }
0x15: {  	[smem:$0x3FA9] =	sst s0;
	s0 =	simm.s32 @!p2 $0x0  }
0x16: {  	s3 =	sld [smem:$0x3FDB];
	s0 =	simm.s32 @p2 $0x1  }
0x17: {  	s4 =	simm.s32 $0x1BF5;
	[smem:$0x3FAB] =	sst s0  }
0x18: {  	s0 =	sld [smem:$0x3F8E];
	_ =	swait.ge [sflag:s4], $0x0  }
0x19: {  	s7 =	sld [smem:$0x3F8F]  }
0x1a: {  	s8 =	sadd.s32 $0xFFFFE003, lr  }
0x1b: {  	s9 =	sadd.s32 $0xFFFFFEF7, lr;
	s5 =	simm.s32 $0xFFFFFFFF;
	p2 =	slt.u32 s8, $0xFFFFF086  }
0x1c: {  	p1 =	slt.u32 s9, $0xF7A;
	s5 =	simm.s32 @!p2 $0x0  }
0x1d: {  	s5 =	simm.s32 @p1 $0x1;
	p0 =	seq.s32 s7, s2  }
0x1e: {  	s7 =	smul.u32 @!p0 $0xF7A, s2;
	p2 =	seq.s32 @!p0 s5, $0x0  }
0x1f: {  	s9 =	smul.u32 $0xF7A, s1;
	s8 =	simm.s32 @!p0 $0x1BF5;
	p2 =	por !p2, p0  }
0x20: {  	[sflag:s8] =	ssyncset.s32 @!p0 $0xFFFFF086;
	s6 =	sadd.s32 @!p0 s3, s7;
	s7 =	simm.s32 @!p0 $0x108  }
0x21: {  	s3 =	sadd.s32 s3, s9;
	s6 =	sadd.s32 @!p0 $0x88, s6;
	s7 =	simm.s32 @p2 $0x1082  }
0x22: {  	[simem:s7], [sflag:s8] =	dma.local @!p0 [hbm:s6], $0xF7A  }
0x23: {  	s9 =	sor.u32 $0xD0000000, s2;
	s6 =	simm.s32 $0x108;
	_ =	swait.ge @!p0 [sflag:s8], $0x0  }
0x24: {  	s3 =	sadd.s32 $0x88, s3;
	s6 =	simm.s32 @!p1 $0x1082;
	[sflag:s4] =	ssyncset.s32 $0xFFFFF086  }
0x25: {  	[simem:s6], [sflag:s4] =	dma.local [hbm:s3], $0xF7A  }
0x26: {  	[smem:$0x3F8F] =	sst s1;
	(tag) =	ssettag s2;
	_ =	strace s9  }
0x27: {  	s1 =	sld [smem:$0x3F9F]  }
0x28: {  	s2 =	sld [smem:$0x3FA0]  }
0x29: {  	s4 =	sld [smem:$0x3FA2]  }
0x2a: {  	p0 =	seq.s32 s5, $0x0;
	s5 =	sld [smem:$0x3FA3]  }
0x2b: {  	s6 =	sld [smem:$0x3FA4]  }
0x2c: {  	s7 =	sld [smem:$0x3FA5]  }
0x2d: {  	s3 =	simm.s32 $0x108;
	s8 =	sld [smem:$0x3FA6]  }
0x2e: {  	s3 =	simm.s32 @!p0 $0x1082;
	s9 =	sld [smem:$0x3FA7]  }
0x2f: {  	lr =	sadd.s32 s0, s3;
	s0 =	sld [smem:$0x3F9E]  }
0x30: {  	s3 =	sld [smem:$0x3FA1]  }
0x31: {  	[smem:$0x3FAA] =	sst s10  }
0x32: {  	s10 =	sld [smem:$0x3FA8];
	_ =	sdelay $0x3  }
0x33: {  	p0 =	seq.s32 s10, $0x1;
	s10 =	sld [smem:$0x3FAA];
	_ =	sdelay $0x3  }
0x34: {  	[smem:$0x3FAA] =	sst s10  }
0x35: {  	s10 =	sld [smem:$0x3FA9];
	_ =	sdelay $0x3  }
0x36: {  	p1 =	seq.s32 s10, $0x1;
	s10 =	sld [smem:$0x3FAA];
	_ =	sdelay $0x3  }
0x37: {  	[smem:$0x3FAA] =	sst s10  }
0x38: {  	s10 =	sld [smem:$0x3FAB]  }
0x39: {  	_ = 	snop;
	(pc) =	sbr.ind lr, $3  }
0x3a: {  	_ = 	snop  }
0x3b: {  	_ = 	snop  }
0x3c: {  	p2 =	seq.s32 s10, $0x1;
	s10 =	sld [smem:$0x3FAA]  }
0x3d: {  	_ =	shalt  }
0x3e: {  	_ =	shalt  }
0x3f: {  	_ =	shalt  }
0x40: {  	_ =	shalt  }
0x41: {  	_ =	shalt  }
0x42: {  	_ =	shalt  }
0x43: {  	_ =	shalt  }
0x44: {  	_ =	shalt  }
0x45: {  	_ =	shalt  }
0x46: {  	_ =	shalt  }
0x47: {  	_ =	shalt  }
0x48: {  	_ =	shalt  }
0x49: {  	_ =	shalt  }
0x4a: {  	_ =	shalt  }
0x4b: {  	_ =	shalt  }
0x4c: {  	_ =	shalt  }
0x4d: {  	_ =	shalt  }
0x4e: {  	_ =	shalt  }
0x4f: {  	_ =	shalt  }
0x50: {  	_ =	shalt  }
0x51: {  	_ =	shalt  }
0x52: {  	_ =	shalt  }
0x53: {  	_ =	shalt  }
0x54: {  	_ =	shalt  }
0x55: {  	_ =	shalt  }
0x56: {  	_ =	shalt  }
0x57: {  	_ =	shalt  }
0x58: {  	_ =	shalt  }
0x59: {  	_ =	shalt  }
0x5a: {  	_ =	shalt  }
0x5b: {  	_ =	shalt  }
0x5c: {  	_ =	shalt  }
0x5d: {  	_ =	shalt  }
0x5e: {  	_ =	shalt  }
0x5f: {  	_ =	shalt  }
0x60: {  	_ =	shalt  }
0x61: {  	_ =	shalt  }
0x62: {  	_ =	shalt  }
0x63: {  	_ =	shalt  }
0x64: {  	_ =	shalt  }
0x65: {  	_ =	shalt  }
0x66: {  	_ =	shalt  }
0x67: {  	_ =	shalt  }
0x68: {  	_ =	shalt  }
0x69: {  	_ =	shalt  }
0x6a: {  	_ =	shalt  }
0x6b: {  	_ =	shalt  }
0x6c: {  	_ =	shalt  }
0x6d: {  	_ =	shalt  }
0x6e: {  	_ =	shalt  }
0x6f: {  	_ =	shalt  }
0x70: {  	_ =	shalt  }
0x71: {  	_ =	shalt  }
0x72: {  	_ =	shalt  }
0x73: {  	_ =	shalt  }
0x74: {  	_ =	shalt  }
0x75: {  	_ =	shalt  }
0x76: {  	_ =	shalt  }
0x77: {  	_ =	shalt  }
0x78: {  	_ =	shalt  }
0x79: {  	_ =	shalt  }
0x7a: {  	_ =	shalt  }
0x7b: {  	_ =	shalt  }
0x7c: {  	_ =	shalt  }
0x7d: {  	_ =	shalt  }
0x7e: {  	_ =	shalt  }
0x7f: {  	_ =	shalt  }
0x80: {  	_ =	shalt  }
0x81: {  	_ =	shalt  }
0x82: {  	_ =	shalt  }
0x83: {  	_ =	shalt  }
0x84: {  	_ =	shalt  }
0x85: {  	_ =	shalt  }
0x86: {  	_ =	shalt  }
0x87: {  	_ =	shalt  }
.Lfunc_end0:
.L_simem_size_0:
called_computation.1_lowered:
.L_overlay_start_0:
0x88: {  	s2 =	sld [smem:$0x3FD9]  }
0x89: {  	s3 =	sld [smem:$0x3FFE];
	_ =	sdelay $0x1  }
0x8a: {  	s1 =	srdreg.scid  }
0x8b: {  	s0 =	sand.u32 $0x1, s1  }
0x8c: {  	s16 =	sshll.u32 s0, $0xA;
	s2 =	sadd.s32 s3, s2  }
0x8d: {  	s2 =	sadd.s32 s2, s16  }
0x8e: {  	[smem:$0x3FB6] =	sst s2  }
0x8f: {  	_ = 	snop  }
0x90: {  	(tm) =	ssettm $0x1  }
0x91: {  	s17 =	sld [smem:$0x3FFB];
	_ =	sdelay $0x3  }
0x92: {  	_ =	strace s17  }
0x93: {  	s2 =	sld [smem:$0x3FFC];
	_ =	sdelay $0x3  }
0x94: {  	_ =	strace s2  }
0x95: {  	s2 =	sld [smem:$0x3FFD];
	_ =	sdelay $0x3  }
0x96: {  	_ =	strace s2  }
0x97: {  	_ =	strace $0x8FFFFFFF  }
0x98: {  	s18 =	sld [smem:$0x3FDB];
	_ =	sdelay $0x1  }
0x99: {  	s19 =	simm.s32 $_scs_section_size  }
0x9a: {  	s4 =	simm.s32 $_size__tile_overlayer_lowered;
	s5 =	simm.s32 $_tile_overlayer_lowered  }
0x9b: {  	s22 =	simm.s32 $0x1BFF;
	s21 =	sshll.u32 s5, $0x1;
	s2 =	sadd.s32 s19, s18  }
0x9c: {  	s6 =	simm.s32 $0x0;
	s20 =	sshll.u32 s4, $0x1;
	s4 =	sadd.s32 s21, s2  }
0x9d: {  	[timem:s6], [sflag:s22] =	dma.local [hbm:s4], s20  }
0x9e: {  	_ =	swait.ge [sflag:s22], s20  }
0x9f: {  	s3 =	ssub.s32 $0x0, s20;
	[sflag:s22] =	ssyncset.done $0x0  }
0xa0: {  	[sflag:s22] =	ssyncadd.s32 s3;
	_ =	sdelay $0x1  }
0xa1: {  	s23 =	simm.s32 $0x1B8B  }
0xa2: {  	_ =	swait.ge [sflag:s23], $0x1  }
0xa3: {  	[sflag:s23] =	ssyncset.done $0x0  }
0xa4: {  	s25 =	simm.s32 $0x1B8E;
	s24 =	sld [smem:$0x3FFE];
	[sflag:s23] =	ssyncadd.s32 $0xFFFFFFFF  }
0xa5: {  	s26 =	simm.s32 $execute0_lowered;
	[smem:$0x3FD2] =	sst s25  }
0xa6: {  	s4 =	sshll.u32 s26, $0x1;
	_ =	strace $0x80000049;
	[dreg:$0x1] =	wrdreg $0xFFFFFFFF  }
0xa7: {  	s28 =	simm.s32 $_size_execute0_lowered;
	s2 =	sadd.s32 s2, s4;
	[dreg:$0x0] =	wrdreg $0x0  }
0xa8: {  	s4 =	sshll.u32 s28, $0x1;
	[dreg:$0x2] =	wrdreg s2  }
0xa9: {  	[dreg:$0x3] =	wrdreg s4  }
0xaa: {  	[dreg:$0x4] =	wrdreg $0xC0  }
0xab: {  	_ =	task [dreg:s6], $0x5FFFF  }
0xac: {  	[dreg:$0x1] =	wrdreg $0xFFFFFFFF  }
0xad: {  	[dreg:$0x0] =	wrdreg $0x60  }
0xae: {  	[dreg:$0x2] =	wrdreg s24  }
0xaf: {  	[dreg:$0x3] =	wrdreg $0xC0000  }
0xb0: {  	[dreg:$0x4] =	wrdreg $0x9  }
0xb1: {  	_ =	task.clear_ibuf [dreg:s6], $0x5FFFF;
	_ =	strace $0x90000049  }
0xb2: {  	s29 =	simm.s32 $0x9;
	_ =	strace $0x8000004B  }
0xb3: {  	_ =	swait.ge [sflag:s29], $0x1  }
0xb4: {  	[sflag:s29] =	ssyncadd.s32 $0xFFFFFFFF  }
0xb5: {  	_ =	strace $0x9000004B  }
0xb6: {  	_ =	sfence  }
0xb7: {  	s30 =	sld [smem:$0x0];
	_ =	sdelay $0x2  }
0xb8: {  	s31 =	sshll.u32 s1, $0xD;
	s1 =	sshrl.u32 s1, $0x2  }
0xb9: {  	s3 =	sand.u32 $0x4000, s31;
	s1 =	sadd.s32 s1, s30  }
0xba: {  	s0 =	sor.u32 s3, s0;
	s1 =	sshll.u32 s1, $0x11  }
0xbb: {  	s0 =	sor.u32 s1, s0  }
0xbc: {  	s0 =	sadd.s32 $0x8F2B, s0  }
0xbd: {  	[sflag:s0] =	ssyncadd.remote.s32 $0x1  }
0xbe: {  	_ =	sfence.sel $0xFFFF  }
0xbf: {  	[dreg:$0x0] =	wrdreg $0xFFFFFFFF;
	(pc) =	sbr.abs _section_cstart, $3  }
0xc0: {  	[dreg:$0x1] =	wrdreg $0xFFFFFFFF  }
0xc1: {  	_ =	task.clear_ibuf [dreg:s6], $0x2FFFF;
	_ =	strace $0x9FFFFFFF  }
0xc2: {  	(tm) =	ssettm $0x7FFFFFFF  }
0xc3: {  	_ =	shalt  }
tec
execute0_lowered:
.L_overlay_start_1:
0x0: {  	(tag) =	ssettag $0x1  }
0x1: {  	s6 =	rddreg [dreg:$0x0]  }
0x2: {  	s1 =	rddreg [dreg:$0x1]  }
0x3: {  	s0 =	rddreg [dreg:$0x2];
	s2 =	simm.s32 $0x0;
	s7 =	srdreg.scid  }
0x4: {  	s4 =	stileid.u32;
	s17 =	simm.s32 $0x4000;
	s18 =	simm.s32 $0x8000  }
0x5: {  	s19 =	simm.s32 $0x1;
	s20 =	simm.s32 $0x2;
	s21 =	simm.s32 $0x3F00  }
0x6: {  	s22 =	simm.s32 $0x3F80;
	s23 =	simm.s32 $0x0;
	[smem:$0x7FF] =	sst s2  }
0x7: {  	s3 =	sadd.s32 $0xB6C00, s6;
	s5 =	sadd.s32 $0x96C00, s6;
	s9 =	sadd.s32 $0x6C00, s6  }
0x8: {  	s10 =	sadd.s32 $0xAC00, s6;
	s8 =	sand.u32 $0x1, s7;
	s11 =	sadd.s32 $0xEC00, s6  }
0x9: {  	s28 =	sshll.u32 s4, $0x10;
	s13 =	sadd.s32 $0x12C00, s6;
	s15 =	sshll.u32 s4, $0xD  }
0xa: {  	s30 =	sshll.u32 s4, $0x6;
	s31 =	sshll.u32 s4, $0xA;
	_ =	strace $0x8000004A  }
0xb: {  	s12 =	sshll.u32 s8, $0x14;
	s14 =	ssub.s32 $0x2, s8;
	s15 =	sadd.s32 s15, s6  }
0xc: {  	s29 =	sadd.s32 s28, s1;
	s7 =	sor.u32 $0x1C03, s30;
	p0 =	seq.s32 s8, $0x0  }
0xd: {  	s12 =	sor.u32 s28, s12;
	s16 =	sshrl.u32 s14, $0x1;
	s11 =	smov.u32 @p0 s9  }
0xe: {  	s13 =	smov.u32 @p0 s10;
	s12 =	sshrl.u32 s12, $0x3;
	s14 =	ssub.s32 s14, s16  }
0xf: {  	s10 =	sadd.s32 s11, s31;
	s11 =	sadd.s32 s13, s31;
	s13 =	sshrl.u32 s29, $0x3  }
0x10: {  	s16 =	simm.s32 $0x80;
	s12 =	sadd.s32 s12, s6;
	s6 =	sadd.s32 $0xD6C00, s15  }
0x11: {  	s9 =	smax.u32 s14, $0x1;
	s8 =	sadd.s32 $0xF6C00, s12;
	s12 =	smov.u32 s5  }
0x12: {  	s14 =	simm.s32 $0x3;
	s15 =	simm.s32 $0x2000;
	s12 =	smov.u32 @p0 s3  }
.LBB2_1:
0x13: {  	[spmem:s13], [sflag:s7] =	dma.local [hbm:s6], $0x2000  }
0x14: {  	_ =	swait.ge [sflag:s14], $0x2000  }
0x15: {  	[sflag:s14] =	ssyncset.done $0x0  }
0x16: {  	[sflag:s14] =	ssyncadd.s32 $0xFFFFE000  }
0x17: {  	[tilespmem:s2], [sflag:$0x3] =	stream.linear.gather [hbm4b:s10+s2], $0x2000, $0x38;
	[tilespmem:$0x1C000] =	vst v63  }
0x18: {  	_ =	swait.ge [sflag:s14], $0x2000  }
0x19: {  	[sflag:s14] =	ssyncset.done $0x0  }
0x1a: {  	[sflag:s14] =	ssyncadd.s32 $0xFFFFE000  }
0x1b: {  	[tilespmem:s15], [sflag:$0x3] =	stream.linear.gather [hbm4b:s11+s2], $0x2000, $0x38;
	[tilespmem:$0x1C000] =	vst v63  }
0x1c: {  	_ =	swait.ge [sflag:s14], $0x2000  }
0x1d: {  	[sflag:s14] =	ssyncset.done $0x0  }
0x1e: {  	[sflag:s14] =	ssyncadd.s32 $0xFFFFE000  }
0x1f: {  	[bflag:$0x0] =	sbarrier.arrive $0xFFFF  }
0x20: {  	[tilespmem:s17], [sflag:$0x1] =	stream.indirect.gather [hbm4b:s12+s16], $0x80, s2, s16, $0xb8;
	[tilespmem:$0x1C000] =	vst v63  }
0x21: {  	s24 =	simm.s32 $0x80  }
0x22: {  	[tilespmem:s18], [sflag:$0x2] =	stream.indirect.gather [hbm4b:s12+s16], $0x80, s24, s16, $0xb8;
	[tilespmem:$0x1C000] =	vst v63  }
0x23: {  	_ =	swait.ge [sflag:s19], $0x4000  }
0x24: {  	[sflag:s19] =	ssyncset.done $0x0  }
0x25: {  	s29 =	simm.s32 $0x2000;
	[sflag:s19] =	ssyncadd.s32 $0xFFFFC000  }
0x26: {  	[spmem:s1] =	stream.indirect.scatter.add.f32 [tilespmem:s17], [sflag:$0x3], $0x80, s29, s16, $0xb8;
	[tilespmem:$0x1C000] =	vst v63  }
0x27: {  	_ =	swait.ge [sflag:s14], $0x4000  }
0x28: {  	[sflag:s14] =	ssyncset.done $0x0  }
0x29: {  	s30 =	simm.s32 $0x100;
	[sflag:s14] =	ssyncadd.s32 $0xFFFFC000  }
0x2a: {  	[tilespmem:s17], [sflag:$0x1] =	stream.indirect.gather [hbm4b:s12+s16], $0x80, s30, s16, $0xb8;
	[tilespmem:$0x1C000] =	vst v63  }
0x2b: {  	_ =	swait.ge [sflag:s20], $0x4000  }
0x2c: {  	[sflag:s20] =	ssyncset.done $0x0  }
0x2d: {  	s31 =	simm.s32 $0x2080;
	[sflag:s20] =	ssyncadd.s32 $0xFFFFC000  }
0x2e: {  	[spmem:s1] =	stream.indirect.scatter.add.f32 [tilespmem:s18], [sflag:$0x3], $0x80, s31, s16, $0xb8;
	[tilespmem:$0x1C000] =	vst v63  }
0x2f: {  	_ =	swait.ge [sflag:s14], $0x4000  }
0x30: {  	s25 =	simm.s32 $0x800;
	s24 =	simm.s32 $0x100;
	[sflag:s14] =	ssyncset.done $0x0  }
.LBB2_2:
0x31: {  	s26 =	sadd.s32 $0x80, s24  }
0x32: {  	[sflag:s14] =	ssyncadd.s32 $0xFFFFC000;
	s28 =	smov.u32 s25;
	s29 =	sadd.s32 $0x400, s25  }
0x33: {  	[tilespmem:s18], [sflag:$0x2] =	stream.indirect.gather [hbm4b:s12+s16], $0x80, s26, s16, $0xb8;
	[tilespmem:$0x1C000] =	vst v63  }
0x34: {  	p1 =	sne.s32 s25, $0x7800;
	_ =	swait.ge [sflag:s19], $0x4000  }
0x35: {  	[sflag:s19] =	ssyncset.done $0x0  }
0x36: {  	s25 =	sadd.s32 $0x2000, s24;
	[sflag:s19] =	ssyncadd.s32 $0xFFFFC000  }
0x37: {  	[spmem:s1] =	stream.indirect.scatter.add.f32 [tilespmem:s17], [sflag:$0x3], $0x80, s25, s16, $0xb8;
	[tilespmem:$0x1C000] =	vst v63  }
0x38: {  	_ =	swait.ge [sflag:s14], $0x4000  }
0x39: {  	[sflag:s14] =	ssyncset.done $0x0  }
0x3a: {  	s25 =	sadd.s32 $0x100, s24;
	[sflag:s14] =	ssyncadd.s32 $0xFFFFC000  }
0x3b: {  	[tilespmem:s17], [sflag:$0x1] =	stream.indirect.gather [hbm4b:s12+s16], $0x80, s25, s16, $0xb8;
	[tilespmem:$0x1C000] =	vst v63  }
0x3c: {  	_ =	swait.ge [sflag:s20], $0x4000  }
.Ltmp0:
0x3d: {  	[sflag:s20] =	ssyncset.done $0x0;
	(pc) =	sbr.rel @p1 .LBB2_2-.Ltmp0, $4  }
0x3e: {  	s24 =	sadd.s32 $0x2080, s24;
	[sflag:s20] =	ssyncadd.s32 $0xFFFFC000  }
0x3f: {  	[spmem:s1] =	stream.indirect.scatter.add.f32 [tilespmem:s18], [sflag:$0x3], $0x80, s24, s16, $0xb8;
	[tilespmem:$0x1C000] =	vst v63  }
0x40: {  	_ =	swait.ge [sflag:s14], $0x4000  }
0x41: {  	s25 =	smov.u32 s29;
	s24 =	sshra.s32 s28, $0x2;
	[sflag:s14] =	ssyncset.done $0x0  }
0x42: {  	s25 =	sadd.s32 $0x80, s24;
	[sflag:s14] =	ssyncadd.s32 $0xFFFFC000  }
0x43: {  	[tilespmem:s18], [sflag:$0x2] =	stream.indirect.gather [hbm4b:s12+s16], $0x80, s25, s16, $0xb8;
	[tilespmem:$0x1C000] =	vst v63  }
0x44: {  	_ =	swait.ge [sflag:s19], $0x4000  }
0x45: {  	[sflag:s19] =	ssyncset.done $0x0  }
0x46: {  	s29 =	sadd.s32 $0x2000, s24;
	[sflag:s19] =	ssyncadd.s32 $0xFFFFC000  }
0x47: {  	[spmem:s1] =	stream.indirect.scatter.add.f32 [tilespmem:s17], [sflag:$0x3], $0x80, s29, s16, $0xb8;
	[tilespmem:$0x1C000] =	vst v63  }
0x48: {  	_ =	swait.ge [sflag:s14], $0x4000  }
0x49: {  	[sflag:s14] =	ssyncset.done $0x0  }
0x4a: {  	s30 =	sadd.s32 $0x100, s24;
	[sflag:s14] =	ssyncadd.s32 $0xFFFFC000  }
0x4b: {  	[tilespmem:s17], [sflag:$0x1] =	stream.indirect.gather [hbm4b:s12+s16], $0x80, s30, s16, $0xb8;
	[tilespmem:$0x1C000] =	vst v63  }
0x4c: {  	_ =	swait.ge [sflag:s20], $0x4000  }
0x4d: {  	[sflag:s20] =	ssyncset.done $0x0  }
0x4e: {  	s31 =	sadd.s32 $0x2080, s24;
	[sflag:s20] =	ssyncadd.s32 $0xFFFFC000  }
0x4f: {  	[spmem:s1] =	stream.indirect.scatter.add.f32 [tilespmem:s18], [sflag:$0x3], $0x80, s31, s16, $0xb8;
	[tilespmem:$0x1C000] =	vst v63  }
0x50: {  	_ =	swait.ge [sflag:s14], $0x4000  }
0x51: {  	s24 =	simm.s32 @p0 $0x80;
	[sflag:s14] =	ssyncset.done $0x0  }
0x52: {  	s26 =	simm.s32 @p0 $0x8000;
	s25 =	simm.s32 @p0 $0x1F80;
	[sflag:s14] =	ssyncadd.s32 $0xFFFFC000  }
0x53: {  	[tilespmem:s26], [sflag:$0x2] =	stream.indirect.gather @p0 [hbm4b:s3+s24], $0x80, s25, s24, $0xb8;
	[tilespmem:$0x1C000] =	vst v63  }
0x54: {  	s24 =	simm.s32 @!p0 $0x80;
	s25 =	simm.s32 @!p0 $0x1F80;
	s26 =	simm.s32 @!p0 $0x8000  }
0x55: {  	[tilespmem:s26], [sflag:$0x2] =	stream.indirect.gather @!p0 [hbm4b:s5+s24], $0x80, s25, s24, $0xb8;
	[tilespmem:$0x1C000] =	vst v63  }
0x56: {  	_ =	swait.ge [sflag:s19], $0x4000  }
0x57: {  	[sflag:s19] =	ssyncset.done $0x0  }
0x58: {  	[sflag:s19] =	ssyncadd.s32 $0xFFFFC000  }
0x59: {  	[spmem:s1] =	stream.indirect.scatter.add.f32 [tilespmem:s17], [sflag:$0x3], $0x80, s21, s16, $0xb8;
	[tilespmem:$0x1C000] =	vst v63  }
0x5a: {  	_ =	swait.ge [sflag:s14], $0x4000  }
0x5b: {  	[sflag:s14] =	ssyncset.done $0x0  }
0x5c: {  	[sflag:s14] =	ssyncadd.s32 $0xFFFFC000  }
0x5d: {  	_ =	swait.ge [sflag:s20], $0x4000  }
0x5e: {  	[sflag:s20] =	ssyncset.done $0x0  }
0x5f: {  	[sflag:s20] =	ssyncadd.s32 $0xFFFFC000  }
0x60: {  	[spmem:s1] =	stream.indirect.scatter.add.f32 [tilespmem:s18], [sflag:$0x3], $0x80, s22, s16, $0xb8;
	[tilespmem:$0x1C000] =	vst v63  }
0x61: {  	_ =	swait.ge [sflag:s14], $0x4000  }
0x62: {  	s23 =	sadd.s32 $0x1, s23;
	[sflag:s14] =	ssyncset.done $0x0  }
0x63: {  	p1 =	sne.s32 s23, s9;
	[sflag:s14] =	ssyncadd.s32 $0xFFFFC000  }
.Ltmp1:
0x64: {  	[bflag:$0x0] =	sbarrier.arrive $0xFFFF;
	(pc) =	sbr.rel @p1 .LBB2_1-.Ltmp1, $4  }
0x65: {  	[hbm:s8], [sflag:s7] =	dma.local [spmem:s13], $0x2000  }
0x66: {  	_ =	swait.ge [sflag:s14], $0x2000  }
0x67: {  	[sflag:s14] =	ssyncset.done $0x0  }
0x68: {  	[sflag:s14] =	ssyncadd.s32 $0xFFFFE000  }
0x69: {  	_ =	sfence.sel $0x180000  }
0x6a: {  	[bflag:$0x0] =	sbarrier.arrive $0xFFFF  }
0x6b: {  	p0 =	sne.s32 s4, $0x0;
	_ =	strace $0x9000004A  }
0x6c: {  	s0 =	sadd.s32 @!p0 $0x100000, s0;
	[bflag:$0x2] =	sbarrier.arrive $0xFFFF  }
0x6d: {  	[sflag:s0] =	ssyncadd.tile.s32 @!p0 $0x1;
	_ =	shalt  }
.Lfunc_end2:
_tile_overlayer_lowered:
.L_overlay_start_2:
0x6e: {  	(tag) =	ssettag $0x2  }
0x6f: {  	s0 =	rddreg [dreg:$0x0];
	s2 =	stileid.u32  }
0x70: {  	s1 =	rddreg [dreg:$0x1];
	p0 =	sne.s32 s2, $0x0  }
0x71: {  	s3 =	rddreg [dreg:$0x2];
	[bflag:$0x3] =	sbarrier.arrive $0xFFFF;
	s2 =	simm.s32 @!p0 $0x1C03  }
0x72: {  	[timem:s3], [sflag:s2] =	dma.local @!p0 [hbm:s0], s1  }
0x73: {  	s0 =	simm.s32 @!p0 $0x3  }
0x74: {  	_ =	swait.ge @!p0 [sflag:s0], s1  }
0x75: {  	s1 =	ssub.s32 @!p0 $0x0, s1;
	[sflag:s0] =	ssyncset.done @!p0 $0x0  }
0x76: {  	[sflag:s0] =	ssyncadd.s32 @!p0 s1  }
0x77: {  	[bflag:$0x3] =	sbarrier.arrive $0xFFFF  }
0x78: {  	_ =	shalt  }

// kernel: kernel.20.cloned.1.call-start
scs
__scs_entry_jumppad:
0x0: {  	(pc) =	sbr.rel $0x88, $3  }
0x1: {  	(tag) =	ssettag $0x0;
	lr =	simm.s32 $0x1  }
0x2: {  	[smem:$0x3F8F] =	sst lr;
	_ =	strace $0xD0000000  }
0x3: {  	_ = 	snop  }
0x4: {  	_ = 	snop  }
0x5: {  	_ = 	snop  }
0x6: {  	_ = 	snop  }
0x7: {  	_ = 	snop  }
__scs_overlays_trampoline_lowered:
0x8: {  	[smem:$0x3F9E] =	sst s0  }
0x9: {  	[smem:$0x3F9F] =	sst s1  }
0xa: {  	[smem:$0x3FA0] =	sst s2  }
0xb: {  	[smem:$0x3FA1] =	sst s3  }
0xc: {  	[smem:$0x3FA2] =	sst s4  }
0xd: {  	[smem:$0x3FA3] =	sst s5  }
0xe: {  	[smem:$0x3FA4] =	sst s6  }
0xf: {  	[smem:$0x3FA5] =	sst s7  }
0x10: {  	[smem:$0x3FA6] =	sst s8  }
0x11: {  	[smem:$0x3FA7] =	sst s9;
	s0 =	simm.s32 @!p0 $0x0  }
0x12: {  	s1 =	sld [smem:$0x3F8D];
	s0 =	simm.s32 @p0 $0x1  }
0x13: {  	[smem:$0x3FA8] =	sst s0;
	s0 =	simm.s32 @!p1 $0x0  }
0x14: {  	s2 =	sld [smem:$0x3F8C];
	s0 =	simm.s32 @p1 $0x1  }
0x15: {  	[smem:$0x3FA9] =	sst s0;
	s0 =	simm.s32 @!p2 $0x0  }
0x16: {  	s3 =	sld [smem:$0x3FDB];
	s0 =	simm.s32 @p2 $0x1  }
0x17: {  	s4 =	simm.s32 $0x1BF5;
	[smem:$0x3FAB] =	sst s0  }
0x18: {  	s0 =	sld [smem:$0x3F8E];
	_ =	swait.ge [sflag:s4], $0x0  }
0x19: {  	s7 =	sld [smem:$0x3F8F]  }
0x1a: {  	s8 =	sadd.s32 $0xFFFFE003, lr  }
0x1b: {  	s9 =	sadd.s32 $0xFFFFFEF7, lr;
	s5 =	simm.s32 $0xFFFFFFFF;
	p2 =	slt.u32 s8, $0xFFFFF086  }
0x1c: {  	p1 =	slt.u32 s9, $0xF7A;
	s5 =	simm.s32 @!p2 $0x0  }
0x1d: {  	s5 =	simm.s32 @p1 $0x1;
	p0 =	seq.s32 s7, s2  }
0x1e: {  	s7 =	smul.u32 @!p0 $0xF7A, s2;
	p2 =	seq.s32 @!p0 s5, $0x0  }
0x1f: {  	s9 =	smul.u32 $0xF7A, s1;
	s8 =	simm.s32 @!p0 $0x1BF5;
	p2 =	por !p2, p0  }
0x20: {  	[sflag:s8] =	ssyncset.s32 @!p0 $0xFFFFF086;
	s6 =	sadd.s32 @!p0 s3, s7;
	s7 =	simm.s32 @!p0 $0x108  }
0x21: {  	s3 =	sadd.s32 s3, s9;
	s6 =	sadd.s32 @!p0 $0x88, s6;
	s7 =	simm.s32 @p2 $0x1082  }
0x22: {  	[simem:s7], [sflag:s8] =	dma.local @!p0 [hbm:s6], $0xF7A  }
0x23: {  	s9 =	sor.u32 $0xD0000000, s2;
	s6 =	simm.s32 $0x108;
	_ =	swait.ge @!p0 [sflag:s8], $0x0  }
0x24: {  	s3 =	sadd.s32 $0x88, s3;
	s6 =	simm.s32 @!p1 $0x1082;
	[sflag:s4] =	ssyncset.s32 $0xFFFFF086  }
0x25: {  	[simem:s6], [sflag:s4] =	dma.local [hbm:s3], $0xF7A  }
0x26: {  	[smem:$0x3F8F] =	sst s1;
	(tag) =	ssettag s2;
	_ =	strace s9  }
0x27: {  	s1 =	sld [smem:$0x3F9F]  }
0x28: {  	s2 =	sld [smem:$0x3FA0]  }
0x29: {  	s4 =	sld [smem:$0x3FA2]  }
0x2a: {  	p0 =	seq.s32 s5, $0x0;
	s5 =	sld [smem:$0x3FA3]  }
0x2b: {  	s6 =	sld [smem:$0x3FA4]  }
0x2c: {  	s7 =	sld [smem:$0x3FA5]  }
0x2d: {  	s3 =	simm.s32 $0x108;
	s8 =	sld [smem:$0x3FA6]  }
0x2e: {  	s3 =	simm.s32 @!p0 $0x1082;
	s9 =	sld [smem:$0x3FA7]  }
0x2f: {  	lr =	sadd.s32 s0, s3;
	s0 =	sld [smem:$0x3F9E]  }
0x30: {  	s3 =	sld [smem:$0x3FA1]  }
0x31: {  	[smem:$0x3FAA] =	sst s10  }
0x32: {  	s10 =	sld [smem:$0x3FA8];
	_ =	sdelay $0x3  }
0x33: {  	p0 =	seq.s32 s10, $0x1;
	s10 =	sld [smem:$0x3FAA];
	_ =	sdelay $0x3  }
0x34: {  	[smem:$0x3FAA] =	sst s10  }
0x35: {  	s10 =	sld [smem:$0x3FA9];
	_ =	sdelay $0x3  }
0x36: {  	p1 =	seq.s32 s10, $0x1;
	s10 =	sld [smem:$0x3FAA];
	_ =	sdelay $0x3  }
0x37: {  	[smem:$0x3FAA] =	sst s10  }
0x38: {  	s10 =	sld [smem:$0x3FAB]  }
0x39: {  	_ = 	snop;
	(pc) =	sbr.ind lr, $3  }
0x3a: {  	_ = 	snop  }
0x3b: {  	_ = 	snop  }
0x3c: {  	p2 =	seq.s32 s10, $0x1;
	s10 =	sld [smem:$0x3FAA]  }
0x3d: {  	_ =	shalt  }
0x3e: {  	_ =	shalt  }
0x3f: {  	_ =	shalt  }
0x40: {  	_ =	shalt  }
0x41: {  	_ =	shalt  }
0x42: {  	_ =	shalt  }
0x43: {  	_ =	shalt  }
0x44: {  	_ =	shalt  }
0x45: {  	_ =	shalt  }
0x46: {  	_ =	shalt  }
0x47: {  	_ =	shalt  }
0x48: {  	_ =	shalt  }
0x49: {  	_ =	shalt  }
0x4a: {  	_ =	shalt  }
0x4b: {  	_ =	shalt  }
0x4c: {  	_ =	shalt  }
0x4d: {  	_ =	shalt  }
0x4e: {  	_ =	shalt  }
0x4f: {  	_ =	shalt  }
0x50: {  	_ =	shalt  }
0x51: {  	_ =	shalt  }
0x52: {  	_ =	shalt  }
0x53: {  	_ =	shalt  }
0x54: {  	_ =	shalt  }
0x55: {  	_ =	shalt  }
0x56: {  	_ =	shalt  }
0x57: {  	_ =	shalt  }
0x58: {  	_ =	shalt  }
0x59: {  	_ =	shalt  }
0x5a: {  	_ =	shalt  }
0x5b: {  	_ =	shalt  }
0x5c: {  	_ =	shalt  }
0x5d: {  	_ =	shalt  }
0x5e: {  	_ =	shalt  }
0x5f: {  	_ =	shalt  }
0x60: {  	_ =	shalt  }
0x61: {  	_ =	shalt  }
0x62: {  	_ =	shalt  }
0x63: {  	_ =	shalt  }
0x64: {  	_ =	shalt  }
0x65: {  	_ =	shalt  }
0x66: {  	_ =	shalt  }
0x67: {  	_ =	shalt  }
0x68: {  	_ =	shalt  }
0x69: {  	_ =	shalt  }
0x6a: {  	_ =	shalt  }
0x6b: {  	_ =	shalt  }
0x6c: {  	_ =	shalt  }
0x6d: {  	_ =	shalt  }
0x6e: {  	_ =	shalt  }
0x6f: {  	_ =	shalt  }
0x70: {  	_ =	shalt  }
0x71: {  	_ =	shalt  }
0x72: {  	_ =	shalt  }
0x73: {  	_ =	shalt  }
0x74: {  	_ =	shalt  }
0x75: {  	_ =	shalt  }
0x76: {  	_ =	shalt  }
0x77: {  	_ =	shalt  }
0x78: {  	_ =	shalt  }
0x79: {  	_ =	shalt  }
0x7a: {  	_ =	shalt  }
0x7b: {  	_ =	shalt  }
0x7c: {  	_ =	shalt  }
0x7d: {  	_ =	shalt  }
0x7e: {  	_ =	shalt  }
0x7f: {  	_ =	shalt  }
0x80: {  	_ =	shalt  }
0x81: {  	_ =	shalt  }
0x82: {  	_ =	shalt  }
0x83: {  	_ =	shalt  }
0x84: {  	_ =	shalt  }
0x85: {  	_ =	shalt  }
0x86: {  	_ =	shalt  }
0x87: {  	_ =	shalt  }
.Lfunc_end0:
.L_simem_size_0:
called_computation.2_lowered:
.L_overlay_start_0:
0x88: {  	s2 =	sld [smem:$0x3FD9]  }
0x89: {  	s3 =	sld [smem:$0x3FFE];
	_ =	sdelay $0x1  }
0x8a: {  	s1 =	srdreg.scid  }
0x8b: {  	s0 =	sand.u32 $0x1, s1  }
0x8c: {  	s16 =	sshll.u32 s0, $0xA;
	s2 =	sadd.s32 s3, s2  }
0x8d: {  	s2 =	sadd.s32 s2, s16  }
0x8e: {  	[smem:$0x3FB6] =	sst s2  }
0x8f: {  	_ = 	snop  }
0x90: {  	(tm) =	ssettm $0x1  }
0x91: {  	s17 =	sld [smem:$0x3FFB];
	_ =	sdelay $0x3  }
0x92: {  	_ =	strace s17  }
0x93: {  	s2 =	sld [smem:$0x3FFC];
	_ =	sdelay $0x3  }
0x94: {  	_ =	strace s2  }
0x95: {  	s2 =	sld [smem:$0x3FFD];
	_ =	sdelay $0x3  }
0x96: {  	_ =	strace s2  }
0x97: {  	_ =	strace $0x8FFFFFFF  }
0x98: {  	s18 =	sld [smem:$0x3FDB];
	_ =	sdelay $0x1  }
0x99: {  	s19 =	simm.s32 $_scs_section_size  }
0x9a: {  	s4 =	simm.s32 $_size__tile_overlayer_lowered;
	s5 =	simm.s32 $_tile_overlayer_lowered  }
0x9b: {  	s22 =	simm.s32 $0x1BFF;
	s21 =	sshll.u32 s5, $0x1;
	s2 =	sadd.s32 s19, s18  }
0x9c: {  	s6 =	simm.s32 $0x0;
	s20 =	sshll.u32 s4, $0x1;
	s4 =	sadd.s32 s21, s2  }
0x9d: {  	[timem:s6], [sflag:s22] =	dma.local [hbm:s4], s20  }
0x9e: {  	_ =	swait.ge [sflag:s22], s20  }
0x9f: {  	s3 =	ssub.s32 $0x0, s20;
	[sflag:s22] =	ssyncset.done $0x0  }
0xa0: {  	[sflag:s22] =	ssyncadd.s32 s3;
	_ =	sdelay $0x1  }
0xa1: {  	s23 =	simm.s32 $0x1B8B  }
0xa2: {  	_ =	swait.ge [sflag:s23], $0x1  }
0xa3: {  	[sflag:s23] =	ssyncset.done $0x0  }
0xa4: {  	s25 =	simm.s32 $0x1B8E;
	s24 =	sld [smem:$0x3FFE];
	[sflag:s23] =	ssyncadd.s32 $0xFFFFFFFF  }
0xa5: {  	s26 =	simm.s32 $execute0_lowered;
	[smem:$0x3FD2] =	sst s25  }
0xa6: {  	s4 =	sshll.u32 s26, $0x1;
	_ =	strace $0x8000004C;
	[dreg:$0x1] =	wrdreg $0xFFFFFFFF  }
0xa7: {  	s28 =	simm.s32 $_size_execute0_lowered;
	s2 =	sadd.s32 s2, s4;
	[dreg:$0x0] =	wrdreg $0x0  }
0xa8: {  	s4 =	sshll.u32 s28, $0x1;
	[dreg:$0x2] =	wrdreg s2  }
0xa9: {  	[dreg:$0x3] =	wrdreg s4  }
0xaa: {  	[dreg:$0x4] =	wrdreg $0xC0  }
0xab: {  	_ =	task [dreg:s6], $0x5FFFF  }
0xac: {  	[dreg:$0x1] =	wrdreg $0xFFFFFFFF  }
0xad: {  	[dreg:$0x0] =	wrdreg $0x60  }
0xae: {  	[dreg:$0x2] =	wrdreg s24  }
0xaf: {  	[dreg:$0x3] =	wrdreg $0x80000  }
0xb0: {  	[dreg:$0x4] =	wrdreg $0x9  }
0xb1: {  	_ =	task.clear_ibuf [dreg:s6], $0x5FFFF;
	_ =	strace $0x9000004C  }
0xb2: {  	s29 =	simm.s32 $0x9;
	_ =	strace $0x8000004E  }
0xb3: {  	_ =	swait.ge [sflag:s29], $0x1  }
0xb4: {  	[sflag:s29] =	ssyncadd.s32 $0xFFFFFFFF  }
0xb5: {  	_ =	strace $0x9000004E  }
0xb6: {  	_ =	sfence  }
0xb7: {  	s30 =	sld [smem:$0x0];
	_ =	sdelay $0x2  }
0xb8: {  	s31 =	sshll.u32 s1, $0xD;
	s1 =	sshrl.u32 s1, $0x2  }
0xb9: {  	s3 =	sand.u32 $0x4000, s31;
	s1 =	sadd.s32 s1, s30  }
0xba: {  	s0 =	sor.u32 s3, s0;
	s1 =	sshll.u32 s1, $0x11  }
0xbb: {  	s0 =	sor.u32 s1, s0  }
0xbc: {  	s0 =	sadd.s32 $0x8F2B, s0  }
0xbd: {  	[sflag:s0] =	ssyncadd.remote.s32 $0x1  }
0xbe: {  	_ =	sfence.sel $0xFFFF  }
0xbf: {  	[dreg:$0x0] =	wrdreg $0xFFFFFFFF;
	(pc) =	sbr.abs _section_cstart, $3  }
0xc0: {  	[dreg:$0x1] =	wrdreg $0xFFFFFFFF  }
0xc1: {  	_ =	task.clear_ibuf [dreg:s6], $0x2FFFF;
	_ =	strace $0x9FFFFFFF  }
0xc2: {  	(tm) =	ssettm $0x7FFFFFFF  }
0xc3: {  	_ =	shalt  }
tec
execute0_lowered:
.L_overlay_start_1:
0x0: {  	(tag) =	ssettag $0x1  }
0x1: {  	s6 =	rddreg [dreg:$0x0]  }
0x2: {  	s1 =	rddreg [dreg:$0x1]  }
0x3: {  	s0 =	rddreg [dreg:$0x2];
	s2 =	simm.s32 $0x0;
	s7 =	srdreg.scid  }
0x4: {  	s4 =	stileid.u32;
	s17 =	simm.s32 $0x4000;
	s18 =	simm.s32 $0x6000  }
0x5: {  	s19 =	simm.s32 $0x1;
	s20 =	simm.s32 $0x2;
	s21 =	simm.s32 $0x3F00  }
0x6: {  	s22 =	simm.s32 $0x3F80;
	s23 =	simm.s32 $0x0;
	[smem:$0x7FF] =	sst s2  }
0x7: {  	s3 =	sadd.s32 $0xE6C00, s6;
	s5 =	sadd.s32 $0xD6C00, s6;
	s9 =	sadd.s32 $0x6C00, s6  }
0x8: {  	s10 =	sadd.s32 $0xAC00, s6;
	s8 =	sand.u32 $0x1, s7;
	s11 =	sadd.s32 $0xEC00, s6  }
0x9: {  	s28 =	sshll.u32 s4, $0xF;
	s13 =	sadd.s32 $0x12C00, s6;
	s15 =	sshll.u32 s4, $0xC  }
0xa: {  	s30 =	sshll.u32 s4, $0x6;
	s31 =	sshll.u32 s4, $0xA;
	_ =	strace $0x8000004D  }
0xb: {  	s12 =	sshll.u32 s8, $0x13;
	s14 =	ssub.s32 $0x2, s8;
	s15 =	sadd.s32 s15, s6  }
0xc: {  	s29 =	sadd.s32 s28, s1;
	s7 =	sor.u32 $0x1C03, s30;
	p0 =	seq.s32 s8, $0x0  }
0xd: {  	s12 =	sor.u32 s28, s12;
	s16 =	sshrl.u32 s14, $0x1;
	s11 =	smov.u32 @p0 s9  }
0xe: {  	s13 =	smov.u32 @p0 s10;
	s12 =	sshrl.u32 s12, $0x3;
	s14 =	ssub.s32 s14, s16  }
0xf: {  	s10 =	sadd.s32 s11, s31;
	s11 =	sadd.s32 s13, s31;
	s13 =	sshrl.u32 s29, $0x3  }
0x10: {  	s16 =	simm.s32 $0x80;
	s12 =	sadd.s32 s12, s6;
	s6 =	sadd.s32 $0xF6C00, s15  }
0x11: {  	s9 =	smax.u32 s14, $0x1;
	s8 =	sadd.s32 $0x106C00, s12;
	s12 =	smov.u32 s5  }
0x12: {  	s14 =	simm.s32 $0x3;
	s15 =	simm.s32 $0x2000;
	s12 =	smov.u32 @p0 s3  }
.LBB2_1:
0x13: {  	[spmem:s13], [sflag:s7] =	dma.local [hbm:s6], $0x1000  }
0x14: {  	_ =	swait.ge [sflag:s14], $0x1000  }
0x15: {  	[sflag:s14] =	ssyncset.done $0x0  }
0x16: {  	[sflag:s14] =	ssyncadd.s32 $0xFFFFF000  }
0x17: {  	[tilespmem:s2], [sflag:$0x3] =	stream.linear.gather [hbm4b:s10+s2], $0x2000, $0x38;
	[tilespmem:$0x10000] =	vst v63  }
0x18: {  	_ =	swait.ge [sflag:s14], $0x2000  }
0x19: {  	[sflag:s14] =	ssyncset.done $0x0  }
0x1a: {  	[sflag:s14] =	ssyncadd.s32 $0xFFFFE000  }
0x1b: {  	[tilespmem:s15], [sflag:$0x3] =	stream.linear.gather [hbm4b:s11+s2], $0x2000, $0x38;
	[tilespmem:$0x10000] =	vst v63  }
0x1c: {  	_ =	swait.ge [sflag:s14], $0x2000  }
0x1d: {  	[sflag:s14] =	ssyncset.done $0x0  }
0x1e: {  	[sflag:s14] =	ssyncadd.s32 $0xFFFFE000  }
0x1f: {  	[bflag:$0x0] =	sbarrier.arrive $0xFFFF  }
0x20: {  	[tilespmem:s17], [sflag:$0x1] =	stream.indirect.gather [hbm4b:s12+s16], $0x40, s2, s16, $0xb8;
	[tilespmem:$0x10000] =	vst v63  }
0x21: {  	s24 =	simm.s32 $0x80  }
0x22: {  	[tilespmem:s18], [sflag:$0x2] =	stream.indirect.gather [hbm4b:s12+s16], $0x40, s24, s16, $0xb8;
	[tilespmem:$0x10000] =	vst v63  }
0x23: {  	_ =	swait.ge [sflag:s19], $0x2000  }
0x24: {  	[sflag:s19] =	ssyncset.done $0x0  }
0x25: {  	s29 =	simm.s32 $0x2000;
	[sflag:s19] =	ssyncadd.s32 $0xFFFFE000  }
0x26: {  	[spmem:s1] =	stream.indirect.scatter.add.f32 [tilespmem:s17], [sflag:$0x3], $0x40, s29, s16, $0xb8;
	[tilespmem:$0x10000] =	vst v63  }
0x27: {  	_ =	swait.ge [sflag:s14], $0x2000  }
0x28: {  	[sflag:s14] =	ssyncset.done $0x0  }
0x29: {  	s30 =	simm.s32 $0x100;
	[sflag:s14] =	ssyncadd.s32 $0xFFFFE000  }
0x2a: {  	[tilespmem:s17], [sflag:$0x1] =	stream.indirect.gather [hbm4b:s12+s16], $0x40, s30, s16, $0xb8;
	[tilespmem:$0x10000] =	vst v63  }
0x2b: {  	_ =	swait.ge [sflag:s20], $0x2000  }
0x2c: {  	[sflag:s20] =	ssyncset.done $0x0  }
0x2d: {  	s31 =	simm.s32 $0x2080;
	[sflag:s20] =	ssyncadd.s32 $0xFFFFE000  }
0x2e: {  	[spmem:s1] =	stream.indirect.scatter.add.f32 [tilespmem:s18], [sflag:$0x3], $0x40, s31, s16, $0xb8;
	[tilespmem:$0x10000] =	vst v63  }
0x2f: {  	_ =	swait.ge [sflag:s14], $0x2000  }
0x30: {  	s25 =	simm.s32 $0x800;
	s24 =	simm.s32 $0x100;
	[sflag:s14] =	ssyncset.done $0x0  }
.LBB2_2:
0x31: {  	s26 =	sadd.s32 $0x80, s24  }
0x32: {  	[sflag:s14] =	ssyncadd.s32 $0xFFFFE000;
	s28 =	smov.u32 s25;
	s29 =	sadd.s32 $0x400, s25  }
0x33: {  	[tilespmem:s18], [sflag:$0x2] =	stream.indirect.gather [hbm4b:s12+s16], $0x40, s26, s16, $0xb8;
	[tilespmem:$0x10000] =	vst v63  }
0x34: {  	p1 =	sne.s32 s25, $0x7800;
	_ =	swait.ge [sflag:s19], $0x2000  }
0x35: {  	[sflag:s19] =	ssyncset.done $0x0  }
0x36: {  	s25 =	sadd.s32 $0x2000, s24;
	[sflag:s19] =	ssyncadd.s32 $0xFFFFE000  }
0x37: {  	[spmem:s1] =	stream.indirect.scatter.add.f32 [tilespmem:s17], [sflag:$0x3], $0x40, s25, s16, $0xb8;
	[tilespmem:$0x10000] =	vst v63  }
0x38: {  	_ =	swait.ge [sflag:s14], $0x2000  }
0x39: {  	[sflag:s14] =	ssyncset.done $0x0  }
0x3a: {  	s25 =	sadd.s32 $0x100, s24;
	[sflag:s14] =	ssyncadd.s32 $0xFFFFE000  }
0x3b: {  	[tilespmem:s17], [sflag:$0x1] =	stream.indirect.gather [hbm4b:s12+s16], $0x40, s25, s16, $0xb8;
	[tilespmem:$0x10000] =	vst v63  }
0x3c: {  	_ =	swait.ge [sflag:s20], $0x2000  }
.Ltmp0:
0x3d: {  	[sflag:s20] =	ssyncset.done $0x0;
	(pc) =	sbr.rel @p1 .LBB2_2-.Ltmp0, $4  }
0x3e: {  	s24 =	sadd.s32 $0x2080, s24;
	[sflag:s20] =	ssyncadd.s32 $0xFFFFE000  }
0x3f: {  	[spmem:s1] =	stream.indirect.scatter.add.f32 [tilespmem:s18], [sflag:$0x3], $0x40, s24, s16, $0xb8;
	[tilespmem:$0x10000] =	vst v63  }
0x40: {  	_ =	swait.ge [sflag:s14], $0x2000  }
0x41: {  	s25 =	smov.u32 s29;
	s24 =	sshra.s32 s28, $0x2;
	[sflag:s14] =	ssyncset.done $0x0  }
0x42: {  	s25 =	sadd.s32 $0x80, s24;
	[sflag:s14] =	ssyncadd.s32 $0xFFFFE000  }
0x43: {  	[tilespmem:s18], [sflag:$0x2] =	stream.indirect.gather [hbm4b:s12+s16], $0x40, s25, s16, $0xb8;
	[tilespmem:$0x10000] =	vst v63  }
0x44: {  	_ =	swait.ge [sflag:s19], $0x2000  }
0x45: {  	[sflag:s19] =	ssyncset.done $0x0  }
0x46: {  	s29 =	sadd.s32 $0x2000, s24;
	[sflag:s19] =	ssyncadd.s32 $0xFFFFE000  }
0x47: {  	[spmem:s1] =	stream.indirect.scatter.add.f32 [tilespmem:s17], [sflag:$0x3], $0x40, s29, s16, $0xb8;
	[tilespmem:$0x10000] =	vst v63  }
0x48: {  	_ =	swait.ge [sflag:s14], $0x2000  }
0x49: {  	[sflag:s14] =	ssyncset.done $0x0  }
0x4a: {  	s30 =	sadd.s32 $0x100, s24;
	[sflag:s14] =	ssyncadd.s32 $0xFFFFE000  }
0x4b: {  	[tilespmem:s17], [sflag:$0x1] =	stream.indirect.gather [hbm4b:s12+s16], $0x40, s30, s16, $0xb8;
	[tilespmem:$0x10000] =	vst v63  }
0x4c: {  	_ =	swait.ge [sflag:s20], $0x2000  }
0x4d: {  	[sflag:s20] =	ssyncset.done $0x0  }
0x4e: {  	s31 =	sadd.s32 $0x2080, s24;
	[sflag:s20] =	ssyncadd.s32 $0xFFFFE000  }
0x4f: {  	[spmem:s1] =	stream.indirect.scatter.add.f32 [tilespmem:s18], [sflag:$0x3], $0x40, s31, s16, $0xb8;
	[tilespmem:$0x10000] =	vst v63  }
0x50: {  	_ =	swait.ge [sflag:s14], $0x2000  }
0x51: {  	s24 =	simm.s32 @p0 $0x80;
	[sflag:s14] =	ssyncset.done $0x0  }
0x52: {  	s26 =	simm.s32 @p0 $0x6000;
	s25 =	simm.s32 @p0 $0x1F80;
	[sflag:s14] =	ssyncadd.s32 $0xFFFFE000  }
0x53: {  	[tilespmem:s26], [sflag:$0x2] =	stream.indirect.gather @p0 [hbm4b:s3+s24], $0x40, s25, s24, $0xb8;
	[tilespmem:$0x10000] =	vst v63  }
0x54: {  	s24 =	simm.s32 @!p0 $0x80;
	s25 =	simm.s32 @!p0 $0x1F80;
	s26 =	simm.s32 @!p0 $0x6000  }
0x55: {  	[tilespmem:s26], [sflag:$0x2] =	stream.indirect.gather @!p0 [hbm4b:s5+s24], $0x40, s25, s24, $0xb8;
	[tilespmem:$0x10000] =	vst v63  }
0x56: {  	_ =	swait.ge [sflag:s19], $0x2000  }
0x57: {  	[sflag:s19] =	ssyncset.done $0x0  }
0x58: {  	[sflag:s19] =	ssyncadd.s32 $0xFFFFE000  }
0x59: {  	[spmem:s1] =	stream.indirect.scatter.add.f32 [tilespmem:s17], [sflag:$0x3], $0x40, s21, s16, $0xb8;
	[tilespmem:$0x10000] =	vst v63  }
0x5a: {  	_ =	swait.ge [sflag:s14], $0x2000  }
0x5b: {  	[sflag:s14] =	ssyncset.done $0x0  }
0x5c: {  	[sflag:s14] =	ssyncadd.s32 $0xFFFFE000  }
0x5d: {  	_ =	swait.ge [sflag:s20], $0x2000  }
0x5e: {  	[sflag:s20] =	ssyncset.done $0x0  }
0x5f: {  	[sflag:s20] =	ssyncadd.s32 $0xFFFFE000  }
0x60: {  	[spmem:s1] =	stream.indirect.scatter.add.f32 [tilespmem:s18], [sflag:$0x3], $0x40, s22, s16, $0xb8;
	[tilespmem:$0x10000] =	vst v63  }
0x61: {  	_ =	swait.ge [sflag:s14], $0x2000  }
0x62: {  	s23 =	sadd.s32 $0x1, s23;
	[sflag:s14] =	ssyncset.done $0x0  }
0x63: {  	p1 =	sne.s32 s23, s9;
	[sflag:s14] =	ssyncadd.s32 $0xFFFFE000  }
.Ltmp1:
0x64: {  	[bflag:$0x0] =	sbarrier.arrive $0xFFFF;
	(pc) =	sbr.rel @p1 .LBB2_1-.Ltmp1, $4  }
0x65: {  	[hbm:s8], [sflag:s7] =	dma.local [spmem:s13], $0x1000  }
0x66: {  	_ =	swait.ge [sflag:s14], $0x1000  }
0x67: {  	[sflag:s14] =	ssyncset.done $0x0  }
0x68: {  	[sflag:s14] =	ssyncadd.s32 $0xFFFFF000  }
0x69: {  	_ =	sfence.sel $0x180000  }
0x6a: {  	[bflag:$0x0] =	sbarrier.arrive $0xFFFF  }
0x6b: {  	p0 =	sne.s32 s4, $0x0;
	_ =	strace $0x9000004D  }
0x6c: {  	s0 =	sadd.s32 @!p0 $0x100000, s0;
	[bflag:$0x2] =	sbarrier.arrive $0xFFFF  }
0x6d: {  	[sflag:s0] =	ssyncadd.tile.s32 @!p0 $0x1;
	_ =	shalt  }
.Lfunc_end2:
_tile_overlayer_lowered:
.L_overlay_start_2:
0x6e: {  	(tag) =	ssettag $0x2  }
0x6f: {  	s0 =	rddreg [dreg:$0x0];
	s2 =	stileid.u32  }
0x70: {  	s1 =	rddreg [dreg:$0x1];
	p0 =	sne.s32 s2, $0x0  }
0x71: {  	s3 =	rddreg [dreg:$0x2];
	[bflag:$0x3] =	sbarrier.arrive $0xFFFF;
	s2 =	simm.s32 @!p0 $0x1C03  }
0x72: {  	[timem:s3], [sflag:s2] =	dma.local @!p0 [hbm:s0], s1  }
0x73: {  	s0 =	simm.s32 @!p0 $0x3  }
0x74: {  	_ =	swait.ge @!p0 [sflag:s0], s1  }
0x75: {  	s1 =	ssub.s32 @!p0 $0x0, s1;
	[sflag:s0] =	ssyncset.done @!p0 $0x0  }
0x76: {  	[sflag:s0] =	ssyncadd.s32 @!p0 s1  }
0x77: {  	[bflag:$0x3] =	sbarrier.arrive $0xFFFF  }
0x78: {  	_ =	shalt  }

// kernel: kernel.23.cloned.1.call-start
scs
__scs_entry_jumppad:
0x0: {  	(pc) =	sbr.rel $0x88, $3  }
0x1: {  	(tag) =	ssettag $0x0;
	lr =	simm.s32 $0x1  }
0x2: {  	[smem:$0x3F8F] =	sst lr;
	_ =	strace $0xD0000000  }
0x3: {  	_ = 	snop  }
0x4: {  	_ = 	snop  }
0x5: {  	_ = 	snop  }
0x6: {  	_ = 	snop  }
0x7: {  	_ = 	snop  }
__scs_overlays_trampoline_lowered:
0x8: {  	[smem:$0x3F9E] =	sst s0  }
0x9: {  	[smem:$0x3F9F] =	sst s1  }
0xa: {  	[smem:$0x3FA0] =	sst s2  }
0xb: {  	[smem:$0x3FA1] =	sst s3  }
0xc: {  	[smem:$0x3FA2] =	sst s4  }
0xd: {  	[smem:$0x3FA3] =	sst s5  }
0xe: {  	[smem:$0x3FA4] =	sst s6  }
0xf: {  	[smem:$0x3FA5] =	sst s7  }
0x10: {  	[smem:$0x3FA6] =	sst s8  }
0x11: {  	[smem:$0x3FA7] =	sst s9;
	s0 =	simm.s32 @!p0 $0x0  }
0x12: {  	s1 =	sld [smem:$0x3F8D];
	s0 =	simm.s32 @p0 $0x1  }
0x13: {  	[smem:$0x3FA8] =	sst s0;
	s0 =	simm.s32 @!p1 $0x0  }
0x14: {  	s2 =	sld [smem:$0x3F8C];
	s0 =	simm.s32 @p1 $0x1  }
0x15: {  	[smem:$0x3FA9] =	sst s0;
	s0 =	simm.s32 @!p2 $0x0  }
0x16: {  	s3 =	sld [smem:$0x3FDB];
	s0 =	simm.s32 @p2 $0x1  }
0x17: {  	s4 =	simm.s32 $0x1BF5;
	[smem:$0x3FAB] =	sst s0  }
0x18: {  	s0 =	sld [smem:$0x3F8E];
	_ =	swait.ge [sflag:s4], $0x0  }
0x19: {  	s7 =	sld [smem:$0x3F8F]  }
0x1a: {  	s8 =	sadd.s32 $0xFFFFE003, lr  }
0x1b: {  	s9 =	sadd.s32 $0xFFFFFEF7, lr;
	s5 =	simm.s32 $0xFFFFFFFF;
	p2 =	slt.u32 s8, $0xFFFFF086  }
0x1c: {  	p1 =	slt.u32 s9, $0xF7A;
	s5 =	simm.s32 @!p2 $0x0  }
0x1d: {  	s5 =	simm.s32 @p1 $0x1;
	p0 =	seq.s32 s7, s2  }
0x1e: {  	s7 =	smul.u32 @!p0 $0xF7A, s2;
	p2 =	seq.s32 @!p0 s5, $0x0  }
0x1f: {  	s9 =	smul.u32 $0xF7A, s1;
	s8 =	simm.s32 @!p0 $0x1BF5;
	p2 =	por !p2, p0  }
0x20: {  	[sflag:s8] =	ssyncset.s32 @!p0 $0xFFFFF086;
	s6 =	sadd.s32 @!p0 s3, s7;
	s7 =	simm.s32 @!p0 $0x108  }
0x21: {  	s3 =	sadd.s32 s3, s9;
	s6 =	sadd.s32 @!p0 $0x88, s6;
	s7 =	simm.s32 @p2 $0x1082  }
0x22: {  	[simem:s7], [sflag:s8] =	dma.local @!p0 [hbm:s6], $0xF7A  }
0x23: {  	s9 =	sor.u32 $0xD0000000, s2;
	s6 =	simm.s32 $0x108;
	_ =	swait.ge @!p0 [sflag:s8], $0x0  }
0x24: {  	s3 =	sadd.s32 $0x88, s3;
	s6 =	simm.s32 @!p1 $0x1082;
	[sflag:s4] =	ssyncset.s32 $0xFFFFF086  }
0x25: {  	[simem:s6], [sflag:s4] =	dma.local [hbm:s3], $0xF7A  }
0x26: {  	[smem:$0x3F8F] =	sst s1;
	(tag) =	ssettag s2;
	_ =	strace s9  }
0x27: {  	s1 =	sld [smem:$0x3F9F]  }
0x28: {  	s2 =	sld [smem:$0x3FA0]  }
0x29: {  	s4 =	sld [smem:$0x3FA2]  }
0x2a: {  	p0 =	seq.s32 s5, $0x0;
	s5 =	sld [smem:$0x3FA3]  }
0x2b: {  	s6 =	sld [smem:$0x3FA4]  }
0x2c: {  	s7 =	sld [smem:$0x3FA5]  }
0x2d: {  	s3 =	simm.s32 $0x108;
	s8 =	sld [smem:$0x3FA6]  }
0x2e: {  	s3 =	simm.s32 @!p0 $0x1082;
	s9 =	sld [smem:$0x3FA7]  }
0x2f: {  	lr =	sadd.s32 s0, s3;
	s0 =	sld [smem:$0x3F9E]  }
0x30: {  	s3 =	sld [smem:$0x3FA1]  }
0x31: {  	[smem:$0x3FAA] =	sst s10  }
0x32: {  	s10 =	sld [smem:$0x3FA8];
	_ =	sdelay $0x3  }
0x33: {  	p0 =	seq.s32 s10, $0x1;
	s10 =	sld [smem:$0x3FAA];
	_ =	sdelay $0x3  }
0x34: {  	[smem:$0x3FAA] =	sst s10  }
0x35: {  	s10 =	sld [smem:$0x3FA9];
	_ =	sdelay $0x3  }
0x36: {  	p1 =	seq.s32 s10, $0x1;
	s10 =	sld [smem:$0x3FAA];
	_ =	sdelay $0x3  }
0x37: {  	[smem:$0x3FAA] =	sst s10  }
0x38: {  	s10 =	sld [smem:$0x3FAB]  }
0x39: {  	_ = 	snop;
	(pc) =	sbr.ind lr, $3  }
0x3a: {  	_ = 	snop  }
0x3b: {  	_ = 	snop  }
0x3c: {  	p2 =	seq.s32 s10, $0x1;
	s10 =	sld [smem:$0x3FAA]  }
0x3d: {  	_ =	shalt  }
0x3e: {  	_ =	shalt  }
0x3f: {  	_ =	shalt  }
0x40: {  	_ =	shalt  }
0x41: {  	_ =	shalt  }
0x42: {  	_ =	shalt  }
0x43: {  	_ =	shalt  }
0x44: {  	_ =	shalt  }
0x45: {  	_ =	shalt  }
0x46: {  	_ =	shalt  }
0x47: {  	_ =	shalt  }
0x48: {  	_ =	shalt  }
0x49: {  	_ =	shalt  }
0x4a: {  	_ =	shalt  }
0x4b: {  	_ =	shalt  }
0x4c: {  	_ =	shalt  }
0x4d: {  	_ =	shalt  }
0x4e: {  	_ =	shalt  }
0x4f: {  	_ =	shalt  }
0x50: {  	_ =	shalt  }
0x51: {  	_ =	shalt  }
0x52: {  	_ =	shalt  }
0x53: {  	_ =	shalt  }
0x54: {  	_ =	shalt  }
0x55: {  	_ =	shalt  }
0x56: {  	_ =	shalt  }
0x57: {  	_ =	shalt  }
0x58: {  	_ =	shalt  }
0x59: {  	_ =	shalt  }
0x5a: {  	_ =	shalt  }
0x5b: {  	_ =	shalt  }
0x5c: {  	_ =	shalt  }
0x5d: {  	_ =	shalt  }
0x5e: {  	_ =	shalt  }
0x5f: {  	_ =	shalt  }
0x60: {  	_ =	shalt  }
0x61: {  	_ =	shalt  }
0x62: {  	_ =	shalt  }
0x63: {  	_ =	shalt  }
0x64: {  	_ =	shalt  }
0x65: {  	_ =	shalt  }
0x66: {  	_ =	shalt  }
0x67: {  	_ =	shalt  }
0x68: {  	_ =	shalt  }
0x69: {  	_ =	shalt  }
0x6a: {  	_ =	shalt  }
0x6b: {  	_ =	shalt  }
0x6c: {  	_ =	shalt  }
0x6d: {  	_ =	shalt  }
0x6e: {  	_ =	shalt  }
0x6f: {  	_ =	shalt  }
0x70: {  	_ =	shalt  }
0x71: {  	_ =	shalt  }
0x72: {  	_ =	shalt  }
0x73: {  	_ =	shalt  }
0x74: {  	_ =	shalt  }
0x75: {  	_ =	shalt  }
0x76: {  	_ =	shalt  }
0x77: {  	_ =	shalt  }
0x78: {  	_ =	shalt  }
0x79: {  	_ =	shalt  }
0x7a: {  	_ =	shalt  }
0x7b: {  	_ =	shalt  }
0x7c: {  	_ =	shalt  }
0x7d: {  	_ =	shalt  }
0x7e: {  	_ =	shalt  }
0x7f: {  	_ =	shalt  }
0x80: {  	_ =	shalt  }
0x81: {  	_ =	shalt  }
0x82: {  	_ =	shalt  }
0x83: {  	_ =	shalt  }
0x84: {  	_ =	shalt  }
0x85: {  	_ =	shalt  }
0x86: {  	_ =	shalt  }
0x87: {  	_ =	shalt  }
.Lfunc_end0:
.L_simem_size_0:
called_computation.3_lowered:
.L_overlay_start_0:
0x88: {  	s2 =	sld [smem:$0x3FD9]  }
0x89: {  	s3 =	sld [smem:$0x3FFE];
	_ =	sdelay $0x1  }
0x8a: {  	s1 =	srdreg.scid  }
0x8b: {  	s0 =	sand.u32 $0x1, s1  }
0x8c: {  	s16 =	sshll.u32 s0, $0xA;
	s2 =	sadd.s32 s3, s2  }
0x8d: {  	s2 =	sadd.s32 s2, s16  }
0x8e: {  	[smem:$0x3FB6] =	sst s2  }
0x8f: {  	_ = 	snop  }
0x90: {  	(tm) =	ssettm $0x1  }
0x91: {  	s17 =	sld [smem:$0x3FFB];
	_ =	sdelay $0x3  }
0x92: {  	_ =	strace s17  }
0x93: {  	s2 =	sld [smem:$0x3FFC];
	_ =	sdelay $0x3  }
0x94: {  	_ =	strace s2  }
0x95: {  	s2 =	sld [smem:$0x3FFD];
	_ =	sdelay $0x3  }
0x96: {  	_ =	strace s2  }
0x97: {  	_ =	strace $0x8FFFFFFF  }
0x98: {  	s18 =	sld [smem:$0x3FDB];
	_ =	sdelay $0x1  }
0x99: {  	s19 =	simm.s32 $_scs_section_size  }
0x9a: {  	s4 =	simm.s32 $_size__tile_overlayer_lowered;
	s5 =	simm.s32 $_tile_overlayer_lowered  }
0x9b: {  	s22 =	simm.s32 $0x1BFF;
	s21 =	sshll.u32 s5, $0x1;
	s2 =	sadd.s32 s19, s18  }
0x9c: {  	s6 =	simm.s32 $0x0;
	s20 =	sshll.u32 s4, $0x1;
	s4 =	sadd.s32 s21, s2  }
0x9d: {  	[timem:s6], [sflag:s22] =	dma.local [hbm:s4], s20  }
0x9e: {  	_ =	swait.ge [sflag:s22], s20  }
0x9f: {  	s3 =	ssub.s32 $0x0, s20;
	[sflag:s22] =	ssyncset.done $0x0  }
0xa0: {  	[sflag:s22] =	ssyncadd.s32 s3;
	_ =	sdelay $0x1  }
0xa1: {  	s23 =	simm.s32 $0x1B8B  }
0xa2: {  	_ =	swait.ge [sflag:s23], $0x1  }
0xa3: {  	[sflag:s23] =	ssyncset.done $0x0  }
0xa4: {  	s25 =	simm.s32 $0x1B8E;
	s24 =	sld [smem:$0x3FFE];
	[sflag:s23] =	ssyncadd.s32 $0xFFFFFFFF  }
0xa5: {  	s26 =	simm.s32 $execute0_lowered;
	[smem:$0x3FD2] =	sst s25  }
0xa6: {  	s4 =	sshll.u32 s26, $0x1;
	_ =	strace $0x8000004F;
	[dreg:$0x1] =	wrdreg $0xFFFFFFFF  }
0xa7: {  	s28 =	simm.s32 $_size_execute0_lowered;
	s2 =	sadd.s32 s2, s4;
	[dreg:$0x0] =	wrdreg $0x0  }
0xa8: {  	s4 =	sshll.u32 s28, $0x1;
	[dreg:$0x2] =	wrdreg s2  }
0xa9: {  	[dreg:$0x3] =	wrdreg s4  }
0xaa: {  	[dreg:$0x4] =	wrdreg $0xC0  }
0xab: {  	_ =	task [dreg:s6], $0x5FFFF  }
0xac: {  	[dreg:$0x1] =	wrdreg $0xFFFFFFFF  }
0xad: {  	[dreg:$0x0] =	wrdreg $0x60  }
0xae: {  	[dreg:$0x2] =	wrdreg s24  }
0xaf: {  	[dreg:$0x3] =	wrdreg $0x60000  }
0xb0: {  	[dreg:$0x4] =	wrdreg $0x9  }
0xb1: {  	_ =	task.clear_ibuf [dreg:s6], $0x5FFFF;
	_ =	strace $0x9000004F  }
0xb2: {  	s29 =	simm.s32 $0x9;
	_ =	strace $0x80000051  }
0xb3: {  	_ =	swait.ge [sflag:s29], $0x1  }
0xb4: {  	[sflag:s29] =	ssyncadd.s32 $0xFFFFFFFF  }
0xb5: {  	_ =	strace $0x90000051  }
0xb6: {  	_ =	sfence  }
0xb7: {  	s30 =	sld [smem:$0x0];
	_ =	sdelay $0x2  }
0xb8: {  	s31 =	sshll.u32 s1, $0xD;
	s1 =	sshrl.u32 s1, $0x2  }
0xb9: {  	s3 =	sand.u32 $0x4000, s31;
	s1 =	sadd.s32 s1, s30  }
0xba: {  	s0 =	sor.u32 s3, s0;
	s1 =	sshll.u32 s1, $0x11  }
0xbb: {  	s0 =	sor.u32 s1, s0  }
0xbc: {  	s0 =	sadd.s32 $0x8F2B, s0  }
0xbd: {  	[sflag:s0] =	ssyncadd.remote.s32 $0x1  }
0xbe: {  	_ =	sfence.sel $0xFFFF  }
0xbf: {  	[dreg:$0x0] =	wrdreg $0xFFFFFFFF;
	(pc) =	sbr.abs _section_cstart, $3  }
0xc0: {  	[dreg:$0x1] =	wrdreg $0xFFFFFFFF  }
0xc1: {  	_ =	task.clear_ibuf [dreg:s6], $0x2FFFF;
	_ =	strace $0x9FFFFFFF  }
0xc2: {  	(tm) =	ssettm $0x7FFFFFFF  }
0xc3: {  	_ =	shalt  }
tec
execute0_lowered:
.L_overlay_start_1:
0x0: {  	(tag) =	ssettag $0x1  }
0x1: {  	s6 =	rddreg [dreg:$0x0]  }
0x2: {  	s1 =	rddreg [dreg:$0x1]  }
0x3: {  	s0 =	rddreg [dreg:$0x2];
	s2 =	simm.s32 $0x0;
	s7 =	srdreg.scid  }
0x4: {  	s4 =	stileid.u32;
	s17 =	simm.s32 $0x4000;
	s18 =	simm.s32 $0x5000  }
0x5: {  	s19 =	simm.s32 $0x1;
	s20 =	simm.s32 $0x2;
	s21 =	simm.s32 $0x3F00  }
0x6: {  	s22 =	simm.s32 $0x3F80;
	s23 =	simm.s32 $0x0;
	[smem:$0x7FF] =	sst s2  }
0x7: {  	s3 =	sadd.s32 $0xDEC00, s6;
	s5 =	sadd.s32 $0xD6C00, s6;
	s9 =	sadd.s32 $0x6C00, s6  }
0x8: {  	s10 =	sadd.s32 $0xAC00, s6;
	s8 =	sand.u32 $0x1, s7;
	s11 =	sadd.s32 $0xEC00, s6  }
0x9: {  	s28 =	sshll.u32 s4, $0xE;
	s13 =	sadd.s32 $0x12C00, s6;
	s15 =	sshll.u32 s4, $0xB  }
0xa: {  	s30 =	sshll.u32 s4, $0x6;
	s31 =	sshll.u32 s4, $0xA;
	_ =	strace $0x80000050  }
0xb: {  	s12 =	sshll.u32 s8, $0x12;
	s14 =	ssub.s32 $0x2, s8;
	s15 =	sadd.s32 s15, s6  }
0xc: {  	s29 =	sadd.s32 s28, s1;
	s7 =	sor.u32 $0x1C03, s30;
	p0 =	seq.s32 s8, $0x0  }
0xd: {  	s12 =	sor.u32 s28, s12;
	s16 =	sshrl.u32 s14, $0x1;
	s11 =	smov.u32 @p0 s9  }
0xe: {  	s13 =	smov.u32 @p0 s10;
	s12 =	sshrl.u32 s12, $0x3;
	s14 =	ssub.s32 s14, s16  }
0xf: {  	s10 =	sadd.s32 s11, s31;
	s11 =	sadd.s32 s13, s31;
	s13 =	sshrl.u32 s29, $0x3  }
0x10: {  	s16 =	simm.s32 $0x80;
	s12 =	sadd.s32 s12, s6;
	s6 =	sadd.s32 $0xE6C00, s15  }
0x11: {  	s9 =	smax.u32 s14, $0x1;
	s8 =	sadd.s32 $0xEEC00, s12;
	s12 =	smov.u32 s5  }
0x12: {  	s14 =	simm.s32 $0x3;
	s15 =	simm.s32 $0x2000;
	s12 =	smov.u32 @p0 s3  }
.LBB2_1:
0x13: {  	[spmem:s13], [sflag:s7] =	dma.local [hbm:s6], $0x800  }
0x14: {  	_ =	swait.ge [sflag:s14], $0x800  }
0x15: {  	[sflag:s14] =	ssyncset.done $0x0  }
0x16: {  	[sflag:s14] =	ssyncadd.s32 $0xFFFFF800  }
0x17: {  	[tilespmem:s2], [sflag:$0x3] =	stream.linear.gather [hbm4b:s10+s2], $0x2000, $0x38;
	[tilespmem:$0xA000] =	vst v63  }
0x18: {  	_ =	swait.ge [sflag:s14], $0x2000  }
0x19: {  	[sflag:s14] =	ssyncset.done $0x0  }
0x1a: {  	[sflag:s14] =	ssyncadd.s32 $0xFFFFE000  }
0x1b: {  	[tilespmem:s15], [sflag:$0x3] =	stream.linear.gather [hbm4b:s11+s2], $0x2000, $0x38;
	[tilespmem:$0xA000] =	vst v63  }
0x1c: {  	_ =	swait.ge [sflag:s14], $0x2000  }
0x1d: {  	[sflag:s14] =	ssyncset.done $0x0  }
0x1e: {  	[sflag:s14] =	ssyncadd.s32 $0xFFFFE000  }
0x1f: {  	[bflag:$0x0] =	sbarrier.arrive $0xFFFF  }
0x20: {  	[tilespmem:s17], [sflag:$0x1] =	stream.indirect.gather [hbm4b:s12+s16], $0x20, s2, s16, $0xb8;
	[tilespmem:$0xA000] =	vst v63  }
0x21: {  	s24 =	simm.s32 $0x80  }
0x22: {  	[tilespmem:s18], [sflag:$0x2] =	stream.indirect.gather [hbm4b:s12+s16], $0x20, s24, s16, $0xb8;
	[tilespmem:$0xA000] =	vst v63  }
0x23: {  	_ =	swait.ge [sflag:s19], $0x1000  }
0x24: {  	[sflag:s19] =	ssyncset.done $0x0  }
0x25: {  	s29 =	simm.s32 $0x2000;
	[sflag:s19] =	ssyncadd.s32 $0xFFFFF000  }
0x26: {  	[spmem:s1] =	stream.indirect.scatter.add.f32 [tilespmem:s17], [sflag:$0x3], $0x20, s29, s16, $0xb8;
	[tilespmem:$0xA000] =	vst v63  }
0x27: {  	_ =	swait.ge [sflag:s14], $0x1000  }
0x28: {  	[sflag:s14] =	ssyncset.done $0x0  }
0x29: {  	s30 =	simm.s32 $0x100;
	[sflag:s14] =	ssyncadd.s32 $0xFFFFF000  }
0x2a: {  	[tilespmem:s17], [sflag:$0x1] =	stream.indirect.gather [hbm4b:s12+s16], $0x20, s30, s16, $0xb8;
	[tilespmem:$0xA000] =	vst v63  }
0x2b: {  	_ =	swait.ge [sflag:s20], $0x1000  }
0x2c: {  	[sflag:s20] =	ssyncset.done $0x0  }
0x2d: {  	s31 =	simm.s32 $0x2080;
	[sflag:s20] =	ssyncadd.s32 $0xFFFFF000  }
0x2e: {  	[spmem:s1] =	stream.indirect.scatter.add.f32 [tilespmem:s18], [sflag:$0x3], $0x20, s31, s16, $0xb8;
	[tilespmem:$0xA000] =	vst v63  }
0x2f: {  	_ =	swait.ge [sflag:s14], $0x1000  }
0x30: {  	s25 =	simm.s32 $0x800;
	s24 =	simm.s32 $0x100;
	[sflag:s14] =	ssyncset.done $0x0  }
.LBB2_2:
0x31: {  	s26 =	sadd.s32 $0x80, s24  }
0x32: {  	[sflag:s14] =	ssyncadd.s32 $0xFFFFF000;
	s28 =	smov.u32 s25;
	s29 =	sadd.s32 $0x400, s25  }
0x33: {  	[tilespmem:s18], [sflag:$0x2] =	stream.indirect.gather [hbm4b:s12+s16], $0x20, s26, s16, $0xb8;
	[tilespmem:$0xA000] =	vst v63  }
0x34: {  	p1 =	sne.s32 s25, $0x7800;
	_ =	swait.ge [sflag:s19], $0x1000  }
0x35: {  	[sflag:s19] =	ssyncset.done $0x0  }
0x36: {  	s25 =	sadd.s32 $0x2000, s24;
	[sflag:s19] =	ssyncadd.s32 $0xFFFFF000  }
0x37: {  	[spmem:s1] =	stream.indirect.scatter.add.f32 [tilespmem:s17], [sflag:$0x3], $0x20, s25, s16, $0xb8;
	[tilespmem:$0xA000] =	vst v63  }
0x38: {  	_ =	swait.ge [sflag:s14], $0x1000  }
0x39: {  	[sflag:s14] =	ssyncset.done $0x0  }
0x3a: {  	s25 =	sadd.s32 $0x100, s24;
	[sflag:s14] =	ssyncadd.s32 $0xFFFFF000  }
0x3b: {  	[tilespmem:s17], [sflag:$0x1] =	stream.indirect.gather [hbm4b:s12+s16], $0x20, s25, s16, $0xb8;
	[tilespmem:$0xA000] =	vst v63  }
0x3c: {  	_ =	swait.ge [sflag:s20], $0x1000  }
.Ltmp0:
0x3d: {  	[sflag:s20] =	ssyncset.done $0x0;
	(pc) =	sbr.rel @p1 .LBB2_2-.Ltmp0, $4  }
0x3e: {  	s24 =	sadd.s32 $0x2080, s24;
	[sflag:s20] =	ssyncadd.s32 $0xFFFFF000  }
0x3f: {  	[spmem:s1] =	stream.indirect.scatter.add.f32 [tilespmem:s18], [sflag:$0x3], $0x20, s24, s16, $0xb8;
	[tilespmem:$0xA000] =	vst v63  }
0x40: {  	_ =	swait.ge [sflag:s14], $0x1000  }
0x41: {  	s25 =	smov.u32 s29;
	s24 =	sshra.s32 s28, $0x2;
	[sflag:s14] =	ssyncset.done $0x0  }
0x42: {  	s25 =	sadd.s32 $0x80, s24;
	[sflag:s14] =	ssyncadd.s32 $0xFFFFF000  }
0x43: {  	[tilespmem:s18], [sflag:$0x2] =	stream.indirect.gather [hbm4b:s12+s16], $0x20, s25, s16, $0xb8;
	[tilespmem:$0xA000] =	vst v63  }
0x44: {  	_ =	swait.ge [sflag:s19], $0x1000  }
0x45: {  	[sflag:s19] =	ssyncset.done $0x0  }
0x46: {  	s29 =	sadd.s32 $0x2000, s24;
	[sflag:s19] =	ssyncadd.s32 $0xFFFFF000  }
0x47: {  	[spmem:s1] =	stream.indirect.scatter.add.f32 [tilespmem:s17], [sflag:$0x3], $0x20, s29, s16, $0xb8;
	[tilespmem:$0xA000] =	vst v63  }
0x48: {  	_ =	swait.ge [sflag:s14], $0x1000  }
0x49: {  	[sflag:s14] =	ssyncset.done $0x0  }
0x4a: {  	s30 =	sadd.s32 $0x100, s24;
	[sflag:s14] =	ssyncadd.s32 $0xFFFFF000  }
0x4b: {  	[tilespmem:s17], [sflag:$0x1] =	stream.indirect.gather [hbm4b:s12+s16], $0x20, s30, s16, $0xb8;
	[tilespmem:$0xA000] =	vst v63  }
0x4c: {  	_ =	swait.ge [sflag:s20], $0x1000  }
0x4d: {  	[sflag:s20] =	ssyncset.done $0x0  }
0x4e: {  	s31 =	sadd.s32 $0x2080, s24;
	[sflag:s20] =	ssyncadd.s32 $0xFFFFF000  }
0x4f: {  	[spmem:s1] =	stream.indirect.scatter.add.f32 [tilespmem:s18], [sflag:$0x3], $0x20, s31, s16, $0xb8;
	[tilespmem:$0xA000] =	vst v63  }
0x50: {  	_ =	swait.ge [sflag:s14], $0x1000  }
0x51: {  	s24 =	simm.s32 @p0 $0x80;
	[sflag:s14] =	ssyncset.done $0x0  }
0x52: {  	s26 =	simm.s32 @p0 $0x5000;
	s25 =	simm.s32 @p0 $0x1F80;
	[sflag:s14] =	ssyncadd.s32 $0xFFFFF000  }
0x53: {  	[tilespmem:s26], [sflag:$0x2] =	stream.indirect.gather @p0 [hbm4b:s3+s24], $0x20, s25, s24, $0xb8;
	[tilespmem:$0xA000] =	vst v63  }
0x54: {  	s24 =	simm.s32 @!p0 $0x80;
	s25 =	simm.s32 @!p0 $0x1F80;
	s26 =	simm.s32 @!p0 $0x5000  }
0x55: {  	[tilespmem:s26], [sflag:$0x2] =	stream.indirect.gather @!p0 [hbm4b:s5+s24], $0x20, s25, s24, $0xb8;
	[tilespmem:$0xA000] =	vst v63  }
0x56: {  	_ =	swait.ge [sflag:s19], $0x1000  }
0x57: {  	[sflag:s19] =	ssyncset.done $0x0  }
0x58: {  	[sflag:s19] =	ssyncadd.s32 $0xFFFFF000  }
0x59: {  	[spmem:s1] =	stream.indirect.scatter.add.f32 [tilespmem:s17], [sflag:$0x3], $0x20, s21, s16, $0xb8;
	[tilespmem:$0xA000] =	vst v63  }
0x5a: {  	_ =	swait.ge [sflag:s14], $0x1000  }
0x5b: {  	[sflag:s14] =	ssyncset.done $0x0  }
0x5c: {  	[sflag:s14] =	ssyncadd.s32 $0xFFFFF000  }
0x5d: {  	_ =	swait.ge [sflag:s20], $0x1000  }
0x5e: {  	[sflag:s20] =	ssyncset.done $0x0  }
0x5f: {  	[sflag:s20] =	ssyncadd.s32 $0xFFFFF000  }
0x60: {  	[spmem:s1] =	stream.indirect.scatter.add.f32 [tilespmem:s18], [sflag:$0x3], $0x20, s22, s16, $0xb8;
	[tilespmem:$0xA000] =	vst v63  }
0x61: {  	_ =	swait.ge [sflag:s14], $0x1000  }
0x62: {  	s23 =	sadd.s32 $0x1, s23;
	[sflag:s14] =	ssyncset.done $0x0  }
0x63: {  	p1 =	sne.s32 s23, s9;
	[sflag:s14] =	ssyncadd.s32 $0xFFFFF000  }
.Ltmp1:
0x64: {  	[bflag:$0x0] =	sbarrier.arrive $0xFFFF;
	(pc) =	sbr.rel @p1 .LBB2_1-.Ltmp1, $4  }
0x65: {  	[hbm:s8], [sflag:s7] =	dma.local [spmem:s13], $0x800  }
0x66: {  	_ =	swait.ge [sflag:s14], $0x800  }
0x67: {  	[sflag:s14] =	ssyncset.done $0x0  }
0x68: {  	[sflag:s14] =	ssyncadd.s32 $0xFFFFF800  }
0x69: {  	_ =	sfence.sel $0x180000  }
0x6a: {  	[bflag:$0x0] =	sbarrier.arrive $0xFFFF  }
0x6b: {  	p0 =	sne.s32 s4, $0x0;
	_ =	strace $0x90000050  }
0x6c: {  	s0 =	sadd.s32 @!p0 $0x100000, s0;
	[bflag:$0x2] =	sbarrier.arrive $0xFFFF  }
0x6d: {  	[sflag:s0] =	ssyncadd.tile.s32 @!p0 $0x1;
	_ =	shalt  }
.Lfunc_end2:
_tile_overlayer_lowered:
.L_overlay_start_2:
0x6e: {  	(tag) =	ssettag $0x2  }
0x6f: {  	s0 =	rddreg [dreg:$0x0];
	s2 =	stileid.u32  }
0x70: {  	s1 =	rddreg [dreg:$0x1];
	p0 =	sne.s32 s2, $0x0  }
0x71: {  	s3 =	rddreg [dreg:$0x2];
	[bflag:$0x3] =	sbarrier.arrive $0xFFFF;
	s2 =	simm.s32 @!p0 $0x1C03  }
0x72: {  	[timem:s3], [sflag:s2] =	dma.local @!p0 [hbm:s0], s1  }
0x73: {  	s0 =	simm.s32 @!p0 $0x3  }
0x74: {  	_ =	swait.ge @!p0 [sflag:s0], s1  }
0x75: {  	s1 =	ssub.s32 @!p0 $0x0, s1;
	[sflag:s0] =	ssyncset.done @!p0 $0x0  }
0x76: {  	[sflag:s0] =	ssyncadd.s32 @!p0 s1  }
0x77: {  	[bflag:$0x3] =	sbarrier.arrive $0xFFFF  }
0x78: {  	_ =	shalt  }

</sc_bundles>
